<compile_context>
chip_gen: v7x
topology: tpu7x:2x2x1
jax: 0.10.2.dev20260603
libtpu: 0.0.44.dev20260713+nightly
codegen_flags: <defaults>
</compile_context>

<pallas_src>
import functools

import jax
import jax.numpy as jnp
from jax import lax
from jax.experimental import pallas as pl
from jax.experimental.pallas import tpu as pltpu
from jax.experimental.pallas import tpu_sc as plsc

_K = 16
_CUTOFF = 5.0
_BIG = 1e9


def _graph_block_kernel(ldiag_ref, prow_ref, pcol_ref, out_ref):
    rblk = out_ref.shape[0]

    lx = ldiag_ref[0]
    ly = ldiag_ref[1]
    lz = ldiag_ref[2]

    rx = prow_ref[:, 0:1]
    ry = prow_ref[:, 1:2]
    rz = prow_ref[:, 2:3]
    cx = pcol_ref[0:1, :]
    cy = pcol_ref[1:2, :]
    cz = pcol_ref[2:3, :]

    def axis_d2(r, c, l):
        a = jnp.abs(r - c)
        w = jnp.minimum(a, l - a)
        return w * w

    t = axis_d2(rx, cx, lx) + axis_d2(ry, cy, ly) + axis_d2(rz, cz, lz)

    cutoff = jnp.float32(_CUTOFF * _CUTOFF)
    c0 = jnp.sum((t <= cutoff).astype(jnp.float32), axis=1,
                 keepdims=True) - 1.0

    kf = jnp.float32(_K)

    def cond(state):
        _, c = state
        return jnp.any(c < kf)

    def body(state):
        thr, c = state
        nmin = jnp.min(jnp.where(t > thr, t, jnp.float32(_BIG)), axis=1,
                       keepdims=True)
        cnt = jnp.sum((t == nmin).astype(jnp.float32), axis=1, keepdims=True)
        act = c < kf
        thr = jnp.where(act, nmin, thr)
        c = c + jnp.where(act, cnt, 0.0)
        return thr, c

    thr0 = jnp.full((rblk, 1), cutoff, dtype=jnp.float32)
    radius, _ = jax.lax.while_loop(cond, body, (thr0, c0))

    md2 = jnp.where(t <= radius, t, jnp.float32(0.0))
    rs = jax.lax.rsqrt(jnp.maximum(md2, jnp.float32(1e-30)))
    out_ref[...] = md2 * rs


def _sc_graph_kernel(n):
    nw = 32
    rows_per_w = n // nw
    chunks = n // 16
    mesh = plsc.VectorSubcoreMesh(core_axis_name="c", subcore_axis_name="s")

    @functools.partial(
        pl.kernel,
        mesh=mesh,
        compiler_params=pltpu.CompilerParams(needs_layout_passes=False),
        out_type=jax.ShapeDtypeStruct((n, n), jnp.float32),
        scratch_types=[
            pltpu.VMEM((n,), jnp.float32),
            pltpu.VMEM((n,), jnp.float32),
            pltpu.VMEM((n,), jnp.float32),
            pltpu.VMEM((16,), jnp.float32),
            pltpu.VMEM((n,), jnp.float32),
            pltpu.VMEM((n,), jnp.float32),
        ],
    )
    def sc_kernel(xs_hbm, ys_hbm, zs_hbm, ld_hbm, out_hbm,
                  xv, yv, zv, ldv, dbuf, rowbuf):
        wid = lax.axis_index("s") * 2 + lax.axis_index("c")
        pltpu.sync_copy(xs_hbm, xv)
        pltpu.sync_copy(ys_hbm, yv)
        pltpu.sync_copy(zs_hbm, zv)
        pltpu.sync_copy(ld_hbm, ldv)

        cutoff = jnp.float32(_CUTOFF * _CUTOFF)
        big = jnp.float32(_BIG)
        kf = jnp.float32(_K)

        ldvec = ldv[...]
        lx = ldvec[0]
        ly = ldvec[1]
        lz = ldvec[2]

        def axis_d2(rc, cc, l):
            a = jnp.abs(rc - cc)
            w = jnp.minimum(a, l - a)
            return w * w

        def do_row(base, xr, yr, zr):

            def chunk_d2(ci, cnt):
                sl = pl.ds(ci * 16, 16)
                d2 = (axis_d2(xr, xv[sl], lx) + axis_d2(yr, yv[sl], ly)
                      + axis_d2(zr, zv[sl], lz))
                dbuf[sl] = d2
                return cnt + plsc.all_reduce_population_count(d2 <= cutoff)

            cnt = lax.fori_loop(0, chunks, chunk_d2,
                                jnp.zeros((16,), jnp.int32))
            c0 = cnt[0] - 1

            def lane_min(v):
                s, _ = plsc.sort_key_val(v, v)
                return s[0]

            def cond(state):
                _, c = state
                return c < _K

            def body(state):
                thr, c = state

                def chunk_min(ci, mv):
                    sl = pl.ds(ci * 16, 16)
                    d2 = dbuf[sl]
                    return jnp.minimum(mv, jnp.where(d2 > thr, d2, big))

                mv = lax.fori_loop(0, chunks, chunk_min,
                                   jnp.full((16,), big, jnp.float32))
                nmin = lane_min(mv)

                def chunk_eq(ci, ev):
                    sl = pl.ds(ci * 16, 16)
                    d2 = dbuf[sl]
                    return ev + plsc.all_reduce_population_count(d2 == nmin)

                ev = lax.fori_loop(0, chunks, chunk_eq,
                                   jnp.zeros((16,), jnp.int32))
                return nmin, c + ev[0]

            radius, _ = lax.while_loop(cond, body, (cutoff, c0))

            def chunk_out(ci, _):
                sl = pl.ds(ci * 16, 16)
                d2 = dbuf[sl]
                md2 = jnp.where(d2 <= radius, d2, jnp.float32(0.0))
                bits = plsc.bitcast(md2, jnp.int32)
                seed = jnp.int32(0x5F3759DF) - lax.shift_right_logical(
                    bits, jnp.int32(1))
                rsq = plsc.bitcast(seed, jnp.float32)
                h = md2 * jnp.float32(0.5)
                for _unused in range(3):
                    rsq = rsq * (jnp.float32(1.5) - h * rsq * rsq)
                rowbuf[sl] = md2 * rsq
                return 0

            lax.fori_loop(0, chunks, chunk_out, 0)
            pltpu.sync_copy(rowbuf, out_hbm.at[base])

        def do_row_chunk(rc, _):
            cb = wid * rows_per_w + rc * 16
            sl = pl.ds(cb, 16)
            rvx = xv[sl]
            rvy = yv[sl]
            rvz = zv[sl]
            for lane in range(16):
                do_row(cb + lane, rvx[lane], rvy[lane], rvz[lane])
            return _

        lax.fori_loop(0, rows_per_w // 16, do_row_chunk, 0)

    return sc_kernel


def _kernel_sc(positions, lattice):
    n = positions.shape[0]
    ldiag = jnp.zeros((16,), jnp.float32).at[:3].set(jnp.diagonal(lattice))
    xs = positions[:, 0]
    ys = positions[:, 1]
    zs = positions[:, 2]
    return _sc_graph_kernel(n)(xs, ys, zs, ldiag)


def kernel(positions, lattice):
    return _kernel_sc(positions, lattice)


def _kernel_tc(positions, lattice):
    n = positions.shape[0]
    rblk = 512
    ldiag = jnp.diagonal(lattice)
    post = positions.T

    grid = (n // rblk,)
    return pl.pallas_call(
        _graph_block_kernel,
        grid=grid,
        in_specs=[
            pl.BlockSpec(memory_space=pltpu.SMEM),
            pl.BlockSpec((rblk, 3), lambda i: (i, 0)),
            pl.BlockSpec((3, n), lambda i: (0, 0)),
        ],
        out_specs=pl.BlockSpec((rblk, n), lambda i: (i, 0)),
        out_shape=jax.ShapeDtypeStruct((n, n), jnp.float32),
    )(ldiag, positions, post)

# --- scband reference (transcript-rebuilt; emitter-appended) ---
"""Pipeline reference for scband-periodic-adaptive-radius-graph-2121713845180 (READ-ONLY COPY).

The authoritative reference and input builder live on the scoring server;
editing this copy changes nothing except your own understanding.
"""

import jax, jax.numpy as jnp
import numpy as np

N = 4096
L = 40.0
CUTOFF = 5.0
K_MIN = 16


def setup_inputs(seed: int = 0) -> dict:
    key = jax.random.key(seed)
    k1, k2 = jax.random.split(key)
    lattice = jnp.eye(3, dtype=jnp.float32) * L
    frac = jax.random.uniform(k1, (N, 3), dtype=jnp.float32)
    positions = frac @ lattice
    return {"positions": positions, "lattice": lattice}


def reference(positions, lattice):
    # Periodic adaptive radius graph:
    # 1) minimum-image pairwise distances over 3x3x3 periodic shifts
    # 2) per-atom adaptive radius r_i = max(cutoff, distance to K_MIN-th neighbor)
    # 3) return masked distance matrix (edges where d_ij <= r_i)
    n = positions.shape[0]
    grid = jnp.array([-1.0, 0.0, 1.0], dtype=positions.dtype)
    sx, sy, sz = jnp.meshgrid(grid, grid, grid, indexing="ij")
    shifts = jnp.stack([sx.ravel(), sy.ravel(), sz.ravel()], axis=-1)  # [27, 3]
    offsets = shifts @ lattice  # [27, 3] cartesian image offsets

    def body(d2, off):
        diff = positions[:, None, :] - positions[None, :, :] + off[None, None, :]
        d2s = jnp.sum(diff * diff, axis=-1)
        return jnp.minimum(d2, d2s), None

    init = jnp.full((n, n), 1e10, dtype=positions.dtype)
    d2, _ = jax.lax.scan(body, init, offsets)
    idx = jnp.arange(n)
    d2 = d2.at[idx, idx].set(1e10)  # exclude self edges
    d = jnp.sqrt(d2)

    # adaptive radius: at least K_MIN neighbors per atom
    neg_topk, _ = jax.lax.top_k(-d, K_MIN)
    kth = -neg_topk[:, -1]
    r_adapt = jnp.maximum(jnp.asarray(CUTOFF, d.dtype), kth)
    mask = d <= r_adapt[:, None]
    return jnp.where(mask, d, jnp.zeros((), d.dtype))

if __name__ == "__main__":
    import jax
    _d = setup_inputs()
    print(jax.jit(kernel)(*tuple(_d.values())))

</pallas_src>

<mosaic_0001>
#map = affine_map<(d0, d1) -> (0)>
#map1 = affine_map<(d0, d1) -> (0, 0)>
module attributes {stable_mosaic.version = 14 : i64} {
  func.func @sc_kernel(%arg0: i32, %arg1: i32, %arg2: memref<4096xf32, #tpu.memory_space<hbm>>, %arg3: memref<4096xf32, #tpu.memory_space<hbm>>, %arg4: memref<4096xf32, #tpu.memory_space<hbm>>, %arg5: memref<16xf32, #tpu.memory_space<hbm>>, %arg6: memref<4096x4096xf32, #tpu.memory_space<hbm>>, %arg7: memref<4096xf32, #tpu.memory_space<vmem>>, %arg8: memref<4096xf32, #tpu.memory_space<vmem>>, %arg9: memref<4096xf32, #tpu.memory_space<vmem>>, %arg10: memref<16xf32, #tpu.memory_space<vmem>>, %arg11: memref<4096xf32, #tpu.memory_space<vmem>>, %arg12: memref<4096xf32, #tpu.memory_space<vmem>>) attributes {dimension_semantics = [#tpu.dimension_semantics<core_parallel>, #tpu.dimension_semantics<subcore_parallel>], iteration_bounds = array<i64: 2, 16>, scalar_prefetch = 0 : i64, scratch_operands = 6 : i64, tpu.core_type = #tpu.core_type<sc_vector_subcore>, window_params = [{transform_indices = #map}, {transform_indices = #map}, {transform_indices = #map}, {transform_indices = #map}, {transform_indices = #map1}]} {
    %mul3A = arith.constant 2 : i32
    %mul3A_0 = arith.muli %arg1, %mul3A : i32
    %add3A = arith.addi %mul3A_0, %arg0 : i32
    "tpu.region"() ({
      %run_scoped3A = tpu.sem_alloc : memref<!tpu.dma_semaphore, #tpu.memory_space<semaphore_mem>>
      tpu.enqueue_dma source(%arg2 : memref<4096xf32, #tpu.memory_space<hbm>>) target(%arg7 : memref<4096xf32, #tpu.memory_space<vmem>>) target_semaphore(%run_scoped3A : memref<!tpu.dma_semaphore, #tpu.memory_space<semaphore_mem>>)
      tpu.wait_dma2 semaphore(%run_scoped3A : memref<!tpu.dma_semaphore, #tpu.memory_space<semaphore_mem>>) src(%arg2 : memref<4096xf32, #tpu.memory_space<hbm>>) dst(%arg7 : memref<4096xf32, #tpu.memory_space<vmem>>)
      tpu.yield
    }) : () -> ()
    "tpu.region"() ({
      %run_scoped3A = tpu.sem_alloc : memref<!tpu.dma_semaphore, #tpu.memory_space<semaphore_mem>>
      tpu.enqueue_dma source(%arg3 : memref<4096xf32, #tpu.memory_space<hbm>>) target(%arg8 : memref<4096xf32, #tpu.memory_space<vmem>>) target_semaphore(%run_scoped3A : memref<!tpu.dma_semaphore, #tpu.memory_space<semaphore_mem>>)
      tpu.wait_dma2 semaphore(%run_scoped3A : memref<!tpu.dma_semaphore, #tpu.memory_space<semaphore_mem>>) src(%arg3 : memref<4096xf32, #tpu.memory_space<hbm>>) dst(%arg8 : memref<4096xf32, #tpu.memory_space<vmem>>)
      tpu.yield
    }) : () -> ()
    "tpu.region"() ({
      %run_scoped3A = tpu.sem_alloc : memref<!tpu.dma_semaphore, #tpu.memory_space<semaphore_mem>>
      tpu.enqueue_dma source(%arg4 : memref<4096xf32, #tpu.memory_space<hbm>>) target(%arg9 : memref<4096xf32, #tpu.memory_space<vmem>>) target_semaphore(%run_scoped3A : memref<!tpu.dma_semaphore, #tpu.memory_space<semaphore_mem>>)
      tpu.wait_dma2 semaphore(%run_scoped3A : memref<!tpu.dma_semaphore, #tpu.memory_space<semaphore_mem>>) src(%arg4 : memref<4096xf32, #tpu.memory_space<hbm>>) dst(%arg9 : memref<4096xf32, #tpu.memory_space<vmem>>)
      tpu.yield
    }) : () -> ()
    "tpu.region"() ({
      %run_scoped3A = tpu.sem_alloc : memref<!tpu.dma_semaphore, #tpu.memory_space<semaphore_mem>>
      tpu.enqueue_dma source(%arg5 : memref<16xf32, #tpu.memory_space<hbm>>) target(%arg10 : memref<16xf32, #tpu.memory_space<vmem>>) target_semaphore(%run_scoped3A : memref<!tpu.dma_semaphore, #tpu.memory_space<semaphore_mem>>)
      tpu.wait_dma2 semaphore(%run_scoped3A : memref<!tpu.dma_semaphore, #tpu.memory_space<semaphore_mem>>) src(%arg5 : memref<16xf32, #tpu.memory_space<hbm>>) dst(%arg10 : memref<16xf32, #tpu.memory_space<vmem>>)
      tpu.yield
    }) : () -> ()
    %get3A = arith.constant 0 : index
    %get3A_1 = tpu.vector_load %arg10[%get3A] {strides = array<i32>} : memref<16xf32, #tpu.memory_space<vmem>>, vector<16xf32>,
    %slice3A = vector.extract_strided_slice %get3A_1 {offsets = [0], sizes = [1], strides = [1]} : vector<16xf32> to vector<1xf32>
    %squeeze3A = vector.extract %slice3A[0] : f32 from vector<1xf32>
    %slice3A_2 = vector.extract_strided_slice %get3A_1 {offsets = [1], sizes = [1], strides = [1]} : vector<16xf32> to vector<1xf32>
    %squeeze3A_3 = vector.extract %slice3A_2[0] : f32 from vector<1xf32>
    %slice3A_4 = vector.extract_strided_slice %get3A_1 {offsets = [2], sizes = [1], strides = [1]} : vector<16xf32> to vector<1xf32>
    %squeeze3A_5 = vector.extract %slice3A_4[0] : f32 from vector<1xf32>
    %scan3A = arith.constant 0 : i32
    %scan3A_6 = arith.constant 2.500000e+01 : f32
    %scan3A_7 = arith.constant 1.000000e+09 : f32
    %scan3A_8 = arith.constant 0 : i32
    %scan3A_9 = arith.constant 8 : i32
    %scan3A_10 = arith.addi %scan3A_8, %scan3A_9 : i32
    %scan3A_11 = arith.constant 1 : i32
    scf.for %scan3A_13 = %scan3A_8 to %scan3A_10 step %scan3A_11  : i32 {
      %mul3A_14 = arith.constant 128 : i32
      %mul3A_15 = arith.muli %add3A, %mul3A_14 : i32
      %mul3A_16 = arith.constant 16 : i32
      %mul3A_17 = arith.muli %scan3A_13, %mul3A_16 : i32
      %add3A_18 = arith.addi %mul3A_15, %mul3A_17 : i32
      %get3A_19 = arith.index_cast %add3A_18 : i32 to index
      %get3A_20 = tpu.vector_load %arg7[%get3A_19] {strides = array<i32>} : memref<4096xf32, #tpu.memory_space<vmem>>, vector<16xf32>,
      %get3A_21 = arith.index_cast %add3A_18 : i32 to index
      %get3A_22 = tpu.vector_load %arg8[%get3A_21] {strides = array<i32>} : memref<4096xf32, #tpu.memory_space<vmem>>, vector<16xf32>,
      %get3A_23 = arith.index_cast %add3A_18 : i32 to index
      %get3A_24 = tpu.vector_load %arg9[%get3A_23] {strides = array<i32>} : memref<4096xf32, #tpu.memory_space<vmem>>, vector<16xf32>,
      %add3A_25 = arith.constant 0 : i32
      %add3A_26 = arith.addi %add3A_18, %add3A_25 : i32
      %slice3A_27 = vector.extract_strided_slice %get3A_20 {offsets = [0], sizes = [1], strides = [1]} : vector<16xf32> to vector<1xf32>
      %squeeze3A_28 = vector.extract %slice3A_27[0] : f32 from vector<1xf32>
      %slice3A_29 = vector.extract_strided_slice %get3A_22 {offsets = [0], sizes = [1], strides = [1]} : vector<16xf32> to vector<1xf32>
      %squeeze3A_30 = vector.extract %slice3A_29[0] : f32 from vector<1xf32>
      %slice3A_31 = vector.extract_strided_slice %get3A_24 {offsets = [0], sizes = [1], strides = [1]} : vector<16xf32> to vector<1xf32>
      %squeeze3A_32 = vector.extract %slice3A_31[0] : f32 from vector<1xf32>
      %broadcast_in_dim3A = arith.constant 0 : i32
      %broadcast_in_dim3A_33 = vector.broadcast %broadcast_in_dim3A : i32 to vector<16xi32>
      %scan3A_34 = arith.constant 0 : i32
      %scan3A_35 = arith.constant 256 : i32
      %scan3A_36 = arith.addi %scan3A_34, %scan3A_35 : i32
      %scan3A_37 = arith.constant 1 : i32
      %scan3A_38 = scf.for %scan3A_470 = %scan3A_34 to %scan3A_36 step %scan3A_37 iter_args(%scan3A_471 = %broadcast_in_dim3A_33) -> (vector<16xi32>)  : i32 {
        %mul3A_472 = arith.constant 16 : i32
        %mul3A_473 = arith.muli %scan3A_470, %mul3A_472 : i32
        %get3A_474 = arith.index_cast %mul3A_473 : i32 to index
        %get3A_475 = tpu.vector_load %arg7[%get3A_474] {strides = array<i32>} : memref<4096xf32, #tpu.memory_space<vmem>>, vector<16xf32>,
        %sub3A_476 = vector.broadcast %squeeze3A_28 : f32 to vector<16xf32>
        %sub3A_477 = arith.subf %sub3A_476, %get3A_475 : vector<16xf32>
        %abs3A = math.absf %sub3A_477 : vector<16xf32>
        %sub3A_478 = vector.broadcast %squeeze3A : f32 to vector<16xf32>
        %sub3A_479 = arith.subf %sub3A_478, %abs3A : vector<16xf32>
        %min3A = arith.minimumf %abs3A, %sub3A_479 : vector<16xf32>
        %mul3A_480 = arith.mulf %min3A, %min3A : vector<16xf32>
        %get3A_481 = arith.index_cast %mul3A_473 : i32 to index
        %get3A_482 = tpu.vector_load %arg8[%get3A_481] {strides = array<i32>} : memref<4096xf32, #tpu.memory_space<vmem>>, vector<16xf32>,
        %sub3A_483 = vector.broadcast %squeeze3A_30 : f32 to vector<16xf32>
        %sub3A_484 = arith.subf %sub3A_483, %get3A_482 : vector<16xf32>
        %abs3A_485 = math.absf %sub3A_484 : vector<16xf32>
        %sub3A_486 = vector.broadcast %squeeze3A_3 : f32 to vector<16xf32>
        %sub3A_487 = arith.subf %sub3A_486, %abs3A_485 : vector<16xf32>
        %min3A_488 = arith.minimumf %abs3A_485, %sub3A_487 : vector<16xf32>
        %mul3A_489 = arith.mulf %min3A_488, %min3A_488 : vector<16xf32>
        %add3A_490 = arith.addf %mul3A_480, %mul3A_489 : vector<16xf32>
        %get3A_491 = arith.index_cast %mul3A_473 : i32 to index
        %get3A_492 = tpu.vector_load %arg9[%get3A_491] {strides = array<i32>} : memref<4096xf32, #tpu.memory_space<vmem>>, vector<16xf32>,
        %sub3A_493 = vector.broadcast %squeeze3A_32 : f32 to vector<16xf32>
        %sub3A_494 = arith.subf %sub3A_493, %get3A_492 : vector<16xf32>
        %abs3A_495 = math.absf %sub3A_494 : vector<16xf32>
        %sub3A_496 = vector.broadcast %squeeze3A_5 : f32 to vector<16xf32>
        %sub3A_497 = arith.subf %sub3A_496, %abs3A_495 : vector<16xf32>
        %min3A_498 = arith.minimumf %abs3A_495, %sub3A_497 : vector<16xf32>
        %mul3A_499 = arith.mulf %min3A_498, %min3A_498 : vector<16xf32>
        %add3A_500 = arith.addf %add3A_490, %mul3A_499 : vector<16xf32>
        %swap3A = arith.index_cast %mul3A_473 : i32 to index
        %swap3A_501 = tpu.vector_load %arg11[%swap3A] {strides = array<i32>} : memref<4096xf32, #tpu.memory_space<vmem>>, vector<16xf32>,
        tpu.vector_store %arg11[%swap3A], %add3A_500 {strides = array<i32>} : memref<4096xf32, #tpu.memory_space<vmem>>, vector<16xf32>,
        %le3A = vector.broadcast %scan3A_6 : f32 to vector<16xf32>
        %le3A_502 = arith.cmpf ole, %add3A_500, %le3A : vector<16xf32>
        %all_reduce_population_count3A = tpu.all_reduce %le3A_502 {dim = 0 : i64, kind = #tpu.reduction_kind<sum>} : vector<16xi1> -> vector<16xi32>
        %add3A_503 = arith.addi %scan3A_471, %all_reduce_population_count3A : vector<16xi32>
        scf.yield %add3A_503 : vector<16xi32>
      }
      %scan3A_39 = arith.constant 256 : i32
      %slice3A_40 = vector.extract_strided_slice %scan3A_38 {offsets = [0], sizes = [1], strides = [1]} : vector<16xi32> to vector<1xi32>
      %squeeze3A_41 = vector.extract %slice3A_40[0] : i32 from vector<1xi32>
      %sub3A = arith.constant 1 : i32
      %sub3A_42 = arith.subi %squeeze3A_41, %sub3A : i32
      %while3A:2 = scf.while (%while3A_470 = %scan3A_6, %while3A_471 = %sub3A_42) : (f32, i32) -> (f32, i32) {
        %lt3A = arith.constant 16 : i32
        %lt3A_472 = arith.cmpi slt, %while3A_471, %lt3A : i32
        scf.condition(%lt3A_472) %while3A_470, %while3A_471 : f32, i32
      } do {
      ^bb0(%while3A_470: f32, %while3A_471: i32):
        %broadcast_in_dim3A_472 = vector.broadcast %scan3A_7 : f32 to vector<16xf32>
        %scan3A_473 = arith.constant 0 : i32
        %scan3A_474 = arith.constant 256 : i32
        %scan3A_475 = arith.addi %scan3A_473, %scan3A_474 : i32
        %scan3A_476 = arith.constant 1 : i32
        %scan3A_477 = scf.for %scan3A_495 = %scan3A_473 to %scan3A_475 step %scan3A_476 iter_args(%scan3A_496 = %broadcast_in_dim3A_472) -> (vector<16xf32>)  : i32 {
          %mul3A_497 = arith.constant 16 : i32
          %mul3A_498 = arith.muli %scan3A_495, %mul3A_497 : i32
          %get3A_499 = arith.index_cast %mul3A_498 : i32 to index
          %get3A_500 = tpu.vector_load %arg11[%get3A_499] {strides = array<i32>} : memref<4096xf32, #tpu.memory_space<vmem>>, vector<16xf32>,
          %gt3A = vector.broadcast %while3A_470 : f32 to vector<16xf32>
          %gt3A_501 = arith.cmpf ogt, %get3A_500, %gt3A : vector<16xf32>
          %broadcast_in_dim3A_502 = vector.broadcast %scan3A_7 : f32 to vector<16xf32>
          %select_n3A = arith.select %gt3A_501, %get3A_500, %broadcast_in_dim3A_502 : vector<16xi1>, vector<16xf32>
          %min3A = arith.minimumf %scan3A_496, %select_n3A : vector<16xf32>
          scf.yield %min3A : vector<16xf32>
        }
        %scan3A_478 = arith.constant 256 : i32
        %masked_sort3A = arith.constant dense<true> : vector<16xi1>
        %masked_sort3A_479, %masked_sort3A_480, %masked_sort3A_481 = tpu.sort %scan3A_477, %scan3A_477 masked %masked_sort3A : (vector<16xf32>, vector<16xf32>, vector<16xi1>) -> (vector<16xi1>, vector<16xf32>, vector<16xf32>)
        %slice3A_482 = vector.extract_strided_slice %masked_sort3A_480 {offsets = [0], sizes = [1], strides = [1]} : vector<16xf32> to vector<1xf32>
        %squeeze3A_483 = vector.extract %slice3A_482[0] : f32 from vector<1xf32>
        %broadcast_in_dim3A_484 = arith.constant 0 : i32
        %broadcast_in_dim3A_485 = vector.broadcast %broadcast_in_dim3A_484 : i32 to vector<16xi32>
        %scan3A_486 = arith.constant 0 : i32
        %scan3A_487 = arith.constant 256 : i32
        %scan3A_488 = arith.addi %scan3A_486, %scan3A_487 : i32
        %scan3A_489 = arith.constant 1 : i32
        %scan3A_490 = scf.for %scan3A_495 = %scan3A_486 to %scan3A_488 step %scan3A_489 iter_args(%scan3A_496 = %broadcast_in_dim3A_485) -> (vector<16xi32>)  : i32 {
          %mul3A_497 = arith.constant 16 : i32
          %mul3A_498 = arith.muli %scan3A_495, %mul3A_497 : i32
          %get3A_499 = arith.index_cast %mul3A_498 : i32 to index
          %get3A_500 = tpu.vector_load %arg11[%get3A_499] {strides = array<i32>} : memref<4096xf32, #tpu.memory_space<vmem>>, vector<16xf32>,
          %eq3A = vector.broadcast %squeeze3A_483 : f32 to vector<16xf32>
          %eq3A_501 = arith.cmpf oeq, %get3A_500, %eq3A : vector<16xf32>
          %all_reduce_population_count3A = tpu.all_reduce %eq3A_501 {dim = 0 : i64, kind = #tpu.reduction_kind<sum>} : vector<16xi1> -> vector<16xi32>
          %add3A_502 = arith.addi %scan3A_496, %all_reduce_population_count3A : vector<16xi32>
          scf.yield %add3A_502 : vector<16xi32>
        }
        %scan3A_491 = arith.constant 256 : i32
        %slice3A_492 = vector.extract_strided_slice %scan3A_490 {offsets = [0], sizes = [1], strides = [1]} : vector<16xi32> to vector<1xi32>
        %squeeze3A_493 = vector.extract %slice3A_492[0] : i32 from vector<1xi32>
        %add3A_494 = arith.addi %while3A_471, %squeeze3A_493 : i32
        scf.yield %squeeze3A_483, %add3A_494 : f32, i32
      }
      %scan3A_43 = arith.constant 0 : i32
      %scan3A_44 = arith.constant 0 : i32
      %scan3A_45 = arith.constant 256 : i32
      %scan3A_46 = arith.addi %scan3A_44, %scan3A_45 : i32
      %scan3A_47 = arith.constant 1 : i32
      %scan3A_48 = scf.for %scan3A_470 = %scan3A_44 to %scan3A_46 step %scan3A_47 iter_args(%scan3A_471 = %scan3A_43) -> (i32)  : i32 {
        %mul3A_472 = arith.constant 16 : i32
        %mul3A_473 = arith.muli %scan3A_470, %mul3A_472 : i32
        %get3A_474 = arith.index_cast %mul3A_473 : i32 to index
        %get3A_475 = tpu.vector_load %arg11[%get3A_474] {strides = array<i32>} : memref<4096xf32, #tpu.memory_space<vmem>>, vector<16xf32>,
        %le3A = vector.broadcast %while3A#0 : f32 to vector<16xf32>
        %le3A_476 = arith.cmpf ole, %get3A_475, %le3A : vector<16xf32>
        %jit3A = arith.constant 0.000000e+00 : f32
        %broadcast_in_dim3A_477 = vector.broadcast %jit3A : f32 to vector<16xf32>
        %select_n3A = arith.select %le3A_476, %get3A_475, %broadcast_in_dim3A_477 : vector<16xi1>, vector<16xf32>
        %bitcast3A = vector.bitcast %select_n3A : vector<16xf32> to vector<16xi32>
        %shift_right_logical3A = arith.constant 1 : i32
        %shift_right_logical3A_478 = vector.broadcast %shift_right_logical3A : i32 to vector<16xi32>
        %shift_right_logical3A_479 = arith.shrui %bitcast3A, %shift_right_logical3A_478 : vector<16xi32>
        %sub3A_480 = arith.constant 1597463007 : i32
        %sub3A_481 = vector.broadcast %sub3A_480 : i32 to vector<16xi32>
        %sub3A_482 = arith.subi %sub3A_481, %shift_right_logical3A_479 : vector<16xi32>
        %bitcast3A_483 = vector.bitcast %sub3A_482 : vector<16xi32> to vector<16xf32>
        %mul3A_484 = arith.constant 5.000000e-01 : f32
        %mul3A_485 = vector.broadcast %mul3A_484 : f32 to vector<16xf32>
        %mul3A_486 = arith.mulf %select_n3A, %mul3A_485 : vector<16xf32>
        %mul3A_487 = arith.mulf %mul3A_486, %bitcast3A_483 : vector<16xf32>
        %mul3A_488 = arith.mulf %mul3A_487, %bitcast3A_483 : vector<16xf32>
        %sub3A_489 = arith.constant 1.500000e+00 : f32
        %sub3A_490 = vector.broadcast %sub3A_489 : f32 to vector<16xf32>
        %sub3A_491 = arith.subf %sub3A_490, %mul3A_488 : vector<16xf32>
        %mul3A_492 = arith.mulf %bitcast3A_483, %sub3A_491 : vector<16xf32>
        %mul3A_493 = arith.mulf %mul3A_486, %mul3A_492 : vector<16xf32>
        %mul3A_494 = arith.mulf %mul3A_493, %mul3A_492 : vector<16xf32>
        %sub3A_495 = arith.constant 1.500000e+00 : f32
        %sub3A_496 = vector.broadcast %sub3A_495 : f32 to vector<16xf32>
        %sub3A_497 = arith.subf %sub3A_496, %mul3A_494 : vector<16xf32>
        %mul3A_498 = arith.mulf %mul3A_492, %sub3A_497 : vector<16xf32>
        %mul3A_499 = arith.mulf %mul3A_486, %mul3A_498 : vector<16xf32>
        %mul3A_500 = arith.mulf %mul3A_499, %mul3A_498 : vector<16xf32>
        %sub3A_501 = arith.constant 1.500000e+00 : f32
        %sub3A_502 = vector.broadcast %sub3A_501 : f32 to vector<16xf32>
        %sub3A_503 = arith.subf %sub3A_502, %mul3A_500 : vector<16xf32>
        %mul3A_504 = arith.mulf %mul3A_498, %sub3A_503 : vector<16xf32>
        %mul3A_505 = arith.mulf %select_n3A, %mul3A_504 : vector<16xf32>
        %swap3A = arith.index_cast %mul3A_473 : i32 to index
        %swap3A_506 = tpu.vector_load %arg12[%swap3A] {strides = array<i32>} : memref<4096xf32, #tpu.memory_space<vmem>>, vector<16xf32>,
        tpu.vector_store %arg12[%swap3A], %mul3A_505 {strides = array<i32>} : memref<4096xf32, #tpu.memory_space<vmem>>, vector<16xf32>,
        %scan3A_507 = arith.constant 0 : i32
        scf.yield %scan3A_507 : i32
      }
      %scan3A_49 = arith.constant 256 : i32
      "tpu.region"() ({
        %run_scoped3A = tpu.sem_alloc : memref<!tpu.dma_semaphore, #tpu.memory_space<semaphore_mem>>
        %dma_start3A = arith.constant 0 : i32
        %dma_start3A_470 = tpu.memref_slice %arg6[%add3A_26, %dma_start3A] : memref<4096x4096xf32, #tpu.memory_space<hbm>> -> memref<1x4096xf32, #tpu.memory_space<hbm>>
        %dma_start3A_471 = tpu.memref_squeeze %dma_start3A_470 : memref<1x4096xf32, #tpu.memory_space<hbm>> -> memref<4096xf32, #tpu.memory_space<hbm>>
        %dma_start3A_472 = arith.constant 0 : i32
        %dma_start3A_473 = tpu.memref_slice %arg6[%add3A_26, %dma_start3A_472] : memref<4096x4096xf32, #tpu.memory_space<hbm>> -> memref<1x4096xf32, #tpu.memory_space<hbm>>
        %dma_start3A_474 = tpu.memref_squeeze %dma_start3A_473 : memref<1x4096xf32, #tpu.memory_space<hbm>> -> memref<4096xf32, #tpu.memory_space<hbm>>
        tpu.enqueue_dma source(%arg12 : memref<4096xf32, #tpu.memory_space<vmem>>) target(%dma_start3A_474 : memref<4096xf32, #tpu.memory_space<hbm>>) target_semaphore(%run_scoped3A : memref<!tpu.dma_semaphore, #tpu.memory_space<semaphore_mem>>)
        %dma_wait3A = arith.constant 0 : i32
        %dma_wait3A_475 = tpu.memref_slice %arg6[%add3A_26, %dma_wait3A] : memref<4096x4096xf32, #tpu.memory_space<hbm>> -> memref<1x4096xf32, #tpu.memory_space<hbm>>
        %dma_wait3A_476 = tpu.memref_squeeze %dma_wait3A_475 : memref<1x4096xf32, #tpu.memory_space<hbm>> -> memref<4096xf32, #tpu.memory_space<hbm>>
        %dma_wait3A_477 = arith.constant 0 : i32
        %dma_wait3A_478 = tpu.memref_slice %arg6[%add3A_26, %dma_wait3A_477] : memref<4096x4096xf32, #tpu.memory_space<hbm>> -> memref<1x4096xf32, #tpu.memory_space<hbm>>
        %dma_wait3A_479 = tpu.memref_squeeze %dma_wait3A_478 : memref<1x4096xf32, #tpu.memory_space<hbm>> -> memref<4096xf32, #tpu.memory_space<hbm>>
        tpu.wait_dma2 semaphore(%run_scoped3A : memref<!tpu.dma_semaphore, #tpu.memory_space<semaphore_mem>>) src(%arg12 : memref<4096xf32, #tpu.memory_space<vmem>>) dst(%dma_wait3A_479 : memref<4096xf32, #tpu.memory_space<hbm>>)
        tpu.yield
      }) : () -> ()
      %add3A_50 = arith.constant 1 : i32
      %add3A_51 = arith.addi %add3A_18, %add3A_50 : i32
      %slice3A_52 = vector.extract_strided_slice %get3A_20 {offsets = [1], sizes = [1], strides = [1]} : vector<16xf32> to vector<1xf32>
      %squeeze3A_53 = vector.extract %slice3A_52[0] : f32 from vector<1xf32>
      %slice3A_54 = vector.extract_strided_slice %get3A_22 {offsets = [1], sizes = [1], strides = [1]} : vector<16xf32> to vector<1xf32>
      %squeeze3A_55 = vector.extract %slice3A_54[0] : f32 from vector<1xf32>
      %slice3A_56 = vector.extract_strided_slice %get3A_24 {offsets = [1], sizes = [1], strides = [1]} : vector<16xf32> to vector<1xf32>
      %squeeze3A_57 = vector.extract %slice3A_56[0] : f32 from vector<1xf32>
      %broadcast_in_dim3A_58 = arith.constant 0 : i32
      %broadcast_in_dim3A_59 = vector.broadcast %broadcast_in_dim3A_58 : i32 to vector<16xi32>
      %scan3A_60 = arith.constant 0 : i32
      %scan3A_61 = arith.constant 256 : i32
      %scan3A_62 = arith.addi %scan3A_60, %scan3A_61 : i32
      %scan3A_63 = arith.constant 1 : i32
      %scan3A_64 = scf.for %scan3A_470 = %scan3A_60 to %scan3A_62 step %scan3A_63 iter_args(%scan3A_471 = %broadcast_in_dim3A_59) -> (vector<16xi32>)  : i32 {
        %mul3A_472 = arith.constant 16 : i32
        %mul3A_473 = arith.muli %scan3A_470, %mul3A_472 : i32
        %get3A_474 = arith.index_cast %mul3A_473 : i32 to index
        %get3A_475 = tpu.vector_load %arg7[%get3A_474] {strides = array<i32>} : memref<4096xf32, #tpu.memory_space<vmem>>, vector<16xf32>,
        %sub3A_476 = vector.broadcast %squeeze3A_53 : f32 to vector<16xf32>
        %sub3A_477 = arith.subf %sub3A_476, %get3A_475 : vector<16xf32>
        %abs3A = math.absf %sub3A_477 : vector<16xf32>
        %sub3A_478 = vector.broadcast %squeeze3A : f32 to vector<16xf32>
        %sub3A_479 = arith.subf %sub3A_478, %abs3A : vector<16xf32>
        %min3A = arith.minimumf %abs3A, %sub3A_479 : vector<16xf32>
        %mul3A_480 = arith.mulf %min3A, %min3A : vector<16xf32>
        %get3A_481 = arith.index_cast %mul3A_473 : i32 to index
        %get3A_482 = tpu.vector_load %arg8[%get3A_481] {strides = array<i32>} : memref<4096xf32, #tpu.memory_space<vmem>>, vector<16xf32>,
        %sub3A_483 = vector.broadcast %squeeze3A_55 : f32 to vector<16xf32>
        %sub3A_484 = arith.subf %sub3A_483, %get3A_482 : vector<16xf32>
        %abs3A_485 = math.absf %sub3A_484 : vector<16xf32>
        %sub3A_486 = vector.broadcast %squeeze3A_3 : f32 to vector<16xf32>
        %sub3A_487 = arith.subf %sub3A_486, %abs3A_485 : vector<16xf32>
        %min3A_488 = arith.minimumf %abs3A_485, %sub3A_487 : vector<16xf32>
        %mul3A_489 = arith.mulf %min3A_488, %min3A_488 : vector<16xf32>
        %add3A_490 = arith.addf %mul3A_480, %mul3A_489 : vector<16xf32>
        %get3A_491 = arith.index_cast %mul3A_473 : i32 to index
        %get3A_492 = tpu.vector_load %arg9[%get3A_491] {strides = array<i32>} : memref<4096xf32, #tpu.memory_space<vmem>>, vector<16xf32>,
        %sub3A_493 = vector.broadcast %squeeze3A_57 : f32 to vector<16xf32>
        %sub3A_494 = arith.subf %sub3A_493, %get3A_492 : vector<16xf32>
        %abs3A_495 = math.absf %sub3A_494 : vector<16xf32>
        %sub3A_496 = vector.broadcast %squeeze3A_5 : f32 to vector<16xf32>
        %sub3A_497 = arith.subf %sub3A_496, %abs3A_495 : vector<16xf32>
        %min3A_498 = arith.minimumf %abs3A_495, %sub3A_497 : vector<16xf32>
        %mul3A_499 = arith.mulf %min3A_498, %min3A_498 : vector<16xf32>
        %add3A_500 = arith.addf %add3A_490, %mul3A_499 : vector<16xf32>
        %swap3A = arith.index_cast %mul3A_473 : i32 to index
        %swap3A_501 = tpu.vector_load %arg11[%swap3A] {strides = array<i32>} : memref<4096xf32, #tpu.memory_space<vmem>>, vector<16xf32>,
        tpu.vector_store %arg11[%swap3A], %add3A_500 {strides = array<i32>} : memref<4096xf32, #tpu.memory_space<vmem>>, vector<16xf32>,
        %le3A = vector.broadcast %scan3A_6 : f32 to vector<16xf32>
        %le3A_502 = arith.cmpf ole, %add3A_500, %le3A : vector<16xf32>
        %all_reduce_population_count3A = tpu.all_reduce %le3A_502 {dim = 0 : i64, kind = #tpu.reduction_kind<sum>} : vector<16xi1> -> vector<16xi32>
        %add3A_503 = arith.addi %scan3A_471, %all_reduce_population_count3A : vector<16xi32>
        scf.yield %add3A_503 : vector<16xi32>
      }
      %scan3A_65 = arith.constant 256 : i32
      %slice3A_66 = vector.extract_strided_slice %scan3A_64 {offsets = [0], sizes = [1], strides = [1]} : vector<16xi32> to vector<1xi32>
      %squeeze3A_67 = vector.extract %slice3A_66[0] : i32 from vector<1xi32>
      %sub3A_68 = arith.constant 1 : i32
      %sub3A_69 = arith.subi %squeeze3A_67, %sub3A_68 : i32
      %while3A_70:2 = scf.while (%while3A_470 = %scan3A_6, %while3A_471 = %sub3A_69) : (f32, i32) -> (f32, i32) {
        %lt3A = arith.constant 16 : i32
        %lt3A_472 = arith.cmpi slt, %while3A_471, %lt3A : i32
        scf.condition(%lt3A_472) %while3A_470, %while3A_471 : f32, i32
      } do {
      ^bb0(%while3A_470: f32, %while3A_471: i32):
        %broadcast_in_dim3A_472 = vector.broadcast %scan3A_7 : f32 to vector<16xf32>
        %scan3A_473 = arith.constant 0 : i32
        %scan3A_474 = arith.constant 256 : i32
        %scan3A_475 = arith.addi %scan3A_473, %scan3A_474 : i32
        %scan3A_476 = arith.constant 1 : i32
        %scan3A_477 = scf.for %scan3A_495 = %scan3A_473 to %scan3A_475 step %scan3A_476 iter_args(%scan3A_496 = %broadcast_in_dim3A_472) -> (vector<16xf32>)  : i32 {
          %mul3A_497 = arith.constant 16 : i32
          %mul3A_498 = arith.muli %scan3A_495, %mul3A_497 : i32
          %get3A_499 = arith.index_cast %mul3A_498 : i32 to index
          %get3A_500 = tpu.vector_load %arg11[%get3A_499] {strides = array<i32>} : memref<4096xf32, #tpu.memory_space<vmem>>, vector<16xf32>,
          %gt3A = vector.broadcast %while3A_470 : f32 to vector<16xf32>
          %gt3A_501 = arith.cmpf ogt, %get3A_500, %gt3A : vector<16xf32>
          %broadcast_in_dim3A_502 = vector.broadcast %scan3A_7 : f32 to vector<16xf32>
          %select_n3A = arith.select %gt3A_501, %get3A_500, %broadcast_in_dim3A_502 : vector<16xi1>, vector<16xf32>
          %min3A = arith.minimumf %scan3A_496, %select_n3A : vector<16xf32>
          scf.yield %min3A : vector<16xf32>
        }
        %scan3A_478 = arith.constant 256 : i32
        %masked_sort3A = arith.constant dense<true> : vector<16xi1>
        %masked_sort3A_479, %masked_sort3A_480, %masked_sort3A_481 = tpu.sort %scan3A_477, %scan3A_477 masked %masked_sort3A : (vector<16xf32>, vector<16xf32>, vector<16xi1>) -> (vector<16xi1>, vector<16xf32>, vector<16xf32>)
        %slice3A_482 = vector.extract_strided_slice %masked_sort3A_480 {offsets = [0], sizes = [1], strides = [1]} : vector<16xf32> to vector<1xf32>
        %squeeze3A_483 = vector.extract %slice3A_482[0] : f32 from vector<1xf32>
        %broadcast_in_dim3A_484 = arith.constant 0 : i32
        %broadcast_in_dim3A_485 = vector.broadcast %broadcast_in_dim3A_484 : i32 to vector<16xi32>
        %scan3A_486 = arith.constant 0 : i32
        %scan3A_487 = arith.constant 256 : i32
        %scan3A_488 = arith.addi %scan3A_486, %scan3A_487 : i32
        %scan3A_489 = arith.constant 1 : i32
        %scan3A_490 = scf.for %scan3A_495 = %scan3A_486 to %scan3A_488 step %scan3A_489 iter_args(%scan3A_496 = %broadcast_in_dim3A_485) -> (vector<16xi32>)  : i32 {
          %mul3A_497 = arith.constant 16 : i32
          %mul3A_498 = arith.muli %scan3A_495, %mul3A_497 : i32
          %get3A_499 = arith.index_cast %mul3A_498 : i32 to index
          %get3A_500 = tpu.vector_load %arg11[%get3A_499] {strides = array<i32>} : memref<4096xf32, #tpu.memory_space<vmem>>, vector<16xf32>,
          %eq3A = vector.broadcast %squeeze3A_483 : f32 to vector<16xf32>
          %eq3A_501 = arith.cmpf oeq, %get3A_500, %eq3A : vector<16xf32>
          %all_reduce_population_count3A = tpu.all_reduce %eq3A_501 {dim = 0 : i64, kind = #tpu.reduction_kind<sum>} : vector<16xi1> -> vector<16xi32>
          %add3A_502 = arith.addi %scan3A_496, %all_reduce_population_count3A : vector<16xi32>
          scf.yield %add3A_502 : vector<16xi32>
        }
        %scan3A_491 = arith.constant 256 : i32
        %slice3A_492 = vector.extract_strided_slice %scan3A_490 {offsets = [0], sizes = [1], strides = [1]} : vector<16xi32> to vector<1xi32>
        %squeeze3A_493 = vector.extract %slice3A_492[0] : i32 from vector<1xi32>
        %add3A_494 = arith.addi %while3A_471, %squeeze3A_493 : i32
        scf.yield %squeeze3A_483, %add3A_494 : f32, i32
      }
      %scan3A_71 = arith.constant 0 : i32
      %scan3A_72 = arith.constant 0 : i32
      %scan3A_73 = arith.constant 256 : i32
      %scan3A_74 = arith.addi %scan3A_72, %scan3A_73 : i32
      %scan3A_75 = arith.constant 1 : i32
      %scan3A_76 = scf.for %scan3A_470 = %scan3A_72 to %scan3A_74 step %scan3A_75 iter_args(%scan3A_471 = %scan3A_71) -> (i32)  : i32 {
        %mul3A_472 = arith.constant 16 : i32
        %mul3A_473 = arith.muli %scan3A_470, %mul3A_472 : i32
        %get3A_474 = arith.index_cast %mul3A_473 : i32 to index
        %get3A_475 = tpu.vector_load %arg11[%get3A_474] {strides = array<i32>} : memref<4096xf32, #tpu.memory_space<vmem>>, vector<16xf32>,
        %le3A = vector.broadcast %while3A_70#0 : f32 to vector<16xf32>
        %le3A_476 = arith.cmpf ole, %get3A_475, %le3A : vector<16xf32>
        %jit3A = arith.constant 0.000000e+00 : f32
        %broadcast_in_dim3A_477 = vector.broadcast %jit3A : f32 to vector<16xf32>
        %select_n3A = arith.select %le3A_476, %get3A_475, %broadcast_in_dim3A_477 : vector<16xi1>, vector<16xf32>
        %bitcast3A = vector.bitcast %select_n3A : vector<16xf32> to vector<16xi32>
        %shift_right_logical3A = arith.constant 1 : i32
        %shift_right_logical3A_478 = vector.broadcast %shift_right_logical3A : i32 to vector<16xi32>
        %shift_right_logical3A_479 = arith.shrui %bitcast3A, %shift_right_logical3A_478 : vector<16xi32>
        %sub3A_480 = arith.constant 1597463007 : i32
        %sub3A_481 = vector.broadcast %sub3A_480 : i32 to vector<16xi32>
        %sub3A_482 = arith.subi %sub3A_481, %shift_right_logical3A_479 : vector<16xi32>
        %bitcast3A_483 = vector.bitcast %sub3A_482 : vector<16xi32> to vector<16xf32>
        %mul3A_484 = arith.constant 5.000000e-01 : f32
        %mul3A_485 = vector.broadcast %mul3A_484 : f32 to vector<16xf32>
        %mul3A_486 = arith.mulf %select_n3A, %mul3A_485 : vector<16xf32>
        %mul3A_487 = arith.mulf %mul3A_486, %bitcast3A_483 : vector<16xf32>
        %mul3A_488 = arith.mulf %mul3A_487, %bitcast3A_483 : vector<16xf32>
        %sub3A_489 = arith.constant 1.500000e+00 : f32
        %sub3A_490 = vector.broadcast %sub3A_489 : f32 to vector<16xf32>
        %sub3A_491 = arith.subf %sub3A_490, %mul3A_488 : vector<16xf32>
        %mul3A_492 = arith.mulf %bitcast3A_483, %sub3A_491 : vector<16xf32>
        %mul3A_493 = arith.mulf %mul3A_486, %mul3A_492 : vector<16xf32>
        %mul3A_494 = arith.mulf %mul3A_493, %mul3A_492 : vector<16xf32>
        %sub3A_495 = arith.constant 1.500000e+00 : f32
        %sub3A_496 = vector.broadcast %sub3A_495 : f32 to vector<16xf32>
        %sub3A_497 = arith.subf %sub3A_496, %mul3A_494 : vector<16xf32>
        %mul3A_498 = arith.mulf %mul3A_492, %sub3A_497 : vector<16xf32>
        %mul3A_499 = arith.mulf %mul3A_486, %mul3A_498 : vector<16xf32>
        %mul3A_500 = arith.mulf %mul3A_499, %mul3A_498 : vector<16xf32>
        %sub3A_501 = arith.constant 1.500000e+00 : f32
        %sub3A_502 = vector.broadcast %sub3A_501 : f32 to vector<16xf32>
        %sub3A_503 = arith.subf %sub3A_502, %mul3A_500 : vector<16xf32>
        %mul3A_504 = arith.mulf %mul3A_498, %sub3A_503 : vector<16xf32>
        %mul3A_505 = arith.mulf %select_n3A, %mul3A_504 : vector<16xf32>
        %swap3A = arith.index_cast %mul3A_473 : i32 to index
        %swap3A_506 = tpu.vector_load %arg12[%swap3A] {strides = array<i32>} : memref<4096xf32, #tpu.memory_space<vmem>>, vector<16xf32>,
        tpu.vector_store %arg12[%swap3A], %mul3A_505 {strides = array<i32>} : memref<4096xf32, #tpu.memory_space<vmem>>, vector<16xf32>,
        %scan3A_507 = arith.constant 0 : i32
        scf.yield %scan3A_507 : i32
      }
      %scan3A_77 = arith.constant 256 : i32
      "tpu.region"() ({
        %run_scoped3A = tpu.sem_alloc : memref<!tpu.dma_semaphore, #tpu.memory_space<semaphore_mem>>
        %dma_start3A = arith.constant 0 : i32
        %dma_start3A_470 = tpu.memref_slice %arg6[%add3A_51, %dma_start3A] : memref<4096x4096xf32, #tpu.memory_space<hbm>> -> memref<1x4096xf32, #tpu.memory_space<hbm>>
        %dma_start3A_471 = tpu.memref_squeeze %dma_start3A_470 : memref<1x4096xf32, #tpu.memory_space<hbm>> -> memref<4096xf32, #tpu.memory_space<hbm>>
        %dma_start3A_472 = arith.constant 0 : i32
        %dma_start3A_473 = tpu.memref_slice %arg6[%add3A_51, %dma_start3A_472] : memref<4096x4096xf32, #tpu.memory_space<hbm>> -> memref<1x4096xf32, #tpu.memory_space<hbm>>
        %dma_start3A_474 = tpu.memref_squeeze %dma_start3A_473 : memref<1x4096xf32, #tpu.memory_space<hbm>> -> memref<4096xf32, #tpu.memory_space<hbm>>
        tpu.enqueue_dma source(%arg12 : memref<4096xf32, #tpu.memory_space<vmem>>) target(%dma_start3A_474 : memref<4096xf32, #tpu.memory_space<hbm>>) target_semaphore(%run_scoped3A : memref<!tpu.dma_semaphore, #tpu.memory_space<semaphore_mem>>)
        %dma_wait3A = arith.constant 0 : i32
        %dma_wait3A_475 = tpu.memref_slice %arg6[%add3A_51, %dma_wait3A] : memref<4096x4096xf32, #tpu.memory_space<hbm>> -> memref<1x4096xf32, #tpu.memory_space<hbm>>
        %dma_wait3A_476 = tpu.memref_squeeze %dma_wait3A_475 : memref<1x4096xf32, #tpu.memory_space<hbm>> -> memref<4096xf32, #tpu.memory_space<hbm>>
        %dma_wait3A_477 = arith.constant 0 : i32
        %dma_wait3A_478 = tpu.memref_slice %arg6[%add3A_51, %dma_wait3A_477] : memref<4096x4096xf32, #tpu.memory_space<hbm>> -> memref<1x4096xf32, #tpu.memory_space<hbm>>
        %dma_wait3A_479 = tpu.memref_squeeze %dma_wait3A_478 : memref<1x4096xf32, #tpu.memory_space<hbm>> -> memref<4096xf32, #tpu.memory_space<hbm>>
        tpu.wait_dma2 semaphore(%run_scoped3A : memref<!tpu.dma_semaphore, #tpu.memory_space<semaphore_mem>>) src(%arg12 : memref<4096xf32, #tpu.memory_space<vmem>>) dst(%dma_wait3A_479 : memref<4096xf32, #tpu.memory_space<hbm>>)
        tpu.yield
      }) : () -> ()
      %add3A_78 = arith.constant 2 : i32
      %add3A_79 = arith.addi %add3A_18, %add3A_78 : i32
      %slice3A_80 = vector.extract_strided_slice %get3A_20 {offsets = [2], sizes = [1], strides = [1]} : vector<16xf32> to vector<1xf32>
      %squeeze3A_81 = vector.extract %slice3A_80[0] : f32 from vector<1xf32>
      %slice3A_82 = vector.extract_strided_slice %get3A_22 {offsets = [2], sizes = [1], strides = [1]} : vector<16xf32> to vector<1xf32>
      %squeeze3A_83 = vector.extract %slice3A_82[0] : f32 from vector<1xf32>
      %slice3A_84 = vector.extract_strided_slice %get3A_24 {offsets = [2], sizes = [1], strides = [1]} : vector<16xf32> to vector<1xf32>
      %squeeze3A_85 = vector.extract %slice3A_84[0] : f32 from vector<1xf32>
      %broadcast_in_dim3A_86 = arith.constant 0 : i32
      %broadcast_in_dim3A_87 = vector.broadcast %broadcast_in_dim3A_86 : i32 to vector<16xi32>
      %scan3A_88 = arith.constant 0 : i32
      %scan3A_89 = arith.constant 256 : i32
      %scan3A_90 = arith.addi %scan3A_88, %scan3A_89 : i32
      %scan3A_91 = arith.constant 1 : i32
      %scan3A_92 = scf.for %scan3A_470 = %scan3A_88 to %scan3A_90 step %scan3A_91 iter_args(%scan3A_471 = %broadcast_in_dim3A_87) -> (vector<16xi32>)  : i32 {
        %mul3A_472 = arith.constant 16 : i32
        %mul3A_473 = arith.muli %scan3A_470, %mul3A_472 : i32
        %get3A_474 = arith.index_cast %mul3A_473 : i32 to index
        %get3A_475 = tpu.vector_load %arg7[%get3A_474] {strides = array<i32>} : memref<4096xf32, #tpu.memory_space<vmem>>, vector<16xf32>,
        %sub3A_476 = vector.broadcast %squeeze3A_81 : f32 to vector<16xf32>
        %sub3A_477 = arith.subf %sub3A_476, %get3A_475 : vector<16xf32>
        %abs3A = math.absf %sub3A_477 : vector<16xf32>
        %sub3A_478 = vector.broadcast %squeeze3A : f32 to vector<16xf32>
        %sub3A_479 = arith.subf %sub3A_478, %abs3A : vector<16xf32>
        %min3A = arith.minimumf %abs3A, %sub3A_479 : vector<16xf32>
        %mul3A_480 = arith.mulf %min3A, %min3A : vector<16xf32>
        %get3A_481 = arith.index_cast %mul3A_473 : i32 to index
        %get3A_482 = tpu.vector_load %arg8[%get3A_481] {strides = array<i32>} : memref<4096xf32, #tpu.memory_space<vmem>>, vector<16xf32>,
        %sub3A_483 = vector.broadcast %squeeze3A_83 : f32 to vector<16xf32>
        %sub3A_484 = arith.subf %sub3A_483, %get3A_482 : vector<16xf32>
        %abs3A_485 = math.absf %sub3A_484 : vector<16xf32>
        %sub3A_486 = vector.broadcast %squeeze3A_3 : f32 to vector<16xf32>
        %sub3A_487 = arith.subf %sub3A_486, %abs3A_485 : vector<16xf32>
        %min3A_488 = arith.minimumf %abs3A_485, %sub3A_487 : vector<16xf32>
        %mul3A_489 = arith.mulf %min3A_488, %min3A_488 : vector<16xf32>
        %add3A_490 = arith.addf %mul3A_480, %mul3A_489 : vector<16xf32>
        %get3A_491 = arith.index_cast %mul3A_473 : i32 to index
        %get3A_492 = tpu.vector_load %arg9[%get3A_491] {strides = array<i32>} : memref<4096xf32, #tpu.memory_space<vmem>>, vector<16xf32>,
        %sub3A_493 = vector.broadcast %squeeze3A_85 : f32 to vector<16xf32>
        %sub3A_494 = arith.subf %sub3A_493, %get3A_492 : vector<16xf32>
        %abs3A_495 = math.absf %sub3A_494 : vector<16xf32>
        %sub3A_496 = vector.broadcast %squeeze3A_5 : f32 to vector<16xf32>
        %sub3A_497 = arith.subf %sub3A_496, %abs3A_495 : vector<16xf32>
        %min3A_498 = arith.minimumf %abs3A_495, %sub3A_497 : vector<16xf32>
        %mul3A_499 = arith.mulf %min3A_498, %min3A_498 : vector<16xf32>
        %add3A_500 = arith.addf %add3A_490, %mul3A_499 : vector<16xf32>
        %swap3A = arith.index_cast %mul3A_473 : i32 to index
        %swap3A_501 = tpu.vector_load %arg11[%swap3A] {strides = array<i32>} : memref<4096xf32, #tpu.memory_space<vmem>>, vector<16xf32>,
        tpu.vector_store %arg11[%swap3A], %add3A_500 {strides = array<i32>} : memref<4096xf32, #tpu.memory_space<vmem>>, vector<16xf32>,
        %le3A = vector.broadcast %scan3A_6 : f32 to vector<16xf32>
        %le3A_502 = arith.cmpf ole, %add3A_500, %le3A : vector<16xf32>
        %all_reduce_population_count3A = tpu.all_reduce %le3A_502 {dim = 0 : i64, kind = #tpu.reduction_kind<sum>} : vector<16xi1> -> vector<16xi32>
        %add3A_503 = arith.addi %scan3A_471, %all_reduce_population_count3A : vector<16xi32>
        scf.yield %add3A_503 : vector<16xi32>
      }
      %scan3A_93 = arith.constant 256 : i32
      %slice3A_94 = vector.extract_strided_slice %scan3A_92 {offsets = [0], sizes = [1], strides = [1]} : vector<16xi32> to vector<1xi32>
      %squeeze3A_95 = vector.extract %slice3A_94[0] : i32 from vector<1xi32>
      %sub3A_96 = arith.constant 1 : i32
      %sub3A_97 = arith.subi %squeeze3A_95, %sub3A_96 : i32
      %while3A_98:2 = scf.while (%while3A_470 = %scan3A_6, %while3A_471 = %sub3A_97) : (f32, i32) -> (f32, i32) {
        %lt3A = arith.constant 16 : i32
        %lt3A_472 = arith.cmpi slt, %while3A_471, %lt3A : i32
        scf.condition(%lt3A_472) %while3A_470, %while3A_471 : f32, i32
      } do {
      ^bb0(%while3A_470: f32, %while3A_471: i32):
        %broadcast_in_dim3A_472 = vector.broadcast %scan3A_7 : f32 to vector<16xf32>
        %scan3A_473 = arith.constant 0 : i32
        %scan3A_474 = arith.constant 256 : i32
        %scan3A_475 = arith.addi %scan3A_473, %scan3A_474 : i32
        %scan3A_476 = arith.constant 1 : i32
        %scan3A_477 = scf.for %scan3A_495 = %scan3A_473 to %scan3A_475 step %scan3A_476 iter_args(%scan3A_496 = %broadcast_in_dim3A_472) -> (vector<16xf32>)  : i32 {
          %mul3A_497 = arith.constant 16 : i32
          %mul3A_498 = arith.muli %scan3A_495, %mul3A_497 : i32
          %get3A_499 = arith.index_cast %mul3A_498 : i32 to index
          %get3A_500 = tpu.vector_load %arg11[%get3A_499] {strides = array<i32>} : memref<4096xf32, #tpu.memory_space<vmem>>, vector<16xf32>,
          %gt3A = vector.broadcast %while3A_470 : f32 to vector<16xf32>
          %gt3A_501 = arith.cmpf ogt, %get3A_500, %gt3A : vector<16xf32>
          %broadcast_in_dim3A_502 = vector.broadcast %scan3A_7 : f32 to vector<16xf32>
          %select_n3A = arith.select %gt3A_501, %get3A_500, %broadcast_in_dim3A_502 : vector<16xi1>, vector<16xf32>
          %min3A = arith.minimumf %scan3A_496, %select_n3A : vector<16xf32>
          scf.yield %min3A : vector<16xf32>
        }
        %scan3A_478 = arith.constant 256 : i32
        %masked_sort3A = arith.constant dense<true> : vector<16xi1>
        %masked_sort3A_479, %masked_sort3A_480, %masked_sort3A_481 = tpu.sort %scan3A_477, %scan3A_477 masked %masked_sort3A : (vector<16xf32>, vector<16xf32>, vector<16xi1>) -> (vector<16xi1>, vector<16xf32>, vector<16xf32>)
        %slice3A_482 = vector.extract_strided_slice %masked_sort3A_480 {offsets = [0], sizes = [1], strides = [1]} : vector<16xf32> to vector<1xf32>
        %squeeze3A_483 = vector.extract %slice3A_482[0] : f32 from vector<1xf32>
        %broadcast_in_dim3A_484 = arith.constant 0 : i32
        %broadcast_in_dim3A_485 = vector.broadcast %broadcast_in_dim3A_484 : i32 to vector<16xi32>
        %scan3A_486 = arith.constant 0 : i32
        %scan3A_487 = arith.constant 256 : i32
        %scan3A_488 = arith.addi %scan3A_486, %scan3A_487 : i32
        %scan3A_489 = arith.constant 1 : i32
        %scan3A_490 = scf.for %scan3A_495 = %scan3A_486 to %scan3A_488 step %scan3A_489 iter_args(%scan3A_496 = %broadcast_in_dim3A_485) -> (vector<16xi32>)  : i32 {
          %mul3A_497 = arith.constant 16 : i32
          %mul3A_498 = arith.muli %scan3A_495, %mul3A_497 : i32
          %get3A_499 = arith.index_cast %mul3A_498 : i32 to index
          %get3A_500 = tpu.vector_load %arg11[%get3A_499] {strides = array<i32>} : memref<4096xf32, #tpu.memory_space<vmem>>, vector<16xf32>,
          %eq3A = vector.broadcast %squeeze3A_483 : f32 to vector<16xf32>
          %eq3A_501 = arith.cmpf oeq, %get3A_500, %eq3A : vector<16xf32>
          %all_reduce_population_count3A = tpu.all_reduce %eq3A_501 {dim = 0 : i64, kind = #tpu.reduction_kind<sum>} : vector<16xi1> -> vector<16xi32>
          %add3A_502 = arith.addi %scan3A_496, %all_reduce_population_count3A : vector<16xi32>
          scf.yield %add3A_502 : vector<16xi32>
        }
        %scan3A_491 = arith.constant 256 : i32
        %slice3A_492 = vector.extract_strided_slice %scan3A_490 {offsets = [0], sizes = [1], strides = [1]} : vector<16xi32> to vector<1xi32>
        %squeeze3A_493 = vector.extract %slice3A_492[0] : i32 from vector<1xi32>
        %add3A_494 = arith.addi %while3A_471, %squeeze3A_493 : i32
        scf.yield %squeeze3A_483, %add3A_494 : f32, i32
      }
      %scan3A_99 = arith.constant 0 : i32
      %scan3A_100 = arith.constant 0 : i32
      %scan3A_101 = arith.constant 256 : i32
      %scan3A_102 = arith.addi %scan3A_100, %scan3A_101 : i32
      %scan3A_103 = arith.constant 1 : i32
      %scan3A_104 = scf.for %scan3A_470 = %scan3A_100 to %scan3A_102 step %scan3A_103 iter_args(%scan3A_471 = %scan3A_99) -> (i32)  : i32 {
        %mul3A_472 = arith.constant 16 : i32
        %mul3A_473 = arith.muli %scan3A_470, %mul3A_472 : i32
        %get3A_474 = arith.index_cast %mul3A_473 : i32 to index
        %get3A_475 = tpu.vector_load %arg11[%get3A_474] {strides = array<i32>} : memref<4096xf32, #tpu.memory_space<vmem>>, vector<16xf32>,
        %le3A = vector.broadcast %while3A_98#0 : f32 to vector<16xf32>
        %le3A_476 = arith.cmpf ole, %get3A_475, %le3A : vector<16xf32>
        %jit3A = arith.constant 0.000000e+00 : f32
        %broadcast_in_dim3A_477 = vector.broadcast %jit3A : f32 to vector<16xf32>
        %select_n3A = arith.select %le3A_476, %get3A_475, %broadcast_in_dim3A_477 : vector<16xi1>, vector<16xf32>
        %bitcast3A = vector.bitcast %select_n3A : vector<16xf32> to vector<16xi32>
        %shift_right_logical3A = arith.constant 1 : i32
        %shift_right_logical3A_478 = vector.broadcast %shift_right_logical3A : i32 to vector<16xi32>
        %shift_right_logical3A_479 = arith.shrui %bitcast3A, %shift_right_logical3A_478 : vector<16xi32>
        %sub3A_480 = arith.constant 1597463007 : i32
        %sub3A_481 = vector.broadcast %sub3A_480 : i32 to vector<16xi32>
        %sub3A_482 = arith.subi %sub3A_481, %shift_right_logical3A_479 : vector<16xi32>
        %bitcast3A_483 = vector.bitcast %sub3A_482 : vector<16xi32> to vector<16xf32>
        %mul3A_484 = arith.constant 5.000000e-01 : f32
        %mul3A_485 = vector.broadcast %mul3A_484 : f32 to vector<16xf32>
        %mul3A_486 = arith.mulf %select_n3A, %mul3A_485 : vector<16xf32>
        %mul3A_487 = arith.mulf %mul3A_486, %bitcast3A_483 : vector<16xf32>
        %mul3A_488 = arith.mulf %mul3A_487, %bitcast3A_483 : vector<16xf32>
        %sub3A_489 = arith.constant 1.500000e+00 : f32
        %sub3A_490 = vector.broadcast %sub3A_489 : f32 to vector<16xf32>
        %sub3A_491 = arith.subf %sub3A_490, %mul3A_488 : vector<16xf32>
        %mul3A_492 = arith.mulf %bitcast3A_483, %sub3A_491 : vector<16xf32>
        %mul3A_493 = arith.mulf %mul3A_486, %mul3A_492 : vector<16xf32>
        %mul3A_494 = arith.mulf %mul3A_493, %mul3A_492 : vector<16xf32>
        %sub3A_495 = arith.constant 1.500000e+00 : f32
        %sub3A_496 = vector.broadcast %sub3A_495 : f32 to vector<16xf32>
        %sub3A_497 = arith.subf %sub3A_496, %mul3A_494 : vector<16xf32>
        %mul3A_498 = arith.mulf %mul3A_492, %sub3A_497 : vector<16xf32>
        %mul3A_499 = arith.mulf %mul3A_486, %mul3A_498 : vector<16xf32>
        %mul3A_500 = arith.mulf %mul3A_499, %mul3A_498 : vector<16xf32>
        %sub3A_501 = arith.constant 1.500000e+00 : f32
        %sub3A_502 = vector.broadcast %sub3A_501 : f32 to vector<16xf32>
        %sub3A_503 = arith.subf %sub3A_502, %mul3A_500 : vector<16xf32>
        %mul3A_504 = arith.mulf %mul3A_498, %sub3A_503 : vector<16xf32>
        %mul3A_505 = arith.mulf %select_n3A, %mul3A_504 : vector<16xf32>
        %swap3A = arith.index_cast %mul3A_473 : i32 to index
        %swap3A_506 = tpu.vector_load %arg12[%swap3A] {strides = array<i32>} : memref<4096xf32, #tpu.memory_space<vmem>>, vector<16xf32>,
        tpu.vector_store %arg12[%swap3A], %mul3A_505 {strides = array<i32>} : memref<4096xf32, #tpu.memory_space<vmem>>, vector<16xf32>,
        %scan3A_507 = arith.constant 0 : i32
        scf.yield %scan3A_507 : i32
      }
      %scan3A_105 = arith.constant 256 : i32
      "tpu.region"() ({
        %run_scoped3A = tpu.sem_alloc : memref<!tpu.dma_semaphore, #tpu.memory_space<semaphore_mem>>
        %dma_start3A = arith.constant 0 : i32
        %dma_start3A_470 = tpu.memref_slice %arg6[%add3A_79, %dma_start3A] : memref<4096x4096xf32, #tpu.memory_space<hbm>> -> memref<1x4096xf32, #tpu.memory_space<hbm>>
        %dma_start3A_471 = tpu.memref_squeeze %dma_start3A_470 : memref<1x4096xf32, #tpu.memory_space<hbm>> -> memref<4096xf32, #tpu.memory_space<hbm>>
        %dma_start3A_472 = arith.constant 0 : i32
        %dma_start3A_473 = tpu.memref_slice %arg6[%add3A_79, %dma_start3A_472] : memref<4096x4096xf32, #tpu.memory_space<hbm>> -> memref<1x4096xf32, #tpu.memory_space<hbm>>
        %dma_start3A_474 = tpu.memref_squeeze %dma_start3A_473 : memref<1x4096xf32, #tpu.memory_space<hbm>> -> memref<4096xf32, #tpu.memory_space<hbm>>
        tpu.enqueue_dma source(%arg12 : memref<4096xf32, #tpu.memory_space<vmem>>) target(%dma_start3A_474 : memref<4096xf32, #tpu.memory_space<hbm>>) target_semaphore(%run_scoped3A : memref<!tpu.dma_semaphore, #tpu.memory_space<semaphore_mem>>)
        %dma_wait3A = arith.constant 0 : i32
        %dma_wait3A_475 = tpu.memref_slice %arg6[%add3A_79, %dma_wait3A] : memref<4096x4096xf32, #tpu.memory_space<hbm>> -> memref<1x4096xf32, #tpu.memory_space<hbm>>
        %dma_wait3A_476 = tpu.memref_squeeze %dma_wait3A_475 : memref<1x4096xf32, #tpu.memory_space<hbm>> -> memref<4096xf32, #tpu.memory_space<hbm>>
        %dma_wait3A_477 = arith.constant 0 : i32
        %dma_wait3A_478 = tpu.memref_slice %arg6[%add3A_79, %dma_wait3A_477] : memref<4096x4096xf32, #tpu.memory_space<hbm>> -> memref<1x4096xf32, #tpu.memory_space<hbm>>
        %dma_wait3A_479 = tpu.memref_squeeze %dma_wait3A_478 : memref<1x4096xf32, #tpu.memory_space<hbm>> -> memref<4096xf32, #tpu.memory_space<hbm>>
        tpu.wait_dma2 semaphore(%run_scoped3A : memref<!tpu.dma_semaphore, #tpu.memory_space<semaphore_mem>>) src(%arg12 : memref<4096xf32, #tpu.memory_space<vmem>>) dst(%dma_wait3A_479 : memref<4096xf32, #tpu.memory_space<hbm>>)
        tpu.yield
      }) : () -> ()
      %add3A_106 = arith.constant 3 : i32
      %add3A_107 = arith.addi %add3A_18, %add3A_106 : i32
      %slice3A_108 = vector.extract_strided_slice %get3A_20 {offsets = [3], sizes = [1], strides = [1]} : vector<16xf32> to vector<1xf32>
      %squeeze3A_109 = vector.extract %slice3A_108[0] : f32 from vector<1xf32>
      %slice3A_110 = vector.extract_strided_slice %get3A_22 {offsets = [3], sizes = [1], strides = [1]} : vector<16xf32> to vector<1xf32>
      %squeeze3A_111 = vector.extract %slice3A_110[0] : f32 from vector<1xf32>
      %slice3A_112 = vector.extract_strided_slice %get3A_24 {offsets = [3], sizes = [1], strides = [1]} : vector<16xf32> to vector<1xf32>
      %squeeze3A_113 = vector.extract %slice3A_112[0] : f32 from vector<1xf32>
      %broadcast_in_dim3A_114 = arith.constant 0 : i32
      %broadcast_in_dim3A_115 = vector.broadcast %broadcast_in_dim3A_114 : i32 to vector<16xi32>
      %scan3A_116 = arith.constant 0 : i32
      %scan3A_117 = arith.constant 256 : i32
      %scan3A_118 = arith.addi %scan3A_116, %scan3A_117 : i32
      %scan3A_119 = arith.constant 1 : i32
      %scan3A_120 = scf.for %scan3A_470 = %scan3A_116 to %scan3A_118 step %scan3A_119 iter_args(%scan3A_471 = %broadcast_in_dim3A_115) -> (vector<16xi32>)  : i32 {
        %mul3A_472 = arith.constant 16 : i32
        %mul3A_473 = arith.muli %scan3A_470, %mul3A_472 : i32
        %get3A_474 = arith.index_cast %mul3A_473 : i32 to index
        %get3A_475 = tpu.vector_load %arg7[%get3A_474] {strides = array<i32>} : memref<4096xf32, #tpu.memory_space<vmem>>, vector<16xf32>,
        %sub3A_476 = vector.broadcast %squeeze3A_109 : f32 to vector<16xf32>
        %sub3A_477 = arith.subf %sub3A_476, %get3A_475 : vector<16xf32>
        %abs3A = math.absf %sub3A_477 : vector<16xf32>
        %sub3A_478 = vector.broadcast %squeeze3A : f32 to vector<16xf32>
        %sub3A_479 = arith.subf %sub3A_478, %abs3A : vector<16xf32>
        %min3A = arith.minimumf %abs3A, %sub3A_479 : vector<16xf32>
        %mul3A_480 = arith.mulf %min3A, %min3A : vector<16xf32>
        %get3A_481 = arith.index_cast %mul3A_473 : i32 to index
        %get3A_482 = tpu.vector_load %arg8[%get3A_481] {strides = array<i32>} : memref<4096xf32, #tpu.memory_space<vmem>>, vector<16xf32>,
        %sub3A_483 = vector.broadcast %squeeze3A_111 : f32 to vector<16xf32>
        %sub3A_484 = arith.subf %sub3A_483, %get3A_482 : vector<16xf32>
        %abs3A_485 = math.absf %sub3A_484 : vector<16xf32>
        %sub3A_486 = vector.broadcast %squeeze3A_3 : f32 to vector<16xf32>
        %sub3A_487 = arith.subf %sub3A_486, %abs3A_485 : vector<16xf32>
        %min3A_488 = arith.minimumf %abs3A_485, %sub3A_487 : vector<16xf32>
        %mul3A_489 = arith.mulf %min3A_488, %min3A_488 : vector<16xf32>
        %add3A_490 = arith.addf %mul3A_480, %mul3A_489 : vector<16xf32>
        %get3A_491 = arith.index_cast %mul3A_473 : i32 to index
        %get3A_492 = tpu.vector_load %arg9[%get3A_491] {strides = array<i32>} : memref<4096xf32, #tpu.memory_space<vmem>>, vector<16xf32>,
        %sub3A_493 = vector.broadcast %squeeze3A_113 : f32 to vector<16xf32>
        %sub3A_494 = arith.subf %sub3A_493, %get3A_492 : vector<16xf32>
        %abs3A_495 = math.absf %sub3A_494 : vector<16xf32>
        %sub3A_496 = vector.broadcast %squeeze3A_5 : f32 to vector<16xf32>
        %sub3A_497 = arith.subf %sub3A_496, %abs3A_495 : vector<16xf32>
        %min3A_498 = arith.minimumf %abs3A_495, %sub3A_497 : vector<16xf32>
        %mul3A_499 = arith.mulf %min3A_498, %min3A_498 : vector<16xf32>
        %add3A_500 = arith.addf %add3A_490, %mul3A_499 : vector<16xf32>
        %swap3A = arith.index_cast %mul3A_473 : i32 to index
        %swap3A_501 = tpu.vector_load %arg11[%swap3A] {strides = array<i32>} : memref<4096xf32, #tpu.memory_space<vmem>>, vector<16xf32>,
        tpu.vector_store %arg11[%swap3A], %add3A_500 {strides = array<i32>} : memref<4096xf32, #tpu.memory_space<vmem>>, vector<16xf32>,
        %le3A = vector.broadcast %scan3A_6 : f32 to vector<16xf32>
        %le3A_502 = arith.cmpf ole, %add3A_500, %le3A : vector<16xf32>
        %all_reduce_population_count3A = tpu.all_reduce %le3A_502 {dim = 0 : i64, kind = #tpu.reduction_kind<sum>} : vector<16xi1> -> vector<16xi32>
        %add3A_503 = arith.addi %scan3A_471, %all_reduce_population_count3A : vector<16xi32>
        scf.yield %add3A_503 : vector<16xi32>
      }
      %scan3A_121 = arith.constant 256 : i32
      %slice3A_122 = vector.extract_strided_slice %scan3A_120 {offsets = [0], sizes = [1], strides = [1]} : vector<16xi32> to vector<1xi32>
      %squeeze3A_123 = vector.extract %slice3A_122[0] : i32 from vector<1xi32>
      %sub3A_124 = arith.constant 1 : i32
      %sub3A_125 = arith.subi %squeeze3A_123, %sub3A_124 : i32
      %while3A_126:2 = scf.while (%while3A_470 = %scan3A_6, %while3A_471 = %sub3A_125) : (f32, i32) -> (f32, i32) {
        %lt3A = arith.constant 16 : i32
        %lt3A_472 = arith.cmpi slt, %while3A_471, %lt3A : i32
        scf.condition(%lt3A_472) %while3A_470, %while3A_471 : f32, i32
      } do {
      ^bb0(%while3A_470: f32, %while3A_471: i32):
        %broadcast_in_dim3A_472 = vector.broadcast %scan3A_7 : f32 to vector<16xf32>
        %scan3A_473 = arith.constant 0 : i32
        %scan3A_474 = arith.constant 256 : i32
        %scan3A_475 = arith.addi %scan3A_473, %scan3A_474 : i32
        %scan3A_476 = arith.constant 1 : i32
        %scan3A_477 = scf.for %scan3A_495 = %scan3A_473 to %scan3A_475 step %scan3A_476 iter_args(%scan3A_496 = %broadcast_in_dim3A_472) -> (vector<16xf32>)  : i32 {
          %mul3A_497 = arith.constant 16 : i32
          %mul3A_498 = arith.muli %scan3A_495, %mul3A_497 : i32
          %get3A_499 = arith.index_cast %mul3A_498 : i32 to index
          %get3A_500 = tpu.vector_load %arg11[%get3A_499] {strides = array<i32>} : memref<4096xf32, #tpu.memory_space<vmem>>, vector<16xf32>,
          %gt3A = vector.broadcast %while3A_470 : f32 to vector<16xf32>
          %gt3A_501 = arith.cmpf ogt, %get3A_500, %gt3A : vector<16xf32>
          %broadcast_in_dim3A_502 = vector.broadcast %scan3A_7 : f32 to vector<16xf32>
          %select_n3A = arith.select %gt3A_501, %get3A_500, %broadcast_in_dim3A_502 : vector<16xi1>, vector<16xf32>
          %min3A = arith.minimumf %scan3A_496, %select_n3A : vector<16xf32>
          scf.yield %min3A : vector<16xf32>
        }
        %scan3A_478 = arith.constant 256 : i32
        %masked_sort3A = arith.constant dense<true> : vector<16xi1>
        %masked_sort3A_479, %masked_sort3A_480, %masked_sort3A_481 = tpu.sort %scan3A_477, %scan3A_477 masked %masked_sort3A : (vector<16xf32>, vector<16xf32>, vector<16xi1>) -> (vector<16xi1>, vector<16xf32>, vector<16xf32>)
        %slice3A_482 = vector.extract_strided_slice %masked_sort3A_480 {offsets = [0], sizes = [1], strides = [1]} : vector<16xf32> to vector<1xf32>
        %squeeze3A_483 = vector.extract %slice3A_482[0] : f32 from vector<1xf32>
        %broadcast_in_dim3A_484 = arith.constant 0 : i32
        %broadcast_in_dim3A_485 = vector.broadcast %broadcast_in_dim3A_484 : i32 to vector<16xi32>
        %scan3A_486 = arith.constant 0 : i32
        %scan3A_487 = arith.constant 256 : i32
        %scan3A_488 = arith.addi %scan3A_486, %scan3A_487 : i32
        %scan3A_489 = arith.constant 1 : i32
        %scan3A_490 = scf.for %scan3A_495 = %scan3A_486 to %scan3A_488 step %scan3A_489 iter_args(%scan3A_496 = %broadcast_in_dim3A_485) -> (vector<16xi32>)  : i32 {
          %mul3A_497 = arith.constant 16 : i32
          %mul3A_498 = arith.muli %scan3A_495, %mul3A_497 : i32
          %get3A_499 = arith.index_cast %mul3A_498 : i32 to index
          %get3A_500 = tpu.vector_load %arg11[%get3A_499] {strides = array<i32>} : memref<4096xf32, #tpu.memory_space<vmem>>, vector<16xf32>,
          %eq3A = vector.broadcast %squeeze3A_483 : f32 to vector<16xf32>
          %eq3A_501 = arith.cmpf oeq, %get3A_500, %eq3A : vector<16xf32>
          %all_reduce_population_count3A = tpu.all_reduce %eq3A_501 {dim = 0 : i64, kind = #tpu.reduction_kind<sum>} : vector<16xi1> -> vector<16xi32>
          %add3A_502 = arith.addi %scan3A_496, %all_reduce_population_count3A : vector<16xi32>
          scf.yield %add3A_502 : vector<16xi32>
        }
        %scan3A_491 = arith.constant 256 : i32
        %slice3A_492 = vector.extract_strided_slice %scan3A_490 {offsets = [0], sizes = [1], strides = [1]} : vector<16xi32> to vector<1xi32>
        %squeeze3A_493 = vector.extract %slice3A_492[0] : i32 from vector<1xi32>
        %add3A_494 = arith.addi %while3A_471, %squeeze3A_493 : i32
        scf.yield %squeeze3A_483, %add3A_494 : f32, i32
      }
      %scan3A_127 = arith.constant 0 : i32
      %scan3A_128 = arith.constant 0 : i32
      %scan3A_129 = arith.constant 256 : i32
      %scan3A_130 = arith.addi %scan3A_128, %scan3A_129 : i32
      %scan3A_131 = arith.constant 1 : i32
      %scan3A_132 = scf.for %scan3A_470 = %scan3A_128 to %scan3A_130 step %scan3A_131 iter_args(%scan3A_471 = %scan3A_127) -> (i32)  : i32 {
        %mul3A_472 = arith.constant 16 : i32
        %mul3A_473 = arith.muli %scan3A_470, %mul3A_472 : i32
        %get3A_474 = arith.index_cast %mul3A_473 : i32 to index
        %get3A_475 = tpu.vector_load %arg11[%get3A_474] {strides = array<i32>} : memref<4096xf32, #tpu.memory_space<vmem>>, vector<16xf32>,
        %le3A = vector.broadcast %while3A_126#0 : f32 to vector<16xf32>
        %le3A_476 = arith.cmpf ole, %get3A_475, %le3A : vector<16xf32>
        %jit3A = arith.constant 0.000000e+00 : f32
        %broadcast_in_dim3A_477 = vector.broadcast %jit3A : f32 to vector<16xf32>
        %select_n3A = arith.select %le3A_476, %get3A_475, %broadcast_in_dim3A_477 : vector<16xi1>, vector<16xf32>
        %bitcast3A = vector.bitcast %select_n3A : vector<16xf32> to vector<16xi32>
        %shift_right_logical3A = arith.constant 1 : i32
        %shift_right_logical3A_478 = vector.broadcast %shift_right_logical3A : i32 to vector<16xi32>
        %shift_right_logical3A_479 = arith.shrui %bitcast3A, %shift_right_logical3A_478 : vector<16xi32>
        %sub3A_480 = arith.constant 1597463007 : i32
        %sub3A_481 = vector.broadcast %sub3A_480 : i32 to vector<16xi32>
        %sub3A_482 = arith.subi %sub3A_481, %shift_right_logical3A_479 : vector<16xi32>
        %bitcast3A_483 = vector.bitcast %sub3A_482 : vector<16xi32> to vector<16xf32>
        %mul3A_484 = arith.constant 5.000000e-01 : f32
        %mul3A_485 = vector.broadcast %mul3A_484 : f32 to vector<16xf32>
        %mul3A_486 = arith.mulf %select_n3A, %mul3A_485 : vector<16xf32>
        %mul3A_487 = arith.mulf %mul3A_486, %bitcast3A_483 : vector<16xf32>
        %mul3A_488 = arith.mulf %mul3A_487, %bitcast3A_483 : vector<16xf32>
        %sub3A_489 = arith.constant 1.500000e+00 : f32
        %sub3A_490 = vector.broadcast %sub3A_489 : f32 to vector<16xf32>
        %sub3A_491 = arith.subf %sub3A_490, %mul3A_488 : vector<16xf32>
        %mul3A_492 = arith.mulf %bitcast3A_483, %sub3A_491 : vector<16xf32>
        %mul3A_493 = arith.mulf %mul3A_486, %mul3A_492 : vector<16xf32>
        %mul3A_494 = arith.mulf %mul3A_493, %mul3A_492 : vector<16xf32>
        %sub3A_495 = arith.constant 1.500000e+00 : f32
        %sub3A_496 = vector.broadcast %sub3A_495 : f32 to vector<16xf32>
        %sub3A_497 = arith.subf %sub3A_496, %mul3A_494 : vector<16xf32>
        %mul3A_498 = arith.mulf %mul3A_492, %sub3A_497 : vector<16xf32>
        %mul3A_499 = arith.mulf %mul3A_486, %mul3A_498 : vector<16xf32>
        %mul3A_500 = arith.mulf %mul3A_499, %mul3A_498 : vector<16xf32>
        %sub3A_501 = arith.constant 1.500000e+00 : f32
        %sub3A_502 = vector.broadcast %sub3A_501 : f32 to vector<16xf32>
        %sub3A_503 = arith.subf %sub3A_502, %mul3A_500 : vector<16xf32>
        %mul3A_504 = arith.mulf %mul3A_498, %sub3A_503 : vector<16xf32>
        %mul3A_505 = arith.mulf %select_n3A, %mul3A_504 : vector<16xf32>
        %swap3A = arith.index_cast %mul3A_473 : i32 to index
        %swap3A_506 = tpu.vector_load %arg12[%swap3A] {strides = array<i32>} : memref<4096xf32, #tpu.memory_space<vmem>>, vector<16xf32>,
        tpu.vector_store %arg12[%swap3A], %mul3A_505 {strides = array<i32>} : memref<4096xf32, #tpu.memory_space<vmem>>, vector<16xf32>,
        %scan3A_507 = arith.constant 0 : i32
        scf.yield %scan3A_507 : i32
      }
      %scan3A_133 = arith.constant 256 : i32
      "tpu.region"() ({
        %run_scoped3A = tpu.sem_alloc : memref<!tpu.dma_semaphore, #tpu.memory_space<semaphore_mem>>
        %dma_start3A = arith.constant 0 : i32
        %dma_start3A_470 = tpu.memref_slice %arg6[%add3A_107, %dma_start3A] : memref<4096x4096xf32, #tpu.memory_space<hbm>> -> memref<1x4096xf32, #tpu.memory_space<hbm>>
        %dma_start3A_471 = tpu.memref_squeeze %dma_start3A_470 : memref<1x4096xf32, #tpu.memory_space<hbm>> -> memref<4096xf32, #tpu.memory_space<hbm>>
        %dma_start3A_472 = arith.constant 0 : i32
        %dma_start3A_473 = tpu.memref_slice %arg6[%add3A_107, %dma_start3A_472] : memref<4096x4096xf32, #tpu.memory_space<hbm>> -> memref<1x4096xf32, #tpu.memory_space<hbm>>
        %dma_start3A_474 = tpu.memref_squeeze %dma_start3A_473 : memref<1x4096xf32, #tpu.memory_space<hbm>> -> memref<4096xf32, #tpu.memory_space<hbm>>
        tpu.enqueue_dma source(%arg12 : memref<4096xf32, #tpu.memory_space<vmem>>) target(%dma_start3A_474 : memref<4096xf32, #tpu.memory_space<hbm>>) target_semaphore(%run_scoped3A : memref<!tpu.dma_semaphore, #tpu.memory_space<semaphore_mem>>)
        %dma_wait3A = arith.constant 0 : i32
        %dma_wait3A_475 = tpu.memref_slice %arg6[%add3A_107, %dma_wait3A] : memref<4096x4096xf32, #tpu.memory_space<hbm>> -> memref<1x4096xf32, #tpu.memory_space<hbm>>
        %dma_wait3A_476 = tpu.memref_squeeze %dma_wait3A_475 : memref<1x4096xf32, #tpu.memory_space<hbm>> -> memref<4096xf32, #tpu.memory_space<hbm>>
        %dma_wait3A_477 = arith.constant 0 : i32
        %dma_wait3A_478 = tpu.memref_slice %arg6[%add3A_107, %dma_wait3A_477] : memref<4096x4096xf32, #tpu.memory_space<hbm>> -> memref<1x4096xf32, #tpu.memory_space<hbm>>
        %dma_wait3A_479 = tpu.memref_squeeze %dma_wait3A_478 : memref<1x4096xf32, #tpu.memory_space<hbm>> -> memref<4096xf32, #tpu.memory_space<hbm>>
        tpu.wait_dma2 semaphore(%run_scoped3A : memref<!tpu.dma_semaphore, #tpu.memory_space<semaphore_mem>>) src(%arg12 : memref<4096xf32, #tpu.memory_space<vmem>>) dst(%dma_wait3A_479 : memref<4096xf32, #tpu.memory_space<hbm>>)
        tpu.yield
      }) : () -> ()
      %add3A_134 = arith.constant 4 : i32
      %add3A_135 = arith.addi %add3A_18, %add3A_134 : i32
      %slice3A_136 = vector.extract_strided_slice %get3A_20 {offsets = [4], sizes = [1], strides = [1]} : vector<16xf32> to vector<1xf32>
      %squeeze3A_137 = vector.extract %slice3A_136[0] : f32 from vector<1xf32>
      %slice3A_138 = vector.extract_strided_slice %get3A_22 {offsets = [4], sizes = [1], strides = [1]} : vector<16xf32> to vector<1xf32>
      %squeeze3A_139 = vector.extract %slice3A_138[0] : f32 from vector<1xf32>
      %slice3A_140 = vector.extract_strided_slice %get3A_24 {offsets = [4], sizes = [1], strides = [1]} : vector<16xf32> to vector<1xf32>
      %squeeze3A_141 = vector.extract %slice3A_140[0] : f32 from vector<1xf32>
      %broadcast_in_dim3A_142 = arith.constant 0 : i32
      %broadcast_in_dim3A_143 = vector.broadcast %broadcast_in_dim3A_142 : i32 to vector<16xi32>
      %scan3A_144 = arith.constant 0 : i32
      %scan3A_145 = arith.constant 256 : i32
      %scan3A_146 = arith.addi %scan3A_144, %scan3A_145 : i32
      %scan3A_147 = arith.constant 1 : i32
      %scan3A_148 = scf.for %scan3A_470 = %scan3A_144 to %scan3A_146 step %scan3A_147 iter_args(%scan3A_471 = %broadcast_in_dim3A_143) -> (vector<16xi32>)  : i32 {
        %mul3A_472 = arith.constant 16 : i32
        %mul3A_473 = arith.muli %scan3A_470, %mul3A_472 : i32
        %get3A_474 = arith.index_cast %mul3A_473 : i32 to index
        %get3A_475 = tpu.vector_load %arg7[%get3A_474] {strides = array<i32>} : memref<4096xf32, #tpu.memory_space<vmem>>, vector<16xf32>,
        %sub3A_476 = vector.broadcast %squeeze3A_137 : f32 to vector<16xf32>
        %sub3A_477 = arith.subf %sub3A_476, %get3A_475 : vector<16xf32>
        %abs3A = math.absf %sub3A_477 : vector<16xf32>
        %sub3A_478 = vector.broadcast %squeeze3A : f32 to vector<16xf32>
        %sub3A_479 = arith.subf %sub3A_478, %abs3A : vector<16xf32>
        %min3A = arith.minimumf %abs3A, %sub3A_479 : vector<16xf32>
        %mul3A_480 = arith.mulf %min3A, %min3A : vector<16xf32>
        %get3A_481 = arith.index_cast %mul3A_473 : i32 to index
        %get3A_482 = tpu.vector_load %arg8[%get3A_481] {strides = array<i32>} : memref<4096xf32, #tpu.memory_space<vmem>>, vector<16xf32>,
        %sub3A_483 = vector.broadcast %squeeze3A_139 : f32 to vector<16xf32>
        %sub3A_484 = arith.subf %sub3A_483, %get3A_482 : vector<16xf32>
        %abs3A_485 = math.absf %sub3A_484 : vector<16xf32>
        %sub3A_486 = vector.broadcast %squeeze3A_3 : f32 to vector<16xf32>
        %sub3A_487 = arith.subf %sub3A_486, %abs3A_485 : vector<16xf32>
        %min3A_488 = arith.minimumf %abs3A_485, %sub3A_487 : vector<16xf32>
        %mul3A_489 = arith.mulf %min3A_488, %min3A_488 : vector<16xf32>
        %add3A_490 = arith.addf %mul3A_480, %mul3A_489 : vector<16xf32>
        %get3A_491 = arith.index_cast %mul3A_473 : i32 to index
        %get3A_492 = tpu.vector_load %arg9[%get3A_491] {strides = array<i32>} : memref<4096xf32, #tpu.memory_space<vmem>>, vector<16xf32>,
        %sub3A_493 = vector.broadcast %squeeze3A_141 : f32 to vector<16xf32>
        %sub3A_494 = arith.subf %sub3A_493, %get3A_492 : vector<16xf32>
        %abs3A_495 = math.absf %sub3A_494 : vector<16xf32>
        %sub3A_496 = vector.broadcast %squeeze3A_5 : f32 to vector<16xf32>
        %sub3A_497 = arith.subf %sub3A_496, %abs3A_495 : vector<16xf32>
        %min3A_498 = arith.minimumf %abs3A_495, %sub3A_497 : vector<16xf32>
        %mul3A_499 = arith.mulf %min3A_498, %min3A_498 : vector<16xf32>
        %add3A_500 = arith.addf %add3A_490, %mul3A_499 : vector<16xf32>
        %swap3A = arith.index_cast %mul3A_473 : i32 to index
        %swap3A_501 = tpu.vector_load %arg11[%swap3A] {strides = array<i32>} : memref<4096xf32, #tpu.memory_space<vmem>>, vector<16xf32>,
        tpu.vector_store %arg11[%swap3A], %add3A_500 {strides = array<i32>} : memref<4096xf32, #tpu.memory_space<vmem>>, vector<16xf32>,
        %le3A = vector.broadcast %scan3A_6 : f32 to vector<16xf32>
        %le3A_502 = arith.cmpf ole, %add3A_500, %le3A : vector<16xf32>
        %all_reduce_population_count3A = tpu.all_reduce %le3A_502 {dim = 0 : i64, kind = #tpu.reduction_kind<sum>} : vector<16xi1> -> vector<16xi32>
        %add3A_503 = arith.addi %scan3A_471, %all_reduce_population_count3A : vector<16xi32>
        scf.yield %add3A_503 : vector<16xi32>
      }
      %scan3A_149 = arith.constant 256 : i32
      %slice3A_150 = vector.extract_strided_slice %scan3A_148 {offsets = [0], sizes = [1], strides = [1]} : vector<16xi32> to vector<1xi32>
      %squeeze3A_151 = vector.extract %slice3A_150[0] : i32 from vector<1xi32>
      %sub3A_152 = arith.constant 1 : i32
      %sub3A_153 = arith.subi %squeeze3A_151, %sub3A_152 : i32
      %while3A_154:2 = scf.while (%while3A_470 = %scan3A_6, %while3A_471 = %sub3A_153) : (f32, i32) -> (f32, i32) {
        %lt3A = arith.constant 16 : i32
        %lt3A_472 = arith.cmpi slt, %while3A_471, %lt3A : i32
        scf.condition(%lt3A_472) %while3A_470, %while3A_471 : f32, i32
      } do {
      ^bb0(%while3A_470: f32, %while3A_471: i32):
        %broadcast_in_dim3A_472 = vector.broadcast %scan3A_7 : f32 to vector<16xf32>
        %scan3A_473 = arith.constant 0 : i32
        %scan3A_474 = arith.constant 256 : i32
        %scan3A_475 = arith.addi %scan3A_473, %scan3A_474 : i32
        %scan3A_476 = arith.constant 1 : i32
        %scan3A_477 = scf.for %scan3A_495 = %scan3A_473 to %scan3A_475 step %scan3A_476 iter_args(%scan3A_496 = %broadcast_in_dim3A_472) -> (vector<16xf32>)  : i32 {
          %mul3A_497 = arith.constant 16 : i32
          %mul3A_498 = arith.muli %scan3A_495, %mul3A_497 : i32
          %get3A_499 = arith.index_cast %mul3A_498 : i32 to index
          %get3A_500 = tpu.vector_load %arg11[%get3A_499] {strides = array<i32>} : memref<4096xf32, #tpu.memory_space<vmem>>, vector<16xf32>,
          %gt3A = vector.broadcast %while3A_470 : f32 to vector<16xf32>
          %gt3A_501 = arith.cmpf ogt, %get3A_500, %gt3A : vector<16xf32>
          %broadcast_in_dim3A_502 = vector.broadcast %scan3A_7 : f32 to vector<16xf32>
          %select_n3A = arith.select %gt3A_501, %get3A_500, %broadcast_in_dim3A_502 : vector<16xi1>, vector<16xf32>
          %min3A = arith.minimumf %scan3A_496, %select_n3A : vector<16xf32>
          scf.yield %min3A : vector<16xf32>
        }
        %scan3A_478 = arith.constant 256 : i32
        %masked_sort3A = arith.constant dense<true> : vector<16xi1>
        %masked_sort3A_479, %masked_sort3A_480, %masked_sort3A_481 = tpu.sort %scan3A_477, %scan3A_477 masked %masked_sort3A : (vector<16xf32>, vector<16xf32>, vector<16xi1>) -> (vector<16xi1>, vector<16xf32>, vector<16xf32>)
        %slice3A_482 = vector.extract_strided_slice %masked_sort3A_480 {offsets = [0], sizes = [1], strides = [1]} : vector<16xf32> to vector<1xf32>
        %squeeze3A_483 = vector.extract %slice3A_482[0] : f32 from vector<1xf32>
        %broadcast_in_dim3A_484 = arith.constant 0 : i32
        %broadcast_in_dim3A_485 = vector.broadcast %broadcast_in_dim3A_484 : i32 to vector<16xi32>
        %scan3A_486 = arith.constant 0 : i32
        %scan3A_487 = arith.constant 256 : i32
        %scan3A_488 = arith.addi %scan3A_486, %scan3A_487 : i32
        %scan3A_489 = arith.constant 1 : i32
        %scan3A_490 = scf.for %scan3A_495 = %scan3A_486 to %scan3A_488 step %scan3A_489 iter_args(%scan3A_496 = %broadcast_in_dim3A_485) -> (vector<16xi32>)  : i32 {
          %mul3A_497 = arith.constant 16 : i32
          %mul3A_498 = arith.muli %scan3A_495, %mul3A_497 : i32
          %get3A_499 = arith.index_cast %mul3A_498 : i32 to index
          %get3A_500 = tpu.vector_load %arg11[%get3A_499] {strides = array<i32>} : memref<4096xf32, #tpu.memory_space<vmem>>, vector<16xf32>,
          %eq3A = vector.broadcast %squeeze3A_483 : f32 to vector<16xf32>
          %eq3A_501 = arith.cmpf oeq, %get3A_500, %eq3A : vector<16xf32>
          %all_reduce_population_count3A = tpu.all_reduce %eq3A_501 {dim = 0 : i64, kind = #tpu.reduction_kind<sum>} : vector<16xi1> -> vector<16xi32>
          %add3A_502 = arith.addi %scan3A_496, %all_reduce_population_count3A : vector<16xi32>
          scf.yield %add3A_502 : vector<16xi32>
        }
        %scan3A_491 = arith.constant 256 : i32
        %slice3A_492 = vector.extract_strided_slice %scan3A_490 {offsets = [0], sizes = [1], strides = [1]} : vector<16xi32> to vector<1xi32>
        %squeeze3A_493 = vector.extract %slice3A_492[0] : i32 from vector<1xi32>
        %add3A_494 = arith.addi %while3A_471, %squeeze3A_493 : i32
        scf.yield %squeeze3A_483, %add3A_494 : f32, i32
      }
      %scan3A_155 = arith.constant 0 : i32
      %scan3A_156 = arith.constant 0 : i32
      %scan3A_157 = arith.constant 256 : i32
      %scan3A_158 = arith.addi %scan3A_156, %scan3A_157 : i32
      %scan3A_159 = arith.constant 1 : i32
      %scan3A_160 = scf.for %scan3A_470 = %scan3A_156 to %scan3A_158 step %scan3A_159 iter_args(%scan3A_471 = %scan3A_155) -> (i32)  : i32 {
        %mul3A_472 = arith.constant 16 : i32
        %mul3A_473 = arith.muli %scan3A_470, %mul3A_472 : i32
        %get3A_474 = arith.index_cast %mul3A_473 : i32 to index
        %get3A_475 = tpu.vector_load %arg11[%get3A_474] {strides = array<i32>} : memref<4096xf32, #tpu.memory_space<vmem>>, vector<16xf32>,
        %le3A = vector.broadcast %while3A_154#0 : f32 to vector<16xf32>
        %le3A_476 = arith.cmpf ole, %get3A_475, %le3A : vector<16xf32>
        %jit3A = arith.constant 0.000000e+00 : f32
        %broadcast_in_dim3A_477 = vector.broadcast %jit3A : f32 to vector<16xf32>
        %select_n3A = arith.select %le3A_476, %get3A_475, %broadcast_in_dim3A_477 : vector<16xi1>, vector<16xf32>
        %bitcast3A = vector.bitcast %select_n3A : vector<16xf32> to vector<16xi32>
        %shift_right_logical3A = arith.constant 1 : i32
        %shift_right_logical3A_478 = vector.broadcast %shift_right_logical3A : i32 to vector<16xi32>
        %shift_right_logical3A_479 = arith.shrui %bitcast3A, %shift_right_logical3A_478 : vector<16xi32>
        %sub3A_480 = arith.constant 1597463007 : i32
        %sub3A_481 = vector.broadcast %sub3A_480 : i32 to vector<16xi32>
        %sub3A_482 = arith.subi %sub3A_481, %shift_right_logical3A_479 : vector<16xi32>
        %bitcast3A_483 = vector.bitcast %sub3A_482 : vector<16xi32> to vector<16xf32>
        %mul3A_484 = arith.constant 5.000000e-01 : f32
        %mul3A_485 = vector.broadcast %mul3A_484 : f32 to vector<16xf32>
        %mul3A_486 = arith.mulf %select_n3A, %mul3A_485 : vector<16xf32>
        %mul3A_487 = arith.mulf %mul3A_486, %bitcast3A_483 : vector<16xf32>
        %mul3A_488 = arith.mulf %mul3A_487, %bitcast3A_483 : vector<16xf32>
        %sub3A_489 = arith.constant 1.500000e+00 : f32
        %sub3A_490 = vector.broadcast %sub3A_489 : f32 to vector<16xf32>
        %sub3A_491 = arith.subf %sub3A_490, %mul3A_488 : vector<16xf32>
        %mul3A_492 = arith.mulf %bitcast3A_483, %sub3A_491 : vector<16xf32>
        %mul3A_493 = arith.mulf %mul3A_486, %mul3A_492 : vector<16xf32>
        %mul3A_494 = arith.mulf %mul3A_493, %mul3A_492 : vector<16xf32>
        %sub3A_495 = arith.constant 1.500000e+00 : f32
        %sub3A_496 = vector.broadcast %sub3A_495 : f32 to vector<16xf32>
        %sub3A_497 = arith.subf %sub3A_496, %mul3A_494 : vector<16xf32>
        %mul3A_498 = arith.mulf %mul3A_492, %sub3A_497 : vector<16xf32>
        %mul3A_499 = arith.mulf %mul3A_486, %mul3A_498 : vector<16xf32>
        %mul3A_500 = arith.mulf %mul3A_499, %mul3A_498 : vector<16xf32>
        %sub3A_501 = arith.constant 1.500000e+00 : f32
        %sub3A_502 = vector.broadcast %sub3A_501 : f32 to vector<16xf32>
        %sub3A_503 = arith.subf %sub3A_502, %mul3A_500 : vector<16xf32>
        %mul3A_504 = arith.mulf %mul3A_498, %sub3A_503 : vector<16xf32>
        %mul3A_505 = arith.mulf %select_n3A, %mul3A_504 : vector<16xf32>
        %swap3A = arith.index_cast %mul3A_473 : i32 to index
        %swap3A_506 = tpu.vector_load %arg12[%swap3A] {strides = array<i32>} : memref<4096xf32, #tpu.memory_space<vmem>>, vector<16xf32>,
        tpu.vector_store %arg12[%swap3A], %mul3A_505 {strides = array<i32>} : memref<4096xf32, #tpu.memory_space<vmem>>, vector<16xf32>,
        %scan3A_507 = arith.constant 0 : i32
        scf.yield %scan3A_507 : i32
      }
      %scan3A_161 = arith.constant 256 : i32
      "tpu.region"() ({
        %run_scoped3A = tpu.sem_alloc : memref<!tpu.dma_semaphore, #tpu.memory_space<semaphore_mem>>
        %dma_start3A = arith.constant 0 : i32
        %dma_start3A_470 = tpu.memref_slice %arg6[%add3A_135, %dma_start3A] : memref<4096x4096xf32, #tpu.memory_space<hbm>> -> memref<1x4096xf32, #tpu.memory_space<hbm>>
        %dma_start3A_471 = tpu.memref_squeeze %dma_start3A_470 : memref<1x4096xf32, #tpu.memory_space<hbm>> -> memref<4096xf32, #tpu.memory_space<hbm>>
        %dma_start3A_472 = arith.constant 0 : i32
        %dma_start3A_473 = tpu.memref_slice %arg6[%add3A_135, %dma_start3A_472] : memref<4096x4096xf32, #tpu.memory_space<hbm>> -> memref<1x4096xf32, #tpu.memory_space<hbm>>
        %dma_start3A_474 = tpu.memref_squeeze %dma_start3A_473 : memref<1x4096xf32, #tpu.memory_space<hbm>> -> memref<4096xf32, #tpu.memory_space<hbm>>
        tpu.enqueue_dma source(%arg12 : memref<4096xf32, #tpu.memory_space<vmem>>) target(%dma_start3A_474 : memref<4096xf32, #tpu.memory_space<hbm>>) target_semaphore(%run_scoped3A : memref<!tpu.dma_semaphore, #tpu.memory_space<semaphore_mem>>)
        %dma_wait3A = arith.constant 0 : i32
        %dma_wait3A_475 = tpu.memref_slice %arg6[%add3A_135, %dma_wait3A] : memref<4096x4096xf32, #tpu.memory_space<hbm>> -> memref<1x4096xf32, #tpu.memory_space<hbm>>
        %dma_wait3A_476 = tpu.memref_squeeze %dma_wait3A_475 : memref<1x4096xf32, #tpu.memory_space<hbm>> -> memref<4096xf32, #tpu.memory_space<hbm>>
        %dma_wait3A_477 = arith.constant 0 : i32
        %dma_wait3A_478 = tpu.memref_slice %arg6[%add3A_135, %dma_wait3A_477] : memref<4096x4096xf32, #tpu.memory_space<hbm>> -> memref<1x4096xf32, #tpu.memory_space<hbm>>
        %dma_wait3A_479 = tpu.memref_squeeze %dma_wait3A_478 : memref<1x4096xf32, #tpu.memory_space<hbm>> -> memref<4096xf32, #tpu.memory_space<hbm>>
        tpu.wait_dma2 semaphore(%run_scoped3A : memref<!tpu.dma_semaphore, #tpu.memory_space<semaphore_mem>>) src(%arg12 : memref<4096xf32, #tpu.memory_space<vmem>>) dst(%dma_wait3A_479 : memref<4096xf32, #tpu.memory_space<hbm>>)
        tpu.yield
      }) : () -> ()
      %add3A_162 = arith.constant 5 : i32
      %add3A_163 = arith.addi %add3A_18, %add3A_162 : i32
      %slice3A_164 = vector.extract_strided_slice %get3A_20 {offsets = [5], sizes = [1], strides = [1]} : vector<16xf32> to vector<1xf32>
      %squeeze3A_165 = vector.extract %slice3A_164[0] : f32 from vector<1xf32>
      %slice3A_166 = vector.extract_strided_slice %get3A_22 {offsets = [5], sizes = [1], strides = [1]} : vector<16xf32> to vector<1xf32>
      %squeeze3A_167 = vector.extract %slice3A_166[0] : f32 from vector<1xf32>
      %slice3A_168 = vector.extract_strided_slice %get3A_24 {offsets = [5], sizes = [1], strides = [1]} : vector<16xf32> to vector<1xf32>
      %squeeze3A_169 = vector.extract %slice3A_168[0] : f32 from vector<1xf32>
      %broadcast_in_dim3A_170 = arith.constant 0 : i32
      %broadcast_in_dim3A_171 = vector.broadcast %broadcast_in_dim3A_170 : i32 to vector<16xi32>
      %scan3A_172 = arith.constant 0 : i32
      %scan3A_173 = arith.constant 256 : i32
      %scan3A_174 = arith.addi %scan3A_172, %scan3A_173 : i32
      %scan3A_175 = arith.constant 1 : i32
      %scan3A_176 = scf.for %scan3A_470 = %scan3A_172 to %scan3A_174 step %scan3A_175 iter_args(%scan3A_471 = %broadcast_in_dim3A_171) -> (vector<16xi32>)  : i32 {
        %mul3A_472 = arith.constant 16 : i32
        %mul3A_473 = arith.muli %scan3A_470, %mul3A_472 : i32
        %get3A_474 = arith.index_cast %mul3A_473 : i32 to index
        %get3A_475 = tpu.vector_load %arg7[%get3A_474] {strides = array<i32>} : memref<4096xf32, #tpu.memory_space<vmem>>, vector<16xf32>,
        %sub3A_476 = vector.broadcast %squeeze3A_165 : f32 to vector<16xf32>
        %sub3A_477 = arith.subf %sub3A_476, %get3A_475 : vector<16xf32>
        %abs3A = math.absf %sub3A_477 : vector<16xf32>
        %sub3A_478 = vector.broadcast %squeeze3A : f32 to vector<16xf32>
        %sub3A_479 = arith.subf %sub3A_478, %abs3A : vector<16xf32>
        %min3A = arith.minimumf %abs3A, %sub3A_479 : vector<16xf32>
        %mul3A_480 = arith.mulf %min3A, %min3A : vector<16xf32>
        %get3A_481 = arith.index_cast %mul3A_473 : i32 to index
        %get3A_482 = tpu.vector_load %arg8[%get3A_481] {strides = array<i32>} : memref<4096xf32, #tpu.memory_space<vmem>>, vector<16xf32>,
        %sub3A_483 = vector.broadcast %squeeze3A_167 : f32 to vector<16xf32>
        %sub3A_484 = arith.subf %sub3A_483, %get3A_482 : vector<16xf32>
        %abs3A_485 = math.absf %sub3A_484 : vector<16xf32>
        %sub3A_486 = vector.broadcast %squeeze3A_3 : f32 to vector<16xf32>
        %sub3A_487 = arith.subf %sub3A_486, %abs3A_485 : vector<16xf32>
        %min3A_488 = arith.minimumf %abs3A_485, %sub3A_487 : vector<16xf32>
        %mul3A_489 = arith.mulf %min3A_488, %min3A_488 : vector<16xf32>
        %add3A_490 = arith.addf %mul3A_480, %mul3A_489 : vector<16xf32>
        %get3A_491 = arith.index_cast %mul3A_473 : i32 to index
        %get3A_492 = tpu.vector_load %arg9[%get3A_491] {strides = array<i32>} : memref<4096xf32, #tpu.memory_space<vmem>>, vector<16xf32>,
        %sub3A_493 = vector.broadcast %squeeze3A_169 : f32 to vector<16xf32>
        %sub3A_494 = arith.subf %sub3A_493, %get3A_492 : vector<16xf32>
        %abs3A_495 = math.absf %sub3A_494 : vector<16xf32>
        %sub3A_496 = vector.broadcast %squeeze3A_5 : f32 to vector<16xf32>
        %sub3A_497 = arith.subf %sub3A_496, %abs3A_495 : vector<16xf32>
        %min3A_498 = arith.minimumf %abs3A_495, %sub3A_497 : vector<16xf32>
        %mul3A_499 = arith.mulf %min3A_498, %min3A_498 : vector<16xf32>
        %add3A_500 = arith.addf %add3A_490, %mul3A_499 : vector<16xf32>
        %swap3A = arith.index_cast %mul3A_473 : i32 to index
        %swap3A_501 = tpu.vector_load %arg11[%swap3A] {strides = array<i32>} : memref<4096xf32, #tpu.memory_space<vmem>>, vector<16xf32>,
        tpu.vector_store %arg11[%swap3A], %add3A_500 {strides = array<i32>} : memref<4096xf32, #tpu.memory_space<vmem>>, vector<16xf32>,
        %le3A = vector.broadcast %scan3A_6 : f32 to vector<16xf32>
        %le3A_502 = arith.cmpf ole, %add3A_500, %le3A : vector<16xf32>
        %all_reduce_population_count3A = tpu.all_reduce %le3A_502 {dim = 0 : i64, kind = #tpu.reduction_kind<sum>} : vector<16xi1> -> vector<16xi32>
        %add3A_503 = arith.addi %scan3A_471, %all_reduce_population_count3A : vector<16xi32>
        scf.yield %add3A_503 : vector<16xi32>
      }
      %scan3A_177 = arith.constant 256 : i32
      %slice3A_178 = vector.extract_strided_slice %scan3A_176 {offsets = [0], sizes = [1], strides = [1]} : vector<16xi32> to vector<1xi32>
      %squeeze3A_179 = vector.extract %slice3A_178[0] : i32 from vector<1xi32>
      %sub3A_180 = arith.constant 1 : i32
      %sub3A_181 = arith.subi %squeeze3A_179, %sub3A_180 : i32
      %while3A_182:2 = scf.while (%while3A_470 = %scan3A_6, %while3A_471 = %sub3A_181) : (f32, i32) -> (f32, i32) {
        %lt3A = arith.constant 16 : i32
        %lt3A_472 = arith.cmpi slt, %while3A_471, %lt3A : i32
        scf.condition(%lt3A_472) %while3A_470, %while3A_471 : f32, i32
      } do {
      ^bb0(%while3A_470: f32, %while3A_471: i32):
        %broadcast_in_dim3A_472 = vector.broadcast %scan3A_7 : f32 to vector<16xf32>
        %scan3A_473 = arith.constant 0 : i32
        %scan3A_474 = arith.constant 256 : i32
        %scan3A_475 = arith.addi %scan3A_473, %scan3A_474 : i32
        %scan3A_476 = arith.constant 1 : i32
        %scan3A_477 = scf.for %scan3A_495 = %scan3A_473 to %scan3A_475 step %scan3A_476 iter_args(%scan3A_496 = %broadcast_in_dim3A_472) -> (vector<16xf32>)  : i32 {
          %mul3A_497 = arith.constant 16 : i32
          %mul3A_498 = arith.muli %scan3A_495, %mul3A_497 : i32
          %get3A_499 = arith.index_cast %mul3A_498 : i32 to index
          %get3A_500 = tpu.vector_load %arg11[%get3A_499] {strides = array<i32>} : memref<4096xf32, #tpu.memory_space<vmem>>, vector<16xf32>,
          %gt3A = vector.broadcast %while3A_470 : f32 to vector<16xf32>
          %gt3A_501 = arith.cmpf ogt, %get3A_500, %gt3A : vector<16xf32>
          %broadcast_in_dim3A_502 = vector.broadcast %scan3A_7 : f32 to vector<16xf32>
          %select_n3A = arith.select %gt3A_501, %get3A_500, %broadcast_in_dim3A_502 : vector<16xi1>, vector<16xf32>
          %min3A = arith.minimumf %scan3A_496, %select_n3A : vector<16xf32>
          scf.yield %min3A : vector<16xf32>
        }
        %scan3A_478 = arith.constant 256 : i32
        %masked_sort3A = arith.constant dense<true> : vector<16xi1>
        %masked_sort3A_479, %masked_sort3A_480, %masked_sort3A_481 = tpu.sort %scan3A_477, %scan3A_477 masked %masked_sort3A : (vector<16xf32>, vector<16xf32>, vector<16xi1>) -> (vector<16xi1>, vector<16xf32>, vector<16xf32>)
        %slice3A_482 = vector.extract_strided_slice %masked_sort3A_480 {offsets = [0], sizes = [1], strides = [1]} : vector<16xf32> to vector<1xf32>
        %squeeze3A_483 = vector.extract %slice3A_482[0] : f32 from vector<1xf32>
        %broadcast_in_dim3A_484 = arith.constant 0 : i32
        %broadcast_in_dim3A_485 = vector.broadcast %broadcast_in_dim3A_484 : i32 to vector<16xi32>
        %scan3A_486 = arith.constant 0 : i32
        %scan3A_487 = arith.constant 256 : i32
        %scan3A_488 = arith.addi %scan3A_486, %scan3A_487 : i32
        %scan3A_489 = arith.constant 1 : i32
        %scan3A_490 = scf.for %scan3A_495 = %scan3A_486 to %scan3A_488 step %scan3A_489 iter_args(%scan3A_496 = %broadcast_in_dim3A_485) -> (vector<16xi32>)  : i32 {
          %mul3A_497 = arith.constant 16 : i32
          %mul3A_498 = arith.muli %scan3A_495, %mul3A_497 : i32
          %get3A_499 = arith.index_cast %mul3A_498 : i32 to index
          %get3A_500 = tpu.vector_load %arg11[%get3A_499] {strides = array<i32>} : memref<4096xf32, #tpu.memory_space<vmem>>, vector<16xf32>,
          %eq3A = vector.broadcast %squeeze3A_483 : f32 to vector<16xf32>
          %eq3A_501 = arith.cmpf oeq, %get3A_500, %eq3A : vector<16xf32>
          %all_reduce_population_count3A = tpu.all_reduce %eq3A_501 {dim = 0 : i64, kind = #tpu.reduction_kind<sum>} : vector<16xi1> -> vector<16xi32>
          %add3A_502 = arith.addi %scan3A_496, %all_reduce_population_count3A : vector<16xi32>
          scf.yield %add3A_502 : vector<16xi32>
        }
        %scan3A_491 = arith.constant 256 : i32
        %slice3A_492 = vector.extract_strided_slice %scan3A_490 {offsets = [0], sizes = [1], strides = [1]} : vector<16xi32> to vector<1xi32>
        %squeeze3A_493 = vector.extract %slice3A_492[0] : i32 from vector<1xi32>
        %add3A_494 = arith.addi %while3A_471, %squeeze3A_493 : i32
        scf.yield %squeeze3A_483, %add3A_494 : f32, i32
      }
      %scan3A_183 = arith.constant 0 : i32
      %scan3A_184 = arith.constant 0 : i32
      %scan3A_185 = arith.constant 256 : i32
      %scan3A_186 = arith.addi %scan3A_184, %scan3A_185 : i32
      %scan3A_187 = arith.constant 1 : i32
      %scan3A_188 = scf.for %scan3A_470 = %scan3A_184 to %scan3A_186 step %scan3A_187 iter_args(%scan3A_471 = %scan3A_183) -> (i32)  : i32 {
        %mul3A_472 = arith.constant 16 : i32
        %mul3A_473 = arith.muli %scan3A_470, %mul3A_472 : i32
        %get3A_474 = arith.index_cast %mul3A_473 : i32 to index
        %get3A_475 = tpu.vector_load %arg11[%get3A_474] {strides = array<i32>} : memref<4096xf32, #tpu.memory_space<vmem>>, vector<16xf32>,
        %le3A = vector.broadcast %while3A_182#0 : f32 to vector<16xf32>
        %le3A_476 = arith.cmpf ole, %get3A_475, %le3A : vector<16xf32>
        %jit3A = arith.constant 0.000000e+00 : f32
        %broadcast_in_dim3A_477 = vector.broadcast %jit3A : f32 to vector<16xf32>
        %select_n3A = arith.select %le3A_476, %get3A_475, %broadcast_in_dim3A_477 : vector<16xi1>, vector<16xf32>
        %bitcast3A = vector.bitcast %select_n3A : vector<16xf32> to vector<16xi32>
        %shift_right_logical3A = arith.constant 1 : i32
        %shift_right_logical3A_478 = vector.broadcast %shift_right_logical3A : i32 to vector<16xi32>
        %shift_right_logical3A_479 = arith.shrui %bitcast3A, %shift_right_logical3A_478 : vector<16xi32>
        %sub3A_480 = arith.constant 1597463007 : i32
        %sub3A_481 = vector.broadcast %sub3A_480 : i32 to vector<16xi32>
        %sub3A_482 = arith.subi %sub3A_481, %shift_right_logical3A_479 : vector<16xi32>
        %bitcast3A_483 = vector.bitcast %sub3A_482 : vector<16xi32> to vector<16xf32>
        %mul3A_484 = arith.constant 5.000000e-01 : f32
        %mul3A_485 = vector.broadcast %mul3A_484 : f32 to vector<16xf32>
        %mul3A_486 = arith.mulf %select_n3A, %mul3A_485 : vector<16xf32>
        %mul3A_487 = arith.mulf %mul3A_486, %bitcast3A_483 : vector<16xf32>
        %mul3A_488 = arith.mulf %mul3A_487, %bitcast3A_483 : vector<16xf32>
        %sub3A_489 = arith.constant 1.500000e+00 : f32
        %sub3A_490 = vector.broadcast %sub3A_489 : f32 to vector<16xf32>
        %sub3A_491 = arith.subf %sub3A_490, %mul3A_488 : vector<16xf32>
        %mul3A_492 = arith.mulf %bitcast3A_483, %sub3A_491 : vector<16xf32>
        %mul3A_493 = arith.mulf %mul3A_486, %mul3A_492 : vector<16xf32>
        %mul3A_494 = arith.mulf %mul3A_493, %mul3A_492 : vector<16xf32>
        %sub3A_495 = arith.constant 1.500000e+00 : f32
        %sub3A_496 = vector.broadcast %sub3A_495 : f32 to vector<16xf32>
        %sub3A_497 = arith.subf %sub3A_496, %mul3A_494 : vector<16xf32>
        %mul3A_498 = arith.mulf %mul3A_492, %sub3A_497 : vector<16xf32>
        %mul3A_499 = arith.mulf %mul3A_486, %mul3A_498 : vector<16xf32>
        %mul3A_500 = arith.mulf %mul3A_499, %mul3A_498 : vector<16xf32>
        %sub3A_501 = arith.constant 1.500000e+00 : f32
        %sub3A_502 = vector.broadcast %sub3A_501 : f32 to vector<16xf32>
        %sub3A_503 = arith.subf %sub3A_502, %mul3A_500 : vector<16xf32>
        %mul3A_504 = arith.mulf %mul3A_498, %sub3A_503 : vector<16xf32>
        %mul3A_505 = arith.mulf %select_n3A, %mul3A_504 : vector<16xf32>
        %swap3A = arith.index_cast %mul3A_473 : i32 to index
        %swap3A_506 = tpu.vector_load %arg12[%swap3A] {strides = array<i32>} : memref<4096xf32, #tpu.memory_space<vmem>>, vector<16xf32>,
        tpu.vector_store %arg12[%swap3A], %mul3A_505 {strides = array<i32>} : memref<4096xf32, #tpu.memory_space<vmem>>, vector<16xf32>,
        %scan3A_507 = arith.constant 0 : i32
        scf.yield %scan3A_507 : i32
      }
      %scan3A_189 = arith.constant 256 : i32
      "tpu.region"() ({
        %run_scoped3A = tpu.sem_alloc : memref<!tpu.dma_semaphore, #tpu.memory_space<semaphore_mem>>
        %dma_start3A = arith.constant 0 : i32
        %dma_start3A_470 = tpu.memref_slice %arg6[%add3A_163, %dma_start3A] : memref<4096x4096xf32, #tpu.memory_space<hbm>> -> memref<1x4096xf32, #tpu.memory_space<hbm>>
        %dma_start3A_471 = tpu.memref_squeeze %dma_start3A_470 : memref<1x4096xf32, #tpu.memory_space<hbm>> -> memref<4096xf32, #tpu.memory_space<hbm>>
        %dma_start3A_472 = arith.constant 0 : i32
        %dma_start3A_473 = tpu.memref_slice %arg6[%add3A_163, %dma_start3A_472] : memref<4096x4096xf32, #tpu.memory_space<hbm>> -> memref<1x4096xf32, #tpu.memory_space<hbm>>
        %dma_start3A_474 = tpu.memref_squeeze %dma_start3A_473 : memref<1x4096xf32, #tpu.memory_space<hbm>> -> memref<4096xf32, #tpu.memory_space<hbm>>
        tpu.enqueue_dma source(%arg12 : memref<4096xf32, #tpu.memory_space<vmem>>) target(%dma_start3A_474 : memref<4096xf32, #tpu.memory_space<hbm>>) target_semaphore(%run_scoped3A : memref<!tpu.dma_semaphore, #tpu.memory_space<semaphore_mem>>)
        %dma_wait3A = arith.constant 0 : i32
        %dma_wait3A_475 = tpu.memref_slice %arg6[%add3A_163, %dma_wait3A] : memref<4096x4096xf32, #tpu.memory_space<hbm>> -> memref<1x4096xf32, #tpu.memory_space<hbm>>
        %dma_wait3A_476 = tpu.memref_squeeze %dma_wait3A_475 : memref<1x4096xf32, #tpu.memory_space<hbm>> -> memref<4096xf32, #tpu.memory_space<hbm>>
        %dma_wait3A_477 = arith.constant 0 : i32
        %dma_wait3A_478 = tpu.memref_slice %arg6[%add3A_163, %dma_wait3A_477] : memref<4096x4096xf32, #tpu.memory_space<hbm>> -> memref<1x4096xf32, #tpu.memory_space<hbm>>
        %dma_wait3A_479 = tpu.memref_squeeze %dma_wait3A_478 : memref<1x4096xf32, #tpu.memory_space<hbm>> -> memref<4096xf32, #tpu.memory_space<hbm>>
        tpu.wait_dma2 semaphore(%run_scoped3A : memref<!tpu.dma_semaphore, #tpu.memory_space<semaphore_mem>>) src(%arg12 : memref<4096xf32, #tpu.memory_space<vmem>>) dst(%dma_wait3A_479 : memref<4096xf32, #tpu.memory_space<hbm>>)
        tpu.yield
      }) : () -> ()
      %add3A_190 = arith.constant 6 : i32
      %add3A_191 = arith.addi %add3A_18, %add3A_190 : i32
      %slice3A_192 = vector.extract_strided_slice %get3A_20 {offsets = [6], sizes = [1], strides = [1]} : vector<16xf32> to vector<1xf32>
      %squeeze3A_193 = vector.extract %slice3A_192[0] : f32 from vector<1xf32>
      %slice3A_194 = vector.extract_strided_slice %get3A_22 {offsets = [6], sizes = [1], strides = [1]} : vector<16xf32> to vector<1xf32>
      %squeeze3A_195 = vector.extract %slice3A_194[0] : f32 from vector<1xf32>
      %slice3A_196 = vector.extract_strided_slice %get3A_24 {offsets = [6], sizes = [1], strides = [1]} : vector<16xf32> to vector<1xf32>
      %squeeze3A_197 = vector.extract %slice3A_196[0] : f32 from vector<1xf32>
      %broadcast_in_dim3A_198 = arith.constant 0 : i32
      %broadcast_in_dim3A_199 = vector.broadcast %broadcast_in_dim3A_198 : i32 to vector<16xi32>
      %scan3A_200 = arith.constant 0 : i32
      %scan3A_201 = arith.constant 256 : i32
      %scan3A_202 = arith.addi %scan3A_200, %scan3A_201 : i32
      %scan3A_203 = arith.constant 1 : i32
      %scan3A_204 = scf.for %scan3A_470 = %scan3A_200 to %scan3A_202 step %scan3A_203 iter_args(%scan3A_471 = %broadcast_in_dim3A_199) -> (vector<16xi32>)  : i32 {
        %mul3A_472 = arith.constant 16 : i32
        %mul3A_473 = arith.muli %scan3A_470, %mul3A_472 : i32
        %get3A_474 = arith.index_cast %mul3A_473 : i32 to index
        %get3A_475 = tpu.vector_load %arg7[%get3A_474] {strides = array<i32>} : memref<4096xf32, #tpu.memory_space<vmem>>, vector<16xf32>,
        %sub3A_476 = vector.broadcast %squeeze3A_193 : f32 to vector<16xf32>
        %sub3A_477 = arith.subf %sub3A_476, %get3A_475 : vector<16xf32>
        %abs3A = math.absf %sub3A_477 : vector<16xf32>
        %sub3A_478 = vector.broadcast %squeeze3A : f32 to vector<16xf32>
        %sub3A_479 = arith.subf %sub3A_478, %abs3A : vector<16xf32>
        %min3A = arith.minimumf %abs3A, %sub3A_479 : vector<16xf32>
        %mul3A_480 = arith.mulf %min3A, %min3A : vector<16xf32>
        %get3A_481 = arith.index_cast %mul3A_473 : i32 to index
        %get3A_482 = tpu.vector_load %arg8[%get3A_481] {strides = array<i32>} : memref<4096xf32, #tpu.memory_space<vmem>>, vector<16xf32>,
        %sub3A_483 = vector.broadcast %squeeze3A_195 : f32 to vector<16xf32>
        %sub3A_484 = arith.subf %sub3A_483, %get3A_482 : vector<16xf32>
        %abs3A_485 = math.absf %sub3A_484 : vector<16xf32>
        %sub3A_486 = vector.broadcast %squeeze3A_3 : f32 to vector<16xf32>
        %sub3A_487 = arith.subf %sub3A_486, %abs3A_485 : vector<16xf32>
        %min3A_488 = arith.minimumf %abs3A_485, %sub3A_487 : vector<16xf32>
        %mul3A_489 = arith.mulf %min3A_488, %min3A_488 : vector<16xf32>
        %add3A_490 = arith.addf %mul3A_480, %mul3A_489 : vector<16xf32>
        %get3A_491 = arith.index_cast %mul3A_473 : i32 to index
        %get3A_492 = tpu.vector_load %arg9[%get3A_491] {strides = array<i32>} : memref<4096xf32, #tpu.memory_space<vmem>>, vector<16xf32>,
        %sub3A_493 = vector.broadcast %squeeze3A_197 : f32 to vector<16xf32>
        %sub3A_494 = arith.subf %sub3A_493, %get3A_492 : vector<16xf32>
        %abs3A_495 = math.absf %sub3A_494 : vector<16xf32>
        %sub3A_496 = vector.broadcast %squeeze3A_5 : f32 to vector<16xf32>
        %sub3A_497 = arith.subf %sub3A_496, %abs3A_495 : vector<16xf32>
        %min3A_498 = arith.minimumf %abs3A_495, %sub3A_497 : vector<16xf32>
        %mul3A_499 = arith.mulf %min3A_498, %min3A_498 : vector<16xf32>
        %add3A_500 = arith.addf %add3A_490, %mul3A_499 : vector<16xf32>
        %swap3A = arith.index_cast %mul3A_473 : i32 to index
        %swap3A_501 = tpu.vector_load %arg11[%swap3A] {strides = array<i32>} : memref<4096xf32, #tpu.memory_space<vmem>>, vector<16xf32>,
        tpu.vector_store %arg11[%swap3A], %add3A_500 {strides = array<i32>} : memref<4096xf32, #tpu.memory_space<vmem>>, vector<16xf32>,
        %le3A = vector.broadcast %scan3A_6 : f32 to vector<16xf32>
        %le3A_502 = arith.cmpf ole, %add3A_500, %le3A : vector<16xf32>
        %all_reduce_population_count3A = tpu.all_reduce %le3A_502 {dim = 0 : i64, kind = #tpu.reduction_kind<sum>} : vector<16xi1> -> vector<16xi32>
        %add3A_503 = arith.addi %scan3A_471, %all_reduce_population_count3A : vector<16xi32>
        scf.yield %add3A_503 : vector<16xi32>
      }
      %scan3A_205 = arith.constant 256 : i32
      %slice3A_206 = vector.extract_strided_slice %scan3A_204 {offsets = [0], sizes = [1], strides = [1]} : vector<16xi32> to vector<1xi32>
      %squeeze3A_207 = vector.extract %slice3A_206[0] : i32 from vector<1xi32>
      %sub3A_208 = arith.constant 1 : i32
      %sub3A_209 = arith.subi %squeeze3A_207, %sub3A_208 : i32
      %while3A_210:2 = scf.while (%while3A_470 = %scan3A_6, %while3A_471 = %sub3A_209) : (f32, i32) -> (f32, i32) {
        %lt3A = arith.constant 16 : i32
        %lt3A_472 = arith.cmpi slt, %while3A_471, %lt3A : i32
        scf.condition(%lt3A_472) %while3A_470, %while3A_471 : f32, i32
      } do {
      ^bb0(%while3A_470: f32, %while3A_471: i32):
        %broadcast_in_dim3A_472 = vector.broadcast %scan3A_7 : f32 to vector<16xf32>
        %scan3A_473 = arith.constant 0 : i32
        %scan3A_474 = arith.constant 256 : i32
        %scan3A_475 = arith.addi %scan3A_473, %scan3A_474 : i32
        %scan3A_476 = arith.constant 1 : i32
        %scan3A_477 = scf.for %scan3A_495 = %scan3A_473 to %scan3A_475 step %scan3A_476 iter_args(%scan3A_496 = %broadcast_in_dim3A_472) -> (vector<16xf32>)  : i32 {
          %mul3A_497 = arith.constant 16 : i32
          %mul3A_498 = arith.muli %scan3A_495, %mul3A_497 : i32
          %get3A_499 = arith.index_cast %mul3A_498 : i32 to index
          %get3A_500 = tpu.vector_load %arg11[%get3A_499] {strides = array<i32>} : memref<4096xf32, #tpu.memory_space<vmem>>, vector<16xf32>,
          %gt3A = vector.broadcast %while3A_470 : f32 to vector<16xf32>
          %gt3A_501 = arith.cmpf ogt, %get3A_500, %gt3A : vector<16xf32>
          %broadcast_in_dim3A_502 = vector.broadcast %scan3A_7 : f32 to vector<16xf32>
          %select_n3A = arith.select %gt3A_501, %get3A_500, %broadcast_in_dim3A_502 : vector<16xi1>, vector<16xf32>
          %min3A = arith.minimumf %scan3A_496, %select_n3A : vector<16xf32>
          scf.yield %min3A : vector<16xf32>
        }
        %scan3A_478 = arith.constant 256 : i32
        %masked_sort3A = arith.constant dense<true> : vector<16xi1>
        %masked_sort3A_479, %masked_sort3A_480, %masked_sort3A_481 = tpu.sort %scan3A_477, %scan3A_477 masked %masked_sort3A : (vector<16xf32>, vector<16xf32>, vector<16xi1>) -> (vector<16xi1>, vector<16xf32>, vector<16xf32>)
        %slice3A_482 = vector.extract_strided_slice %masked_sort3A_480 {offsets = [0], sizes = [1], strides = [1]} : vector<16xf32> to vector<1xf32>
        %squeeze3A_483 = vector.extract %slice3A_482[0] : f32 from vector<1xf32>
        %broadcast_in_dim3A_484 = arith.constant 0 : i32
        %broadcast_in_dim3A_485 = vector.broadcast %broadcast_in_dim3A_484 : i32 to vector<16xi32>
        %scan3A_486 = arith.constant 0 : i32
        %scan3A_487 = arith.constant 256 : i32
        %scan3A_488 = arith.addi %scan3A_486, %scan3A_487 : i32
        %scan3A_489 = arith.constant 1 : i32
        %scan3A_490 = scf.for %scan3A_495 = %scan3A_486 to %scan3A_488 step %scan3A_489 iter_args(%scan3A_496 = %broadcast_in_dim3A_485) -> (vector<16xi32>)  : i32 {
          %mul3A_497 = arith.constant 16 : i32
          %mul3A_498 = arith.muli %scan3A_495, %mul3A_497 : i32
          %get3A_499 = arith.index_cast %mul3A_498 : i32 to index
          %get3A_500 = tpu.vector_load %arg11[%get3A_499] {strides = array<i32>} : memref<4096xf32, #tpu.memory_space<vmem>>, vector<16xf32>,
          %eq3A = vector.broadcast %squeeze3A_483 : f32 to vector<16xf32>
          %eq3A_501 = arith.cmpf oeq, %get3A_500, %eq3A : vector<16xf32>
          %all_reduce_population_count3A = tpu.all_reduce %eq3A_501 {dim = 0 : i64, kind = #tpu.reduction_kind<sum>} : vector<16xi1> -> vector<16xi32>
          %add3A_502 = arith.addi %scan3A_496, %all_reduce_population_count3A : vector<16xi32>
          scf.yield %add3A_502 : vector<16xi32>
        }
        %scan3A_491 = arith.constant 256 : i32
        %slice3A_492 = vector.extract_strided_slice %scan3A_490 {offsets = [0], sizes = [1], strides = [1]} : vector<16xi32> to vector<1xi32>
        %squeeze3A_493 = vector.extract %slice3A_492[0] : i32 from vector<1xi32>
        %add3A_494 = arith.addi %while3A_471, %squeeze3A_493 : i32
        scf.yield %squeeze3A_483, %add3A_494 : f32, i32
      }
      %scan3A_211 = arith.constant 0 : i32
      %scan3A_212 = arith.constant 0 : i32
      %scan3A_213 = arith.constant 256 : i32
      %scan3A_214 = arith.addi %scan3A_212, %scan3A_213 : i32
      %scan3A_215 = arith.constant 1 : i32
      %scan3A_216 = scf.for %scan3A_470 = %scan3A_212 to %scan3A_214 step %scan3A_215 iter_args(%scan3A_471 = %scan3A_211) -> (i32)  : i32 {
        %mul3A_472 = arith.constant 16 : i32
        %mul3A_473 = arith.muli %scan3A_470, %mul3A_472 : i32
        %get3A_474 = arith.index_cast %mul3A_473 : i32 to index
        %get3A_475 = tpu.vector_load %arg11[%get3A_474] {strides = array<i32>} : memref<4096xf32, #tpu.memory_space<vmem>>, vector<16xf32>,
        %le3A = vector.broadcast %while3A_210#0 : f32 to vector<16xf32>
        %le3A_476 = arith.cmpf ole, %get3A_475, %le3A : vector<16xf32>
        %jit3A = arith.constant 0.000000e+00 : f32
        %broadcast_in_dim3A_477 = vector.broadcast %jit3A : f32 to vector<16xf32>
        %select_n3A = arith.select %le3A_476, %get3A_475, %broadcast_in_dim3A_477 : vector<16xi1>, vector<16xf32>
        %bitcast3A = vector.bitcast %select_n3A : vector<16xf32> to vector<16xi32>
        %shift_right_logical3A = arith.constant 1 : i32
        %shift_right_logical3A_478 = vector.broadcast %shift_right_logical3A : i32 to vector<16xi32>
        %shift_right_logical3A_479 = arith.shrui %bitcast3A, %shift_right_logical3A_478 : vector<16xi32>
        %sub3A_480 = arith.constant 1597463007 : i32
        %sub3A_481 = vector.broadcast %sub3A_480 : i32 to vector<16xi32>
        %sub3A_482 = arith.subi %sub3A_481, %shift_right_logical3A_479 : vector<16xi32>
        %bitcast3A_483 = vector.bitcast %sub3A_482 : vector<16xi32> to vector<16xf32>
        %mul3A_484 = arith.constant 5.000000e-01 : f32
        %mul3A_485 = vector.broadcast %mul3A_484 : f32 to vector<16xf32>
        %mul3A_486 = arith.mulf %select_n3A, %mul3A_485 : vector<16xf32>
        %mul3A_487 = arith.mulf %mul3A_486, %bitcast3A_483 : vector<16xf32>
        %mul3A_488 = arith.mulf %mul3A_487, %bitcast3A_483 : vector<16xf32>
        %sub3A_489 = arith.constant 1.500000e+00 : f32
        %sub3A_490 = vector.broadcast %sub3A_489 : f32 to vector<16xf32>
        %sub3A_491 = arith.subf %sub3A_490, %mul3A_488 : vector<16xf32>
        %mul3A_492 = arith.mulf %bitcast3A_483, %sub3A_491 : vector<16xf32>
        %mul3A_493 = arith.mulf %mul3A_486, %mul3A_492 : vector<16xf32>
        %mul3A_494 = arith.mulf %mul3A_493, %mul3A_492 : vector<16xf32>
        %sub3A_495 = arith.constant 1.500000e+00 : f32
        %sub3A_496 = vector.broadcast %sub3A_495 : f32 to vector<16xf32>
        %sub3A_497 = arith.subf %sub3A_496, %mul3A_494 : vector<16xf32>
        %mul3A_498 = arith.mulf %mul3A_492, %sub3A_497 : vector<16xf32>
        %mul3A_499 = arith.mulf %mul3A_486, %mul3A_498 : vector<16xf32>
        %mul3A_500 = arith.mulf %mul3A_499, %mul3A_498 : vector<16xf32>
        %sub3A_501 = arith.constant 1.500000e+00 : f32
        %sub3A_502 = vector.broadcast %sub3A_501 : f32 to vector<16xf32>
        %sub3A_503 = arith.subf %sub3A_502, %mul3A_500 : vector<16xf32>
        %mul3A_504 = arith.mulf %mul3A_498, %sub3A_503 : vector<16xf32>
        %mul3A_505 = arith.mulf %select_n3A, %mul3A_504 : vector<16xf32>
        %swap3A = arith.index_cast %mul3A_473 : i32 to index
        %swap3A_506 = tpu.vector_load %arg12[%swap3A] {strides = array<i32>} : memref<4096xf32, #tpu.memory_space<vmem>>, vector<16xf32>,
        tpu.vector_store %arg12[%swap3A], %mul3A_505 {strides = array<i32>} : memref<4096xf32, #tpu.memory_space<vmem>>, vector<16xf32>,
        %scan3A_507 = arith.constant 0 : i32
        scf.yield %scan3A_507 : i32
      }
      %scan3A_217 = arith.constant 256 : i32
      "tpu.region"() ({
        %run_scoped3A = tpu.sem_alloc : memref<!tpu.dma_semaphore, #tpu.memory_space<semaphore_mem>>
        %dma_start3A = arith.constant 0 : i32
        %dma_start3A_470 = tpu.memref_slice %arg6[%add3A_191, %dma_start3A] : memref<4096x4096xf32, #tpu.memory_space<hbm>> -> memref<1x4096xf32, #tpu.memory_space<hbm>>
        %dma_start3A_471 = tpu.memref_squeeze %dma_start3A_470 : memref<1x4096xf32, #tpu.memory_space<hbm>> -> memref<4096xf32, #tpu.memory_space<hbm>>
        %dma_start3A_472 = arith.constant 0 : i32
        %dma_start3A_473 = tpu.memref_slice %arg6[%add3A_191, %dma_start3A_472] : memref<4096x4096xf32, #tpu.memory_space<hbm>> -> memref<1x4096xf32, #tpu.memory_space<hbm>>
        %dma_start3A_474 = tpu.memref_squeeze %dma_start3A_473 : memref<1x4096xf32, #tpu.memory_space<hbm>> -> memref<4096xf32, #tpu.memory_space<hbm>>
        tpu.enqueue_dma source(%arg12 : memref<4096xf32, #tpu.memory_space<vmem>>) target(%dma_start3A_474 : memref<4096xf32, #tpu.memory_space<hbm>>) target_semaphore(%run_scoped3A : memref<!tpu.dma_semaphore, #tpu.memory_space<semaphore_mem>>)
        %dma_wait3A = arith.constant 0 : i32
        %dma_wait3A_475 = tpu.memref_slice %arg6[%add3A_191, %dma_wait3A] : memref<4096x4096xf32, #tpu.memory_space<hbm>> -> memref<1x4096xf32, #tpu.memory_space<hbm>>
        %dma_wait3A_476 = tpu.memref_squeeze %dma_wait3A_475 : memref<1x4096xf32, #tpu.memory_space<hbm>> -> memref<4096xf32, #tpu.memory_space<hbm>>
        %dma_wait3A_477 = arith.constant 0 : i32
        %dma_wait3A_478 = tpu.memref_slice %arg6[%add3A_191, %dma_wait3A_477] : memref<4096x4096xf32, #tpu.memory_space<hbm>> -> memref<1x4096xf32, #tpu.memory_space<hbm>>
        %dma_wait3A_479 = tpu.memref_squeeze %dma_wait3A_478 : memref<1x4096xf32, #tpu.memory_space<hbm>> -> memref<4096xf32, #tpu.memory_space<hbm>>
        tpu.wait_dma2 semaphore(%run_scoped3A : memref<!tpu.dma_semaphore, #tpu.memory_space<semaphore_mem>>) src(%arg12 : memref<4096xf32, #tpu.memory_space<vmem>>) dst(%dma_wait3A_479 : memref<4096xf32, #tpu.memory_space<hbm>>)
        tpu.yield
      }) : () -> ()
      %add3A_218 = arith.constant 7 : i32
      %add3A_219 = arith.addi %add3A_18, %add3A_218 : i32
      %slice3A_220 = vector.extract_strided_slice %get3A_20 {offsets = [7], sizes = [1], strides = [1]} : vector<16xf32> to vector<1xf32>
      %squeeze3A_221 = vector.extract %slice3A_220[0] : f32 from vector<1xf32>
      %slice3A_222 = vector.extract_strided_slice %get3A_22 {offsets = [7], sizes = [1], strides = [1]} : vector<16xf32> to vector<1xf32>
      %squeeze3A_223 = vector.extract %slice3A_222[0] : f32 from vector<1xf32>
      %slice3A_224 = vector.extract_strided_slice %get3A_24 {offsets = [7], sizes = [1], strides = [1]} : vector<16xf32> to vector<1xf32>
      %squeeze3A_225 = vector.extract %slice3A_224[0] : f32 from vector<1xf32>
      %broadcast_in_dim3A_226 = arith.constant 0 : i32
      %broadcast_in_dim3A_227 = vector.broadcast %broadcast_in_dim3A_226 : i32 to vector<16xi32>
      %scan3A_228 = arith.constant 0 : i32
      %scan3A_229 = arith.constant 256 : i32
      %scan3A_230 = arith.addi %scan3A_228, %scan3A_229 : i32
      %scan3A_231 = arith.constant 1 : i32
      %scan3A_232 = scf.for %scan3A_470 = %scan3A_228 to %scan3A_230 step %scan3A_231 iter_args(%scan3A_471 = %broadcast_in_dim3A_227) -> (vector<16xi32>)  : i32 {
        %mul3A_472 = arith.constant 16 : i32
        %mul3A_473 = arith.muli %scan3A_470, %mul3A_472 : i32
        %get3A_474 = arith.index_cast %mul3A_473 : i32 to index
        %get3A_475 = tpu.vector_load %arg7[%get3A_474] {strides = array<i32>} : memref<4096xf32, #tpu.memory_space<vmem>>, vector<16xf32>,
        %sub3A_476 = vector.broadcast %squeeze3A_221 : f32 to vector<16xf32>
        %sub3A_477 = arith.subf %sub3A_476, %get3A_475 : vector<16xf32>
        %abs3A = math.absf %sub3A_477 : vector<16xf32>
        %sub3A_478 = vector.broadcast %squeeze3A : f32 to vector<16xf32>
        %sub3A_479 = arith.subf %sub3A_478, %abs3A : vector<16xf32>
        %min3A = arith.minimumf %abs3A, %sub3A_479 : vector<16xf32>
        %mul3A_480 = arith.mulf %min3A, %min3A : vector<16xf32>
        %get3A_481 = arith.index_cast %mul3A_473 : i32 to index
        %get3A_482 = tpu.vector_load %arg8[%get3A_481] {strides = array<i32>} : memref<4096xf32, #tpu.memory_space<vmem>>, vector<16xf32>,
        %sub3A_483 = vector.broadcast %squeeze3A_223 : f32 to vector<16xf32>
        %sub3A_484 = arith.subf %sub3A_483, %get3A_482 : vector<16xf32>
        %abs3A_485 = math.absf %sub3A_484 : vector<16xf32>
        %sub3A_486 = vector.broadcast %squeeze3A_3 : f32 to vector<16xf32>
        %sub3A_487 = arith.subf %sub3A_486, %abs3A_485 : vector<16xf32>
        %min3A_488 = arith.minimumf %abs3A_485, %sub3A_487 : vector<16xf32>
        %mul3A_489 = arith.mulf %min3A_488, %min3A_488 : vector<16xf32>
        %add3A_490 = arith.addf %mul3A_480, %mul3A_489 : vector<16xf32>
        %get3A_491 = arith.index_cast %mul3A_473 : i32 to index
        %get3A_492 = tpu.vector_load %arg9[%get3A_491] {strides = array<i32>} : memref<4096xf32, #tpu.memory_space<vmem>>, vector<16xf32>,
        %sub3A_493 = vector.broadcast %squeeze3A_225 : f32 to vector<16xf32>
        %sub3A_494 = arith.subf %sub3A_493, %get3A_492 : vector<16xf32>
        %abs3A_495 = math.absf %sub3A_494 : vector<16xf32>
        %sub3A_496 = vector.broadcast %squeeze3A_5 : f32 to vector<16xf32>
        %sub3A_497 = arith.subf %sub3A_496, %abs3A_495 : vector<16xf32>
        %min3A_498 = arith.minimumf %abs3A_495, %sub3A_497 : vector<16xf32>
        %mul3A_499 = arith.mulf %min3A_498, %min3A_498 : vector<16xf32>
        %add3A_500 = arith.addf %add3A_490, %mul3A_499 : vector<16xf32>
        %swap3A = arith.index_cast %mul3A_473 : i32 to index
        %swap3A_501 = tpu.vector_load %arg11[%swap3A] {strides = array<i32>} : memref<4096xf32, #tpu.memory_space<vmem>>, vector<16xf32>,
        tpu.vector_store %arg11[%swap3A], %add3A_500 {strides = array<i32>} : memref<4096xf32, #tpu.memory_space<vmem>>, vector<16xf32>,
        %le3A = vector.broadcast %scan3A_6 : f32 to vector<16xf32>
        %le3A_502 = arith.cmpf ole, %add3A_500, %le3A : vector<16xf32>
        %all_reduce_population_count3A = tpu.all_reduce %le3A_502 {dim = 0 : i64, kind = #tpu.reduction_kind<sum>} : vector<16xi1> -> vector<16xi32>
        %add3A_503 = arith.addi %scan3A_471, %all_reduce_population_count3A : vector<16xi32>
        scf.yield %add3A_503 : vector<16xi32>
      }
      %scan3A_233 = arith.constant 256 : i32
      %slice3A_234 = vector.extract_strided_slice %scan3A_232 {offsets = [0], sizes = [1], strides = [1]} : vector<16xi32> to vector<1xi32>
      %squeeze3A_235 = vector.extract %slice3A_234[0] : i32 from vector<1xi32>
      %sub3A_236 = arith.constant 1 : i32
      %sub3A_237 = arith.subi %squeeze3A_235, %sub3A_236 : i32
      %while3A_238:2 = scf.while (%while3A_470 = %scan3A_6, %while3A_471 = %sub3A_237) : (f32, i32) -> (f32, i32) {
        %lt3A = arith.constant 16 : i32
        %lt3A_472 = arith.cmpi slt, %while3A_471, %lt3A : i32
        scf.condition(%lt3A_472) %while3A_470, %while3A_471 : f32, i32
      } do {
      ^bb0(%while3A_470: f32, %while3A_471: i32):
        %broadcast_in_dim3A_472 = vector.broadcast %scan3A_7 : f32 to vector<16xf32>
        %scan3A_473 = arith.constant 0 : i32
        %scan3A_474 = arith.constant 256 : i32
        %scan3A_475 = arith.addi %scan3A_473, %scan3A_474 : i32
        %scan3A_476 = arith.constant 1 : i32
        %scan3A_477 = scf.for %scan3A_495 = %scan3A_473 to %scan3A_475 step %scan3A_476 iter_args(%scan3A_496 = %broadcast_in_dim3A_472) -> (vector<16xf32>)  : i32 {
          %mul3A_497 = arith.constant 16 : i32
          %mul3A_498 = arith.muli %scan3A_495, %mul3A_497 : i32
          %get3A_499 = arith.index_cast %mul3A_498 : i32 to index
          %get3A_500 = tpu.vector_load %arg11[%get3A_499] {strides = array<i32>} : memref<4096xf32, #tpu.memory_space<vmem>>, vector<16xf32>,
          %gt3A = vector.broadcast %while3A_470 : f32 to vector<16xf32>
          %gt3A_501 = arith.cmpf ogt, %get3A_500, %gt3A : vector<16xf32>
          %broadcast_in_dim3A_502 = vector.broadcast %scan3A_7 : f32 to vector<16xf32>
          %select_n3A = arith.select %gt3A_501, %get3A_500, %broadcast_in_dim3A_502 : vector<16xi1>, vector<16xf32>
          %min3A = arith.minimumf %scan3A_496, %select_n3A : vector<16xf32>
          scf.yield %min3A : vector<16xf32>
        }
        %scan3A_478 = arith.constant 256 : i32
        %masked_sort3A = arith.constant dense<true> : vector<16xi1>
        %masked_sort3A_479, %masked_sort3A_480, %masked_sort3A_481 = tpu.sort %scan3A_477, %scan3A_477 masked %masked_sort3A : (vector<16xf32>, vector<16xf32>, vector<16xi1>) -> (vector<16xi1>, vector<16xf32>, vector<16xf32>)
        %slice3A_482 = vector.extract_strided_slice %masked_sort3A_480 {offsets = [0], sizes = [1], strides = [1]} : vector<16xf32> to vector<1xf32>
        %squeeze3A_483 = vector.extract %slice3A_482[0] : f32 from vector<1xf32>
        %broadcast_in_dim3A_484 = arith.constant 0 : i32
        %broadcast_in_dim3A_485 = vector.broadcast %broadcast_in_dim3A_484 : i32 to vector<16xi32>
        %scan3A_486 = arith.constant 0 : i32
        %scan3A_487 = arith.constant 256 : i32
        %scan3A_488 = arith.addi %scan3A_486, %scan3A_487 : i32
        %scan3A_489 = arith.constant 1 : i32
        %scan3A_490 = scf.for %scan3A_495 = %scan3A_486 to %scan3A_488 step %scan3A_489 iter_args(%scan3A_496 = %broadcast_in_dim3A_485) -> (vector<16xi32>)  : i32 {
          %mul3A_497 = arith.constant 16 : i32
          %mul3A_498 = arith.muli %scan3A_495, %mul3A_497 : i32
          %get3A_499 = arith.index_cast %mul3A_498 : i32 to index
          %get3A_500 = tpu.vector_load %arg11[%get3A_499] {strides = array<i32>} : memref<4096xf32, #tpu.memory_space<vmem>>, vector<16xf32>,
          %eq3A = vector.broadcast %squeeze3A_483 : f32 to vector<16xf32>
          %eq3A_501 = arith.cmpf oeq, %get3A_500, %eq3A : vector<16xf32>
          %all_reduce_population_count3A = tpu.all_reduce %eq3A_501 {dim = 0 : i64, kind = #tpu.reduction_kind<sum>} : vector<16xi1> -> vector<16xi32>
          %add3A_502 = arith.addi %scan3A_496, %all_reduce_population_count3A : vector<16xi32>
          scf.yield %add3A_502 : vector<16xi32>
        }
        %scan3A_491 = arith.constant 256 : i32
        %slice3A_492 = vector.extract_strided_slice %scan3A_490 {offsets = [0], sizes = [1], strides = [1]} : vector<16xi32> to vector<1xi32>
        %squeeze3A_493 = vector.extract %slice3A_492[0] : i32 from vector<1xi32>
        %add3A_494 = arith.addi %while3A_471, %squeeze3A_493 : i32
        scf.yield %squeeze3A_483, %add3A_494 : f32, i32
      }
      %scan3A_239 = arith.constant 0 : i32
      %scan3A_240 = arith.constant 0 : i32
      %scan3A_241 = arith.constant 256 : i32
      %scan3A_242 = arith.addi %scan3A_240, %scan3A_241 : i32
      %scan3A_243 = arith.constant 1 : i32
      %scan3A_244 = scf.for %scan3A_470 = %scan3A_240 to %scan3A_242 step %scan3A_243 iter_args(%scan3A_471 = %scan3A_239) -> (i32)  : i32 {
        %mul3A_472 = arith.constant 16 : i32
        %mul3A_473 = arith.muli %scan3A_470, %mul3A_472 : i32
        %get3A_474 = arith.index_cast %mul3A_473 : i32 to index
        %get3A_475 = tpu.vector_load %arg11[%get3A_474] {strides = array<i32>} : memref<4096xf32, #tpu.memory_space<vmem>>, vector<16xf32>,
        %le3A = vector.broadcast %while3A_238#0 : f32 to vector<16xf32>
        %le3A_476 = arith.cmpf ole, %get3A_475, %le3A : vector<16xf32>
        %jit3A = arith.constant 0.000000e+00 : f32
        %broadcast_in_dim3A_477 = vector.broadcast %jit3A : f32 to vector<16xf32>
        %select_n3A = arith.select %le3A_476, %get3A_475, %broadcast_in_dim3A_477 : vector<16xi1>, vector<16xf32>
        %bitcast3A = vector.bitcast %select_n3A : vector<16xf32> to vector<16xi32>
        %shift_right_logical3A = arith.constant 1 : i32
        %shift_right_logical3A_478 = vector.broadcast %shift_right_logical3A : i32 to vector<16xi32>
        %shift_right_logical3A_479 = arith.shrui %bitcast3A, %shift_right_logical3A_478 : vector<16xi32>
        %sub3A_480 = arith.constant 1597463007 : i32
        %sub3A_481 = vector.broadcast %sub3A_480 : i32 to vector<16xi32>
        %sub3A_482 = arith.subi %sub3A_481, %shift_right_logical3A_479 : vector<16xi32>
        %bitcast3A_483 = vector.bitcast %sub3A_482 : vector<16xi32> to vector<16xf32>
        %mul3A_484 = arith.constant 5.000000e-01 : f32
        %mul3A_485 = vector.broadcast %mul3A_484 : f32 to vector<16xf32>
        %mul3A_486 = arith.mulf %select_n3A, %mul3A_485 : vector<16xf32>
        %mul3A_487 = arith.mulf %mul3A_486, %bitcast3A_483 : vector<16xf32>
        %mul3A_488 = arith.mulf %mul3A_487, %bitcast3A_483 : vector<16xf32>
        %sub3A_489 = arith.constant 1.500000e+00 : f32
        %sub3A_490 = vector.broadcast %sub3A_489 : f32 to vector<16xf32>
        %sub3A_491 = arith.subf %sub3A_490, %mul3A_488 : vector<16xf32>
        %mul3A_492 = arith.mulf %bitcast3A_483, %sub3A_491 : vector<16xf32>
        %mul3A_493 = arith.mulf %mul3A_486, %mul3A_492 : vector<16xf32>
        %mul3A_494 = arith.mulf %mul3A_493, %mul3A_492 : vector<16xf32>
        %sub3A_495 = arith.constant 1.500000e+00 : f32
        %sub3A_496 = vector.broadcast %sub3A_495 : f32 to vector<16xf32>
        %sub3A_497 = arith.subf %sub3A_496, %mul3A_494 : vector<16xf32>
        %mul3A_498 = arith.mulf %mul3A_492, %sub3A_497 : vector<16xf32>
        %mul3A_499 = arith.mulf %mul3A_486, %mul3A_498 : vector<16xf32>
        %mul3A_500 = arith.mulf %mul3A_499, %mul3A_498 : vector<16xf32>
        %sub3A_501 = arith.constant 1.500000e+00 : f32
        %sub3A_502 = vector.broadcast %sub3A_501 : f32 to vector<16xf32>
        %sub3A_503 = arith.subf %sub3A_502, %mul3A_500 : vector<16xf32>
        %mul3A_504 = arith.mulf %mul3A_498, %sub3A_503 : vector<16xf32>
        %mul3A_505 = arith.mulf %select_n3A, %mul3A_504 : vector<16xf32>
        %swap3A = arith.index_cast %mul3A_473 : i32 to index
        %swap3A_506 = tpu.vector_load %arg12[%swap3A] {strides = array<i32>} : memref<4096xf32, #tpu.memory_space<vmem>>, vector<16xf32>,
        tpu.vector_store %arg12[%swap3A], %mul3A_505 {strides = array<i32>} : memref<4096xf32, #tpu.memory_space<vmem>>, vector<16xf32>,
        %scan3A_507 = arith.constant 0 : i32
        scf.yield %scan3A_507 : i32
      }
      %scan3A_245 = arith.constant 256 : i32
      "tpu.region"() ({
        %run_scoped3A = tpu.sem_alloc : memref<!tpu.dma_semaphore, #tpu.memory_space<semaphore_mem>>
        %dma_start3A = arith.constant 0 : i32
        %dma_start3A_470 = tpu.memref_slice %arg6[%add3A_219, %dma_start3A] : memref<4096x4096xf32, #tpu.memory_space<hbm>> -> memref<1x4096xf32, #tpu.memory_space<hbm>>
        %dma_start3A_471 = tpu.memref_squeeze %dma_start3A_470 : memref<1x4096xf32, #tpu.memory_space<hbm>> -> memref<4096xf32, #tpu.memory_space<hbm>>
        %dma_start3A_472 = arith.constant 0 : i32
        %dma_start3A_473 = tpu.memref_slice %arg6[%add3A_219, %dma_start3A_472] : memref<4096x4096xf32, #tpu.memory_space<hbm>> -> memref<1x4096xf32, #tpu.memory_space<hbm>>
        %dma_start3A_474 = tpu.memref_squeeze %dma_start3A_473 : memref<1x4096xf32, #tpu.memory_space<hbm>> -> memref<4096xf32, #tpu.memory_space<hbm>>
        tpu.enqueue_dma source(%arg12 : memref<4096xf32, #tpu.memory_space<vmem>>) target(%dma_start3A_474 : memref<4096xf32, #tpu.memory_space<hbm>>) target_semaphore(%run_scoped3A : memref<!tpu.dma_semaphore, #tpu.memory_space<semaphore_mem>>)
        %dma_wait3A = arith.constant 0 : i32
        %dma_wait3A_475 = tpu.memref_slice %arg6[%add3A_219, %dma_wait3A] : memref<4096x4096xf32, #tpu.memory_space<hbm>> -> memref<1x4096xf32, #tpu.memory_space<hbm>>
        %dma_wait3A_476 = tpu.memref_squeeze %dma_wait3A_475 : memref<1x4096xf32, #tpu.memory_space<hbm>> -> memref<4096xf32, #tpu.memory_space<hbm>>
        %dma_wait3A_477 = arith.constant 0 : i32
        %dma_wait3A_478 = tpu.memref_slice %arg6[%add3A_219, %dma_wait3A_477] : memref<4096x4096xf32, #tpu.memory_space<hbm>> -> memref<1x4096xf32, #tpu.memory_space<hbm>>
        %dma_wait3A_479 = tpu.memref_squeeze %dma_wait3A_478 : memref<1x4096xf32, #tpu.memory_space<hbm>> -> memref<4096xf32, #tpu.memory_space<hbm>>
        tpu.wait_dma2 semaphore(%run_scoped3A : memref<!tpu.dma_semaphore, #tpu.memory_space<semaphore_mem>>) src(%arg12 : memref<4096xf32, #tpu.memory_space<vmem>>) dst(%dma_wait3A_479 : memref<4096xf32, #tpu.memory_space<hbm>>)
        tpu.yield
      }) : () -> ()
      %add3A_246 = arith.constant 8 : i32
      %add3A_247 = arith.addi %add3A_18, %add3A_246 : i32
      %slice3A_248 = vector.extract_strided_slice %get3A_20 {offsets = [8], sizes = [1], strides = [1]} : vector<16xf32> to vector<1xf32>
      %squeeze3A_249 = vector.extract %slice3A_248[0] : f32 from vector<1xf32>
      %slice3A_250 = vector.extract_strided_slice %get3A_22 {offsets = [8], sizes = [1], strides = [1]} : vector<16xf32> to vector<1xf32>
      %squeeze3A_251 = vector.extract %slice3A_250[0] : f32 from vector<1xf32>
      %slice3A_252 = vector.extract_strided_slice %get3A_24 {offsets = [8], sizes = [1], strides = [1]} : vector<16xf32> to vector<1xf32>
      %squeeze3A_253 = vector.extract %slice3A_252[0] : f32 from vector<1xf32>
      %broadcast_in_dim3A_254 = arith.constant 0 : i32
      %broadcast_in_dim3A_255 = vector.broadcast %broadcast_in_dim3A_254 : i32 to vector<16xi32>
      %scan3A_256 = arith.constant 0 : i32
      %scan3A_257 = arith.constant 256 : i32
      %scan3A_258 = arith.addi %scan3A_256, %scan3A_257 : i32
      %scan3A_259 = arith.constant 1 : i32
      %scan3A_260 = scf.for %scan3A_470 = %scan3A_256 to %scan3A_258 step %scan3A_259 iter_args(%scan3A_471 = %broadcast_in_dim3A_255) -> (vector<16xi32>)  : i32 {
        %mul3A_472 = arith.constant 16 : i32
        %mul3A_473 = arith.muli %scan3A_470, %mul3A_472 : i32
        %get3A_474 = arith.index_cast %mul3A_473 : i32 to index
        %get3A_475 = tpu.vector_load %arg7[%get3A_474] {strides = array<i32>} : memref<4096xf32, #tpu.memory_space<vmem>>, vector<16xf32>,
        %sub3A_476 = vector.broadcast %squeeze3A_249 : f32 to vector<16xf32>
        %sub3A_477 = arith.subf %sub3A_476, %get3A_475 : vector<16xf32>
        %abs3A = math.absf %sub3A_477 : vector<16xf32>
        %sub3A_478 = vector.broadcast %squeeze3A : f32 to vector<16xf32>
        %sub3A_479 = arith.subf %sub3A_478, %abs3A : vector<16xf32>
        %min3A = arith.minimumf %abs3A, %sub3A_479 : vector<16xf32>
        %mul3A_480 = arith.mulf %min3A, %min3A : vector<16xf32>
        %get3A_481 = arith.index_cast %mul3A_473 : i32 to index
        %get3A_482 = tpu.vector_load %arg8[%get3A_481] {strides = array<i32>} : memref<4096xf32, #tpu.memory_space<vmem>>, vector<16xf32>,
        %sub3A_483 = vector.broadcast %squeeze3A_251 : f32 to vector<16xf32>
        %sub3A_484 = arith.subf %sub3A_483, %get3A_482 : vector<16xf32>
        %abs3A_485 = math.absf %sub3A_484 : vector<16xf32>
        %sub3A_486 = vector.broadcast %squeeze3A_3 : f32 to vector<16xf32>
        %sub3A_487 = arith.subf %sub3A_486, %abs3A_485 : vector<16xf32>
        %min3A_488 = arith.minimumf %abs3A_485, %sub3A_487 : vector<16xf32>
        %mul3A_489 = arith.mulf %min3A_488, %min3A_488 : vector<16xf32>
        %add3A_490 = arith.addf %mul3A_480, %mul3A_489 : vector<16xf32>
        %get3A_491 = arith.index_cast %mul3A_473 : i32 to index
        %get3A_492 = tpu.vector_load %arg9[%get3A_491] {strides = array<i32>} : memref<4096xf32, #tpu.memory_space<vmem>>, vector<16xf32>,
        %sub3A_493 = vector.broadcast %squeeze3A_253 : f32 to vector<16xf32>
        %sub3A_494 = arith.subf %sub3A_493, %get3A_492 : vector<16xf32>
        %abs3A_495 = math.absf %sub3A_494 : vector<16xf32>
        %sub3A_496 = vector.broadcast %squeeze3A_5 : f32 to vector<16xf32>
        %sub3A_497 = arith.subf %sub3A_496, %abs3A_495 : vector<16xf32>
        %min3A_498 = arith.minimumf %abs3A_495, %sub3A_497 : vector<16xf32>
        %mul3A_499 = arith.mulf %min3A_498, %min3A_498 : vector<16xf32>
        %add3A_500 = arith.addf %add3A_490, %mul3A_499 : vector<16xf32>
        %swap3A = arith.index_cast %mul3A_473 : i32 to index
        %swap3A_501 = tpu.vector_load %arg11[%swap3A] {strides = array<i32>} : memref<4096xf32, #tpu.memory_space<vmem>>, vector<16xf32>,
        tpu.vector_store %arg11[%swap3A], %add3A_500 {strides = array<i32>} : memref<4096xf32, #tpu.memory_space<vmem>>, vector<16xf32>,
        %le3A = vector.broadcast %scan3A_6 : f32 to vector<16xf32>
        %le3A_502 = arith.cmpf ole, %add3A_500, %le3A : vector<16xf32>
        %all_reduce_population_count3A = tpu.all_reduce %le3A_502 {dim = 0 : i64, kind = #tpu.reduction_kind<sum>} : vector<16xi1> -> vector<16xi32>
        %add3A_503 = arith.addi %scan3A_471, %all_reduce_population_count3A : vector<16xi32>
        scf.yield %add3A_503 : vector<16xi32>
      }
      %scan3A_261 = arith.constant 256 : i32
      %slice3A_262 = vector.extract_strided_slice %scan3A_260 {offsets = [0], sizes = [1], strides = [1]} : vector<16xi32> to vector<1xi32>
      %squeeze3A_263 = vector.extract %slice3A_262[0] : i32 from vector<1xi32>
      %sub3A_264 = arith.constant 1 : i32
      %sub3A_265 = arith.subi %squeeze3A_263, %sub3A_264 : i32
      %while3A_266:2 = scf.while (%while3A_470 = %scan3A_6, %while3A_471 = %sub3A_265) : (f32, i32) -> (f32, i32) {
        %lt3A = arith.constant 16 : i32
        %lt3A_472 = arith.cmpi slt, %while3A_471, %lt3A : i32
        scf.condition(%lt3A_472) %while3A_470, %while3A_471 : f32, i32
      } do {
      ^bb0(%while3A_470: f32, %while3A_471: i32):
        %broadcast_in_dim3A_472 = vector.broadcast %scan3A_7 : f32 to vector<16xf32>
        %scan3A_473 = arith.constant 0 : i32
        %scan3A_474 = arith.constant 256 : i32
        %scan3A_475 = arith.addi %scan3A_473, %scan3A_474 : i32
        %scan3A_476 = arith.constant 1 : i32
        %scan3A_477 = scf.for %scan3A_495 = %scan3A_473 to %scan3A_475 step %scan3A_476 iter_args(%scan3A_496 = %broadcast_in_dim3A_472) -> (vector<16xf32>)  : i32 {
          %mul3A_497 = arith.constant 16 : i32
          %mul3A_498 = arith.muli %scan3A_495, %mul3A_497 : i32
          %get3A_499 = arith.index_cast %mul3A_498 : i32 to index
          %get3A_500 = tpu.vector_load %arg11[%get3A_499] {strides = array<i32>} : memref<4096xf32, #tpu.memory_space<vmem>>, vector<16xf32>,
          %gt3A = vector.broadcast %while3A_470 : f32 to vector<16xf32>
          %gt3A_501 = arith.cmpf ogt, %get3A_500, %gt3A : vector<16xf32>
          %broadcast_in_dim3A_502 = vector.broadcast %scan3A_7 : f32 to vector<16xf32>
          %select_n3A = arith.select %gt3A_501, %get3A_500, %broadcast_in_dim3A_502 : vector<16xi1>, vector<16xf32>
          %min3A = arith.minimumf %scan3A_496, %select_n3A : vector<16xf32>
          scf.yield %min3A : vector<16xf32>
        }
        %scan3A_478 = arith.constant 256 : i32
        %masked_sort3A = arith.constant dense<true> : vector<16xi1>
        %masked_sort3A_479, %masked_sort3A_480, %masked_sort3A_481 = tpu.sort %scan3A_477, %scan3A_477 masked %masked_sort3A : (vector<16xf32>, vector<16xf32>, vector<16xi1>) -> (vector<16xi1>, vector<16xf32>, vector<16xf32>)
        %slice3A_482 = vector.extract_strided_slice %masked_sort3A_480 {offsets = [0], sizes = [1], strides = [1]} : vector<16xf32> to vector<1xf32>
        %squeeze3A_483 = vector.extract %slice3A_482[0] : f32 from vector<1xf32>
        %broadcast_in_dim3A_484 = arith.constant 0 : i32
        %broadcast_in_dim3A_485 = vector.broadcast %broadcast_in_dim3A_484 : i32 to vector<16xi32>
        %scan3A_486 = arith.constant 0 : i32
        %scan3A_487 = arith.constant 256 : i32
        %scan3A_488 = arith.addi %scan3A_486, %scan3A_487 : i32
        %scan3A_489 = arith.constant 1 : i32
        %scan3A_490 = scf.for %scan3A_495 = %scan3A_486 to %scan3A_488 step %scan3A_489 iter_args(%scan3A_496 = %broadcast_in_dim3A_485) -> (vector<16xi32>)  : i32 {
          %mul3A_497 = arith.constant 16 : i32
          %mul3A_498 = arith.muli %scan3A_495, %mul3A_497 : i32
          %get3A_499 = arith.index_cast %mul3A_498 : i32 to index
          %get3A_500 = tpu.vector_load %arg11[%get3A_499] {strides = array<i32>} : memref<4096xf32, #tpu.memory_space<vmem>>, vector<16xf32>,
          %eq3A = vector.broadcast %squeeze3A_483 : f32 to vector<16xf32>
          %eq3A_501 = arith.cmpf oeq, %get3A_500, %eq3A : vector<16xf32>
          %all_reduce_population_count3A = tpu.all_reduce %eq3A_501 {dim = 0 : i64, kind = #tpu.reduction_kind<sum>} : vector<16xi1> -> vector<16xi32>
          %add3A_502 = arith.addi %scan3A_496, %all_reduce_population_count3A : vector<16xi32>
          scf.yield %add3A_502 : vector<16xi32>
        }
        %scan3A_491 = arith.constant 256 : i32
        %slice3A_492 = vector.extract_strided_slice %scan3A_490 {offsets = [0], sizes = [1], strides = [1]} : vector<16xi32> to vector<1xi32>
        %squeeze3A_493 = vector.extract %slice3A_492[0] : i32 from vector<1xi32>
        %add3A_494 = arith.addi %while3A_471, %squeeze3A_493 : i32
        scf.yield %squeeze3A_483, %add3A_494 : f32, i32
      }
      %scan3A_267 = arith.constant 0 : i32
      %scan3A_268 = arith.constant 0 : i32
      %scan3A_269 = arith.constant 256 : i32
      %scan3A_270 = arith.addi %scan3A_268, %scan3A_269 : i32
      %scan3A_271 = arith.constant 1 : i32
      %scan3A_272 = scf.for %scan3A_470 = %scan3A_268 to %scan3A_270 step %scan3A_271 iter_args(%scan3A_471 = %scan3A_267) -> (i32)  : i32 {
        %mul3A_472 = arith.constant 16 : i32
        %mul3A_473 = arith.muli %scan3A_470, %mul3A_472 : i32
        %get3A_474 = arith.index_cast %mul3A_473 : i32 to index
        %get3A_475 = tpu.vector_load %arg11[%get3A_474] {strides = array<i32>} : memref<4096xf32, #tpu.memory_space<vmem>>, vector<16xf32>,
        %le3A = vector.broadcast %while3A_266#0 : f32 to vector<16xf32>
        %le3A_476 = arith.cmpf ole, %get3A_475, %le3A : vector<16xf32>
        %jit3A = arith.constant 0.000000e+00 : f32
        %broadcast_in_dim3A_477 = vector.broadcast %jit3A : f32 to vector<16xf32>
        %select_n3A = arith.select %le3A_476, %get3A_475, %broadcast_in_dim3A_477 : vector<16xi1>, vector<16xf32>
        %bitcast3A = vector.bitcast %select_n3A : vector<16xf32> to vector<16xi32>
        %shift_right_logical3A = arith.constant 1 : i32
        %shift_right_logical3A_478 = vector.broadcast %shift_right_logical3A : i32 to vector<16xi32>
        %shift_right_logical3A_479 = arith.shrui %bitcast3A, %shift_right_logical3A_478 : vector<16xi32>
        %sub3A_480 = arith.constant 1597463007 : i32
        %sub3A_481 = vector.broadcast %sub3A_480 : i32 to vector<16xi32>
        %sub3A_482 = arith.subi %sub3A_481, %shift_right_logical3A_479 : vector<16xi32>
        %bitcast3A_483 = vector.bitcast %sub3A_482 : vector<16xi32> to vector<16xf32>
        %mul3A_484 = arith.constant 5.000000e-01 : f32
        %mul3A_485 = vector.broadcast %mul3A_484 : f32 to vector<16xf32>
        %mul3A_486 = arith.mulf %select_n3A, %mul3A_485 : vector<16xf32>
        %mul3A_487 = arith.mulf %mul3A_486, %bitcast3A_483 : vector<16xf32>
        %mul3A_488 = arith.mulf %mul3A_487, %bitcast3A_483 : vector<16xf32>
        %sub3A_489 = arith.constant 1.500000e+00 : f32
        %sub3A_490 = vector.broadcast %sub3A_489 : f32 to vector<16xf32>
        %sub3A_491 = arith.subf %sub3A_490, %mul3A_488 : vector<16xf32>
        %mul3A_492 = arith.mulf %bitcast3A_483, %sub3A_491 : vector<16xf32>
        %mul3A_493 = arith.mulf %mul3A_486, %mul3A_492 : vector<16xf32>
        %mul3A_494 = arith.mulf %mul3A_493, %mul3A_492 : vector<16xf32>
        %sub3A_495 = arith.constant 1.500000e+00 : f32
        %sub3A_496 = vector.broadcast %sub3A_495 : f32 to vector<16xf32>
        %sub3A_497 = arith.subf %sub3A_496, %mul3A_494 : vector<16xf32>
        %mul3A_498 = arith.mulf %mul3A_492, %sub3A_497 : vector<16xf32>
        %mul3A_499 = arith.mulf %mul3A_486, %mul3A_498 : vector<16xf32>
        %mul3A_500 = arith.mulf %mul3A_499, %mul3A_498 : vector<16xf32>
        %sub3A_501 = arith.constant 1.500000e+00 : f32
        %sub3A_502 = vector.broadcast %sub3A_501 : f32 to vector<16xf32>
        %sub3A_503 = arith.subf %sub3A_502, %mul3A_500 : vector<16xf32>
        %mul3A_504 = arith.mulf %mul3A_498, %sub3A_503 : vector<16xf32>
        %mul3A_505 = arith.mulf %select_n3A, %mul3A_504 : vector<16xf32>
        %swap3A = arith.index_cast %mul3A_473 : i32 to index
        %swap3A_506 = tpu.vector_load %arg12[%swap3A] {strides = array<i32>} : memref<4096xf32, #tpu.memory_space<vmem>>, vector<16xf32>,
        tpu.vector_store %arg12[%swap3A], %mul3A_505 {strides = array<i32>} : memref<4096xf32, #tpu.memory_space<vmem>>, vector<16xf32>,
        %scan3A_507 = arith.constant 0 : i32
        scf.yield %scan3A_507 : i32
      }
      %scan3A_273 = arith.constant 256 : i32
      "tpu.region"() ({
        %run_scoped3A = tpu.sem_alloc : memref<!tpu.dma_semaphore, #tpu.memory_space<semaphore_mem>>
        %dma_start3A = arith.constant 0 : i32
        %dma_start3A_470 = tpu.memref_slice %arg6[%add3A_247, %dma_start3A] : memref<4096x4096xf32, #tpu.memory_space<hbm>> -> memref<1x4096xf32, #tpu.memory_space<hbm>>
        %dma_start3A_471 = tpu.memref_squeeze %dma_start3A_470 : memref<1x4096xf32, #tpu.memory_space<hbm>> -> memref<4096xf32, #tpu.memory_space<hbm>>
        %dma_start3A_472 = arith.constant 0 : i32
        %dma_start3A_473 = tpu.memref_slice %arg6[%add3A_247, %dma_start3A_472] : memref<4096x4096xf32, #tpu.memory_space<hbm>> -> memref<1x4096xf32, #tpu.memory_space<hbm>>
        %dma_start3A_474 = tpu.memref_squeeze %dma_start3A_473 : memref<1x4096xf32, #tpu.memory_space<hbm>> -> memref<4096xf32, #tpu.memory_space<hbm>>
        tpu.enqueue_dma source(%arg12 : memref<4096xf32, #tpu.memory_space<vmem>>) target(%dma_start3A_474 : memref<4096xf32, #tpu.memory_space<hbm>>) target_semaphore(%run_scoped3A : memref<!tpu.dma_semaphore, #tpu.memory_space<semaphore_mem>>)
        %dma_wait3A = arith.constant 0 : i32
        %dma_wait3A_475 = tpu.memref_slice %arg6[%add3A_247, %dma_wait3A] : memref<4096x4096xf32, #tpu.memory_space<hbm>> -> memref<1x4096xf32, #tpu.memory_space<hbm>>
        %dma_wait3A_476 = tpu.memref_squeeze %dma_wait3A_475 : memref<1x4096xf32, #tpu.memory_space<hbm>> -> memref<4096xf32, #tpu.memory_space<hbm>>
        %dma_wait3A_477 = arith.constant 0 : i32
        %dma_wait3A_478 = tpu.memref_slice %arg6[%add3A_247, %dma_wait3A_477] : memref<4096x4096xf32, #tpu.memory_space<hbm>> -> memref<1x4096xf32, #tpu.memory_space<hbm>>
        %dma_wait3A_479 = tpu.memref_squeeze %dma_wait3A_478 : memref<1x4096xf32, #tpu.memory_space<hbm>> -> memref<4096xf32, #tpu.memory_space<hbm>>
        tpu.wait_dma2 semaphore(%run_scoped3A : memref<!tpu.dma_semaphore, #tpu.memory_space<semaphore_mem>>) src(%arg12 : memref<4096xf32, #tpu.memory_space<vmem>>) dst(%dma_wait3A_479 : memref<4096xf32, #tpu.memory_space<hbm>>)
        tpu.yield
      }) : () -> ()
      %add3A_274 = arith.constant 9 : i32
      %add3A_275 = arith.addi %add3A_18, %add3A_274 : i32
      %slice3A_276 = vector.extract_strided_slice %get3A_20 {offsets = [9], sizes = [1], strides = [1]} : vector<16xf32> to vector<1xf32>
      %squeeze3A_277 = vector.extract %slice3A_276[0] : f32 from vector<1xf32>
      %slice3A_278 = vector.extract_strided_slice %get3A_22 {offsets = [9], sizes = [1], strides = [1]} : vector<16xf32> to vector<1xf32>
      %squeeze3A_279 = vector.extract %slice3A_278[0] : f32 from vector<1xf32>
      %slice3A_280 = vector.extract_strided_slice %get3A_24 {offsets = [9], sizes = [1], strides = [1]} : vector<16xf32> to vector<1xf32>
      %squeeze3A_281 = vector.extract %slice3A_280[0] : f32 from vector<1xf32>
      %broadcast_in_dim3A_282 = arith.constant 0 : i32
      %broadcast_in_dim3A_283 = vector.broadcast %broadcast_in_dim3A_282 : i32 to vector<16xi32>
      %scan3A_284 = arith.constant 0 : i32
      %scan3A_285 = arith.constant 256 : i32
      %scan3A_286 = arith.addi %scan3A_284, %scan3A_285 : i32
      %scan3A_287 = arith.constant 1 : i32
      %scan3A_288 = scf.for %scan3A_470 = %scan3A_284 to %scan3A_286 step %scan3A_287 iter_args(%scan3A_471 = %broadcast_in_dim3A_283) -> (vector<16xi32>)  : i32 {
        %mul3A_472 = arith.constant 16 : i32
        %mul3A_473 = arith.muli %scan3A_470, %mul3A_472 : i32
        %get3A_474 = arith.index_cast %mul3A_473 : i32 to index
        %get3A_475 = tpu.vector_load %arg7[%get3A_474] {strides = array<i32>} : memref<4096xf32, #tpu.memory_space<vmem>>, vector<16xf32>,
        %sub3A_476 = vector.broadcast %squeeze3A_277 : f32 to vector<16xf32>
        %sub3A_477 = arith.subf %sub3A_476, %get3A_475 : vector<16xf32>
        %abs3A = math.absf %sub3A_477 : vector<16xf32>
        %sub3A_478 = vector.broadcast %squeeze3A : f32 to vector<16xf32>
        %sub3A_479 = arith.subf %sub3A_478, %abs3A : vector<16xf32>
        %min3A = arith.minimumf %abs3A, %sub3A_479 : vector<16xf32>
        %mul3A_480 = arith.mulf %min3A, %min3A : vector<16xf32>
        %get3A_481 = arith.index_cast %mul3A_473 : i32 to index
        %get3A_482 = tpu.vector_load %arg8[%get3A_481] {strides = array<i32>} : memref<4096xf32, #tpu.memory_space<vmem>>, vector<16xf32>,
        %sub3A_483 = vector.broadcast %squeeze3A_279 : f32 to vector<16xf32>
        %sub3A_484 = arith.subf %sub3A_483, %get3A_482 : vector<16xf32>
        %abs3A_485 = math.absf %sub3A_484 : vector<16xf32>
        %sub3A_486 = vector.broadcast %squeeze3A_3 : f32 to vector<16xf32>
        %sub3A_487 = arith.subf %sub3A_486, %abs3A_485 : vector<16xf32>
        %min3A_488 = arith.minimumf %abs3A_485, %sub3A_487 : vector<16xf32>
        %mul3A_489 = arith.mulf %min3A_488, %min3A_488 : vector<16xf32>
        %add3A_490 = arith.addf %mul3A_480, %mul3A_489 : vector<16xf32>
        %get3A_491 = arith.index_cast %mul3A_473 : i32 to index
        %get3A_492 = tpu.vector_load %arg9[%get3A_491] {strides = array<i32>} : memref<4096xf32, #tpu.memory_space<vmem>>, vector<16xf32>,
        %sub3A_493 = vector.broadcast %squeeze3A_281 : f32 to vector<16xf32>
        %sub3A_494 = arith.subf %sub3A_493, %get3A_492 : vector<16xf32>
        %abs3A_495 = math.absf %sub3A_494 : vector<16xf32>
        %sub3A_496 = vector.broadcast %squeeze3A_5 : f32 to vector<16xf32>
        %sub3A_497 = arith.subf %sub3A_496, %abs3A_495 : vector<16xf32>
        %min3A_498 = arith.minimumf %abs3A_495, %sub3A_497 : vector<16xf32>
        %mul3A_499 = arith.mulf %min3A_498, %min3A_498 : vector<16xf32>
        %add3A_500 = arith.addf %add3A_490, %mul3A_499 : vector<16xf32>
        %swap3A = arith.index_cast %mul3A_473 : i32 to index
        %swap3A_501 = tpu.vector_load %arg11[%swap3A] {strides = array<i32>} : memref<4096xf32, #tpu.memory_space<vmem>>, vector<16xf32>,
        tpu.vector_store %arg11[%swap3A], %add3A_500 {strides = array<i32>} : memref<4096xf32, #tpu.memory_space<vmem>>, vector<16xf32>,
        %le3A = vector.broadcast %scan3A_6 : f32 to vector<16xf32>
        %le3A_502 = arith.cmpf ole, %add3A_500, %le3A : vector<16xf32>
        %all_reduce_population_count3A = tpu.all_reduce %le3A_502 {dim = 0 : i64, kind = #tpu.reduction_kind<sum>} : vector<16xi1> -> vector<16xi32>
        %add3A_503 = arith.addi %scan3A_471, %all_reduce_population_count3A : vector<16xi32>
        scf.yield %add3A_503 : vector<16xi32>
      }
      %scan3A_289 = arith.constant 256 : i32
      %slice3A_290 = vector.extract_strided_slice %scan3A_288 {offsets = [0], sizes = [1], strides = [1]} : vector<16xi32> to vector<1xi32>
      %squeeze3A_291 = vector.extract %slice3A_290[0] : i32 from vector<1xi32>
      %sub3A_292 = arith.constant 1 : i32
      %sub3A_293 = arith.subi %squeeze3A_291, %sub3A_292 : i32
      %while3A_294:2 = scf.while (%while3A_470 = %scan3A_6, %while3A_471 = %sub3A_293) : (f32, i32) -> (f32, i32) {
        %lt3A = arith.constant 16 : i32
        %lt3A_472 = arith.cmpi slt, %while3A_471, %lt3A : i32
        scf.condition(%lt3A_472) %while3A_470, %while3A_471 : f32, i32
      } do {
      ^bb0(%while3A_470: f32, %while3A_471: i32):
        %broadcast_in_dim3A_472 = vector.broadcast %scan3A_7 : f32 to vector<16xf32>
        %scan3A_473 = arith.constant 0 : i32
        %scan3A_474 = arith.constant 256 : i32
        %scan3A_475 = arith.addi %scan3A_473, %scan3A_474 : i32
        %scan3A_476 = arith.constant 1 : i32
        %scan3A_477 = scf.for %scan3A_495 = %scan3A_473 to %scan3A_475 step %scan3A_476 iter_args(%scan3A_496 = %broadcast_in_dim3A_472) -> (vector<16xf32>)  : i32 {
          %mul3A_497 = arith.constant 16 : i32
          %mul3A_498 = arith.muli %scan3A_495, %mul3A_497 : i32
          %get3A_499 = arith.index_cast %mul3A_498 : i32 to index
          %get3A_500 = tpu.vector_load %arg11[%get3A_499] {strides = array<i32>} : memref<4096xf32, #tpu.memory_space<vmem>>, vector<16xf32>,
          %gt3A = vector.broadcast %while3A_470 : f32 to vector<16xf32>
          %gt3A_501 = arith.cmpf ogt, %get3A_500, %gt3A : vector<16xf32>
          %broadcast_in_dim3A_502 = vector.broadcast %scan3A_7 : f32 to vector<16xf32>
          %select_n3A = arith.select %gt3A_501, %get3A_500, %broadcast_in_dim3A_502 : vector<16xi1>, vector<16xf32>
          %min3A = arith.minimumf %scan3A_496, %select_n3A : vector<16xf32>
          scf.yield %min3A : vector<16xf32>
        }
        %scan3A_478 = arith.constant 256 : i32
        %masked_sort3A = arith.constant dense<true> : vector<16xi1>
        %masked_sort3A_479, %masked_sort3A_480, %masked_sort3A_481 = tpu.sort %scan3A_477, %scan3A_477 masked %masked_sort3A : (vector<16xf32>, vector<16xf32>, vector<16xi1>) -> (vector<16xi1>, vector<16xf32>, vector<16xf32>)
        %slice3A_482 = vector.extract_strided_slice %masked_sort3A_480 {offsets = [0], sizes = [1], strides = [1]} : vector<16xf32> to vector<1xf32>
        %squeeze3A_483 = vector.extract %slice3A_482[0] : f32 from vector<1xf32>
        %broadcast_in_dim3A_484 = arith.constant 0 : i32
        %broadcast_in_dim3A_485 = vector.broadcast %broadcast_in_dim3A_484 : i32 to vector<16xi32>
        %scan3A_486 = arith.constant 0 : i32
        %scan3A_487 = arith.constant 256 : i32
        %scan3A_488 = arith.addi %scan3A_486, %scan3A_487 : i32
        %scan3A_489 = arith.constant 1 : i32
        %scan3A_490 = scf.for %scan3A_495 = %scan3A_486 to %scan3A_488 step %scan3A_489 iter_args(%scan3A_496 = %broadcast_in_dim3A_485) -> (vector<16xi32>)  : i32 {
          %mul3A_497 = arith.constant 16 : i32
          %mul3A_498 = arith.muli %scan3A_495, %mul3A_497 : i32
          %get3A_499 = arith.index_cast %mul3A_498 : i32 to index
          %get3A_500 = tpu.vector_load %arg11[%get3A_499] {strides = array<i32>} : memref<4096xf32, #tpu.memory_space<vmem>>, vector<16xf32>,
          %eq3A = vector.broadcast %squeeze3A_483 : f32 to vector<16xf32>
          %eq3A_501 = arith.cmpf oeq, %get3A_500, %eq3A : vector<16xf32>
          %all_reduce_population_count3A = tpu.all_reduce %eq3A_501 {dim = 0 : i64, kind = #tpu.reduction_kind<sum>} : vector<16xi1> -> vector<16xi32>
          %add3A_502 = arith.addi %scan3A_496, %all_reduce_population_count3A : vector<16xi32>
          scf.yield %add3A_502 : vector<16xi32>
        }
        %scan3A_491 = arith.constant 256 : i32
        %slice3A_492 = vector.extract_strided_slice %scan3A_490 {offsets = [0], sizes = [1], strides = [1]} : vector<16xi32> to vector<1xi32>
        %squeeze3A_493 = vector.extract %slice3A_492[0] : i32 from vector<1xi32>
        %add3A_494 = arith.addi %while3A_471, %squeeze3A_493 : i32
        scf.yield %squeeze3A_483, %add3A_494 : f32, i32
      }
      %scan3A_295 = arith.constant 0 : i32
      %scan3A_296 = arith.constant 0 : i32
      %scan3A_297 = arith.constant 256 : i32
      %scan3A_298 = arith.addi %scan3A_296, %scan3A_297 : i32
      %scan3A_299 = arith.constant 1 : i32
      %scan3A_300 = scf.for %scan3A_470 = %scan3A_296 to %scan3A_298 step %scan3A_299 iter_args(%scan3A_471 = %scan3A_295) -> (i32)  : i32 {
        %mul3A_472 = arith.constant 16 : i32
        %mul3A_473 = arith.muli %scan3A_470, %mul3A_472 : i32
        %get3A_474 = arith.index_cast %mul3A_473 : i32 to index
        %get3A_475 = tpu.vector_load %arg11[%get3A_474] {strides = array<i32>} : memref<4096xf32, #tpu.memory_space<vmem>>, vector<16xf32>,
        %le3A = vector.broadcast %while3A_294#0 : f32 to vector<16xf32>
        %le3A_476 = arith.cmpf ole, %get3A_475, %le3A : vector<16xf32>
        %jit3A = arith.constant 0.000000e+00 : f32
        %broadcast_in_dim3A_477 = vector.broadcast %jit3A : f32 to vector<16xf32>
        %select_n3A = arith.select %le3A_476, %get3A_475, %broadcast_in_dim3A_477 : vector<16xi1>, vector<16xf32>
        %bitcast3A = vector.bitcast %select_n3A : vector<16xf32> to vector<16xi32>
        %shift_right_logical3A = arith.constant 1 : i32
        %shift_right_logical3A_478 = vector.broadcast %shift_right_logical3A : i32 to vector<16xi32>
        %shift_right_logical3A_479 = arith.shrui %bitcast3A, %shift_right_logical3A_478 : vector<16xi32>
        %sub3A_480 = arith.constant 1597463007 : i32
        %sub3A_481 = vector.broadcast %sub3A_480 : i32 to vector<16xi32>
        %sub3A_482 = arith.subi %sub3A_481, %shift_right_logical3A_479 : vector<16xi32>
        %bitcast3A_483 = vector.bitcast %sub3A_482 : vector<16xi32> to vector<16xf32>
        %mul3A_484 = arith.constant 5.000000e-01 : f32
        %mul3A_485 = vector.broadcast %mul3A_484 : f32 to vector<16xf32>
        %mul3A_486 = arith.mulf %select_n3A, %mul3A_485 : vector<16xf32>
        %mul3A_487 = arith.mulf %mul3A_486, %bitcast3A_483 : vector<16xf32>
        %mul3A_488 = arith.mulf %mul3A_487, %bitcast3A_483 : vector<16xf32>
        %sub3A_489 = arith.constant 1.500000e+00 : f32
        %sub3A_490 = vector.broadcast %sub3A_489 : f32 to vector<16xf32>
        %sub3A_491 = arith.subf %sub3A_490, %mul3A_488 : vector<16xf32>
        %mul3A_492 = arith.mulf %bitcast3A_483, %sub3A_491 : vector<16xf32>
        %mul3A_493 = arith.mulf %mul3A_486, %mul3A_492 : vector<16xf32>
        %mul3A_494 = arith.mulf %mul3A_493, %mul3A_492 : vector<16xf32>
        %sub3A_495 = arith.constant 1.500000e+00 : f32
        %sub3A_496 = vector.broadcast %sub3A_495 : f32 to vector<16xf32>
        %sub3A_497 = arith.subf %sub3A_496, %mul3A_494 : vector<16xf32>
        %mul3A_498 = arith.mulf %mul3A_492, %sub3A_497 : vector<16xf32>
        %mul3A_499 = arith.mulf %mul3A_486, %mul3A_498 : vector<16xf32>
        %mul3A_500 = arith.mulf %mul3A_499, %mul3A_498 : vector<16xf32>
        %sub3A_501 = arith.constant 1.500000e+00 : f32
        %sub3A_502 = vector.broadcast %sub3A_501 : f32 to vector<16xf32>
        %sub3A_503 = arith.subf %sub3A_502, %mul3A_500 : vector<16xf32>
        %mul3A_504 = arith.mulf %mul3A_498, %sub3A_503 : vector<16xf32>
        %mul3A_505 = arith.mulf %select_n3A, %mul3A_504 : vector<16xf32>
        %swap3A = arith.index_cast %mul3A_473 : i32 to index
        %swap3A_506 = tpu.vector_load %arg12[%swap3A] {strides = array<i32>} : memref<4096xf32, #tpu.memory_space<vmem>>, vector<16xf32>,
        tpu.vector_store %arg12[%swap3A], %mul3A_505 {strides = array<i32>} : memref<4096xf32, #tpu.memory_space<vmem>>, vector<16xf32>,
        %scan3A_507 = arith.constant 0 : i32
        scf.yield %scan3A_507 : i32
      }
      %scan3A_301 = arith.constant 256 : i32
      "tpu.region"() ({
        %run_scoped3A = tpu.sem_alloc : memref<!tpu.dma_semaphore, #tpu.memory_space<semaphore_mem>>
        %dma_start3A = arith.constant 0 : i32
        %dma_start3A_470 = tpu.memref_slice %arg6[%add3A_275, %dma_start3A] : memref<4096x4096xf32, #tpu.memory_space<hbm>> -> memref<1x4096xf32, #tpu.memory_space<hbm>>
        %dma_start3A_471 = tpu.memref_squeeze %dma_start3A_470 : memref<1x4096xf32, #tpu.memory_space<hbm>> -> memref<4096xf32, #tpu.memory_space<hbm>>
        %dma_start3A_472 = arith.constant 0 : i32
        %dma_start3A_473 = tpu.memref_slice %arg6[%add3A_275, %dma_start3A_472] : memref<4096x4096xf32, #tpu.memory_space<hbm>> -> memref<1x4096xf32, #tpu.memory_space<hbm>>
        %dma_start3A_474 = tpu.memref_squeeze %dma_start3A_473 : memref<1x4096xf32, #tpu.memory_space<hbm>> -> memref<4096xf32, #tpu.memory_space<hbm>>
        tpu.enqueue_dma source(%arg12 : memref<4096xf32, #tpu.memory_space<vmem>>) target(%dma_start3A_474 : memref<4096xf32, #tpu.memory_space<hbm>>) target_semaphore(%run_scoped3A : memref<!tpu.dma_semaphore, #tpu.memory_space<semaphore_mem>>)
        %dma_wait3A = arith.constant 0 : i32
        %dma_wait3A_475 = tpu.memref_slice %arg6[%add3A_275, %dma_wait3A] : memref<4096x4096xf32, #tpu.memory_space<hbm>> -> memref<1x4096xf32, #tpu.memory_space<hbm>>
        %dma_wait3A_476 = tpu.memref_squeeze %dma_wait3A_475 : memref<1x4096xf32, #tpu.memory_space<hbm>> -> memref<4096xf32, #tpu.memory_space<hbm>>
        %dma_wait3A_477 = arith.constant 0 : i32
        %dma_wait3A_478 = tpu.memref_slice %arg6[%add3A_275, %dma_wait3A_477] : memref<4096x4096xf32, #tpu.memory_space<hbm>> -> memref<1x4096xf32, #tpu.memory_space<hbm>>
        %dma_wait3A_479 = tpu.memref_squeeze %dma_wait3A_478 : memref<1x4096xf32, #tpu.memory_space<hbm>> -> memref<4096xf32, #tpu.memory_space<hbm>>
        tpu.wait_dma2 semaphore(%run_scoped3A : memref<!tpu.dma_semaphore, #tpu.memory_space<semaphore_mem>>) src(%arg12 : memref<4096xf32, #tpu.memory_space<vmem>>) dst(%dma_wait3A_479 : memref<4096xf32, #tpu.memory_space<hbm>>)
        tpu.yield
      }) : () -> ()
      %add3A_302 = arith.constant 10 : i32
      %add3A_303 = arith.addi %add3A_18, %add3A_302 : i32
      %slice3A_304 = vector.extract_strided_slice %get3A_20 {offsets = [10], sizes = [1], strides = [1]} : vector<16xf32> to vector<1xf32>
      %squeeze3A_305 = vector.extract %slice3A_304[0] : f32 from vector<1xf32>
      %slice3A_306 = vector.extract_strided_slice %get3A_22 {offsets = [10], sizes = [1], strides = [1]} : vector<16xf32> to vector<1xf32>
      %squeeze3A_307 = vector.extract %slice3A_306[0] : f32 from vector<1xf32>
      %slice3A_308 = vector.extract_strided_slice %get3A_24 {offsets = [10], sizes = [1], strides = [1]} : vector<16xf32> to vector<1xf32>
      %squeeze3A_309 = vector.extract %slice3A_308[0] : f32 from vector<1xf32>
      %broadcast_in_dim3A_310 = arith.constant 0 : i32
      %broadcast_in_dim3A_311 = vector.broadcast %broadcast_in_dim3A_310 : i32 to vector<16xi32>
      %scan3A_312 = arith.constant 0 : i32
      %scan3A_313 = arith.constant 256 : i32
      %scan3A_314 = arith.addi %scan3A_312, %scan3A_313 : i32
      %scan3A_315 = arith.constant 1 : i32
      %scan3A_316 = scf.for %scan3A_470 = %scan3A_312 to %scan3A_314 step %scan3A_315 iter_args(%scan3A_471 = %broadcast_in_dim3A_311) -> (vector<16xi32>)  : i32 {
        %mul3A_472 = arith.constant 16 : i32
        %mul3A_473 = arith.muli %scan3A_470, %mul3A_472 : i32
        %get3A_474 = arith.index_cast %mul3A_473 : i32 to index
        %get3A_475 = tpu.vector_load %arg7[%get3A_474] {strides = array<i32>} : memref<4096xf32, #tpu.memory_space<vmem>>, vector<16xf32>,
        %sub3A_476 = vector.broadcast %squeeze3A_305 : f32 to vector<16xf32>
        %sub3A_477 = arith.subf %sub3A_476, %get3A_475 : vector<16xf32>
        %abs3A = math.absf %sub3A_477 : vector<16xf32>
        %sub3A_478 = vector.broadcast %squeeze3A : f32 to vector<16xf32>
        %sub3A_479 = arith.subf %sub3A_478, %abs3A : vector<16xf32>
        %min3A = arith.minimumf %abs3A, %sub3A_479 : vector<16xf32>
        %mul3A_480 = arith.mulf %min3A, %min3A : vector<16xf32>
        %get3A_481 = arith.index_cast %mul3A_473 : i32 to index
        %get3A_482 = tpu.vector_load %arg8[%get3A_481] {strides = array<i32>} : memref<4096xf32, #tpu.memory_space<vmem>>, vector<16xf32>,
        %sub3A_483 = vector.broadcast %squeeze3A_307 : f32 to vector<16xf32>
        %sub3A_484 = arith.subf %sub3A_483, %get3A_482 : vector<16xf32>
        %abs3A_485 = math.absf %sub3A_484 : vector<16xf32>
        %sub3A_486 = vector.broadcast %squeeze3A_3 : f32 to vector<16xf32>
        %sub3A_487 = arith.subf %sub3A_486, %abs3A_485 : vector<16xf32>
        %min3A_488 = arith.minimumf %abs3A_485, %sub3A_487 : vector<16xf32>
        %mul3A_489 = arith.mulf %min3A_488, %min3A_488 : vector<16xf32>
        %add3A_490 = arith.addf %mul3A_480, %mul3A_489 : vector<16xf32>
        %get3A_491 = arith.index_cast %mul3A_473 : i32 to index
        %get3A_492 = tpu.vector_load %arg9[%get3A_491] {strides = array<i32>} : memref<4096xf32, #tpu.memory_space<vmem>>, vector<16xf32>,
        %sub3A_493 = vector.broadcast %squeeze3A_309 : f32 to vector<16xf32>
        %sub3A_494 = arith.subf %sub3A_493, %get3A_492 : vector<16xf32>
        %abs3A_495 = math.absf %sub3A_494 : vector<16xf32>
        %sub3A_496 = vector.broadcast %squeeze3A_5 : f32 to vector<16xf32>
        %sub3A_497 = arith.subf %sub3A_496, %abs3A_495 : vector<16xf32>
        %min3A_498 = arith.minimumf %abs3A_495, %sub3A_497 : vector<16xf32>
        %mul3A_499 = arith.mulf %min3A_498, %min3A_498 : vector<16xf32>
        %add3A_500 = arith.addf %add3A_490, %mul3A_499 : vector<16xf32>
        %swap3A = arith.index_cast %mul3A_473 : i32 to index
        %swap3A_501 = tpu.vector_load %arg11[%swap3A] {strides = array<i32>} : memref<4096xf32, #tpu.memory_space<vmem>>, vector<16xf32>,
        tpu.vector_store %arg11[%swap3A], %add3A_500 {strides = array<i32>} : memref<4096xf32, #tpu.memory_space<vmem>>, vector<16xf32>,
        %le3A = vector.broadcast %scan3A_6 : f32 to vector<16xf32>
        %le3A_502 = arith.cmpf ole, %add3A_500, %le3A : vector<16xf32>
        %all_reduce_population_count3A = tpu.all_reduce %le3A_502 {dim = 0 : i64, kind = #tpu.reduction_kind<sum>} : vector<16xi1> -> vector<16xi32>
        %add3A_503 = arith.addi %scan3A_471, %all_reduce_population_count3A : vector<16xi32>
        scf.yield %add3A_503 : vector<16xi32>
      }
      %scan3A_317 = arith.constant 256 : i32
      %slice3A_318 = vector.extract_strided_slice %scan3A_316 {offsets = [0], sizes = [1], strides = [1]} : vector<16xi32> to vector<1xi32>
      %squeeze3A_319 = vector.extract %slice3A_318[0] : i32 from vector<1xi32>
      %sub3A_320 = arith.constant 1 : i32
      %sub3A_321 = arith.subi %squeeze3A_319, %sub3A_320 : i32
      %while3A_322:2 = scf.while (%while3A_470 = %scan3A_6, %while3A_471 = %sub3A_321) : (f32, i32) -> (f32, i32) {
        %lt3A = arith.constant 16 : i32
        %lt3A_472 = arith.cmpi slt, %while3A_471, %lt3A : i32
        scf.condition(%lt3A_472) %while3A_470, %while3A_471 : f32, i32
      } do {
      ^bb0(%while3A_470: f32, %while3A_471: i32):
        %broadcast_in_dim3A_472 = vector.broadcast %scan3A_7 : f32 to vector<16xf32>
        %scan3A_473 = arith.constant 0 : i32
        %scan3A_474 = arith.constant 256 : i32
        %scan3A_475 = arith.addi %scan3A_473, %scan3A_474 : i32
        %scan3A_476 = arith.constant 1 : i32
        %scan3A_477 = scf.for %scan3A_495 = %scan3A_473 to %scan3A_475 step %scan3A_476 iter_args(%scan3A_496 = %broadcast_in_dim3A_472) -> (vector<16xf32>)  : i32 {
          %mul3A_497 = arith.constant 16 : i32
          %mul3A_498 = arith.muli %scan3A_495, %mul3A_497 : i32
          %get3A_499 = arith.index_cast %mul3A_498 : i32 to index
          %get3A_500 = tpu.vector_load %arg11[%get3A_499] {strides = array<i32>} : memref<4096xf32, #tpu.memory_space<vmem>>, vector<16xf32>,
          %gt3A = vector.broadcast %while3A_470 : f32 to vector<16xf32>
          %gt3A_501 = arith.cmpf ogt, %get3A_500, %gt3A : vector<16xf32>
          %broadcast_in_dim3A_502 = vector.broadcast %scan3A_7 : f32 to vector<16xf32>
          %select_n3A = arith.select %gt3A_501, %get3A_500, %broadcast_in_dim3A_502 : vector<16xi1>, vector<16xf32>
          %min3A = arith.minimumf %scan3A_496, %select_n3A : vector<16xf32>
          scf.yield %min3A : vector<16xf32>
        }
        %scan3A_478 = arith.constant 256 : i32
        %masked_sort3A = arith.constant dense<true> : vector<16xi1>
        %masked_sort3A_479, %masked_sort3A_480, %masked_sort3A_481 = tpu.sort %scan3A_477, %scan3A_477 masked %masked_sort3A : (vector<16xf32>, vector<16xf32>, vector<16xi1>) -> (vector<16xi1>, vector<16xf32>, vector<16xf32>)
        %slice3A_482 = vector.extract_strided_slice %masked_sort3A_480 {offsets = [0], sizes = [1], strides = [1]} : vector<16xf32> to vector<1xf32>
        %squeeze3A_483 = vector.extract %slice3A_482[0] : f32 from vector<1xf32>
        %broadcast_in_dim3A_484 = arith.constant 0 : i32
        %broadcast_in_dim3A_485 = vector.broadcast %broadcast_in_dim3A_484 : i32 to vector<16xi32>
        %scan3A_486 = arith.constant 0 : i32
        %scan3A_487 = arith.constant 256 : i32
        %scan3A_488 = arith.addi %scan3A_486, %scan3A_487 : i32
        %scan3A_489 = arith.constant 1 : i32
        %scan3A_490 = scf.for %scan3A_495 = %scan3A_486 to %scan3A_488 step %scan3A_489 iter_args(%scan3A_496 = %broadcast_in_dim3A_485) -> (vector<16xi32>)  : i32 {
          %mul3A_497 = arith.constant 16 : i32
          %mul3A_498 = arith.muli %scan3A_495, %mul3A_497 : i32
          %get3A_499 = arith.index_cast %mul3A_498 : i32 to index
          %get3A_500 = tpu.vector_load %arg11[%get3A_499] {strides = array<i32>} : memref<4096xf32, #tpu.memory_space<vmem>>, vector<16xf32>,
          %eq3A = vector.broadcast %squeeze3A_483 : f32 to vector<16xf32>
          %eq3A_501 = arith.cmpf oeq, %get3A_500, %eq3A : vector<16xf32>
          %all_reduce_population_count3A = tpu.all_reduce %eq3A_501 {dim = 0 : i64, kind = #tpu.reduction_kind<sum>} : vector<16xi1> -> vector<16xi32>
          %add3A_502 = arith.addi %scan3A_496, %all_reduce_population_count3A : vector<16xi32>
          scf.yield %add3A_502 : vector<16xi32>
        }
        %scan3A_491 = arith.constant 256 : i32
        %slice3A_492 = vector.extract_strided_slice %scan3A_490 {offsets = [0], sizes = [1], strides = [1]} : vector<16xi32> to vector<1xi32>
        %squeeze3A_493 = vector.extract %slice3A_492[0] : i32 from vector<1xi32>
        %add3A_494 = arith.addi %while3A_471, %squeeze3A_493 : i32
        scf.yield %squeeze3A_483, %add3A_494 : f32, i32
      }
      %scan3A_323 = arith.constant 0 : i32
      %scan3A_324 = arith.constant 0 : i32
      %scan3A_325 = arith.constant 256 : i32
      %scan3A_326 = arith.addi %scan3A_324, %scan3A_325 : i32
      %scan3A_327 = arith.constant 1 : i32
      %scan3A_328 = scf.for %scan3A_470 = %scan3A_324 to %scan3A_326 step %scan3A_327 iter_args(%scan3A_471 = %scan3A_323) -> (i32)  : i32 {
        %mul3A_472 = arith.constant 16 : i32
        %mul3A_473 = arith.muli %scan3A_470, %mul3A_472 : i32
        %get3A_474 = arith.index_cast %mul3A_473 : i32 to index
        %get3A_475 = tpu.vector_load %arg11[%get3A_474] {strides = array<i32>} : memref<4096xf32, #tpu.memory_space<vmem>>, vector<16xf32>,
        %le3A = vector.broadcast %while3A_322#0 : f32 to vector<16xf32>
        %le3A_476 = arith.cmpf ole, %get3A_475, %le3A : vector<16xf32>
        %jit3A = arith.constant 0.000000e+00 : f32
        %broadcast_in_dim3A_477 = vector.broadcast %jit3A : f32 to vector<16xf32>
        %select_n3A = arith.select %le3A_476, %get3A_475, %broadcast_in_dim3A_477 : vector<16xi1>, vector<16xf32>
        %bitcast3A = vector.bitcast %select_n3A : vector<16xf32> to vector<16xi32>
        %shift_right_logical3A = arith.constant 1 : i32
        %shift_right_logical3A_478 = vector.broadcast %shift_right_logical3A : i32 to vector<16xi32>
        %shift_right_logical3A_479 = arith.shrui %bitcast3A, %shift_right_logical3A_478 : vector<16xi32>
        %sub3A_480 = arith.constant 1597463007 : i32
        %sub3A_481 = vector.broadcast %sub3A_480 : i32 to vector<16xi32>
        %sub3A_482 = arith.subi %sub3A_481, %shift_right_logical3A_479 : vector<16xi32>
        %bitcast3A_483 = vector.bitcast %sub3A_482 : vector<16xi32> to vector<16xf32>
        %mul3A_484 = arith.constant 5.000000e-01 : f32
        %mul3A_485 = vector.broadcast %mul3A_484 : f32 to vector<16xf32>
        %mul3A_486 = arith.mulf %select_n3A, %mul3A_485 : vector<16xf32>
        %mul3A_487 = arith.mulf %mul3A_486, %bitcast3A_483 : vector<16xf32>
        %mul3A_488 = arith.mulf %mul3A_487, %bitcast3A_483 : vector<16xf32>
        %sub3A_489 = arith.constant 1.500000e+00 : f32
        %sub3A_490 = vector.broadcast %sub3A_489 : f32 to vector<16xf32>
        %sub3A_491 = arith.subf %sub3A_490, %mul3A_488 : vector<16xf32>
        %mul3A_492 = arith.mulf %bitcast3A_483, %sub3A_491 : vector<16xf32>
        %mul3A_493 = arith.mulf %mul3A_486, %mul3A_492 : vector<16xf32>
        %mul3A_494 = arith.mulf %mul3A_493, %mul3A_492 : vector<16xf32>
        %sub3A_495 = arith.constant 1.500000e+00 : f32
        %sub3A_496 = vector.broadcast %sub3A_495 : f32 to vector<16xf32>
        %sub3A_497 = arith.subf %sub3A_496, %mul3A_494 : vector<16xf32>
        %mul3A_498 = arith.mulf %mul3A_492, %sub3A_497 : vector<16xf32>
        %mul3A_499 = arith.mulf %mul3A_486, %mul3A_498 : vector<16xf32>
        %mul3A_500 = arith.mulf %mul3A_499, %mul3A_498 : vector<16xf32>
        %sub3A_501 = arith.constant 1.500000e+00 : f32
        %sub3A_502 = vector.broadcast %sub3A_501 : f32 to vector<16xf32>
        %sub3A_503 = arith.subf %sub3A_502, %mul3A_500 : vector<16xf32>
        %mul3A_504 = arith.mulf %mul3A_498, %sub3A_503 : vector<16xf32>
        %mul3A_505 = arith.mulf %select_n3A, %mul3A_504 : vector<16xf32>
        %swap3A = arith.index_cast %mul3A_473 : i32 to index
        %swap3A_506 = tpu.vector_load %arg12[%swap3A] {strides = array<i32>} : memref<4096xf32, #tpu.memory_space<vmem>>, vector<16xf32>,
        tpu.vector_store %arg12[%swap3A], %mul3A_505 {strides = array<i32>} : memref<4096xf32, #tpu.memory_space<vmem>>, vector<16xf32>,
        %scan3A_507 = arith.constant 0 : i32
        scf.yield %scan3A_507 : i32
      }
      %scan3A_329 = arith.constant 256 : i32
      "tpu.region"() ({
        %run_scoped3A = tpu.sem_alloc : memref<!tpu.dma_semaphore, #tpu.memory_space<semaphore_mem>>
        %dma_start3A = arith.constant 0 : i32
        %dma_start3A_470 = tpu.memref_slice %arg6[%add3A_303, %dma_start3A] : memref<4096x4096xf32, #tpu.memory_space<hbm>> -> memref<1x4096xf32, #tpu.memory_space<hbm>>
        %dma_start3A_471 = tpu.memref_squeeze %dma_start3A_470 : memref<1x4096xf32, #tpu.memory_space<hbm>> -> memref<4096xf32, #tpu.memory_space<hbm>>
        %dma_start3A_472 = arith.constant 0 : i32
        %dma_start3A_473 = tpu.memref_slice %arg6[%add3A_303, %dma_start3A_472] : memref<4096x4096xf32, #tpu.memory_space<hbm>> -> memref<1x4096xf32, #tpu.memory_space<hbm>>
        %dma_start3A_474 = tpu.memref_squeeze %dma_start3A_473 : memref<1x4096xf32, #tpu.memory_space<hbm>> -> memref<4096xf32, #tpu.memory_space<hbm>>
        tpu.enqueue_dma source(%arg12 : memref<4096xf32, #tpu.memory_space<vmem>>) target(%dma_start3A_474 : memref<4096xf32, #tpu.memory_space<hbm>>) target_semaphore(%run_scoped3A : memref<!tpu.dma_semaphore, #tpu.memory_space<semaphore_mem>>)
        %dma_wait3A = arith.constant 0 : i32
        %dma_wait3A_475 = tpu.memref_slice %arg6[%add3A_303, %dma_wait3A] : memref<4096x4096xf32, #tpu.memory_space<hbm>> -> memref<1x4096xf32, #tpu.memory_space<hbm>>
        %dma_wait3A_476 = tpu.memref_squeeze %dma_wait3A_475 : memref<1x4096xf32, #tpu.memory_space<hbm>> -> memref<4096xf32, #tpu.memory_space<hbm>>
        %dma_wait3A_477 = arith.constant 0 : i32
        %dma_wait3A_478 = tpu.memref_slice %arg6[%add3A_303, %dma_wait3A_477] : memref<4096x4096xf32, #tpu.memory_space<hbm>> -> memref<1x4096xf32, #tpu.memory_space<hbm>>
        %dma_wait3A_479 = tpu.memref_squeeze %dma_wait3A_478 : memref<1x4096xf32, #tpu.memory_space<hbm>> -> memref<4096xf32, #tpu.memory_space<hbm>>
        tpu.wait_dma2 semaphore(%run_scoped3A : memref<!tpu.dma_semaphore, #tpu.memory_space<semaphore_mem>>) src(%arg12 : memref<4096xf32, #tpu.memory_space<vmem>>) dst(%dma_wait3A_479 : memref<4096xf32, #tpu.memory_space<hbm>>)
        tpu.yield
      }) : () -> ()
      %add3A_330 = arith.constant 11 : i32
      %add3A_331 = arith.addi %add3A_18, %add3A_330 : i32
      %slice3A_332 = vector.extract_strided_slice %get3A_20 {offsets = [11], sizes = [1], strides = [1]} : vector<16xf32> to vector<1xf32>
      %squeeze3A_333 = vector.extract %slice3A_332[0] : f32 from vector<1xf32>
      %slice3A_334 = vector.extract_strided_slice %get3A_22 {offsets = [11], sizes = [1], strides = [1]} : vector<16xf32> to vector<1xf32>
      %squeeze3A_335 = vector.extract %slice3A_334[0] : f32 from vector<1xf32>
      %slice3A_336 = vector.extract_strided_slice %get3A_24 {offsets = [11], sizes = [1], strides = [1]} : vector<16xf32> to vector<1xf32>
      %squeeze3A_337 = vector.extract %slice3A_336[0] : f32 from vector<1xf32>
      %broadcast_in_dim3A_338 = arith.constant 0 : i32
      %broadcast_in_dim3A_339 = vector.broadcast %broadcast_in_dim3A_338 : i32 to vector<16xi32>
      %scan3A_340 = arith.constant 0 : i32
      %scan3A_341 = arith.constant 256 : i32
      %scan3A_342 = arith.addi %scan3A_340, %scan3A_341 : i32
      %scan3A_343 = arith.constant 1 : i32
      %scan3A_344 = scf.for %scan3A_470 = %scan3A_340 to %scan3A_342 step %scan3A_343 iter_args(%scan3A_471 = %broadcast_in_dim3A_339) -> (vector<16xi32>)  : i32 {
        %mul3A_472 = arith.constant 16 : i32
        %mul3A_473 = arith.muli %scan3A_470, %mul3A_472 : i32
        %get3A_474 = arith.index_cast %mul3A_473 : i32 to index
        %get3A_475 = tpu.vector_load %arg7[%get3A_474] {strides = array<i32>} : memref<4096xf32, #tpu.memory_space<vmem>>, vector<16xf32>,
        %sub3A_476 = vector.broadcast %squeeze3A_333 : f32 to vector<16xf32>
        %sub3A_477 = arith.subf %sub3A_476, %get3A_475 : vector<16xf32>
        %abs3A = math.absf %sub3A_477 : vector<16xf32>
        %sub3A_478 = vector.broadcast %squeeze3A : f32 to vector<16xf32>
        %sub3A_479 = arith.subf %sub3A_478, %abs3A : vector<16xf32>
        %min3A = arith.minimumf %abs3A, %sub3A_479 : vector<16xf32>
        %mul3A_480 = arith.mulf %min3A, %min3A : vector<16xf32>
        %get3A_481 = arith.index_cast %mul3A_473 : i32 to index
        %get3A_482 = tpu.vector_load %arg8[%get3A_481] {strides = array<i32>} : memref<4096xf32, #tpu.memory_space<vmem>>, vector<16xf32>,
        %sub3A_483 = vector.broadcast %squeeze3A_335 : f32 to vector<16xf32>
        %sub3A_484 = arith.subf %sub3A_483, %get3A_482 : vector<16xf32>
        %abs3A_485 = math.absf %sub3A_484 : vector<16xf32>
        %sub3A_486 = vector.broadcast %squeeze3A_3 : f32 to vector<16xf32>
        %sub3A_487 = arith.subf %sub3A_486, %abs3A_485 : vector<16xf32>
        %min3A_488 = arith.minimumf %abs3A_485, %sub3A_487 : vector<16xf32>
        %mul3A_489 = arith.mulf %min3A_488, %min3A_488 : vector<16xf32>
        %add3A_490 = arith.addf %mul3A_480, %mul3A_489 : vector<16xf32>
        %get3A_491 = arith.index_cast %mul3A_473 : i32 to index
        %get3A_492 = tpu.vector_load %arg9[%get3A_491] {strides = array<i32>} : memref<4096xf32, #tpu.memory_space<vmem>>, vector<16xf32>,
        %sub3A_493 = vector.broadcast %squeeze3A_337 : f32 to vector<16xf32>
        %sub3A_494 = arith.subf %sub3A_493, %get3A_492 : vector<16xf32>
        %abs3A_495 = math.absf %sub3A_494 : vector<16xf32>
        %sub3A_496 = vector.broadcast %squeeze3A_5 : f32 to vector<16xf32>
        %sub3A_497 = arith.subf %sub3A_496, %abs3A_495 : vector<16xf32>
        %min3A_498 = arith.minimumf %abs3A_495, %sub3A_497 : vector<16xf32>
        %mul3A_499 = arith.mulf %min3A_498, %min3A_498 : vector<16xf32>
        %add3A_500 = arith.addf %add3A_490, %mul3A_499 : vector<16xf32>
        %swap3A = arith.index_cast %mul3A_473 : i32 to index
        %swap3A_501 = tpu.vector_load %arg11[%swap3A] {strides = array<i32>} : memref<4096xf32, #tpu.memory_space<vmem>>, vector<16xf32>,
        tpu.vector_store %arg11[%swap3A], %add3A_500 {strides = array<i32>} : memref<4096xf32, #tpu.memory_space<vmem>>, vector<16xf32>,
        %le3A = vector.broadcast %scan3A_6 : f32 to vector<16xf32>
        %le3A_502 = arith.cmpf ole, %add3A_500, %le3A : vector<16xf32>
        %all_reduce_population_count3A = tpu.all_reduce %le3A_502 {dim = 0 : i64, kind = #tpu.reduction_kind<sum>} : vector<16xi1> -> vector<16xi32>
        %add3A_503 = arith.addi %scan3A_471, %all_reduce_population_count3A : vector<16xi32>
        scf.yield %add3A_503 : vector<16xi32>
      }
      %scan3A_345 = arith.constant 256 : i32
      %slice3A_346 = vector.extract_strided_slice %scan3A_344 {offsets = [0], sizes = [1], strides = [1]} : vector<16xi32> to vector<1xi32>
      %squeeze3A_347 = vector.extract %slice3A_346[0] : i32 from vector<1xi32>
      %sub3A_348 = arith.constant 1 : i32
      %sub3A_349 = arith.subi %squeeze3A_347, %sub3A_348 : i32
      %while3A_350:2 = scf.while (%while3A_470 = %scan3A_6, %while3A_471 = %sub3A_349) : (f32, i32) -> (f32, i32) {
        %lt3A = arith.constant 16 : i32
        %lt3A_472 = arith.cmpi slt, %while3A_471, %lt3A : i32
        scf.condition(%lt3A_472) %while3A_470, %while3A_471 : f32, i32
      } do {
      ^bb0(%while3A_470: f32, %while3A_471: i32):
        %broadcast_in_dim3A_472 = vector.broadcast %scan3A_7 : f32 to vector<16xf32>
        %scan3A_473 = arith.constant 0 : i32
        %scan3A_474 = arith.constant 256 : i32
        %scan3A_475 = arith.addi %scan3A_473, %scan3A_474 : i32
        %scan3A_476 = arith.constant 1 : i32
        %scan3A_477 = scf.for %scan3A_495 = %scan3A_473 to %scan3A_475 step %scan3A_476 iter_args(%scan3A_496 = %broadcast_in_dim3A_472) -> (vector<16xf32>)  : i32 {
          %mul3A_497 = arith.constant 16 : i32
          %mul3A_498 = arith.muli %scan3A_495, %mul3A_497 : i32
          %get3A_499 = arith.index_cast %mul3A_498 : i32 to index
          %get3A_500 = tpu.vector_load %arg11[%get3A_499] {strides = array<i32>} : memref<4096xf32, #tpu.memory_space<vmem>>, vector<16xf32>,
          %gt3A = vector.broadcast %while3A_470 : f32 to vector<16xf32>
          %gt3A_501 = arith.cmpf ogt, %get3A_500, %gt3A : vector<16xf32>
          %broadcast_in_dim3A_502 = vector.broadcast %scan3A_7 : f32 to vector<16xf32>
          %select_n3A = arith.select %gt3A_501, %get3A_500, %broadcast_in_dim3A_502 : vector<16xi1>, vector<16xf32>
          %min3A = arith.minimumf %scan3A_496, %select_n3A : vector<16xf32>
          scf.yield %min3A : vector<16xf32>
        }
        %scan3A_478 = arith.constant 256 : i32
        %masked_sort3A = arith.constant dense<true> : vector<16xi1>
        %masked_sort3A_479, %masked_sort3A_480, %masked_sort3A_481 = tpu.sort %scan3A_477, %scan3A_477 masked %masked_sort3A : (vector<16xf32>, vector<16xf32>, vector<16xi1>) -> (vector<16xi1>, vector<16xf32>, vector<16xf32>)
        %slice3A_482 = vector.extract_strided_slice %masked_sort3A_480 {offsets = [0], sizes = [1], strides = [1]} : vector<16xf32> to vector<1xf32>
        %squeeze3A_483 = vector.extract %slice3A_482[0] : f32 from vector<1xf32>
        %broadcast_in_dim3A_484 = arith.constant 0 : i32
        %broadcast_in_dim3A_485 = vector.broadcast %broadcast_in_dim3A_484 : i32 to vector<16xi32>
        %scan3A_486 = arith.constant 0 : i32
        %scan3A_487 = arith.constant 256 : i32
        %scan3A_488 = arith.addi %scan3A_486, %scan3A_487 : i32
        %scan3A_489 = arith.constant 1 : i32
        %scan3A_490 = scf.for %scan3A_495 = %scan3A_486 to %scan3A_488 step %scan3A_489 iter_args(%scan3A_496 = %broadcast_in_dim3A_485) -> (vector<16xi32>)  : i32 {
          %mul3A_497 = arith.constant 16 : i32
          %mul3A_498 = arith.muli %scan3A_495, %mul3A_497 : i32
          %get3A_499 = arith.index_cast %mul3A_498 : i32 to index
          %get3A_500 = tpu.vector_load %arg11[%get3A_499] {strides = array<i32>} : memref<4096xf32, #tpu.memory_space<vmem>>, vector<16xf32>,
          %eq3A = vector.broadcast %squeeze3A_483 : f32 to vector<16xf32>
          %eq3A_501 = arith.cmpf oeq, %get3A_500, %eq3A : vector<16xf32>
          %all_reduce_population_count3A = tpu.all_reduce %eq3A_501 {dim = 0 : i64, kind = #tpu.reduction_kind<sum>} : vector<16xi1> -> vector<16xi32>
          %add3A_502 = arith.addi %scan3A_496, %all_reduce_population_count3A : vector<16xi32>
          scf.yield %add3A_502 : vector<16xi32>
        }
        %scan3A_491 = arith.constant 256 : i32
        %slice3A_492 = vector.extract_strided_slice %scan3A_490 {offsets = [0], sizes = [1], strides = [1]} : vector<16xi32> to vector<1xi32>
        %squeeze3A_493 = vector.extract %slice3A_492[0] : i32 from vector<1xi32>
        %add3A_494 = arith.addi %while3A_471, %squeeze3A_493 : i32
        scf.yield %squeeze3A_483, %add3A_494 : f32, i32
      }
      %scan3A_351 = arith.constant 0 : i32
      %scan3A_352 = arith.constant 0 : i32
      %scan3A_353 = arith.constant 256 : i32
      %scan3A_354 = arith.addi %scan3A_352, %scan3A_353 : i32
      %scan3A_355 = arith.constant 1 : i32
      %scan3A_356 = scf.for %scan3A_470 = %scan3A_352 to %scan3A_354 step %scan3A_355 iter_args(%scan3A_471 = %scan3A_351) -> (i32)  : i32 {
        %mul3A_472 = arith.constant 16 : i32
        %mul3A_473 = arith.muli %scan3A_470, %mul3A_472 : i32
        %get3A_474 = arith.index_cast %mul3A_473 : i32 to index
        %get3A_475 = tpu.vector_load %arg11[%get3A_474] {strides = array<i32>} : memref<4096xf32, #tpu.memory_space<vmem>>, vector<16xf32>,
        %le3A = vector.broadcast %while3A_350#0 : f32 to vector<16xf32>
        %le3A_476 = arith.cmpf ole, %get3A_475, %le3A : vector<16xf32>
        %jit3A = arith.constant 0.000000e+00 : f32
        %broadcast_in_dim3A_477 = vector.broadcast %jit3A : f32 to vector<16xf32>
        %select_n3A = arith.select %le3A_476, %get3A_475, %broadcast_in_dim3A_477 : vector<16xi1>, vector<16xf32>
        %bitcast3A = vector.bitcast %select_n3A : vector<16xf32> to vector<16xi32>
        %shift_right_logical3A = arith.constant 1 : i32
        %shift_right_logical3A_478 = vector.broadcast %shift_right_logical3A : i32 to vector<16xi32>
        %shift_right_logical3A_479 = arith.shrui %bitcast3A, %shift_right_logical3A_478 : vector<16xi32>
        %sub3A_480 = arith.constant 1597463007 : i32
        %sub3A_481 = vector.broadcast %sub3A_480 : i32 to vector<16xi32>
        %sub3A_482 = arith.subi %sub3A_481, %shift_right_logical3A_479 : vector<16xi32>
        %bitcast3A_483 = vector.bitcast %sub3A_482 : vector<16xi32> to vector<16xf32>
        %mul3A_484 = arith.constant 5.000000e-01 : f32
        %mul3A_485 = vector.broadcast %mul3A_484 : f32 to vector<16xf32>
        %mul3A_486 = arith.mulf %select_n3A, %mul3A_485 : vector<16xf32>
        %mul3A_487 = arith.mulf %mul3A_486, %bitcast3A_483 : vector<16xf32>
        %mul3A_488 = arith.mulf %mul3A_487, %bitcast3A_483 : vector<16xf32>
        %sub3A_489 = arith.constant 1.500000e+00 : f32
        %sub3A_490 = vector.broadcast %sub3A_489 : f32 to vector<16xf32>
        %sub3A_491 = arith.subf %sub3A_490, %mul3A_488 : vector<16xf32>
        %mul3A_492 = arith.mulf %bitcast3A_483, %sub3A_491 : vector<16xf32>
        %mul3A_493 = arith.mulf %mul3A_486, %mul3A_492 : vector<16xf32>
        %mul3A_494 = arith.mulf %mul3A_493, %mul3A_492 : vector<16xf32>
        %sub3A_495 = arith.constant 1.500000e+00 : f32
        %sub3A_496 = vector.broadcast %sub3A_495 : f32 to vector<16xf32>
        %sub3A_497 = arith.subf %sub3A_496, %mul3A_494 : vector<16xf32>
        %mul3A_498 = arith.mulf %mul3A_492, %sub3A_497 : vector<16xf32>
        %mul3A_499 = arith.mulf %mul3A_486, %mul3A_498 : vector<16xf32>
        %mul3A_500 = arith.mulf %mul3A_499, %mul3A_498 : vector<16xf32>
        %sub3A_501 = arith.constant 1.500000e+00 : f32
        %sub3A_502 = vector.broadcast %sub3A_501 : f32 to vector<16xf32>
        %sub3A_503 = arith.subf %sub3A_502, %mul3A_500 : vector<16xf32>
        %mul3A_504 = arith.mulf %mul3A_498, %sub3A_503 : vector<16xf32>
        %mul3A_505 = arith.mulf %select_n3A, %mul3A_504 : vector<16xf32>
        %swap3A = arith.index_cast %mul3A_473 : i32 to index
        %swap3A_506 = tpu.vector_load %arg12[%swap3A] {strides = array<i32>} : memref<4096xf32, #tpu.memory_space<vmem>>, vector<16xf32>,
        tpu.vector_store %arg12[%swap3A], %mul3A_505 {strides = array<i32>} : memref<4096xf32, #tpu.memory_space<vmem>>, vector<16xf32>,
        %scan3A_507 = arith.constant 0 : i32
        scf.yield %scan3A_507 : i32
      }
      %scan3A_357 = arith.constant 256 : i32
      "tpu.region"() ({
        %run_scoped3A = tpu.sem_alloc : memref<!tpu.dma_semaphore, #tpu.memory_space<semaphore_mem>>
        %dma_start3A = arith.constant 0 : i32
        %dma_start3A_470 = tpu.memref_slice %arg6[%add3A_331, %dma_start3A] : memref<4096x4096xf32, #tpu.memory_space<hbm>> -> memref<1x4096xf32, #tpu.memory_space<hbm>>
        %dma_start3A_471 = tpu.memref_squeeze %dma_start3A_470 : memref<1x4096xf32, #tpu.memory_space<hbm>> -> memref<4096xf32, #tpu.memory_space<hbm>>
        %dma_start3A_472 = arith.constant 0 : i32
        %dma_start3A_473 = tpu.memref_slice %arg6[%add3A_331, %dma_start3A_472] : memref<4096x4096xf32, #tpu.memory_space<hbm>> -> memref<1x4096xf32, #tpu.memory_space<hbm>>
        %dma_start3A_474 = tpu.memref_squeeze %dma_start3A_473 : memref<1x4096xf32, #tpu.memory_space<hbm>> -> memref<4096xf32, #tpu.memory_space<hbm>>
        tpu.enqueue_dma source(%arg12 : memref<4096xf32, #tpu.memory_space<vmem>>) target(%dma_start3A_474 : memref<4096xf32, #tpu.memory_space<hbm>>) target_semaphore(%run_scoped3A : memref<!tpu.dma_semaphore, #tpu.memory_space<semaphore_mem>>)
        %dma_wait3A = arith.constant 0 : i32
        %dma_wait3A_475 = tpu.memref_slice %arg6[%add3A_331, %dma_wait3A] : memref<4096x4096xf32, #tpu.memory_space<hbm>> -> memref<1x4096xf32, #tpu.memory_space<hbm>>
        %dma_wait3A_476 = tpu.memref_squeeze %dma_wait3A_475 : memref<1x4096xf32, #tpu.memory_space<hbm>> -> memref<4096xf32, #tpu.memory_space<hbm>>
        %dma_wait3A_477 = arith.constant 0 : i32
        %dma_wait3A_478 = tpu.memref_slice %arg6[%add3A_331, %dma_wait3A_477] : memref<4096x4096xf32, #tpu.memory_space<hbm>> -> memref<1x4096xf32, #tpu.memory_space<hbm>>
        %dma_wait3A_479 = tpu.memref_squeeze %dma_wait3A_478 : memref<1x4096xf32, #tpu.memory_space<hbm>> -> memref<4096xf32, #tpu.memory_space<hbm>>
        tpu.wait_dma2 semaphore(%run_scoped3A : memref<!tpu.dma_semaphore, #tpu.memory_space<semaphore_mem>>) src(%arg12 : memref<4096xf32, #tpu.memory_space<vmem>>) dst(%dma_wait3A_479 : memref<4096xf32, #tpu.memory_space<hbm>>)
        tpu.yield
      }) : () -> ()
      %add3A_358 = arith.constant 12 : i32
      %add3A_359 = arith.addi %add3A_18, %add3A_358 : i32
      %slice3A_360 = vector.extract_strided_slice %get3A_20 {offsets = [12], sizes = [1], strides = [1]} : vector<16xf32> to vector<1xf32>
      %squeeze3A_361 = vector.extract %slice3A_360[0] : f32 from vector<1xf32>
      %slice3A_362 = vector.extract_strided_slice %get3A_22 {offsets = [12], sizes = [1], strides = [1]} : vector<16xf32> to vector<1xf32>
      %squeeze3A_363 = vector.extract %slice3A_362[0] : f32 from vector<1xf32>
      %slice3A_364 = vector.extract_strided_slice %get3A_24 {offsets = [12], sizes = [1], strides = [1]} : vector<16xf32> to vector<1xf32>
      %squeeze3A_365 = vector.extract %slice3A_364[0] : f32 from vector<1xf32>
      %broadcast_in_dim3A_366 = arith.constant 0 : i32
      %broadcast_in_dim3A_367 = vector.broadcast %broadcast_in_dim3A_366 : i32 to vector<16xi32>
      %scan3A_368 = arith.constant 0 : i32
      %scan3A_369 = arith.constant 256 : i32
      %scan3A_370 = arith.addi %scan3A_368, %scan3A_369 : i32
      %scan3A_371 = arith.constant 1 : i32
      %scan3A_372 = scf.for %scan3A_470 = %scan3A_368 to %scan3A_370 step %scan3A_371 iter_args(%scan3A_471 = %broadcast_in_dim3A_367) -> (vector<16xi32>)  : i32 {
        %mul3A_472 = arith.constant 16 : i32
        %mul3A_473 = arith.muli %scan3A_470, %mul3A_472 : i32
        %get3A_474 = arith.index_cast %mul3A_473 : i32 to index
        %get3A_475 = tpu.vector_load %arg7[%get3A_474] {strides = array<i32>} : memref<4096xf32, #tpu.memory_space<vmem>>, vector<16xf32>,
        %sub3A_476 = vector.broadcast %squeeze3A_361 : f32 to vector<16xf32>
        %sub3A_477 = arith.subf %sub3A_476, %get3A_475 : vector<16xf32>
        %abs3A = math.absf %sub3A_477 : vector<16xf32>
        %sub3A_478 = vector.broadcast %squeeze3A : f32 to vector<16xf32>
        %sub3A_479 = arith.subf %sub3A_478, %abs3A : vector<16xf32>
        %min3A = arith.minimumf %abs3A, %sub3A_479 : vector<16xf32>
        %mul3A_480 = arith.mulf %min3A, %min3A : vector<16xf32>
        %get3A_481 = arith.index_cast %mul3A_473 : i32 to index
        %get3A_482 = tpu.vector_load %arg8[%get3A_481] {strides = array<i32>} : memref<4096xf32, #tpu.memory_space<vmem>>, vector<16xf32>,
        %sub3A_483 = vector.broadcast %squeeze3A_363 : f32 to vector<16xf32>
        %sub3A_484 = arith.subf %sub3A_483, %get3A_482 : vector<16xf32>
        %abs3A_485 = math.absf %sub3A_484 : vector<16xf32>
        %sub3A_486 = vector.broadcast %squeeze3A_3 : f32 to vector<16xf32>
        %sub3A_487 = arith.subf %sub3A_486, %abs3A_485 : vector<16xf32>
        %min3A_488 = arith.minimumf %abs3A_485, %sub3A_487 : vector<16xf32>
        %mul3A_489 = arith.mulf %min3A_488, %min3A_488 : vector<16xf32>
        %add3A_490 = arith.addf %mul3A_480, %mul3A_489 : vector<16xf32>
        %get3A_491 = arith.index_cast %mul3A_473 : i32 to index
        %get3A_492 = tpu.vector_load %arg9[%get3A_491] {strides = array<i32>} : memref<4096xf32, #tpu.memory_space<vmem>>, vector<16xf32>,
        %sub3A_493 = vector.broadcast %squeeze3A_365 : f32 to vector<16xf32>
        %sub3A_494 = arith.subf %sub3A_493, %get3A_492 : vector<16xf32>
        %abs3A_495 = math.absf %sub3A_494 : vector<16xf32>
        %sub3A_496 = vector.broadcast %squeeze3A_5 : f32 to vector<16xf32>
        %sub3A_497 = arith.subf %sub3A_496, %abs3A_495 : vector<16xf32>
        %min3A_498 = arith.minimumf %abs3A_495, %sub3A_497 : vector<16xf32>
        %mul3A_499 = arith.mulf %min3A_498, %min3A_498 : vector<16xf32>
        %add3A_500 = arith.addf %add3A_490, %mul3A_499 : vector<16xf32>
        %swap3A = arith.index_cast %mul3A_473 : i32 to index
        %swap3A_501 = tpu.vector_load %arg11[%swap3A] {strides = array<i32>} : memref<4096xf32, #tpu.memory_space<vmem>>, vector<16xf32>,
        tpu.vector_store %arg11[%swap3A], %add3A_500 {strides = array<i32>} : memref<4096xf32, #tpu.memory_space<vmem>>, vector<16xf32>,
        %le3A = vector.broadcast %scan3A_6 : f32 to vector<16xf32>
        %le3A_502 = arith.cmpf ole, %add3A_500, %le3A : vector<16xf32>
        %all_reduce_population_count3A = tpu.all_reduce %le3A_502 {dim = 0 : i64, kind = #tpu.reduction_kind<sum>} : vector<16xi1> -> vector<16xi32>
        %add3A_503 = arith.addi %scan3A_471, %all_reduce_population_count3A : vector<16xi32>
        scf.yield %add3A_503 : vector<16xi32>
      }
      %scan3A_373 = arith.constant 256 : i32
      %slice3A_374 = vector.extract_strided_slice %scan3A_372 {offsets = [0], sizes = [1], strides = [1]} : vector<16xi32> to vector<1xi32>
      %squeeze3A_375 = vector.extract %slice3A_374[0] : i32 from vector<1xi32>
      %sub3A_376 = arith.constant 1 : i32
      %sub3A_377 = arith.subi %squeeze3A_375, %sub3A_376 : i32
      %while3A_378:2 = scf.while (%while3A_470 = %scan3A_6, %while3A_471 = %sub3A_377) : (f32, i32) -> (f32, i32) {
        %lt3A = arith.constant 16 : i32
        %lt3A_472 = arith.cmpi slt, %while3A_471, %lt3A : i32
        scf.condition(%lt3A_472) %while3A_470, %while3A_471 : f32, i32
      } do {
      ^bb0(%while3A_470: f32, %while3A_471: i32):
        %broadcast_in_dim3A_472 = vector.broadcast %scan3A_7 : f32 to vector<16xf32>
        %scan3A_473 = arith.constant 0 : i32
        %scan3A_474 = arith.constant 256 : i32
        %scan3A_475 = arith.addi %scan3A_473, %scan3A_474 : i32
        %scan3A_476 = arith.constant 1 : i32
        %scan3A_477 = scf.for %scan3A_495 = %scan3A_473 to %scan3A_475 step %scan3A_476 iter_args(%scan3A_496 = %broadcast_in_dim3A_472) -> (vector<16xf32>)  : i32 {
          %mul3A_497 = arith.constant 16 : i32
          %mul3A_498 = arith.muli %scan3A_495, %mul3A_497 : i32
          %get3A_499 = arith.index_cast %mul3A_498 : i32 to index
          %get3A_500 = tpu.vector_load %arg11[%get3A_499] {strides = array<i32>} : memref<4096xf32, #tpu.memory_space<vmem>>, vector<16xf32>,
          %gt3A = vector.broadcast %while3A_470 : f32 to vector<16xf32>
          %gt3A_501 = arith.cmpf ogt, %get3A_500, %gt3A : vector<16xf32>
          %broadcast_in_dim3A_502 = vector.broadcast %scan3A_7 : f32 to vector<16xf32>
          %select_n3A = arith.select %gt3A_501, %get3A_500, %broadcast_in_dim3A_502 : vector<16xi1>, vector<16xf32>
          %min3A = arith.minimumf %scan3A_496, %select_n3A : vector<16xf32>
          scf.yield %min3A : vector<16xf32>
        }
        %scan3A_478 = arith.constant 256 : i32
        %masked_sort3A = arith.constant dense<true> : vector<16xi1>
        %masked_sort3A_479, %masked_sort3A_480, %masked_sort3A_481 = tpu.sort %scan3A_477, %scan3A_477 masked %masked_sort3A : (vector<16xf32>, vector<16xf32>, vector<16xi1>) -> (vector<16xi1>, vector<16xf32>, vector<16xf32>)
        %slice3A_482 = vector.extract_strided_slice %masked_sort3A_480 {offsets = [0], sizes = [1], strides = [1]} : vector<16xf32> to vector<1xf32>
        %squeeze3A_483 = vector.extract %slice3A_482[0] : f32 from vector<1xf32>
        %broadcast_in_dim3A_484 = arith.constant 0 : i32
        %broadcast_in_dim3A_485 = vector.broadcast %broadcast_in_dim3A_484 : i32 to vector<16xi32>
        %scan3A_486 = arith.constant 0 : i32
        %scan3A_487 = arith.constant 256 : i32
        %scan3A_488 = arith.addi %scan3A_486, %scan3A_487 : i32
        %scan3A_489 = arith.constant 1 : i32
        %scan3A_490 = scf.for %scan3A_495 = %scan3A_486 to %scan3A_488 step %scan3A_489 iter_args(%scan3A_496 = %broadcast_in_dim3A_485) -> (vector<16xi32>)  : i32 {
          %mul3A_497 = arith.constant 16 : i32
          %mul3A_498 = arith.muli %scan3A_495, %mul3A_497 : i32
          %get3A_499 = arith.index_cast %mul3A_498 : i32 to index
          %get3A_500 = tpu.vector_load %arg11[%get3A_499] {strides = array<i32>} : memref<4096xf32, #tpu.memory_space<vmem>>, vector<16xf32>,
          %eq3A = vector.broadcast %squeeze3A_483 : f32 to vector<16xf32>
          %eq3A_501 = arith.cmpf oeq, %get3A_500, %eq3A : vector<16xf32>
          %all_reduce_population_count3A = tpu.all_reduce %eq3A_501 {dim = 0 : i64, kind = #tpu.reduction_kind<sum>} : vector<16xi1> -> vector<16xi32>
          %add3A_502 = arith.addi %scan3A_496, %all_reduce_population_count3A : vector<16xi32>
          scf.yield %add3A_502 : vector<16xi32>
        }
        %scan3A_491 = arith.constant 256 : i32
        %slice3A_492 = vector.extract_strided_slice %scan3A_490 {offsets = [0], sizes = [1], strides = [1]} : vector<16xi32> to vector<1xi32>
        %squeeze3A_493 = vector.extract %slice3A_492[0] : i32 from vector<1xi32>
        %add3A_494 = arith.addi %while3A_471, %squeeze3A_493 : i32
        scf.yield %squeeze3A_483, %add3A_494 : f32, i32
      }
      %scan3A_379 = arith.constant 0 : i32
      %scan3A_380 = arith.constant 0 : i32
      %scan3A_381 = arith.constant 256 : i32
      %scan3A_382 = arith.addi %scan3A_380, %scan3A_381 : i32
      %scan3A_383 = arith.constant 1 : i32
      %scan3A_384 = scf.for %scan3A_470 = %scan3A_380 to %scan3A_382 step %scan3A_383 iter_args(%scan3A_471 = %scan3A_379) -> (i32)  : i32 {
        %mul3A_472 = arith.constant 16 : i32
        %mul3A_473 = arith.muli %scan3A_470, %mul3A_472 : i32
        %get3A_474 = arith.index_cast %mul3A_473 : i32 to index
        %get3A_475 = tpu.vector_load %arg11[%get3A_474] {strides = array<i32>} : memref<4096xf32, #tpu.memory_space<vmem>>, vector<16xf32>,
        %le3A = vector.broadcast %while3A_378#0 : f32 to vector<16xf32>
        %le3A_476 = arith.cmpf ole, %get3A_475, %le3A : vector<16xf32>
        %jit3A = arith.constant 0.000000e+00 : f32
        %broadcast_in_dim3A_477 = vector.broadcast %jit3A : f32 to vector<16xf32>
        %select_n3A = arith.select %le3A_476, %get3A_475, %broadcast_in_dim3A_477 : vector<16xi1>, vector<16xf32>
        %bitcast3A = vector.bitcast %select_n3A : vector<16xf32> to vector<16xi32>
        %shift_right_logical3A = arith.constant 1 : i32
        %shift_right_logical3A_478 = vector.broadcast %shift_right_logical3A : i32 to vector<16xi32>
        %shift_right_logical3A_479 = arith.shrui %bitcast3A, %shift_right_logical3A_478 : vector<16xi32>
        %sub3A_480 = arith.constant 1597463007 : i32
        %sub3A_481 = vector.broadcast %sub3A_480 : i32 to vector<16xi32>
        %sub3A_482 = arith.subi %sub3A_481, %shift_right_logical3A_479 : vector<16xi32>
        %bitcast3A_483 = vector.bitcast %sub3A_482 : vector<16xi32> to vector<16xf32>
        %mul3A_484 = arith.constant 5.000000e-01 : f32
        %mul3A_485 = vector.broadcast %mul3A_484 : f32 to vector<16xf32>
        %mul3A_486 = arith.mulf %select_n3A, %mul3A_485 : vector<16xf32>
        %mul3A_487 = arith.mulf %mul3A_486, %bitcast3A_483 : vector<16xf32>
        %mul3A_488 = arith.mulf %mul3A_487, %bitcast3A_483 : vector<16xf32>
        %sub3A_489 = arith.constant 1.500000e+00 : f32
        %sub3A_490 = vector.broadcast %sub3A_489 : f32 to vector<16xf32>
        %sub3A_491 = arith.subf %sub3A_490, %mul3A_488 : vector<16xf32>
        %mul3A_492 = arith.mulf %bitcast3A_483, %sub3A_491 : vector<16xf32>
        %mul3A_493 = arith.mulf %mul3A_486, %mul3A_492 : vector<16xf32>
        %mul3A_494 = arith.mulf %mul3A_493, %mul3A_492 : vector<16xf32>
        %sub3A_495 = arith.constant 1.500000e+00 : f32
        %sub3A_496 = vector.broadcast %sub3A_495 : f32 to vector<16xf32>
        %sub3A_497 = arith.subf %sub3A_496, %mul3A_494 : vector<16xf32>
        %mul3A_498 = arith.mulf %mul3A_492, %sub3A_497 : vector<16xf32>
        %mul3A_499 = arith.mulf %mul3A_486, %mul3A_498 : vector<16xf32>
        %mul3A_500 = arith.mulf %mul3A_499, %mul3A_498 : vector<16xf32>
        %sub3A_501 = arith.constant 1.500000e+00 : f32
        %sub3A_502 = vector.broadcast %sub3A_501 : f32 to vector<16xf32>
        %sub3A_503 = arith.subf %sub3A_502, %mul3A_500 : vector<16xf32>
        %mul3A_504 = arith.mulf %mul3A_498, %sub3A_503 : vector<16xf32>
        %mul3A_505 = arith.mulf %select_n3A, %mul3A_504 : vector<16xf32>
        %swap3A = arith.index_cast %mul3A_473 : i32 to index
        %swap3A_506 = tpu.vector_load %arg12[%swap3A] {strides = array<i32>} : memref<4096xf32, #tpu.memory_space<vmem>>, vector<16xf32>,
        tpu.vector_store %arg12[%swap3A], %mul3A_505 {strides = array<i32>} : memref<4096xf32, #tpu.memory_space<vmem>>, vector<16xf32>,
        %scan3A_507 = arith.constant 0 : i32
        scf.yield %scan3A_507 : i32
      }
      %scan3A_385 = arith.constant 256 : i32
      "tpu.region"() ({
        %run_scoped3A = tpu.sem_alloc : memref<!tpu.dma_semaphore, #tpu.memory_space<semaphore_mem>>
        %dma_start3A = arith.constant 0 : i32
        %dma_start3A_470 = tpu.memref_slice %arg6[%add3A_359, %dma_start3A] : memref<4096x4096xf32, #tpu.memory_space<hbm>> -> memref<1x4096xf32, #tpu.memory_space<hbm>>
        %dma_start3A_471 = tpu.memref_squeeze %dma_start3A_470 : memref<1x4096xf32, #tpu.memory_space<hbm>> -> memref<4096xf32, #tpu.memory_space<hbm>>
        %dma_start3A_472 = arith.constant 0 : i32
        %dma_start3A_473 = tpu.memref_slice %arg6[%add3A_359, %dma_start3A_472] : memref<4096x4096xf32, #tpu.memory_space<hbm>> -> memref<1x4096xf32, #tpu.memory_space<hbm>>
        %dma_start3A_474 = tpu.memref_squeeze %dma_start3A_473 : memref<1x4096xf32, #tpu.memory_space<hbm>> -> memref<4096xf32, #tpu.memory_space<hbm>>
        tpu.enqueue_dma source(%arg12 : memref<4096xf32, #tpu.memory_space<vmem>>) target(%dma_start3A_474 : memref<4096xf32, #tpu.memory_space<hbm>>) target_semaphore(%run_scoped3A : memref<!tpu.dma_semaphore, #tpu.memory_space<semaphore_mem>>)
        %dma_wait3A = arith.constant 0 : i32
        %dma_wait3A_475 = tpu.memref_slice %arg6[%add3A_359, %dma_wait3A] : memref<4096x4096xf32, #tpu.memory_space<hbm>> -> memref<1x4096xf32, #tpu.memory_space<hbm>>
        %dma_wait3A_476 = tpu.memref_squeeze %dma_wait3A_475 : memref<1x4096xf32, #tpu.memory_space<hbm>> -> memref<4096xf32, #tpu.memory_space<hbm>>
        %dma_wait3A_477 = arith.constant 0 : i32
        %dma_wait3A_478 = tpu.memref_slice %arg6[%add3A_359, %dma_wait3A_477] : memref<4096x4096xf32, #tpu.memory_space<hbm>> -> memref<1x4096xf32, #tpu.memory_space<hbm>>
        %dma_wait3A_479 = tpu.memref_squeeze %dma_wait3A_478 : memref<1x4096xf32, #tpu.memory_space<hbm>> -> memref<4096xf32, #tpu.memory_space<hbm>>
        tpu.wait_dma2 semaphore(%run_scoped3A : memref<!tpu.dma_semaphore, #tpu.memory_space<semaphore_mem>>) src(%arg12 : memref<4096xf32, #tpu.memory_space<vmem>>) dst(%dma_wait3A_479 : memref<4096xf32, #tpu.memory_space<hbm>>)
        tpu.yield
      }) : () -> ()
      %add3A_386 = arith.constant 13 : i32
      %add3A_387 = arith.addi %add3A_18, %add3A_386 : i32
      %slice3A_388 = vector.extract_strided_slice %get3A_20 {offsets = [13], sizes = [1], strides = [1]} : vector<16xf32> to vector<1xf32>
      %squeeze3A_389 = vector.extract %slice3A_388[0] : f32 from vector<1xf32>
      %slice3A_390 = vector.extract_strided_slice %get3A_22 {offsets = [13], sizes = [1], strides = [1]} : vector<16xf32> to vector<1xf32>
      %squeeze3A_391 = vector.extract %slice3A_390[0] : f32 from vector<1xf32>
      %slice3A_392 = vector.extract_strided_slice %get3A_24 {offsets = [13], sizes = [1], strides = [1]} : vector<16xf32> to vector<1xf32>
      %squeeze3A_393 = vector.extract %slice3A_392[0] : f32 from vector<1xf32>
      %broadcast_in_dim3A_394 = arith.constant 0 : i32
      %broadcast_in_dim3A_395 = vector.broadcast %broadcast_in_dim3A_394 : i32 to vector<16xi32>
      %scan3A_396 = arith.constant 0 : i32
      %scan3A_397 = arith.constant 256 : i32
      %scan3A_398 = arith.addi %scan3A_396, %scan3A_397 : i32
      %scan3A_399 = arith.constant 1 : i32
      %scan3A_400 = scf.for %scan3A_470 = %scan3A_396 to %scan3A_398 step %scan3A_399 iter_args(%scan3A_471 = %broadcast_in_dim3A_395) -> (vector<16xi32>)  : i32 {
        %mul3A_472 = arith.constant 16 : i32
        %mul3A_473 = arith.muli %scan3A_470, %mul3A_472 : i32
        %get3A_474 = arith.index_cast %mul3A_473 : i32 to index
        %get3A_475 = tpu.vector_load %arg7[%get3A_474] {strides = array<i32>} : memref<4096xf32, #tpu.memory_space<vmem>>, vector<16xf32>,
        %sub3A_476 = vector.broadcast %squeeze3A_389 : f32 to vector<16xf32>
        %sub3A_477 = arith.subf %sub3A_476, %get3A_475 : vector<16xf32>
        %abs3A = math.absf %sub3A_477 : vector<16xf32>
        %sub3A_478 = vector.broadcast %squeeze3A : f32 to vector<16xf32>
        %sub3A_479 = arith.subf %sub3A_478, %abs3A : vector<16xf32>
        %min3A = arith.minimumf %abs3A, %sub3A_479 : vector<16xf32>
        %mul3A_480 = arith.mulf %min3A, %min3A : vector<16xf32>
        %get3A_481 = arith.index_cast %mul3A_473 : i32 to index
        %get3A_482 = tpu.vector_load %arg8[%get3A_481] {strides = array<i32>} : memref<4096xf32, #tpu.memory_space<vmem>>, vector<16xf32>,
        %sub3A_483 = vector.broadcast %squeeze3A_391 : f32 to vector<16xf32>
        %sub3A_484 = arith.subf %sub3A_483, %get3A_482 : vector<16xf32>
        %abs3A_485 = math.absf %sub3A_484 : vector<16xf32>
        %sub3A_486 = vector.broadcast %squeeze3A_3 : f32 to vector<16xf32>
        %sub3A_487 = arith.subf %sub3A_486, %abs3A_485 : vector<16xf32>
        %min3A_488 = arith.minimumf %abs3A_485, %sub3A_487 : vector<16xf32>
        %mul3A_489 = arith.mulf %min3A_488, %min3A_488 : vector<16xf32>
        %add3A_490 = arith.addf %mul3A_480, %mul3A_489 : vector<16xf32>
        %get3A_491 = arith.index_cast %mul3A_473 : i32 to index
        %get3A_492 = tpu.vector_load %arg9[%get3A_491] {strides = array<i32>} : memref<4096xf32, #tpu.memory_space<vmem>>, vector<16xf32>,
        %sub3A_493 = vector.broadcast %squeeze3A_393 : f32 to vector<16xf32>
        %sub3A_494 = arith.subf %sub3A_493, %get3A_492 : vector<16xf32>
        %abs3A_495 = math.absf %sub3A_494 : vector<16xf32>
        %sub3A_496 = vector.broadcast %squeeze3A_5 : f32 to vector<16xf32>
        %sub3A_497 = arith.subf %sub3A_496, %abs3A_495 : vector<16xf32>
        %min3A_498 = arith.minimumf %abs3A_495, %sub3A_497 : vector<16xf32>
        %mul3A_499 = arith.mulf %min3A_498, %min3A_498 : vector<16xf32>
        %add3A_500 = arith.addf %add3A_490, %mul3A_499 : vector<16xf32>
        %swap3A = arith.index_cast %mul3A_473 : i32 to index
        %swap3A_501 = tpu.vector_load %arg11[%swap3A] {strides = array<i32>} : memref<4096xf32, #tpu.memory_space<vmem>>, vector<16xf32>,
        tpu.vector_store %arg11[%swap3A], %add3A_500 {strides = array<i32>} : memref<4096xf32, #tpu.memory_space<vmem>>, vector<16xf32>,
        %le3A = vector.broadcast %scan3A_6 : f32 to vector<16xf32>
        %le3A_502 = arith.cmpf ole, %add3A_500, %le3A : vector<16xf32>
        %all_reduce_population_count3A = tpu.all_reduce %le3A_502 {dim = 0 : i64, kind = #tpu.reduction_kind<sum>} : vector<16xi1> -> vector<16xi32>
        %add3A_503 = arith.addi %scan3A_471, %all_reduce_population_count3A : vector<16xi32>
        scf.yield %add3A_503 : vector<16xi32>
      }
      %scan3A_401 = arith.constant 256 : i32
      %slice3A_402 = vector.extract_strided_slice %scan3A_400 {offsets = [0], sizes = [1], strides = [1]} : vector<16xi32> to vector<1xi32>
      %squeeze3A_403 = vector.extract %slice3A_402[0] : i32 from vector<1xi32>
      %sub3A_404 = arith.constant 1 : i32
      %sub3A_405 = arith.subi %squeeze3A_403, %sub3A_404 : i32
      %while3A_406:2 = scf.while (%while3A_470 = %scan3A_6, %while3A_471 = %sub3A_405) : (f32, i32) -> (f32, i32) {
        %lt3A = arith.constant 16 : i32
        %lt3A_472 = arith.cmpi slt, %while3A_471, %lt3A : i32
        scf.condition(%lt3A_472) %while3A_470, %while3A_471 : f32, i32
      } do {
      ^bb0(%while3A_470: f32, %while3A_471: i32):
        %broadcast_in_dim3A_472 = vector.broadcast %scan3A_7 : f32 to vector<16xf32>
        %scan3A_473 = arith.constant 0 : i32
        %scan3A_474 = arith.constant 256 : i32
        %scan3A_475 = arith.addi %scan3A_473, %scan3A_474 : i32
        %scan3A_476 = arith.constant 1 : i32
        %scan3A_477 = scf.for %scan3A_495 = %scan3A_473 to %scan3A_475 step %scan3A_476 iter_args(%scan3A_496 = %broadcast_in_dim3A_472) -> (vector<16xf32>)  : i32 {
          %mul3A_497 = arith.constant 16 : i32
          %mul3A_498 = arith.muli %scan3A_495, %mul3A_497 : i32
          %get3A_499 = arith.index_cast %mul3A_498 : i32 to index
          %get3A_500 = tpu.vector_load %arg11[%get3A_499] {strides = array<i32>} : memref<4096xf32, #tpu.memory_space<vmem>>, vector<16xf32>,
          %gt3A = vector.broadcast %while3A_470 : f32 to vector<16xf32>
          %gt3A_501 = arith.cmpf ogt, %get3A_500, %gt3A : vector<16xf32>
          %broadcast_in_dim3A_502 = vector.broadcast %scan3A_7 : f32 to vector<16xf32>
          %select_n3A = arith.select %gt3A_501, %get3A_500, %broadcast_in_dim3A_502 : vector<16xi1>, vector<16xf32>
          %min3A = arith.minimumf %scan3A_496, %select_n3A : vector<16xf32>
          scf.yield %min3A : vector<16xf32>
        }
        %scan3A_478 = arith.constant 256 : i32
        %masked_sort3A = arith.constant dense<true> : vector<16xi1>
        %masked_sort3A_479, %masked_sort3A_480, %masked_sort3A_481 = tpu.sort %scan3A_477, %scan3A_477 masked %masked_sort3A : (vector<16xf32>, vector<16xf32>, vector<16xi1>) -> (vector<16xi1>, vector<16xf32>, vector<16xf32>)
        %slice3A_482 = vector.extract_strided_slice %masked_sort3A_480 {offsets = [0], sizes = [1], strides = [1]} : vector<16xf32> to vector<1xf32>
        %squeeze3A_483 = vector.extract %slice3A_482[0] : f32 from vector<1xf32>
        %broadcast_in_dim3A_484 = arith.constant 0 : i32
        %broadcast_in_dim3A_485 = vector.broadcast %broadcast_in_dim3A_484 : i32 to vector<16xi32>
        %scan3A_486 = arith.constant 0 : i32
        %scan3A_487 = arith.constant 256 : i32
        %scan3A_488 = arith.addi %scan3A_486, %scan3A_487 : i32
        %scan3A_489 = arith.constant 1 : i32
        %scan3A_490 = scf.for %scan3A_495 = %scan3A_486 to %scan3A_488 step %scan3A_489 iter_args(%scan3A_496 = %broadcast_in_dim3A_485) -> (vector<16xi32>)  : i32 {
          %mul3A_497 = arith.constant 16 : i32
          %mul3A_498 = arith.muli %scan3A_495, %mul3A_497 : i32
          %get3A_499 = arith.index_cast %mul3A_498 : i32 to index
          %get3A_500 = tpu.vector_load %arg11[%get3A_499] {strides = array<i32>} : memref<4096xf32, #tpu.memory_space<vmem>>, vector<16xf32>,
          %eq3A = vector.broadcast %squeeze3A_483 : f32 to vector<16xf32>
          %eq3A_501 = arith.cmpf oeq, %get3A_500, %eq3A : vector<16xf32>
          %all_reduce_population_count3A = tpu.all_reduce %eq3A_501 {dim = 0 : i64, kind = #tpu.reduction_kind<sum>} : vector<16xi1> -> vector<16xi32>
          %add3A_502 = arith.addi %scan3A_496, %all_reduce_population_count3A : vector<16xi32>
          scf.yield %add3A_502 : vector<16xi32>
        }
        %scan3A_491 = arith.constant 256 : i32
        %slice3A_492 = vector.extract_strided_slice %scan3A_490 {offsets = [0], sizes = [1], strides = [1]} : vector<16xi32> to vector<1xi32>
        %squeeze3A_493 = vector.extract %slice3A_492[0] : i32 from vector<1xi32>
        %add3A_494 = arith.addi %while3A_471, %squeeze3A_493 : i32
        scf.yield %squeeze3A_483, %add3A_494 : f32, i32
      }
      %scan3A_407 = arith.constant 0 : i32
      %scan3A_408 = arith.constant 0 : i32
      %scan3A_409 = arith.constant 256 : i32
      %scan3A_410 = arith.addi %scan3A_408, %scan3A_409 : i32
      %scan3A_411 = arith.constant 1 : i32
      %scan3A_412 = scf.for %scan3A_470 = %scan3A_408 to %scan3A_410 step %scan3A_411 iter_args(%scan3A_471 = %scan3A_407) -> (i32)  : i32 {
        %mul3A_472 = arith.constant 16 : i32
        %mul3A_473 = arith.muli %scan3A_470, %mul3A_472 : i32
        %get3A_474 = arith.index_cast %mul3A_473 : i32 to index
        %get3A_475 = tpu.vector_load %arg11[%get3A_474] {strides = array<i32>} : memref<4096xf32, #tpu.memory_space<vmem>>, vector<16xf32>,
        %le3A = vector.broadcast %while3A_406#0 : f32 to vector<16xf32>
        %le3A_476 = arith.cmpf ole, %get3A_475, %le3A : vector<16xf32>
        %jit3A = arith.constant 0.000000e+00 : f32
        %broadcast_in_dim3A_477 = vector.broadcast %jit3A : f32 to vector<16xf32>
        %select_n3A = arith.select %le3A_476, %get3A_475, %broadcast_in_dim3A_477 : vector<16xi1>, vector<16xf32>
        %bitcast3A = vector.bitcast %select_n3A : vector<16xf32> to vector<16xi32>
        %shift_right_logical3A = arith.constant 1 : i32
        %shift_right_logical3A_478 = vector.broadcast %shift_right_logical3A : i32 to vector<16xi32>
        %shift_right_logical3A_479 = arith.shrui %bitcast3A, %shift_right_logical3A_478 : vector<16xi32>
        %sub3A_480 = arith.constant 1597463007 : i32
        %sub3A_481 = vector.broadcast %sub3A_480 : i32 to vector<16xi32>
        %sub3A_482 = arith.subi %sub3A_481, %shift_right_logical3A_479 : vector<16xi32>
        %bitcast3A_483 = vector.bitcast %sub3A_482 : vector<16xi32> to vector<16xf32>
        %mul3A_484 = arith.constant 5.000000e-01 : f32
        %mul3A_485 = vector.broadcast %mul3A_484 : f32 to vector<16xf32>
        %mul3A_486 = arith.mulf %select_n3A, %mul3A_485 : vector<16xf32>
        %mul3A_487 = arith.mulf %mul3A_486, %bitcast3A_483 : vector<16xf32>
        %mul3A_488 = arith.mulf %mul3A_487, %bitcast3A_483 : vector<16xf32>
        %sub3A_489 = arith.constant 1.500000e+00 : f32
        %sub3A_490 = vector.broadcast %sub3A_489 : f32 to vector<16xf32>
        %sub3A_491 = arith.subf %sub3A_490, %mul3A_488 : vector<16xf32>
        %mul3A_492 = arith.mulf %bitcast3A_483, %sub3A_491 : vector<16xf32>
        %mul3A_493 = arith.mulf %mul3A_486, %mul3A_492 : vector<16xf32>
        %mul3A_494 = arith.mulf %mul3A_493, %mul3A_492 : vector<16xf32>
        %sub3A_495 = arith.constant 1.500000e+00 : f32
        %sub3A_496 = vector.broadcast %sub3A_495 : f32 to vector<16xf32>
        %sub3A_497 = arith.subf %sub3A_496, %mul3A_494 : vector<16xf32>
        %mul3A_498 = arith.mulf %mul3A_492, %sub3A_497 : vector<16xf32>
        %mul3A_499 = arith.mulf %mul3A_486, %mul3A_498 : vector<16xf32>
        %mul3A_500 = arith.mulf %mul3A_499, %mul3A_498 : vector<16xf32>
        %sub3A_501 = arith.constant 1.500000e+00 : f32
        %sub3A_502 = vector.broadcast %sub3A_501 : f32 to vector<16xf32>
        %sub3A_503 = arith.subf %sub3A_502, %mul3A_500 : vector<16xf32>
        %mul3A_504 = arith.mulf %mul3A_498, %sub3A_503 : vector<16xf32>
        %mul3A_505 = arith.mulf %select_n3A, %mul3A_504 : vector<16xf32>
        %swap3A = arith.index_cast %mul3A_473 : i32 to index
        %swap3A_506 = tpu.vector_load %arg12[%swap3A] {strides = array<i32>} : memref<4096xf32, #tpu.memory_space<vmem>>, vector<16xf32>,
        tpu.vector_store %arg12[%swap3A], %mul3A_505 {strides = array<i32>} : memref<4096xf32, #tpu.memory_space<vmem>>, vector<16xf32>,
        %scan3A_507 = arith.constant 0 : i32
        scf.yield %scan3A_507 : i32
      }
      %scan3A_413 = arith.constant 256 : i32
      "tpu.region"() ({
        %run_scoped3A = tpu.sem_alloc : memref<!tpu.dma_semaphore, #tpu.memory_space<semaphore_mem>>
        %dma_start3A = arith.constant 0 : i32
        %dma_start3A_470 = tpu.memref_slice %arg6[%add3A_387, %dma_start3A] : memref<4096x4096xf32, #tpu.memory_space<hbm>> -> memref<1x4096xf32, #tpu.memory_space<hbm>>
        %dma_start3A_471 = tpu.memref_squeeze %dma_start3A_470 : memref<1x4096xf32, #tpu.memory_space<hbm>> -> memref<4096xf32, #tpu.memory_space<hbm>>
        %dma_start3A_472 = arith.constant 0 : i32
        %dma_start3A_473 = tpu.memref_slice %arg6[%add3A_387, %dma_start3A_472] : memref<4096x4096xf32, #tpu.memory_space<hbm>> -> memref<1x4096xf32, #tpu.memory_space<hbm>>
        %dma_start3A_474 = tpu.memref_squeeze %dma_start3A_473 : memref<1x4096xf32, #tpu.memory_space<hbm>> -> memref<4096xf32, #tpu.memory_space<hbm>>
        tpu.enqueue_dma source(%arg12 : memref<4096xf32, #tpu.memory_space<vmem>>) target(%dma_start3A_474 : memref<4096xf32, #tpu.memory_space<hbm>>) target_semaphore(%run_scoped3A : memref<!tpu.dma_semaphore, #tpu.memory_space<semaphore_mem>>)
        %dma_wait3A = arith.constant 0 : i32
        %dma_wait3A_475 = tpu.memref_slice %arg6[%add3A_387, %dma_wait3A] : memref<4096x4096xf32, #tpu.memory_space<hbm>> -> memref<1x4096xf32, #tpu.memory_space<hbm>>
        %dma_wait3A_476 = tpu.memref_squeeze %dma_wait3A_475 : memref<1x4096xf32, #tpu.memory_space<hbm>> -> memref<4096xf32, #tpu.memory_space<hbm>>
        %dma_wait3A_477 = arith.constant 0 : i32
        %dma_wait3A_478 = tpu.memref_slice %arg6[%add3A_387, %dma_wait3A_477] : memref<4096x4096xf32, #tpu.memory_space<hbm>> -> memref<1x4096xf32, #tpu.memory_space<hbm>>
        %dma_wait3A_479 = tpu.memref_squeeze %dma_wait3A_478 : memref<1x4096xf32, #tpu.memory_space<hbm>> -> memref<4096xf32, #tpu.memory_space<hbm>>
        tpu.wait_dma2 semaphore(%run_scoped3A : memref<!tpu.dma_semaphore, #tpu.memory_space<semaphore_mem>>) src(%arg12 : memref<4096xf32, #tpu.memory_space<vmem>>) dst(%dma_wait3A_479 : memref<4096xf32, #tpu.memory_space<hbm>>)
        tpu.yield
      }) : () -> ()
      %add3A_414 = arith.constant 14 : i32
      %add3A_415 = arith.addi %add3A_18, %add3A_414 : i32
      %slice3A_416 = vector.extract_strided_slice %get3A_20 {offsets = [14], sizes = [1], strides = [1]} : vector<16xf32> to vector<1xf32>
      %squeeze3A_417 = vector.extract %slice3A_416[0] : f32 from vector<1xf32>
      %slice3A_418 = vector.extract_strided_slice %get3A_22 {offsets = [14], sizes = [1], strides = [1]} : vector<16xf32> to vector<1xf32>
      %squeeze3A_419 = vector.extract %slice3A_418[0] : f32 from vector<1xf32>
      %slice3A_420 = vector.extract_strided_slice %get3A_24 {offsets = [14], sizes = [1], strides = [1]} : vector<16xf32> to vector<1xf32>
      %squeeze3A_421 = vector.extract %slice3A_420[0] : f32 from vector<1xf32>
      %broadcast_in_dim3A_422 = arith.constant 0 : i32
      %broadcast_in_dim3A_423 = vector.broadcast %broadcast_in_dim3A_422 : i32 to vector<16xi32>
      %scan3A_424 = arith.constant 0 : i32
      %scan3A_425 = arith.constant 256 : i32
      %scan3A_426 = arith.addi %scan3A_424, %scan3A_425 : i32
      %scan3A_427 = arith.constant 1 : i32
      %scan3A_428 = scf.for %scan3A_470 = %scan3A_424 to %scan3A_426 step %scan3A_427 iter_args(%scan3A_471 = %broadcast_in_dim3A_423) -> (vector<16xi32>)  : i32 {
        %mul3A_472 = arith.constant 16 : i32
        %mul3A_473 = arith.muli %scan3A_470, %mul3A_472 : i32
        %get3A_474 = arith.index_cast %mul3A_473 : i32 to index
        %get3A_475 = tpu.vector_load %arg7[%get3A_474] {strides = array<i32>} : memref<4096xf32, #tpu.memory_space<vmem>>, vector<16xf32>,
        %sub3A_476 = vector.broadcast %squeeze3A_417 : f32 to vector<16xf32>
        %sub3A_477 = arith.subf %sub3A_476, %get3A_475 : vector<16xf32>
        %abs3A = math.absf %sub3A_477 : vector<16xf32>
        %sub3A_478 = vector.broadcast %squeeze3A : f32 to vector<16xf32>
        %sub3A_479 = arith.subf %sub3A_478, %abs3A : vector<16xf32>
        %min3A = arith.minimumf %abs3A, %sub3A_479 : vector<16xf32>
        %mul3A_480 = arith.mulf %min3A, %min3A : vector<16xf32>
        %get3A_481 = arith.index_cast %mul3A_473 : i32 to index
        %get3A_482 = tpu.vector_load %arg8[%get3A_481] {strides = array<i32>} : memref<4096xf32, #tpu.memory_space<vmem>>, vector<16xf32>,
        %sub3A_483 = vector.broadcast %squeeze3A_419 : f32 to vector<16xf32>
        %sub3A_484 = arith.subf %sub3A_483, %get3A_482 : vector<16xf32>
        %abs3A_485 = math.absf %sub3A_484 : vector<16xf32>
        %sub3A_486 = vector.broadcast %squeeze3A_3 : f32 to vector<16xf32>
        %sub3A_487 = arith.subf %sub3A_486, %abs3A_485 : vector<16xf32>
        %min3A_488 = arith.minimumf %abs3A_485, %sub3A_487 : vector<16xf32>
        %mul3A_489 = arith.mulf %min3A_488, %min3A_488 : vector<16xf32>
        %add3A_490 = arith.addf %mul3A_480, %mul3A_489 : vector<16xf32>
        %get3A_491 = arith.index_cast %mul3A_473 : i32 to index
        %get3A_492 = tpu.vector_load %arg9[%get3A_491] {strides = array<i32>} : memref<4096xf32, #tpu.memory_space<vmem>>, vector<16xf32>,
        %sub3A_493 = vector.broadcast %squeeze3A_421 : f32 to vector<16xf32>
        %sub3A_494 = arith.subf %sub3A_493, %get3A_492 : vector<16xf32>
        %abs3A_495 = math.absf %sub3A_494 : vector<16xf32>
        %sub3A_496 = vector.broadcast %squeeze3A_5 : f32 to vector<16xf32>
        %sub3A_497 = arith.subf %sub3A_496, %abs3A_495 : vector<16xf32>
        %min3A_498 = arith.minimumf %abs3A_495, %sub3A_497 : vector<16xf32>
        %mul3A_499 = arith.mulf %min3A_498, %min3A_498 : vector<16xf32>
        %add3A_500 = arith.addf %add3A_490, %mul3A_499 : vector<16xf32>
        %swap3A = arith.index_cast %mul3A_473 : i32 to index
        %swap3A_501 = tpu.vector_load %arg11[%swap3A] {strides = array<i32>} : memref<4096xf32, #tpu.memory_space<vmem>>, vector<16xf32>,
        tpu.vector_store %arg11[%swap3A], %add3A_500 {strides = array<i32>} : memref<4096xf32, #tpu.memory_space<vmem>>, vector<16xf32>,
        %le3A = vector.broadcast %scan3A_6 : f32 to vector<16xf32>
        %le3A_502 = arith.cmpf ole, %add3A_500, %le3A : vector<16xf32>
        %all_reduce_population_count3A = tpu.all_reduce %le3A_502 {dim = 0 : i64, kind = #tpu.reduction_kind<sum>} : vector<16xi1> -> vector<16xi32>
        %add3A_503 = arith.addi %scan3A_471, %all_reduce_population_count3A : vector<16xi32>
        scf.yield %add3A_503 : vector<16xi32>
      }
      %scan3A_429 = arith.constant 256 : i32
      %slice3A_430 = vector.extract_strided_slice %scan3A_428 {offsets = [0], sizes = [1], strides = [1]} : vector<16xi32> to vector<1xi32>
      %squeeze3A_431 = vector.extract %slice3A_430[0] : i32 from vector<1xi32>
      %sub3A_432 = arith.constant 1 : i32
      %sub3A_433 = arith.subi %squeeze3A_431, %sub3A_432 : i32
      %while3A_434:2 = scf.while (%while3A_470 = %scan3A_6, %while3A_471 = %sub3A_433) : (f32, i32) -> (f32, i32) {
        %lt3A = arith.constant 16 : i32
        %lt3A_472 = arith.cmpi slt, %while3A_471, %lt3A : i32
        scf.condition(%lt3A_472) %while3A_470, %while3A_471 : f32, i32
      } do {
      ^bb0(%while3A_470: f32, %while3A_471: i32):
        %broadcast_in_dim3A_472 = vector.broadcast %scan3A_7 : f32 to vector<16xf32>
        %scan3A_473 = arith.constant 0 : i32
        %scan3A_474 = arith.constant 256 : i32
        %scan3A_475 = arith.addi %scan3A_473, %scan3A_474 : i32
        %scan3A_476 = arith.constant 1 : i32
        %scan3A_477 = scf.for %scan3A_495 = %scan3A_473 to %scan3A_475 step %scan3A_476 iter_args(%scan3A_496 = %broadcast_in_dim3A_472) -> (vector<16xf32>)  : i32 {
          %mul3A_497 = arith.constant 16 : i32
          %mul3A_498 = arith.muli %scan3A_495, %mul3A_497 : i32
          %get3A_499 = arith.index_cast %mul3A_498 : i32 to index
          %get3A_500 = tpu.vector_load %arg11[%get3A_499] {strides = array<i32>} : memref<4096xf32, #tpu.memory_space<vmem>>, vector<16xf32>,
          %gt3A = vector.broadcast %while3A_470 : f32 to vector<16xf32>
          %gt3A_501 = arith.cmpf ogt, %get3A_500, %gt3A : vector<16xf32>
          %broadcast_in_dim3A_502 = vector.broadcast %scan3A_7 : f32 to vector<16xf32>
          %select_n3A = arith.select %gt3A_501, %get3A_500, %broadcast_in_dim3A_502 : vector<16xi1>, vector<16xf32>
          %min3A = arith.minimumf %scan3A_496, %select_n3A : vector<16xf32>
          scf.yield %min3A : vector<16xf32>
        }
        %scan3A_478 = arith.constant 256 : i32
        %masked_sort3A = arith.constant dense<true> : vector<16xi1>
        %masked_sort3A_479, %masked_sort3A_480, %masked_sort3A_481 = tpu.sort %scan3A_477, %scan3A_477 masked %masked_sort3A : (vector<16xf32>, vector<16xf32>, vector<16xi1>) -> (vector<16xi1>, vector<16xf32>, vector<16xf32>)
        %slice3A_482 = vector.extract_strided_slice %masked_sort3A_480 {offsets = [0], sizes = [1], strides = [1]} : vector<16xf32> to vector<1xf32>
        %squeeze3A_483 = vector.extract %slice3A_482[0] : f32 from vector<1xf32>
        %broadcast_in_dim3A_484 = arith.constant 0 : i32
        %broadcast_in_dim3A_485 = vector.broadcast %broadcast_in_dim3A_484 : i32 to vector<16xi32>
        %scan3A_486 = arith.constant 0 : i32
        %scan3A_487 = arith.constant 256 : i32
        %scan3A_488 = arith.addi %scan3A_486, %scan3A_487 : i32
        %scan3A_489 = arith.constant 1 : i32
        %scan3A_490 = scf.for %scan3A_495 = %scan3A_486 to %scan3A_488 step %scan3A_489 iter_args(%scan3A_496 = %broadcast_in_dim3A_485) -> (vector<16xi32>)  : i32 {
          %mul3A_497 = arith.constant 16 : i32
          %mul3A_498 = arith.muli %scan3A_495, %mul3A_497 : i32
          %get3A_499 = arith.index_cast %mul3A_498 : i32 to index
          %get3A_500 = tpu.vector_load %arg11[%get3A_499] {strides = array<i32>} : memref<4096xf32, #tpu.memory_space<vmem>>, vector<16xf32>,
          %eq3A = vector.broadcast %squeeze3A_483 : f32 to vector<16xf32>
          %eq3A_501 = arith.cmpf oeq, %get3A_500, %eq3A : vector<16xf32>
          %all_reduce_population_count3A = tpu.all_reduce %eq3A_501 {dim = 0 : i64, kind = #tpu.reduction_kind<sum>} : vector<16xi1> -> vector<16xi32>
          %add3A_502 = arith.addi %scan3A_496, %all_reduce_population_count3A : vector<16xi32>
          scf.yield %add3A_502 : vector<16xi32>
        }
        %scan3A_491 = arith.constant 256 : i32
        %slice3A_492 = vector.extract_strided_slice %scan3A_490 {offsets = [0], sizes = [1], strides = [1]} : vector<16xi32> to vector<1xi32>
        %squeeze3A_493 = vector.extract %slice3A_492[0] : i32 from vector<1xi32>
        %add3A_494 = arith.addi %while3A_471, %squeeze3A_493 : i32
        scf.yield %squeeze3A_483, %add3A_494 : f32, i32
      }
      %scan3A_435 = arith.constant 0 : i32
      %scan3A_436 = arith.constant 0 : i32
      %scan3A_437 = arith.constant 256 : i32
      %scan3A_438 = arith.addi %scan3A_436, %scan3A_437 : i32
      %scan3A_439 = arith.constant 1 : i32
      %scan3A_440 = scf.for %scan3A_470 = %scan3A_436 to %scan3A_438 step %scan3A_439 iter_args(%scan3A_471 = %scan3A_435) -> (i32)  : i32 {
        %mul3A_472 = arith.constant 16 : i32
        %mul3A_473 = arith.muli %scan3A_470, %mul3A_472 : i32
        %get3A_474 = arith.index_cast %mul3A_473 : i32 to index
        %get3A_475 = tpu.vector_load %arg11[%get3A_474] {strides = array<i32>} : memref<4096xf32, #tpu.memory_space<vmem>>, vector<16xf32>,
        %le3A = vector.broadcast %while3A_434#0 : f32 to vector<16xf32>
        %le3A_476 = arith.cmpf ole, %get3A_475, %le3A : vector<16xf32>
        %jit3A = arith.constant 0.000000e+00 : f32
        %broadcast_in_dim3A_477 = vector.broadcast %jit3A : f32 to vector<16xf32>
        %select_n3A = arith.select %le3A_476, %get3A_475, %broadcast_in_dim3A_477 : vector<16xi1>, vector<16xf32>
        %bitcast3A = vector.bitcast %select_n3A : vector<16xf32> to vector<16xi32>
        %shift_right_logical3A = arith.constant 1 : i32
        %shift_right_logical3A_478 = vector.broadcast %shift_right_logical3A : i32 to vector<16xi32>
        %shift_right_logical3A_479 = arith.shrui %bitcast3A, %shift_right_logical3A_478 : vector<16xi32>
        %sub3A_480 = arith.constant 1597463007 : i32
        %sub3A_481 = vector.broadcast %sub3A_480 : i32 to vector<16xi32>
        %sub3A_482 = arith.subi %sub3A_481, %shift_right_logical3A_479 : vector<16xi32>
        %bitcast3A_483 = vector.bitcast %sub3A_482 : vector<16xi32> to vector<16xf32>
        %mul3A_484 = arith.constant 5.000000e-01 : f32
        %mul3A_485 = vector.broadcast %mul3A_484 : f32 to vector<16xf32>
        %mul3A_486 = arith.mulf %select_n3A, %mul3A_485 : vector<16xf32>
        %mul3A_487 = arith.mulf %mul3A_486, %bitcast3A_483 : vector<16xf32>
        %mul3A_488 = arith.mulf %mul3A_487, %bitcast3A_483 : vector<16xf32>
        %sub3A_489 = arith.constant 1.500000e+00 : f32
        %sub3A_490 = vector.broadcast %sub3A_489 : f32 to vector<16xf32>
        %sub3A_491 = arith.subf %sub3A_490, %mul3A_488 : vector<16xf32>
        %mul3A_492 = arith.mulf %bitcast3A_483, %sub3A_491 : vector<16xf32>
        %mul3A_493 = arith.mulf %mul3A_486, %mul3A_492 : vector<16xf32>
        %mul3A_494 = arith.mulf %mul3A_493, %mul3A_492 : vector<16xf32>
        %sub3A_495 = arith.constant 1.500000e+00 : f32
        %sub3A_496 = vector.broadcast %sub3A_495 : f32 to vector<16xf32>
        %sub3A_497 = arith.subf %sub3A_496, %mul3A_494 : vector<16xf32>
        %mul3A_498 = arith.mulf %mul3A_492, %sub3A_497 : vector<16xf32>
        %mul3A_499 = arith.mulf %mul3A_486, %mul3A_498 : vector<16xf32>
        %mul3A_500 = arith.mulf %mul3A_499, %mul3A_498 : vector<16xf32>
        %sub3A_501 = arith.constant 1.500000e+00 : f32
        %sub3A_502 = vector.broadcast %sub3A_501 : f32 to vector<16xf32>
        %sub3A_503 = arith.subf %sub3A_502, %mul3A_500 : vector<16xf32>
        %mul3A_504 = arith.mulf %mul3A_498, %sub3A_503 : vector<16xf32>
        %mul3A_505 = arith.mulf %select_n3A, %mul3A_504 : vector<16xf32>
        %swap3A = arith.index_cast %mul3A_473 : i32 to index
        %swap3A_506 = tpu.vector_load %arg12[%swap3A] {strides = array<i32>} : memref<4096xf32, #tpu.memory_space<vmem>>, vector<16xf32>,
        tpu.vector_store %arg12[%swap3A], %mul3A_505 {strides = array<i32>} : memref<4096xf32, #tpu.memory_space<vmem>>, vector<16xf32>,
        %scan3A_507 = arith.constant 0 : i32
        scf.yield %scan3A_507 : i32
      }
      %scan3A_441 = arith.constant 256 : i32
      "tpu.region"() ({
        %run_scoped3A = tpu.sem_alloc : memref<!tpu.dma_semaphore, #tpu.memory_space<semaphore_mem>>
        %dma_start3A = arith.constant 0 : i32
        %dma_start3A_470 = tpu.memref_slice %arg6[%add3A_415, %dma_start3A] : memref<4096x4096xf32, #tpu.memory_space<hbm>> -> memref<1x4096xf32, #tpu.memory_space<hbm>>
        %dma_start3A_471 = tpu.memref_squeeze %dma_start3A_470 : memref<1x4096xf32, #tpu.memory_space<hbm>> -> memref<4096xf32, #tpu.memory_space<hbm>>
        %dma_start3A_472 = arith.constant 0 : i32
        %dma_start3A_473 = tpu.memref_slice %arg6[%add3A_415, %dma_start3A_472] : memref<4096x4096xf32, #tpu.memory_space<hbm>> -> memref<1x4096xf32, #tpu.memory_space<hbm>>
        %dma_start3A_474 = tpu.memref_squeeze %dma_start3A_473 : memref<1x4096xf32, #tpu.memory_space<hbm>> -> memref<4096xf32, #tpu.memory_space<hbm>>
        tpu.enqueue_dma source(%arg12 : memref<4096xf32, #tpu.memory_space<vmem>>) target(%dma_start3A_474 : memref<4096xf32, #tpu.memory_space<hbm>>) target_semaphore(%run_scoped3A : memref<!tpu.dma_semaphore, #tpu.memory_space<semaphore_mem>>)
        %dma_wait3A = arith.constant 0 : i32
        %dma_wait3A_475 = tpu.memref_slice %arg6[%add3A_415, %dma_wait3A] : memref<4096x4096xf32, #tpu.memory_space<hbm>> -> memref<1x4096xf32, #tpu.memory_space<hbm>>
        %dma_wait3A_476 = tpu.memref_squeeze %dma_wait3A_475 : memref<1x4096xf32, #tpu.memory_space<hbm>> -> memref<4096xf32, #tpu.memory_space<hbm>>
        %dma_wait3A_477 = arith.constant 0 : i32
        %dma_wait3A_478 = tpu.memref_slice %arg6[%add3A_415, %dma_wait3A_477] : memref<4096x4096xf32, #tpu.memory_space<hbm>> -> memref<1x4096xf32, #tpu.memory_space<hbm>>
        %dma_wait3A_479 = tpu.memref_squeeze %dma_wait3A_478 : memref<1x4096xf32, #tpu.memory_space<hbm>> -> memref<4096xf32, #tpu.memory_space<hbm>>
        tpu.wait_dma2 semaphore(%run_scoped3A : memref<!tpu.dma_semaphore, #tpu.memory_space<semaphore_mem>>) src(%arg12 : memref<4096xf32, #tpu.memory_space<vmem>>) dst(%dma_wait3A_479 : memref<4096xf32, #tpu.memory_space<hbm>>)
        tpu.yield
      }) : () -> ()
      %add3A_442 = arith.constant 15 : i32
      %add3A_443 = arith.addi %add3A_18, %add3A_442 : i32
      %slice3A_444 = vector.extract_strided_slice %get3A_20 {offsets = [15], sizes = [1], strides = [1]} : vector<16xf32> to vector<1xf32>
      %squeeze3A_445 = vector.extract %slice3A_444[0] : f32 from vector<1xf32>
      %slice3A_446 = vector.extract_strided_slice %get3A_22 {offsets = [15], sizes = [1], strides = [1]} : vector<16xf32> to vector<1xf32>
      %squeeze3A_447 = vector.extract %slice3A_446[0] : f32 from vector<1xf32>
      %slice3A_448 = vector.extract_strided_slice %get3A_24 {offsets = [15], sizes = [1], strides = [1]} : vector<16xf32> to vector<1xf32>
      %squeeze3A_449 = vector.extract %slice3A_448[0] : f32 from vector<1xf32>
      %broadcast_in_dim3A_450 = arith.constant 0 : i32
      %broadcast_in_dim3A_451 = vector.broadcast %broadcast_in_dim3A_450 : i32 to vector<16xi32>
      %scan3A_452 = arith.constant 0 : i32
      %scan3A_453 = arith.constant 256 : i32
      %scan3A_454 = arith.addi %scan3A_452, %scan3A_453 : i32
      %scan3A_455 = arith.constant 1 : i32
      %scan3A_456 = scf.for %scan3A_470 = %scan3A_452 to %scan3A_454 step %scan3A_455 iter_args(%scan3A_471 = %broadcast_in_dim3A_451) -> (vector<16xi32>)  : i32 {
        %mul3A_472 = arith.constant 16 : i32
        %mul3A_473 = arith.muli %scan3A_470, %mul3A_472 : i32
        %get3A_474 = arith.index_cast %mul3A_473 : i32 to index
        %get3A_475 = tpu.vector_load %arg7[%get3A_474] {strides = array<i32>} : memref<4096xf32, #tpu.memory_space<vmem>>, vector<16xf32>,
        %sub3A_476 = vector.broadcast %squeeze3A_445 : f32 to vector<16xf32>
        %sub3A_477 = arith.subf %sub3A_476, %get3A_475 : vector<16xf32>
        %abs3A = math.absf %sub3A_477 : vector<16xf32>
        %sub3A_478 = vector.broadcast %squeeze3A : f32 to vector<16xf32>
        %sub3A_479 = arith.subf %sub3A_478, %abs3A : vector<16xf32>
        %min3A = arith.minimumf %abs3A, %sub3A_479 : vector<16xf32>
        %mul3A_480 = arith.mulf %min3A, %min3A : vector<16xf32>
        %get3A_481 = arith.index_cast %mul3A_473 : i32 to index
        %get3A_482 = tpu.vector_load %arg8[%get3A_481] {strides = array<i32>} : memref<4096xf32, #tpu.memory_space<vmem>>, vector<16xf32>,
        %sub3A_483 = vector.broadcast %squeeze3A_447 : f32 to vector<16xf32>
        %sub3A_484 = arith.subf %sub3A_483, %get3A_482 : vector<16xf32>
        %abs3A_485 = math.absf %sub3A_484 : vector<16xf32>
        %sub3A_486 = vector.broadcast %squeeze3A_3 : f32 to vector<16xf32>
        %sub3A_487 = arith.subf %sub3A_486, %abs3A_485 : vector<16xf32>
        %min3A_488 = arith.minimumf %abs3A_485, %sub3A_487 : vector<16xf32>
        %mul3A_489 = arith.mulf %min3A_488, %min3A_488 : vector<16xf32>
        %add3A_490 = arith.addf %mul3A_480, %mul3A_489 : vector<16xf32>
        %get3A_491 = arith.index_cast %mul3A_473 : i32 to index
        %get3A_492 = tpu.vector_load %arg9[%get3A_491] {strides = array<i32>} : memref<4096xf32, #tpu.memory_space<vmem>>, vector<16xf32>,
        %sub3A_493 = vector.broadcast %squeeze3A_449 : f32 to vector<16xf32>
        %sub3A_494 = arith.subf %sub3A_493, %get3A_492 : vector<16xf32>
        %abs3A_495 = math.absf %sub3A_494 : vector<16xf32>
        %sub3A_496 = vector.broadcast %squeeze3A_5 : f32 to vector<16xf32>
        %sub3A_497 = arith.subf %sub3A_496, %abs3A_495 : vector<16xf32>
        %min3A_498 = arith.minimumf %abs3A_495, %sub3A_497 : vector<16xf32>
        %mul3A_499 = arith.mulf %min3A_498, %min3A_498 : vector<16xf32>
        %add3A_500 = arith.addf %add3A_490, %mul3A_499 : vector<16xf32>
        %swap3A = arith.index_cast %mul3A_473 : i32 to index
        %swap3A_501 = tpu.vector_load %arg11[%swap3A] {strides = array<i32>} : memref<4096xf32, #tpu.memory_space<vmem>>, vector<16xf32>,
        tpu.vector_store %arg11[%swap3A], %add3A_500 {strides = array<i32>} : memref<4096xf32, #tpu.memory_space<vmem>>, vector<16xf32>,
        %le3A = vector.broadcast %scan3A_6 : f32 to vector<16xf32>
        %le3A_502 = arith.cmpf ole, %add3A_500, %le3A : vector<16xf32>
        %all_reduce_population_count3A = tpu.all_reduce %le3A_502 {dim = 0 : i64, kind = #tpu.reduction_kind<sum>} : vector<16xi1> -> vector<16xi32>
        %add3A_503 = arith.addi %scan3A_471, %all_reduce_population_count3A : vector<16xi32>
        scf.yield %add3A_503 : vector<16xi32>
      }
      %scan3A_457 = arith.constant 256 : i32
      %slice3A_458 = vector.extract_strided_slice %scan3A_456 {offsets = [0], sizes = [1], strides = [1]} : vector<16xi32> to vector<1xi32>
      %squeeze3A_459 = vector.extract %slice3A_458[0] : i32 from vector<1xi32>
      %sub3A_460 = arith.constant 1 : i32
      %sub3A_461 = arith.subi %squeeze3A_459, %sub3A_460 : i32
      %while3A_462:2 = scf.while (%while3A_470 = %scan3A_6, %while3A_471 = %sub3A_461) : (f32, i32) -> (f32, i32) {
        %lt3A = arith.constant 16 : i32
        %lt3A_472 = arith.cmpi slt, %while3A_471, %lt3A : i32
        scf.condition(%lt3A_472) %while3A_470, %while3A_471 : f32, i32
      } do {
      ^bb0(%while3A_470: f32, %while3A_471: i32):
        %broadcast_in_dim3A_472 = vector.broadcast %scan3A_7 : f32 to vector<16xf32>
        %scan3A_473 = arith.constant 0 : i32
        %scan3A_474 = arith.constant 256 : i32
        %scan3A_475 = arith.addi %scan3A_473, %scan3A_474 : i32
        %scan3A_476 = arith.constant 1 : i32
        %scan3A_477 = scf.for %scan3A_495 = %scan3A_473 to %scan3A_475 step %scan3A_476 iter_args(%scan3A_496 = %broadcast_in_dim3A_472) -> (vector<16xf32>)  : i32 {
          %mul3A_497 = arith.constant 16 : i32
          %mul3A_498 = arith.muli %scan3A_495, %mul3A_497 : i32
          %get3A_499 = arith.index_cast %mul3A_498 : i32 to index
          %get3A_500 = tpu.vector_load %arg11[%get3A_499] {strides = array<i32>} : memref<4096xf32, #tpu.memory_space<vmem>>, vector<16xf32>,
          %gt3A = vector.broadcast %while3A_470 : f32 to vector<16xf32>
          %gt3A_501 = arith.cmpf ogt, %get3A_500, %gt3A : vector<16xf32>
          %broadcast_in_dim3A_502 = vector.broadcast %scan3A_7 : f32 to vector<16xf32>
          %select_n3A = arith.select %gt3A_501, %get3A_500, %broadcast_in_dim3A_502 : vector<16xi1>, vector<16xf32>
          %min3A = arith.minimumf %scan3A_496, %select_n3A : vector<16xf32>
          scf.yield %min3A : vector<16xf32>
        }
        %scan3A_478 = arith.constant 256 : i32
        %masked_sort3A = arith.constant dense<true> : vector<16xi1>
        %masked_sort3A_479, %masked_sort3A_480, %masked_sort3A_481 = tpu.sort %scan3A_477, %scan3A_477 masked %masked_sort3A : (vector<16xf32>, vector<16xf32>, vector<16xi1>) -> (vector<16xi1>, vector<16xf32>, vector<16xf32>)
        %slice3A_482 = vector.extract_strided_slice %masked_sort3A_480 {offsets = [0], sizes = [1], strides = [1]} : vector<16xf32> to vector<1xf32>
        %squeeze3A_483 = vector.extract %slice3A_482[0] : f32 from vector<1xf32>
        %broadcast_in_dim3A_484 = arith.constant 0 : i32
        %broadcast_in_dim3A_485 = vector.broadcast %broadcast_in_dim3A_484 : i32 to vector<16xi32>
        %scan3A_486 = arith.constant 0 : i32
        %scan3A_487 = arith.constant 256 : i32
        %scan3A_488 = arith.addi %scan3A_486, %scan3A_487 : i32
        %scan3A_489 = arith.constant 1 : i32
        %scan3A_490 = scf.for %scan3A_495 = %scan3A_486 to %scan3A_488 step %scan3A_489 iter_args(%scan3A_496 = %broadcast_in_dim3A_485) -> (vector<16xi32>)  : i32 {
          %mul3A_497 = arith.constant 16 : i32
          %mul3A_498 = arith.muli %scan3A_495, %mul3A_497 : i32
          %get3A_499 = arith.index_cast %mul3A_498 : i32 to index
          %get3A_500 = tpu.vector_load %arg11[%get3A_499] {strides = array<i32>} : memref<4096xf32, #tpu.memory_space<vmem>>, vector<16xf32>,
          %eq3A = vector.broadcast %squeeze3A_483 : f32 to vector<16xf32>
          %eq3A_501 = arith.cmpf oeq, %get3A_500, %eq3A : vector<16xf32>
          %all_reduce_population_count3A = tpu.all_reduce %eq3A_501 {dim = 0 : i64, kind = #tpu.reduction_kind<sum>} : vector<16xi1> -> vector<16xi32>
          %add3A_502 = arith.addi %scan3A_496, %all_reduce_population_count3A : vector<16xi32>
          scf.yield %add3A_502 : vector<16xi32>
        }
        %scan3A_491 = arith.constant 256 : i32
        %slice3A_492 = vector.extract_strided_slice %scan3A_490 {offsets = [0], sizes = [1], strides = [1]} : vector<16xi32> to vector<1xi32>
        %squeeze3A_493 = vector.extract %slice3A_492[0] : i32 from vector<1xi32>
        %add3A_494 = arith.addi %while3A_471, %squeeze3A_493 : i32
        scf.yield %squeeze3A_483, %add3A_494 : f32, i32
      }
      %scan3A_463 = arith.constant 0 : i32
      %scan3A_464 = arith.constant 0 : i32
      %scan3A_465 = arith.constant 256 : i32
      %scan3A_466 = arith.addi %scan3A_464, %scan3A_465 : i32
      %scan3A_467 = arith.constant 1 : i32
      %scan3A_468 = scf.for %scan3A_470 = %scan3A_464 to %scan3A_466 step %scan3A_467 iter_args(%scan3A_471 = %scan3A_463) -> (i32)  : i32 {
        %mul3A_472 = arith.constant 16 : i32
        %mul3A_473 = arith.muli %scan3A_470, %mul3A_472 : i32
        %get3A_474 = arith.index_cast %mul3A_473 : i32 to index
        %get3A_475 = tpu.vector_load %arg11[%get3A_474] {strides = array<i32>} : memref<4096xf32, #tpu.memory_space<vmem>>, vector<16xf32>,
        %le3A = vector.broadcast %while3A_462#0 : f32 to vector<16xf32>
        %le3A_476 = arith.cmpf ole, %get3A_475, %le3A : vector<16xf32>
        %jit3A = arith.constant 0.000000e+00 : f32
        %broadcast_in_dim3A_477 = vector.broadcast %jit3A : f32 to vector<16xf32>
        %select_n3A = arith.select %le3A_476, %get3A_475, %broadcast_in_dim3A_477 : vector<16xi1>, vector<16xf32>
        %bitcast3A = vector.bitcast %select_n3A : vector<16xf32> to vector<16xi32>
        %shift_right_logical3A = arith.constant 1 : i32
        %shift_right_logical3A_478 = vector.broadcast %shift_right_logical3A : i32 to vector<16xi32>
        %shift_right_logical3A_479 = arith.shrui %bitcast3A, %shift_right_logical3A_478 : vector<16xi32>
        %sub3A_480 = arith.constant 1597463007 : i32
        %sub3A_481 = vector.broadcast %sub3A_480 : i32 to vector<16xi32>
        %sub3A_482 = arith.subi %sub3A_481, %shift_right_logical3A_479 : vector<16xi32>
        %bitcast3A_483 = vector.bitcast %sub3A_482 : vector<16xi32> to vector<16xf32>
        %mul3A_484 = arith.constant 5.000000e-01 : f32
        %mul3A_485 = vector.broadcast %mul3A_484 : f32 to vector<16xf32>
        %mul3A_486 = arith.mulf %select_n3A, %mul3A_485 : vector<16xf32>
        %mul3A_487 = arith.mulf %mul3A_486, %bitcast3A_483 : vector<16xf32>
        %mul3A_488 = arith.mulf %mul3A_487, %bitcast3A_483 : vector<16xf32>
        %sub3A_489 = arith.constant 1.500000e+00 : f32
        %sub3A_490 = vector.broadcast %sub3A_489 : f32 to vector<16xf32>
        %sub3A_491 = arith.subf %sub3A_490, %mul3A_488 : vector<16xf32>
        %mul3A_492 = arith.mulf %bitcast3A_483, %sub3A_491 : vector<16xf32>
        %mul3A_493 = arith.mulf %mul3A_486, %mul3A_492 : vector<16xf32>
        %mul3A_494 = arith.mulf %mul3A_493, %mul3A_492 : vector<16xf32>
        %sub3A_495 = arith.constant 1.500000e+00 : f32
        %sub3A_496 = vector.broadcast %sub3A_495 : f32 to vector<16xf32>
        %sub3A_497 = arith.subf %sub3A_496, %mul3A_494 : vector<16xf32>
        %mul3A_498 = arith.mulf %mul3A_492, %sub3A_497 : vector<16xf32>
        %mul3A_499 = arith.mulf %mul3A_486, %mul3A_498 : vector<16xf32>
        %mul3A_500 = arith.mulf %mul3A_499, %mul3A_498 : vector<16xf32>
        %sub3A_501 = arith.constant 1.500000e+00 : f32
        %sub3A_502 = vector.broadcast %sub3A_501 : f32 to vector<16xf32>
        %sub3A_503 = arith.subf %sub3A_502, %mul3A_500 : vector<16xf32>
        %mul3A_504 = arith.mulf %mul3A_498, %sub3A_503 : vector<16xf32>
        %mul3A_505 = arith.mulf %select_n3A, %mul3A_504 : vector<16xf32>
        %swap3A = arith.index_cast %mul3A_473 : i32 to index
        %swap3A_506 = tpu.vector_load %arg12[%swap3A] {strides = array<i32>} : memref<4096xf32, #tpu.memory_space<vmem>>, vector<16xf32>,
        tpu.vector_store %arg12[%swap3A], %mul3A_505 {strides = array<i32>} : memref<4096xf32, #tpu.memory_space<vmem>>, vector<16xf32>,
        %scan3A_507 = arith.constant 0 : i32
        scf.yield %scan3A_507 : i32
      }
      %scan3A_469 = arith.constant 256 : i32
      "tpu.region"() ({
        %run_scoped3A = tpu.sem_alloc : memref<!tpu.dma_semaphore, #tpu.memory_space<semaphore_mem>>
        %dma_start3A = arith.constant 0 : i32
        %dma_start3A_470 = tpu.memref_slice %arg6[%add3A_443, %dma_start3A] : memref<4096x4096xf32, #tpu.memory_space<hbm>> -> memref<1x4096xf32, #tpu.memory_space<hbm>>
        %dma_start3A_471 = tpu.memref_squeeze %dma_start3A_470 : memref<1x4096xf32, #tpu.memory_space<hbm>> -> memref<4096xf32, #tpu.memory_space<hbm>>
        %dma_start3A_472 = arith.constant 0 : i32
        %dma_start3A_473 = tpu.memref_slice %arg6[%add3A_443, %dma_start3A_472] : memref<4096x4096xf32, #tpu.memory_space<hbm>> -> memref<1x4096xf32, #tpu.memory_space<hbm>>
        %dma_start3A_474 = tpu.memref_squeeze %dma_start3A_473 : memref<1x4096xf32, #tpu.memory_space<hbm>> -> memref<4096xf32, #tpu.memory_space<hbm>>
        tpu.enqueue_dma source(%arg12 : memref<4096xf32, #tpu.memory_space<vmem>>) target(%dma_start3A_474 : memref<4096xf32, #tpu.memory_space<hbm>>) target_semaphore(%run_scoped3A : memref<!tpu.dma_semaphore, #tpu.memory_space<semaphore_mem>>)
        %dma_wait3A = arith.constant 0 : i32
        %dma_wait3A_475 = tpu.memref_slice %arg6[%add3A_443, %dma_wait3A] : memref<4096x4096xf32, #tpu.memory_space<hbm>> -> memref<1x4096xf32, #tpu.memory_space<hbm>>
        %dma_wait3A_476 = tpu.memref_squeeze %dma_wait3A_475 : memref<1x4096xf32, #tpu.memory_space<hbm>> -> memref<4096xf32, #tpu.memory_space<hbm>>
        %dma_wait3A_477 = arith.constant 0 : i32
        %dma_wait3A_478 = tpu.memref_slice %arg6[%add3A_443, %dma_wait3A_477] : memref<4096x4096xf32, #tpu.memory_space<hbm>> -> memref<1x4096xf32, #tpu.memory_space<hbm>>
        %dma_wait3A_479 = tpu.memref_squeeze %dma_wait3A_478 : memref<1x4096xf32, #tpu.memory_space<hbm>> -> memref<4096xf32, #tpu.memory_space<hbm>>
        tpu.wait_dma2 semaphore(%run_scoped3A : memref<!tpu.dma_semaphore, #tpu.memory_space<semaphore_mem>>) src(%arg12 : memref<4096xf32, #tpu.memory_space<vmem>>) dst(%dma_wait3A_479 : memref<4096xf32, #tpu.memory_space<hbm>>)
        tpu.yield
      }) : () -> ()
    }
    %scan3A_12 = arith.constant 8 : i32
    return
  }
}

</mosaic_0001>

<sc_bundles>
// kernel: kernel.3.cloned.1.call-start
scs
__scs_entry_jumppad:
0x0: {  	(pc) =	sbr.rel $0x88, $3  }
0x1: {  	(tag) =	ssettag $0x0;
	lr =	simm.s32 $0x1  }
0x2: {  	[smem:$0x3F9F] =	sst lr;
	_ =	strace $0xD0000000  }
0x3: {  	_ = 	snop  }
0x4: {  	_ = 	snop  }
0x5: {  	_ = 	snop  }
0x6: {  	_ = 	snop  }
0x7: {  	_ = 	snop  }
__scs_overlays_trampoline_lowered:
0x8: {  	[smem:$0x3FAE] =	sst s0  }
0x9: {  	[smem:$0x3FAF] =	sst s1  }
0xa: {  	[smem:$0x3FB0] =	sst s2  }
0xb: {  	[smem:$0x3FB1] =	sst s3  }
0xc: {  	[smem:$0x3FB2] =	sst s4  }
0xd: {  	[smem:$0x3FB3] =	sst s5  }
0xe: {  	[smem:$0x3FB4] =	sst s6  }
0xf: {  	[smem:$0x3FB5] =	sst s7  }
0x10: {  	[smem:$0x3FB6] =	sst s8  }
0x11: {  	[smem:$0x3FB7] =	sst s9;
	s0 =	simm.s32 @!p0 $0x0  }
0x12: {  	s1 =	sld [smem:$0x3F9D];
	s0 =	simm.s32 @p0 $0x1  }
0x13: {  	[smem:$0x3FB8] =	sst s0;
	s0 =	simm.s32 @!p1 $0x0  }
0x14: {  	s2 =	sld [smem:$0x3F9C];
	s0 =	simm.s32 @p1 $0x1  }
0x15: {  	[smem:$0x3FB9] =	sst s0;
	s0 =	simm.s32 @!p2 $0x0  }
0x16: {  	s3 =	sld [smem:$0x3FDB];
	s0 =	simm.s32 @p2 $0x1  }
0x17: {  	s4 =	simm.s32 $0x1BF5;
	[smem:$0x3FBB] =	sst s0  }
0x18: {  	s0 =	sld [smem:$0x3F9E];
	_ =	swait.ge [sflag:s4], $0x0  }
0x19: {  	s7 =	sld [smem:$0x3F9F]  }
0x1a: {  	s8 =	sadd.s32 $0xFFFFE003, lr  }
0x1b: {  	s9 =	sadd.s32 $0xFFFFFEF7, lr;
	s5 =	simm.s32 $0xFFFFFFFF;
	p2 =	slt.u32 s8, $0xFFFFF086  }
0x1c: {  	p1 =	slt.u32 s9, $0xF7A;
	s5 =	simm.s32 @!p2 $0x0  }
0x1d: {  	s5 =	simm.s32 @p1 $0x1;
	p0 =	seq.s32 s7, s2  }
0x1e: {  	s7 =	smul.u32 @!p0 $0xF7A, s2;
	p2 =	seq.s32 @!p0 s5, $0x0  }
0x1f: {  	s9 =	smul.u32 $0xF7A, s1;
	s8 =	simm.s32 @!p0 $0x1BF5;
	p2 =	por !p2, p0  }
0x20: {  	[sflag:s8] =	ssyncset.s32 @!p0 $0xFFFFF086;
	s6 =	sadd.s32 @!p0 s3, s7;
	s7 =	simm.s32 @!p0 $0x108  }
0x21: {  	s3 =	sadd.s32 s3, s9;
	s6 =	sadd.s32 @!p0 $0x88, s6;
	s7 =	simm.s32 @p2 $0x1082  }
0x22: {  	[simem:s7], [sflag:s8] =	dma.local @!p0 [hbm:s6], $0xF7A  }
0x23: {  	s9 =	sor.u32 $0xD0000000, s2;
	s6 =	simm.s32 $0x108;
	_ =	swait.ge @!p0 [sflag:s8], $0x0  }
0x24: {  	s3 =	sadd.s32 $0x88, s3;
	s6 =	simm.s32 @!p1 $0x1082;
	[sflag:s4] =	ssyncset.s32 $0xFFFFF086  }
0x25: {  	[simem:s6], [sflag:s4] =	dma.local [hbm:s3], $0xF7A  }
0x26: {  	[smem:$0x3F9F] =	sst s1;
	(tag) =	ssettag s2;
	_ =	strace s9  }
0x27: {  	s1 =	sld [smem:$0x3FAF]  }
0x28: {  	s2 =	sld [smem:$0x3FB0]  }
0x29: {  	s4 =	sld [smem:$0x3FB2]  }
0x2a: {  	p0 =	seq.s32 s5, $0x0;
	s5 =	sld [smem:$0x3FB3]  }
0x2b: {  	s6 =	sld [smem:$0x3FB4]  }
0x2c: {  	s7 =	sld [smem:$0x3FB5]  }
0x2d: {  	s3 =	simm.s32 $0x108;
	s8 =	sld [smem:$0x3FB6]  }
0x2e: {  	s3 =	simm.s32 @!p0 $0x1082;
	s9 =	sld [smem:$0x3FB7]  }
0x2f: {  	lr =	sadd.s32 s0, s3;
	s0 =	sld [smem:$0x3FAE]  }
0x30: {  	s3 =	sld [smem:$0x3FB1]  }
0x31: {  	[smem:$0x3FBA] =	sst s10  }
0x32: {  	s10 =	sld [smem:$0x3FB8];
	_ =	sdelay $0x3  }
0x33: {  	p0 =	seq.s32 s10, $0x1;
	s10 =	sld [smem:$0x3FBA];
	_ =	sdelay $0x3  }
0x34: {  	[smem:$0x3FBA] =	sst s10  }
0x35: {  	s10 =	sld [smem:$0x3FB9];
	_ =	sdelay $0x3  }
0x36: {  	p1 =	seq.s32 s10, $0x1;
	s10 =	sld [smem:$0x3FBA];
	_ =	sdelay $0x3  }
0x37: {  	[smem:$0x3FBA] =	sst s10  }
0x38: {  	s10 =	sld [smem:$0x3FBB]  }
0x39: {  	_ = 	snop;
	(pc) =	sbr.ind lr, $3  }
0x3a: {  	_ = 	snop  }
0x3b: {  	_ = 	snop  }
0x3c: {  	p2 =	seq.s32 s10, $0x1;
	s10 =	sld [smem:$0x3FBA]  }
0x3d: {  	_ =	shalt  }
0x3e: {  	_ =	shalt  }
0x3f: {  	_ =	shalt  }
0x40: {  	_ =	shalt  }
0x41: {  	_ =	shalt  }
0x42: {  	_ =	shalt  }
0x43: {  	_ =	shalt  }
0x44: {  	_ =	shalt  }
0x45: {  	_ =	shalt  }
0x46: {  	_ =	shalt  }
0x47: {  	_ =	shalt  }
0x48: {  	_ =	shalt  }
0x49: {  	_ =	shalt  }
0x4a: {  	_ =	shalt  }
0x4b: {  	_ =	shalt  }
0x4c: {  	_ =	shalt  }
0x4d: {  	_ =	shalt  }
0x4e: {  	_ =	shalt  }
0x4f: {  	_ =	shalt  }
0x50: {  	_ =	shalt  }
0x51: {  	_ =	shalt  }
0x52: {  	_ =	shalt  }
0x53: {  	_ =	shalt  }
0x54: {  	_ =	shalt  }
0x55: {  	_ =	shalt  }
0x56: {  	_ =	shalt  }
0x57: {  	_ =	shalt  }
0x58: {  	_ =	shalt  }
0x59: {  	_ =	shalt  }
0x5a: {  	_ =	shalt  }
0x5b: {  	_ =	shalt  }
0x5c: {  	_ =	shalt  }
0x5d: {  	_ =	shalt  }
0x5e: {  	_ =	shalt  }
0x5f: {  	_ =	shalt  }
0x60: {  	_ =	shalt  }
0x61: {  	_ =	shalt  }
0x62: {  	_ =	shalt  }
0x63: {  	_ =	shalt  }
0x64: {  	_ =	shalt  }
0x65: {  	_ =	shalt  }
0x66: {  	_ =	shalt  }
0x67: {  	_ =	shalt  }
0x68: {  	_ =	shalt  }
0x69: {  	_ =	shalt  }
0x6a: {  	_ =	shalt  }
0x6b: {  	_ =	shalt  }
0x6c: {  	_ =	shalt  }
0x6d: {  	_ =	shalt  }
0x6e: {  	_ =	shalt  }
0x6f: {  	_ =	shalt  }
0x70: {  	_ =	shalt  }
0x71: {  	_ =	shalt  }
0x72: {  	_ =	shalt  }
0x73: {  	_ =	shalt  }
0x74: {  	_ =	shalt  }
0x75: {  	_ =	shalt  }
0x76: {  	_ =	shalt  }
0x77: {  	_ =	shalt  }
0x78: {  	_ =	shalt  }
0x79: {  	_ =	shalt  }
0x7a: {  	_ =	shalt  }
0x7b: {  	_ =	shalt  }
0x7c: {  	_ =	shalt  }
0x7d: {  	_ =	shalt  }
0x7e: {  	_ =	shalt  }
0x7f: {  	_ =	shalt  }
0x80: {  	_ =	shalt  }
0x81: {  	_ =	shalt  }
0x82: {  	_ =	shalt  }
0x83: {  	_ =	shalt  }
0x84: {  	_ =	shalt  }
0x85: {  	_ =	shalt  }
0x86: {  	_ =	shalt  }
0x87: {  	_ =	shalt  }
.Lfunc_end0:
.L_simem_size_0:
called_computation_lowered:
.L_overlay_start_0:
0x88: {  	s2 =	sld [smem:$0x3FD9]  }
0x89: {  	s3 =	sld [smem:$0x3FFE];
	_ =	sdelay $0x1  }
0x8a: {  	s1 =	srdreg.scid  }
0x8b: {  	s0 =	sand.u32 $0x1, s1  }
0x8c: {  	s17 =	sshll.u32 s0, $0xA;
	s2 =	sadd.s32 s3, s2  }
0x8d: {  	s2 =	sadd.s32 s2, s17  }
0x8e: {  	[smem:$0x3FC6] =	sst s2  }
0x8f: {  	_ = 	snop  }
0x90: {  	s2 =	sld [smem:$0x3FD0];
	(tm) =	ssettm $0x1  }
0x91: {  	s18 =	sld [smem:$0x3FFB];
	_ =	sdelay $0x3  }
0x92: {  	_ =	strace s18  }
0x93: {  	s3 =	sld [smem:$0x3FFC];
	_ =	sdelay $0x3  }
0x94: {  	_ =	strace s3  }
0x95: {  	s3 =	sld [smem:$0x3FFD];
	_ =	sdelay $0x3  }
0x96: {  	_ =	strace s3  }
0x97: {  	_ =	strace $0x8FFFFFFF  }
0x98: {  	s19 =	sld [smem:$0x3FDB];
	_ =	sdelay $0x1  }
0x99: {  	s4 =	simm.s32 $_scs_section_size  }
0x9a: {  	s5 =	simm.s32 $_size__tile_overlayer_lowered;
	s6 =	simm.s32 $_tile_overlayer_lowered  }
0x9b: {  	s22 =	simm.s32 $0x1BFF;
	s21 =	sshll.u32 s6, $0x1;
	s3 =	sadd.s32 s4, s19  }
0x9c: {  	s7 =	simm.s32 $0x0;
	s20 =	sshll.u32 s5, $0x1;
	s5 =	sadd.s32 s21, s3  }
0x9d: {  	[timem:s7], [sflag:s22] =	dma.local [hbm:s5], s20  }
0x9e: {  	_ =	swait.ge [sflag:s22], s20  }
0x9f: {  	s4 =	ssub.s32 $0x0, s20;
	[sflag:s22] =	ssyncset.done $0x0  }
0xa0: {  	[sflag:s22] =	ssyncadd.s32 s4;
	_ =	sdelay $0x1  }
0xa1: {  	s23 =	simm.s32 $0x1B8B  }
0xa2: {  	_ =	swait.ge [sflag:s23], $0x1  }
0xa3: {  	[sflag:s23] =	ssyncset.done $0x0  }
0xa4: {  	s25 =	simm.s32 $0x1B8E;
	s24 =	sld [smem:$0x3FFE];
	[sflag:s23] =	ssyncadd.s32 $0xFFFFFFFF  }
0xa5: {  	s26 =	simm.s32 $execute0_lowered;
	[smem:$0x3FD2] =	sst s25  }
0xa6: {  	s5 =	sshll.u32 s26, $0x1;
	_ =	strace $0x80000046;
	[dreg:$0x1] =	wrdreg $0xFFFFFFFF  }
0xa7: {  	s28 =	simm.s32 $_size_execute0_lowered;
	s3 =	sadd.s32 s3, s5;
	[dreg:$0x0] =	wrdreg $0x0  }
0xa8: {  	s5 =	sshll.u32 s28, $0x1;
	[dreg:$0x2] =	wrdreg s3  }
0xa9: {  	[dreg:$0x3] =	wrdreg s5  }
0xaa: {  	[dreg:$0x4] =	wrdreg $0xC0  }
0xab: {  	_ =	task [dreg:s7], $0x5FFFF  }
0xac: {  	[dreg:$0x1] =	wrdreg $0xFFFFFFFF  }
0xad: {  	[dreg:$0x0] =	wrdreg $0x60  }
0xae: {  	[dreg:$0x2] =	wrdreg s24  }
0xaf: {  	[dreg:$0x3] =	wrdreg s2  }
0xb0: {  	[dreg:$0x4] =	wrdreg $0x9  }
0xb1: {  	_ =	task.clear_ibuf [dreg:s7], $0x5FFFF;
	_ =	strace $0x90000046  }
0xb2: {  	s29 =	simm.s32 $0x9;
	_ =	strace $0x80000048  }
0xb3: {  	_ =	swait.ge [sflag:s29], $0x1  }
0xb4: {  	[sflag:s29] =	ssyncadd.s32 $0xFFFFFFFF  }
0xb5: {  	_ =	strace $0x90000048  }
0xb6: {  	_ =	sfence  }
0xb7: {  	s30 =	sld [smem:$0x0];
	_ =	sdelay $0x2  }
0xb8: {  	s31 =	sshll.u32 s1, $0xD;
	s1 =	sshrl.u32 s1, $0x2  }
0xb9: {  	s3 =	sand.u32 $0x4000, s31;
	s1 =	sadd.s32 s1, s30  }
0xba: {  	s0 =	sor.u32 s3, s0;
	s1 =	sshll.u32 s1, $0x11  }
0xbb: {  	s0 =	sor.u32 s1, s0  }
0xbc: {  	s0 =	sadd.s32 $0x8F2B, s0  }
0xbd: {  	[sflag:s0] =	ssyncadd.remote.s32 $0x1  }
0xbe: {  	_ =	sfence.sel $0xFFFF  }
0xbf: {  	[dreg:$0x0] =	wrdreg $0xFFFFFFFF;
	(pc) =	sbr.abs _section_cstart, $3  }
0xc0: {  	[dreg:$0x1] =	wrdreg $0xFFFFFFFF  }
0xc1: {  	_ =	task.clear_ibuf [dreg:s7], $0x2FFFF;
	_ =	strace $0x9FFFFFFF  }
0xc2: {  	(tm) =	ssettm $0x7FFFFFFF  }
0xc3: {  	_ =	shalt  }
tec
execute0_lowered:
.L_overlay_start_1:
0x0: {  	(tag) =	ssettag $0x1  }
0x1: {  	s0 =	rddreg [dreg:$0x0]  }
0x2: {  	s1 =	rddreg [dreg:$0x1]  }
0x3: {  	s2 =	simm.s32 $0x0;
	s24 =	srdreg.scid;
	s5 =	stileid.u32  }
0x4: {  	s30 =	simm.s32 $0x80;
	s31 =	simm.s32 $0x400;
	[smem:$0x7FF] =	sst s2  }
0x5: {  	s3 =	sadd.s32 $0xC00, s0;
	s25 =	sadd.s32 $0xA00, s0;
	s2 =	sand.u32 $0x1, s24  }
0x6: {  	s26 =	sadd.s32 $0x800, s0;
	s5 =	sshll.u32 s5, $0x8;
	s0 =	sadd.s32 $0xE00, s0  }
0x7: {  	s9 =	sadd.s32 $0x10, s1;
	s10 =	sadd.s32 $0x20, s1;
	s11 =	sadd.s32 $0x30, s1  }
0x8: {  	s12 =	sadd.s32 $0x40, s1;
	s13 =	sadd.s32 $0x50, s1;
	s14 =	sadd.s32 $0x60, s1  }
0x9: {  	s15 =	sadd.s32 $0x70, s1;
	s16 =	sadd.s32 $0x1000, s1;
	s17 =	sadd.s32 $0x1010, s1  }
0xa: {  	s18 =	sadd.s32 $0x1020, s1;
	s19 =	sadd.s32 $0x1030, s1;
	s20 =	sadd.s32 $0x1040, s1  }
0xb: {  	s21 =	sadd.s32 $0x1050, s1;
	_ =	strace $0x80000047;
	[dreg:$0x3] =	wrdreg s3  }
0xc: {  	s22 =	sadd.s32 $0x1060, s1;
	[dreg:$0x4] =	wrdreg s25;
	s28 =	ssub.s32 $0x2, s2  }
0xd: {  	s23 =	sadd.s32 $0x1070, s1;
	[dreg:$0x5] =	wrdreg s26;
	s4 =	sshrl.u32 s28, $0x1  }
0xe: {  	s2 =	sshll.u32 s2, $0x7;
	[dreg:$0x6] =	wrdreg s0;
	s29 =	ssub.s32 s28, s4  }
0xf: {  	s25 =	simm.s32 $0x1;
	s8 =	sor.u32 s2, s5;
	s0 =	smax.u32 s29, $0x1  }
0x10: {  	s3 =	simm.s32 $0x0;
	v0 =	vmov s8;
	[dreg:$0x7] =	wrdreg s0;
	s0 =	simm.s32 $0x4080  }
.LBB2_1:
0x11: {  	[dreg:$0x8] =	wrdreg s3  }
0x12: {  	s2 =	simm.s32 $0x0;
	s6 =	rddreg [dreg:$0x3]  }
0x13: {  	[tilespmem:s2], [sflag:$0x1] =	stream.linear.gather [hbm4b:s6+s2], $0x1000, $0x38;
	[tilespmem:$0x5080] =	vst v63  }
0x14: {  	_ =	swait.ge [sflag:s25], $0x1000  }
0x15: {  	[sflag:s25] =	ssyncset.done $0x0  }
0x16: {  	s4 =	simm.s32 $0x1000;
	s7 =	rddreg [dreg:$0x4];
	[sflag:s25] =	ssyncadd.s32 $0xFFFFF000  }
0x17: {  	[tilespmem:s4], [sflag:$0x1] =	stream.linear.gather [hbm4b:s7+s2], $0x1000, $0x38;
	[tilespmem:$0x5080] =	vst v63  }
0x18: {  	_ =	swait.ge [sflag:s25], $0x1000  }
0x19: {  	[sflag:s25] =	ssyncset.done $0x0  }
0x1a: {  	s26 =	simm.s32 $0x2000;
	s24 =	rddreg [dreg:$0x5];
	[sflag:s25] =	ssyncadd.s32 $0xFFFFF000  }
0x1b: {  	[tilespmem:s26], [sflag:$0x1] =	stream.linear.gather [hbm4b:s24+s2], $0x1000, $0x38;
	[tilespmem:$0x5080] =	vst v63  }
0x1c: {  	_ =	swait.ge [sflag:s25], $0x1000  }
0x1d: {  	[sflag:s25] =	ssyncset.done $0x0  }
0x1e: {  	s29 =	simm.s32 $0x3000;
	s28 =	rddreg [dreg:$0x6];
	[sflag:s25] =	ssyncadd.s32 $0xFFFFF000  }
0x1f: {  	[tilespmem:s29], [sflag:$0x1] =	stream.linear.gather [hbm4b:s28+s2], $0x80, $0x38;
	[tilespmem:$0x5080] =	vst v63  }
0x20: {  	_ =	swait.ge [sflag:s25], $0x80  }
0x21: {  	[sflag:s25] =	ssyncset.done $0x0  }
0x22: {  	[sflag:s25] =	ssyncadd.s32 $0xFFFFFF80  }
0x23: {  	v3 =	vld [tilespmem:$0x3000];
	_ =	sdelay $0x4  }
0x24: {  	v1 =	vbroadcast v3, $0x0  }
0x25: {  	s26 =	simm.s32 $0x0;
	v2 =	vbroadcast v3, $0x1;
	v3 =	vbroadcast v3, $0x2  }
.LBB2_2:
0x26: {  	_ =	sdelay $0x2  }
0x27: {  	s2 =	sshll.u32 s26, $0x4  }
0x28: {  	v5 =	vld.idx.msk [tilespmem:v0+s2+$0x0 ss:$0x1], $0xffff  }
0x29: {  	v6 =	vld.idx.msk [tilespmem:v0+s2+$0x1000 ss:$0x1], $0xffff  }
0x2a: {  	s4 =	simm.s32 $0x0;
	v4 =	vld.idx.msk [tilespmem:v0+s2+$0x2000 ss:$0x1], $0xffff  }
0x2b: {  	v7 =	vld [tilespmem:s4+$0x0]  }
0x2c: {  	v11 =	vld [tilespmem:s4+$0x1000];
	_ =	sdelay $0x1  }
0x2d: {  	v12 =	vld [tilespmem:s4+$0x2000]  }
0x2e: {  	s5 =	simm.s32 $0x10;
	v9 =	vbroadcast v5, $0x0;
	v10 =	vbroadcast v6, $0x0  }
0x2f: {  	v13 =	vld [tilespmem:s5+$0x0]  }
0x30: {  	v8 =	vbroadcast v4, $0x0;
	v7 =	vsub.f32 v9, v7;
	v11 =	vsub.f32 v10, v11  }
0x31: {  	v17 =	vld [tilespmem:s5+$0x1000]  }
0x32: {  	v15 =	vld [tilespmem:s5+$0x2000];
	v12 =	vsub.f32 v8, v12;
	v7 =	vand.u32 $0x7FFFFFFF, v7;
	v11 =	vand.u32 $0x7FFFFFFF, v11  }
0x33: {  	v14 =	vsub.f32 v1, v7;
	v16 =	vsub.f32 v2, v11  }
0x34: {  	v13 =	vsub.f32 v9, v13;
	v12 =	vand.u32 $0x7FFFFFFF, v12  }
0x35: {  	s6 =	simm.s32 $0x20;
	v18 =	vsub.f32 v3, v12;
	v14 =	vmin.f32 v7, v14;
	v11 =	vmin.f32 v11, v16  }
0x36: {  	v17 =	vsub.f32 v10, v17;
	v19 =	vmul.f32 v14, v14;
	v20 =	vmul.f32 v11, v11;
	v14 =	vld [tilespmem:s6+$0x0]  }
0x37: {  	v16 =	vsub.f32 v8, v15;
	v15 =	vand.u32 $0x7FFFFFFF, v13;
	v13 =	vmin.f32 v12, v18  }
0x38: {  	s28 =	sadd.s32 s8, s2;
	s2 =	simm.s32 $0xC0;
	v7 =	vimm.s32 $0x0;
	v11 =	vld [tilespmem:s6+$0x2000];
	v13 =	vmul.f32 v13, v13;
	v12 =	vadd.f32 v20, v19  }
.LBB2_3:
0x39: {  	p0 =	sne.s32 s2, $0x3FC0;
	v18 =	vld [tilespmem:s6+$0x1000];
	v19 =	vsub.f32 v1, v15;
	v17 =	vand.u32 $0x7FFFFFFF, v17  }
0x3a: {  	v21 =	vand.u32 $0x7FFFFFFF, v16;
	v20 =	vsub.f32 v2, v17;
	v12 =	vadd.f32 v13, v12  }
.Ltmp0:
0x3b: {  	v13 =	vsub.f32 v9, v14;
	v14 =	vmin.f32 v15, v19;
	v19 =	vsub.f32 v3, v21;
	(pc) =	sbr.rel @p0 .LBB2_3-.Ltmp0, $4  }
0x3c: {  	v22 =	vmul.f32 v14, v14;
	v15 =	vmin.f32 v17, v20;
	[tilespmem:s4+$0x3080] =	vst v12;
	vm0 =	vle.f32 v12, $2.500000000e+01;
	s4 =	smov.u32 s5;
	s5 =	smov.u32 s6;
	s6 =	sshra.s32 s2, $0x2  }
0x3d: {  	v14 =	vld [tilespmem:s6+$0x0];
	v16 =	vsub.f32 v8, v11;
	v12 =	vmul.f32 v15, v15;
	v20 =	vmpcnt.ones.xlane vm0  }
0x3e: {  	v15 =	vand.u32 $0x7FFFFFFF, v13;
	v13 =	vmin.f32 v21, v19;
	v17 =	vsub.f32 v10, v18  }
0x3f: {  	s2 =	sadd.s32 $0x40, s2;
	v13 =	vmul.f32 v13, v13;
	v11 =	vld [tilespmem:s6+$0x2000];
	v12 =	vadd.f32 v12, v22;
	v7 =	vadd.s32 v7, v20  }
0x40: {  	v18 =	vld [tilespmem:s6+$0x1000];
	_ =	sdelay $0x3  }
0x41: {  	v19 =	vsub.f32 v1, v15;
	v17 =	vand.u32 $0x7FFFFFFF, v17  }
0x42: {  	v16 =	vand.u32 $0x7FFFFFFF, v16;
	v9 =	vsub.f32 v9, v14;
	v10 =	vsub.f32 v10, v18  }
0x43: {  	v53 =	vsub.f32 v2, v17;
	v54 =	vsub.f32 v3, v16;
	v15 =	vmin.f32 v15, v19  }
0x44: {  	v8 =	vsub.f32 v8, v11;
	v9 =	vand.u32 $0x7FFFFFFF, v9;
	v10 =	vand.u32 $0x7FFFFFFF, v10  }
0x45: {  	v55 =	vmin.f32 v17, v53;
	v56 =	vsub.f32 v1, v9;
	v57 =	vsub.f32 v2, v10  }
0x46: {  	v15 =	vmul.f32 v15, v15;
	v11 =	vmul.f32 v55, v55;
	v8 =	vand.u32 $0x7FFFFFFF, v8  }
0x47: {  	v9 =	vmin.f32 v9, v56;
	v58 =	vsub.f32 v3, v8;
	v10 =	vmin.f32 v10, v57  }
0x48: {  	v16 =	vmin.f32 v16, v54;
	v9 =	vmul.f32 v9, v9;
	v10 =	vmul.f32 v10, v10  }
0x49: {  	v59 =	vmul.f32 v16, v16;
	v11 =	vadd.f32 v11, v15;
	v8 =	vmin.f32 v8, v58  }
0x4a: {  	v12 =	vadd.f32 v13, v12;
	v8 =	vmul.f32 v8, v8;
	v9 =	vadd.f32 v10, v9  }
0x4b: {  	v60 =	vadd.f32 v59, v11  }
0x4c: {  	vm0 =	vle.f32 v12, $2.500000000e+01;
	v8 =	vadd.f32 v8, v9  }
0x4d: {  	v61 =	vmpcnt.ones.xlane vm0;
	vm14 =	vle.f32 v60, $2.500000000e+01  }
0x4e: {  	v62 =	vmpcnt.ones.xlane vm14;
	vm15 =	vle.f32 v8, $2.500000000e+01  }
0x4f: {  	v7 =	vadd.s32 v7, v61;
	v63 =	vmpcnt.ones.xlane vm15  }
0x50: {  	v7 =	vadd.s32 v7, v62  }
0x51: {  	v7 =	vadd.s32 v7, v63  }
0x52: {  	(v2sf) =	vpush v7, $0x0;
	_ =	sdelay $0xe  }
0x53: {  	s2 =	spop (v2sf)  }
0x54: {  	[tilespmem:s4+$0x3080] =	vst v12;
	s4 =	sadd.s32 $0xFFFFFFFF, s2  }
0x55: {  	p0 =	slt.s32 s4, $0x10  }
.Ltmp1:
0x56: {  	_ = 	snop;
	(pc) =	sbr.rel @!p0 .LBB2_5-.Ltmp1, $3  }
0x57: {  	_ =	sdelay $0x1  }
0x58: {  	[tilespmem:s5+$0x3080] =	vst v60  }
0x59: {  	[tilespmem:s6+$0x3080] =	vst v8;
	s2 =	simm.f32 $2.500000000e+01  }
.LBB2_85:
0x5a: {  	s5 =	simm.s32 $0x0  }
0x5b: {  	v9 =	vld [tilespmem:s5+$0x3080]  }
0x5c: {  	v8 =	vmov s2;
	v7 =	vimm.f32 $1.000000000e+09;
	s2 =	simm.s32 $0x40  }
.LBB2_86:
0x5d: {  	p0 =	sne.s32 s2, $0x3FC0  }
.Ltmp2:
0x5e: {  	_ = 	snop;
	(pc) =	sbr.rel @p0 .LBB2_86-.Ltmp2, $4  }
0x5f: {  	_ = 	snop  }
0x60: {  	s5 =	sshra.s32 s2, $0x2;
	s2 =	sadd.s32 $0x40, s2;
	vm0 =	vgt.f32 v9, v8  }
0x61: {  	v10 =	vnsel vm0, $0x4E6E6B28, v9;
	v9 =	vld [tilespmem:s5+$0x3080]  }
0x62: {  	v7 =	vmin.f32 v7, v10  }
0x63: {  	_ =	sdelay $0x2  }
0x64: {  	vm0 =	vgt.f32 v9, v8  }
0x65: {  	v8 =	vnsel vm0, $0x4E6E6B28, v9  }
0x66: {  	v7 =	vmin.f32 v7, v8  }
0x67: {  	(xrf1) =	vsort.ascd.msk.f32 $0xffff, v7, v7;
	_ =	sdelay $0xd  }
0x68: {  	s5 =	simm.s32 $0x0;
	v7, _, _ =	vpop (xrf1)  }
0x69: {  	s2 =	simm.s32 $0x40;
	v10 =	vld [tilespmem:s5+$0x3080];
	v8 =	vimm.s32 $0x0;
	v9 =	vbroadcast v7, $0x0  }
.LBB2_88:
0x6a: {  	_ =	sdelay $0x1  }
0x6b: {  	p0 =	sne.s32 s2, $0x3FC0  }
.Ltmp3:
0x6c: {  	_ = 	snop;
	(pc) =	sbr.rel @p0 .LBB2_88-.Ltmp3, $4  }
0x6d: {  	vm0 =	veq.f32 v10, v9  }
0x6e: {  	v11 =	vmpcnt.ones.xlane vm0  }
0x6f: {  	s5 =	sshra.s32 s2, $0x2  }
0x70: {  	s2 =	sadd.s32 $0x40, s2;
	v10 =	vld [tilespmem:s5+$0x3080];
	v8 =	vadd.s32 v8, v11  }
0x71: {  	_ =	sdelay $0x3  }
0x72: {  	vm0 =	veq.f32 v10, v9  }
0x73: {  	v9 =	vmpcnt.ones.xlane vm0;
	_ =	sdelay $0x1  }
0x74: {  	(v2sf) =	vpush v7, $0x0;
	v8 =	vadd.s32 v8, v9  }
0x75: {  	(v2sf) =	vpush v8, $0x0;
	_ =	sdelay $0xd  }
0x76: {  	s2 =	spop (v2sf)  }
0x77: {  	s5 =	spop (v2sf)  }
0x78: {  	s4 =	sadd.s32 s4, s5  }
0x79: {  	p0 =	slt.s32 s4, $0x10  }
.Ltmp4:
0x7a: {  	_ = 	snop;
	(pc) =	sbr.rel @p0 .LBB2_85-.Ltmp4, $1  }
0x7b: {  	_ =	sdelay $0x3  }
.LBB2_5:
0x7c: {  	s29 =	simm.s32 $0x0  }
0x7d: {  	v7 =	vld [tilespmem:s29+$0x3080];
	_ =	sdelay $0x3  }
0x7e: {  	v11 =	vmov s2;
	s5 =	simm.s32 $0x10  }
0x7f: {  	v8 =	vld [tilespmem:s5+$0x3080];
	vm0 =	vle.f32 v7, v11  }
0x80: {  	v7 =	vnsel vm0, $0x0, v7  }
0x81: {  	v9 =	vshrl.u32 v7, $0x1;
	v12 =	vmul.f32 $5.000000000e-01, v7  }
0x82: {  	v9 =	vsub.s32 $0x5F3759DF, v9  }
0x83: {  	v10 =	vmul.f32 v9, v12  }
0x84: {  	vm12 =	vle.f32 v8, v11  }
0x85: {  	s4 =	simm.s32 $0x20;
	v8 =	vnsel vm12, $0x0, v8;
	v10 =	vmul.f32 v9, v10  }
0x86: {  	v13 =	vld [tilespmem:s4+$0x3080];
	v14 =	vshrl.u32 v8, $0x1;
	v18 =	vmul.f32 $5.000000000e-01, v8  }
0x87: {  	v14 =	vsub.s32 $0x5F3759DF, v14;
	v10 =	vsub.f32 $1.500000000e+00, v10  }
0x88: {  	v15 =	vmul.f32 v14, v18  }
0x89: {  	v16 =	vmul.f32 v9, v10  }
0x8a: {  	v15 =	vmul.f32 v14, v15  }
0x8b: {  	vm13 =	vle.f32 v13, v11;
	v17 =	vmul.f32 v16, v12  }
0x8c: {  	s6 =	simm.s32 $0x30;
	v15 =	vsub.f32 $1.500000000e+00, v15;
	v9 =	vnsel vm13, $0x0, v13  }
0x8d: {  	v10 =	vld [tilespmem:s6+$0x3080];
	v19 =	vshrl.u32 v9, $0x1;
	v13 =	vmul.f32 $5.000000000e-01, v9;
	v17 =	vmul.f32 v17, v16  }
0x8e: {  	v19 =	vsub.s32 $0x5F3759DF, v19  }
0x8f: {  	v15 =	vmul.f32 v14, v15;
	v20 =	vmul.f32 v19, v13;
	v14 =	vsub.f32 $1.500000000e+00, v17;
	_ =	sdelay $0x1  }
0x90: {  	s7 =	simm.s32 $0x40;
	v20 =	vmul.f32 v19, v20;
	v25 =	vmul.f32 v14, v16  }
0x91: {  	v21 =	vmul.f32 v15, v18;
	vm14 =	vle.f32 v10, v11;
	v17 =	vld [tilespmem:s7+$0x3080]  }
0x92: {  	v10 =	vnsel vm14, $0x0, v10;
	v20 =	vsub.f32 $1.500000000e+00, v20;
	v12 =	vmul.f32 v25, v12  }
0x93: {  	v22 =	vmul.f32 v21, v15;
	v16 =	vshrl.u32 v10, $0x1;
	v14 =	vmul.f32 $5.000000000e-01, v10  }
0x94: {  	v21 =	vsub.s32 $0x5F3759DF, v16;
	v16 =	vmul.f32 v19, v20;
	v20 =	vmul.f32 v12, v25  }
0x95: {  	s24 =	simm.s32 $0x50;
	v23 =	vmul.f32 v21, v14  }
0x96: {  	v19 =	vsub.f32 $1.500000000e+00, v22;
	vm15 =	vle.f32 v17, v11;
	v27 =	vsub.f32 $1.500000000e+00, v20;
	v20 =	vld [tilespmem:s24+$0x3080]  }
0x97: {  	v12 =	vnsel vm15, $0x0, v17;
	v22 =	vmul.f32 v21, v23;
	v23 =	vmul.f32 v16, v13  }
0x98: {  	v15 =	vmul.f32 v19, v15;
	v26 =	vshrl.u32 v12, $0x1  }
0x99: {  	v17 =	vmul.f32 $5.000000000e-01, v12;
	v24 =	vsub.f32 $1.500000000e+00, v22;
	v22 =	vmul.f32 v23, v16  }
0x9a: {  	s2 =	simm.s32 $0x180;
	v19 =	vsub.s32 $0x5F3759DF, v26;
	v23 =	vmul.f32 v15, v18;
	v18 =	vmul.f32 v27, v25  }
.LBB2_6:
0x9b: {  	s3 =	sshra.s32 s2, $0x2;
	vm0 =	vle.f32 v20, v11;
	v25 =	vmul.f32 v19, v17;
	v21 =	vmul.f32 v21, v24;
	v24 =	vmovc v20;
	p0 =	sne.s32 s2, $0x3FC0  }
.Ltmp5:
0x9c: {  	v22 =	vsub.f32 $1.500000000e+00, v22;
	v20 =	vld [tilespmem:s3+$0x3080];
	v23 =	vmul.f32 v23, v15;
	v18 =	vmul.f32 v18, v7;
	v7 =	vmovc v8;
	v8 =	vmovc v9;
	(pc) =	sbr.rel @p0 .LBB2_6-.Ltmp5, $4  }
0x9d: {  	v9 =	vmovc v10;
	v10 =	vmovc v12;
	v12 =	vnsel vm0, $0x0, v24;
	v25 =	vmul.f32 v19, v25;
	v26 =	vmul.f32 v21, v14  }
0x9e: {  	s2 =	sadd.s32 $0x40, s2;
	v30 =	vmovc v14;
	v27 =	vshrl.u32 v12, $0x1;
	v28 =	vmul.f32 v22, v16;
	v16 =	vmovc v21;
	v29 =	vsub.f32 $1.500000000e+00, v23;
	[tilespmem:s29+$0x4080] =	vst v18;
	s29 =	smov.u32 s5  }
0x9f: {  	v14 =	vmovc v17;
	v17 =	vmul.f32 $5.000000000e-01, v12;
	s5 =	smov.u32 s4;
	s4 =	smov.u32 s6;
	s6 =	smov.u32 s7;
	v24 =	vsub.f32 $1.500000000e+00, v25;
	v22 =	vmul.f32 v26, v16;
	v21 =	vmovc v19  }
0xa0: {  	s7 =	smov.u32 s24;
	s24 =	smov.u32 s3;
	v19 =	vsub.s32 $0x5F3759DF, v27;
	v23 =	vmul.f32 v28, v13;
	v13 =	vmovc v30;
	v18 =	vmul.f32 v29, v15;
	v15 =	vmovc v28  }
0xa1: {  	vm0 =	vle.f32 v20, v11  }
0xa2: {  	v11 =	vnsel vm0, $0x0, v20  }
0xa3: {  	v25 =	vshrl.u32 v11, $0x1;
	v26 =	vmul.f32 $5.000000000e-01, v11  }
0xa4: {  	v54 =	vmul.f32 v19, v17;
	v25 =	vsub.s32 $0x5F3759DF, v25  }
0xa5: {  	v27 =	vmul.f32 v25, v26  }
0xa6: {  	v20 =	vmul.f32 v19, v54  }
0xa7: {  	v27 =	vmul.f32 v25, v27  }
0xa8: {  	v20 =	vsub.f32 $1.500000000e+00, v20  }
0xa9: {  	v21 =	vmul.f32 v21, v24;
	v55 =	vsub.f32 $1.500000000e+00, v27  }
0xaa: {  	v19 =	vmul.f32 v19, v20  }
0xab: {  	v24 =	vmul.f32 v21, v14;
	v20 =	vmul.f32 v25, v55  }
0xac: {  	v56 =	vmul.f32 v19, v17  }
0xad: {  	v24 =	vmul.f32 v24, v21;
	v58 =	vmul.f32 v20, v26  }
0xae: {  	v22 =	vsub.f32 $1.500000000e+00, v22;
	v57 =	vmul.f32 v56, v19  }
0xaf: {  	v24 =	vsub.f32 $1.500000000e+00, v24;
	v27 =	vmul.f32 v58, v20  }
0xb0: {  	v16 =	vmul.f32 v22, v16;
	v25 =	vsub.f32 $1.500000000e+00, v57  }
0xb1: {  	v23 =	vmul.f32 v23, v15;
	v21 =	vmul.f32 v24, v21;
	v59 =	vsub.f32 $1.500000000e+00, v27  }
0xb2: {  	v13 =	vmul.f32 v16, v13;
	v19 =	vmul.f32 v25, v19  }
0xb3: {  	v14 =	vmul.f32 v21, v14;
	v20 =	vmul.f32 v59, v20  }
0xb4: {  	v13 =	vmul.f32 v13, v16;
	v17 =	vmul.f32 v19, v17  }
0xb5: {  	v60 =	vsub.f32 $1.500000000e+00, v23;
	v14 =	vmul.f32 v14, v21;
	v61 =	vmul.f32 v20, v26  }
0xb6: {  	v13 =	vsub.f32 $1.500000000e+00, v13;
	v17 =	vmul.f32 v17, v19  }
0xb7: {  	v15 =	vmul.f32 v60, v15;
	v14 =	vsub.f32 $1.500000000e+00, v14;
	v62 =	vmul.f32 v61, v20  }
0xb8: {  	v7 =	vmul.f32 v18, v7;
	v13 =	vmul.f32 v13, v16;
	v16 =	vsub.f32 $1.500000000e+00, v17  }
0xb9: {  	v8 =	vmul.f32 v15, v8;
	v14 =	vmul.f32 v14, v21;
	v15 =	vsub.f32 $1.500000000e+00, v62  }
0xba: {  	[tilespmem:s29+$0x4080] =	vst v7;
	v7 =	vmul.f32 v13, v9;
	v9 =	vmul.f32 v16, v19  }
0xbb: {  	[tilespmem:s5+$0x4080] =	vst v8;
	v8 =	vmul.f32 v14, v10;
	v10 =	vmul.f32 v15, v20  }
0xbc: {  	[tilespmem:s4+$0x4080] =	vst v7;
	v7 =	vmul.f32 v9, v12  }
0xbd: {  	[tilespmem:s6+$0x4080] =	vst v8;
	v8 =	vmul.f32 v10, v11  }
0xbe: {  	s28 =	sshll.u32 s28, $0x9;
	[tilespmem:s7+$0x4080] =	vst v7  }
0xbf: {  	s2 =	sadd.s32 s1, s28;
	[tilespmem:s24+$0x4080] =	vst v8  }
0xc0: {  	[hbm4b:s2+s30] =	stream.strided.scatter [tilespmem:s0], [sflag:$0x1], $0x1000, s31, s30, $0x38;
	[tilespmem:$0x5080] =	vst v63  }
0xc1: {  	_ =	swait.ge [sflag:s25], $0x1000  }
0xc2: {  	[sflag:s25] =	ssyncset.done $0x0  }
0xc3: {  	s4 =	simm.s32 $0x0;
	[sflag:s25] =	ssyncadd.s32 $0xFFFFF000  }
0xc4: {  	v7 =	vld [tilespmem:s4+$0x0]  }
0xc5: {  	v11 =	vld [tilespmem:s4+$0x1000];
	_ =	sdelay $0x1  }
0xc6: {  	v12 =	vld [tilespmem:s4+$0x2000]  }
0xc7: {  	s5 =	simm.s32 $0x10;
	v9 =	vbroadcast v5, $0x1;
	v10 =	vbroadcast v6, $0x1  }
0xc8: {  	v13 =	vld [tilespmem:s5+$0x0]  }
0xc9: {  	v8 =	vbroadcast v4, $0x1;
	v7 =	vsub.f32 v9, v7;
	v11 =	vsub.f32 v10, v11  }
0xca: {  	v17 =	vld [tilespmem:s5+$0x1000]  }
0xcb: {  	v15 =	vld [tilespmem:s5+$0x2000];
	v12 =	vsub.f32 v8, v12;
	v7 =	vand.u32 $0x7FFFFFFF, v7;
	v11 =	vand.u32 $0x7FFFFFFF, v11  }
0xcc: {  	v14 =	vsub.f32 v1, v7;
	v16 =	vsub.f32 v2, v11  }
0xcd: {  	v13 =	vsub.f32 v9, v13;
	v12 =	vand.u32 $0x7FFFFFFF, v12  }
0xce: {  	s6 =	simm.s32 $0x20;
	v18 =	vsub.f32 v3, v12;
	v14 =	vmin.f32 v7, v14;
	v11 =	vmin.f32 v11, v16  }
0xcf: {  	v17 =	vsub.f32 v10, v17;
	v19 =	vmul.f32 v14, v14;
	v63 =	vmul.f32 v11, v11;
	v14 =	vld [tilespmem:s6+$0x0]  }
0xd0: {  	v16 =	vsub.f32 v8, v15;
	v15 =	vand.u32 $0x7FFFFFFF, v13;
	v13 =	vmin.f32 v12, v18  }
0xd1: {  	s2 =	simm.s32 $0xC0;
	v7 =	vimm.s32 $0x0;
	v11 =	vld [tilespmem:s6+$0x2000];
	v13 =	vmul.f32 v13, v13;
	v12 =	vadd.f32 v63, v19  }
.LBB2_8:
0xd2: {  	p0 =	sne.s32 s2, $0x3FC0;
	v18 =	vld [tilespmem:s6+$0x1000];
	v19 =	vsub.f32 v1, v15;
	v17 =	vand.u32 $0x7FFFFFFF, v17  }
0xd3: {  	v21 =	vand.u32 $0x7FFFFFFF, v16;
	v20 =	vsub.f32 v2, v17;
	v12 =	vadd.f32 v13, v12  }
.Ltmp6:
0xd4: {  	v13 =	vsub.f32 v9, v14;
	v14 =	vmin.f32 v15, v19;
	v19 =	vsub.f32 v3, v21;
	(pc) =	sbr.rel @p0 .LBB2_8-.Ltmp6, $4  }
0xd5: {  	v22 =	vmul.f32 v14, v14;
	v15 =	vmin.f32 v17, v20;
	[tilespmem:s4+$0x3080] =	vst v12;
	vm0 =	vle.f32 v12, $2.500000000e+01;
	s4 =	smov.u32 s5;
	s5 =	smov.u32 s6;
	s6 =	sshra.s32 s2, $0x2  }
0xd6: {  	v14 =	vld [tilespmem:s6+$0x0];
	v16 =	vsub.f32 v8, v11;
	v12 =	vmul.f32 v15, v15;
	v20 =	vmpcnt.ones.xlane vm0  }
0xd7: {  	v15 =	vand.u32 $0x7FFFFFFF, v13;
	v13 =	vmin.f32 v21, v19;
	v17 =	vsub.f32 v10, v18  }
0xd8: {  	s2 =	sadd.s32 $0x40, s2;
	v13 =	vmul.f32 v13, v13;
	v11 =	vld [tilespmem:s6+$0x2000];
	v12 =	vadd.f32 v12, v22;
	v7 =	vadd.s32 v7, v20  }
0xd9: {  	v18 =	vld [tilespmem:s6+$0x1000];
	_ =	sdelay $0x3  }
0xda: {  	v19 =	vsub.f32 v1, v15;
	v17 =	vand.u32 $0x7FFFFFFF, v17  }
0xdb: {  	v16 =	vand.u32 $0x7FFFFFFF, v16;
	v9 =	vsub.f32 v9, v14;
	v10 =	vsub.f32 v10, v18  }
0xdc: {  	v53 =	vsub.f32 v2, v17;
	v54 =	vsub.f32 v3, v16;
	v15 =	vmin.f32 v15, v19  }
0xdd: {  	v8 =	vsub.f32 v8, v11;
	v9 =	vand.u32 $0x7FFFFFFF, v9;
	v10 =	vand.u32 $0x7FFFFFFF, v10  }
0xde: {  	v55 =	vmin.f32 v17, v53;
	v56 =	vsub.f32 v1, v9;
	v57 =	vsub.f32 v2, v10  }
0xdf: {  	v15 =	vmul.f32 v15, v15;
	v11 =	vmul.f32 v55, v55;
	v8 =	vand.u32 $0x7FFFFFFF, v8  }
0xe0: {  	v9 =	vmin.f32 v9, v56;
	v58 =	vsub.f32 v3, v8;
	v10 =	vmin.f32 v10, v57  }
0xe1: {  	v16 =	vmin.f32 v16, v54;
	v9 =	vmul.f32 v9, v9;
	v10 =	vmul.f32 v10, v10  }
0xe2: {  	v59 =	vmul.f32 v16, v16;
	v11 =	vadd.f32 v11, v15;
	v8 =	vmin.f32 v8, v58  }
0xe3: {  	v12 =	vadd.f32 v13, v12;
	v8 =	vmul.f32 v8, v8;
	v9 =	vadd.f32 v10, v9  }
0xe4: {  	v60 =	vadd.f32 v59, v11  }
0xe5: {  	vm0 =	vle.f32 v12, $2.500000000e+01;
	v8 =	vadd.f32 v8, v9  }
0xe6: {  	v61 =	vmpcnt.ones.xlane vm0;
	vm14 =	vle.f32 v60, $2.500000000e+01  }
0xe7: {  	v62 =	vmpcnt.ones.xlane vm14;
	vm15 =	vle.f32 v8, $2.500000000e+01  }
0xe8: {  	v7 =	vadd.s32 v7, v61;
	v63 =	vmpcnt.ones.xlane vm15  }
0xe9: {  	v7 =	vadd.s32 v7, v62  }
0xea: {  	v7 =	vadd.s32 v7, v63  }
0xeb: {  	(v2sf) =	vpush v7, $0x0;
	_ =	sdelay $0xe  }
0xec: {  	s2 =	spop (v2sf)  }
0xed: {  	[tilespmem:s4+$0x3080] =	vst v12;
	s4 =	sadd.s32 $0xFFFFFFFF, s2  }
0xee: {  	p0 =	slt.s32 s4, $0x10  }
.Ltmp7:
0xef: {  	_ = 	snop;
	(pc) =	sbr.rel @!p0 .LBB2_10-.Ltmp7, $3  }
0xf0: {  	_ =	sdelay $0x1  }
0xf1: {  	[tilespmem:s5+$0x3080] =	vst v60  }
0xf2: {  	[tilespmem:s6+$0x3080] =	vst v8;
	s2 =	simm.f32 $2.500000000e+01  }
.LBB2_90:
0xf3: {  	s3 =	simm.s32 $0x0  }
0xf4: {  	v9 =	vld [tilespmem:s3+$0x3080]  }
0xf5: {  	v8 =	vmov s2;
	v7 =	vimm.f32 $1.000000000e+09;
	s2 =	simm.s32 $0x40  }
.LBB2_91:
0xf6: {  	p0 =	sne.s32 s2, $0x3FC0  }
.Ltmp8:
0xf7: {  	_ = 	snop;
	(pc) =	sbr.rel @p0 .LBB2_91-.Ltmp8, $4  }
0xf8: {  	_ = 	snop  }
0xf9: {  	s3 =	sshra.s32 s2, $0x2;
	s2 =	sadd.s32 $0x40, s2;
	vm0 =	vgt.f32 v9, v8  }
0xfa: {  	v10 =	vnsel vm0, $0x4E6E6B28, v9;
	v9 =	vld [tilespmem:s3+$0x3080]  }
0xfb: {  	v7 =	vmin.f32 v7, v10  }
0xfc: {  	_ =	sdelay $0x2  }
0xfd: {  	vm0 =	vgt.f32 v9, v8  }
0xfe: {  	v8 =	vnsel vm0, $0x4E6E6B28, v9  }
0xff: {  	v7 =	vmin.f32 v7, v8  }
0x100: {  	(xrf1) =	vsort.ascd.msk.f32 $0xffff, v7, v7;
	_ =	sdelay $0xd  }
0x101: {  	s3 =	simm.s32 $0x0;
	v7, _, _ =	vpop (xrf1)  }
0x102: {  	s2 =	simm.s32 $0x40;
	v10 =	vld [tilespmem:s3+$0x3080];
	v8 =	vimm.s32 $0x0;
	v9 =	vbroadcast v7, $0x0  }
.LBB2_93:
0x103: {  	_ =	sdelay $0x1  }
0x104: {  	p0 =	sne.s32 s2, $0x3FC0  }
.Ltmp9:
0x105: {  	_ = 	snop;
	(pc) =	sbr.rel @p0 .LBB2_93-.Ltmp9, $4  }
0x106: {  	vm0 =	veq.f32 v10, v9  }
0x107: {  	v11 =	vmpcnt.ones.xlane vm0  }
0x108: {  	s3 =	sshra.s32 s2, $0x2  }
0x109: {  	s2 =	sadd.s32 $0x40, s2;
	v10 =	vld [tilespmem:s3+$0x3080];
	v8 =	vadd.s32 v8, v11  }
0x10a: {  	_ =	sdelay $0x3  }
0x10b: {  	vm0 =	veq.f32 v10, v9  }
0x10c: {  	v9 =	vmpcnt.ones.xlane vm0;
	_ =	sdelay $0x1  }
0x10d: {  	(v2sf) =	vpush v7, $0x0;
	v8 =	vadd.s32 v8, v9  }
0x10e: {  	(v2sf) =	vpush v8, $0x0;
	_ =	sdelay $0xd  }
0x10f: {  	s2 =	spop (v2sf)  }
0x110: {  	s3 =	spop (v2sf)  }
0x111: {  	s4 =	sadd.s32 s4, s3  }
0x112: {  	p0 =	slt.s32 s4, $0x10  }
.Ltmp10:
0x113: {  	_ = 	snop;
	(pc) =	sbr.rel @p0 .LBB2_90-.Ltmp10, $1  }
0x114: {  	_ =	sdelay $0x3  }
.LBB2_10:
0x115: {  	s29 =	simm.s32 $0x0  }
0x116: {  	v7 =	vld [tilespmem:s29+$0x3080];
	_ =	sdelay $0x3  }
0x117: {  	v11 =	vmov s2;
	s5 =	simm.s32 $0x10  }
0x118: {  	v8 =	vld [tilespmem:s5+$0x3080];
	vm0 =	vle.f32 v7, v11  }
0x119: {  	v7 =	vnsel vm0, $0x0, v7  }
0x11a: {  	v9 =	vshrl.u32 v7, $0x1;
	v12 =	vmul.f32 $5.000000000e-01, v7  }
0x11b: {  	v9 =	vsub.s32 $0x5F3759DF, v9  }
0x11c: {  	v10 =	vmul.f32 v9, v12  }
0x11d: {  	vm12 =	vle.f32 v8, v11  }
0x11e: {  	s4 =	simm.s32 $0x20;
	v8 =	vnsel vm12, $0x0, v8;
	v10 =	vmul.f32 v9, v10  }
0x11f: {  	v13 =	vld [tilespmem:s4+$0x3080];
	v14 =	vshrl.u32 v8, $0x1;
	v18 =	vmul.f32 $5.000000000e-01, v8  }
0x120: {  	v14 =	vsub.s32 $0x5F3759DF, v14;
	v10 =	vsub.f32 $1.500000000e+00, v10  }
0x121: {  	v15 =	vmul.f32 v14, v18  }
0x122: {  	v16 =	vmul.f32 v9, v10  }
0x123: {  	v15 =	vmul.f32 v14, v15  }
0x124: {  	vm13 =	vle.f32 v13, v11;
	v17 =	vmul.f32 v16, v12  }
0x125: {  	s6 =	simm.s32 $0x30;
	v15 =	vsub.f32 $1.500000000e+00, v15;
	v9 =	vnsel vm13, $0x0, v13  }
0x126: {  	v10 =	vld [tilespmem:s6+$0x3080];
	v19 =	vshrl.u32 v9, $0x1;
	v13 =	vmul.f32 $5.000000000e-01, v9;
	v17 =	vmul.f32 v17, v16  }
0x127: {  	v19 =	vsub.s32 $0x5F3759DF, v19  }
0x128: {  	v15 =	vmul.f32 v14, v15;
	v20 =	vmul.f32 v19, v13;
	v14 =	vsub.f32 $1.500000000e+00, v17;
	_ =	sdelay $0x1  }
0x129: {  	s7 =	simm.s32 $0x40;
	v20 =	vmul.f32 v19, v20;
	v25 =	vmul.f32 v14, v16  }
0x12a: {  	v21 =	vmul.f32 v15, v18;
	vm14 =	vle.f32 v10, v11;
	v17 =	vld [tilespmem:s7+$0x3080]  }
0x12b: {  	v10 =	vnsel vm14, $0x0, v10;
	v20 =	vsub.f32 $1.500000000e+00, v20;
	v12 =	vmul.f32 v25, v12  }
0x12c: {  	v22 =	vmul.f32 v21, v15;
	v16 =	vshrl.u32 v10, $0x1;
	v14 =	vmul.f32 $5.000000000e-01, v10  }
0x12d: {  	v21 =	vsub.s32 $0x5F3759DF, v16;
	v16 =	vmul.f32 v19, v20;
	v20 =	vmul.f32 v12, v25  }
0x12e: {  	s24 =	simm.s32 $0x50;
	v23 =	vmul.f32 v21, v14  }
0x12f: {  	v19 =	vsub.f32 $1.500000000e+00, v22;
	vm15 =	vle.f32 v17, v11;
	v27 =	vsub.f32 $1.500000000e+00, v20;
	v20 =	vld [tilespmem:s24+$0x3080]  }
0x130: {  	v12 =	vnsel vm15, $0x0, v17;
	v22 =	vmul.f32 v21, v23;
	v23 =	vmul.f32 v16, v13  }
0x131: {  	v15 =	vmul.f32 v19, v15;
	v26 =	vshrl.u32 v12, $0x1  }
0x132: {  	v17 =	vmul.f32 $5.000000000e-01, v12;
	v24 =	vsub.f32 $1.500000000e+00, v22;
	v22 =	vmul.f32 v23, v16  }
0x133: {  	s2 =	simm.s32 $0x180;
	v19 =	vsub.s32 $0x5F3759DF, v26;
	v23 =	vmul.f32 v15, v18;
	v18 =	vmul.f32 v27, v25  }
.LBB2_11:
0x134: {  	s3 =	sshra.s32 s2, $0x2;
	vm0 =	vle.f32 v20, v11;
	v25 =	vmul.f32 v19, v17;
	v21 =	vmul.f32 v21, v24;
	v24 =	vmovc v20;
	p0 =	sne.s32 s2, $0x3FC0  }
.Ltmp11:
0x135: {  	v22 =	vsub.f32 $1.500000000e+00, v22;
	v20 =	vld [tilespmem:s3+$0x3080];
	v23 =	vmul.f32 v23, v15;
	v18 =	vmul.f32 v18, v7;
	v7 =	vmovc v8;
	v8 =	vmovc v9;
	(pc) =	sbr.rel @p0 .LBB2_11-.Ltmp11, $4  }
0x136: {  	v9 =	vmovc v10;
	v10 =	vmovc v12;
	v12 =	vnsel vm0, $0x0, v24;
	v25 =	vmul.f32 v19, v25;
	v26 =	vmul.f32 v21, v14  }
0x137: {  	s2 =	sadd.s32 $0x40, s2;
	v30 =	vmovc v14;
	v27 =	vshrl.u32 v12, $0x1;
	v28 =	vmul.f32 v22, v16;
	v16 =	vmovc v21;
	v29 =	vsub.f32 $1.500000000e+00, v23;
	[tilespmem:s29+$0x4080] =	vst v18;
	s29 =	smov.u32 s5  }
0x138: {  	v14 =	vmovc v17;
	v17 =	vmul.f32 $5.000000000e-01, v12;
	s5 =	smov.u32 s4;
	s4 =	smov.u32 s6;
	s6 =	smov.u32 s7;
	v24 =	vsub.f32 $1.500000000e+00, v25;
	v22 =	vmul.f32 v26, v16;
	v21 =	vmovc v19  }
0x139: {  	s7 =	smov.u32 s24;
	s24 =	smov.u32 s3;
	v19 =	vsub.s32 $0x5F3759DF, v27;
	v23 =	vmul.f32 v28, v13;
	v13 =	vmovc v30;
	v18 =	vmul.f32 v29, v15;
	v15 =	vmovc v28  }
0x13a: {  	vm0 =	vle.f32 v20, v11  }
0x13b: {  	v11 =	vnsel vm0, $0x0, v20  }
0x13c: {  	v25 =	vshrl.u32 v11, $0x1;
	v26 =	vmul.f32 $5.000000000e-01, v11  }
0x13d: {  	v54 =	vmul.f32 v19, v17;
	v25 =	vsub.s32 $0x5F3759DF, v25  }
0x13e: {  	v27 =	vmul.f32 v25, v26  }
0x13f: {  	v20 =	vmul.f32 v19, v54  }
0x140: {  	v27 =	vmul.f32 v25, v27  }
0x141: {  	v20 =	vsub.f32 $1.500000000e+00, v20  }
0x142: {  	v21 =	vmul.f32 v21, v24;
	v55 =	vsub.f32 $1.500000000e+00, v27  }
0x143: {  	v19 =	vmul.f32 v19, v20  }
0x144: {  	v24 =	vmul.f32 v21, v14;
	v20 =	vmul.f32 v25, v55  }
0x145: {  	v56 =	vmul.f32 v19, v17  }
0x146: {  	v24 =	vmul.f32 v24, v21;
	v58 =	vmul.f32 v20, v26  }
0x147: {  	v22 =	vsub.f32 $1.500000000e+00, v22;
	v57 =	vmul.f32 v56, v19  }
0x148: {  	v24 =	vsub.f32 $1.500000000e+00, v24;
	v27 =	vmul.f32 v58, v20  }
0x149: {  	v16 =	vmul.f32 v22, v16;
	v25 =	vsub.f32 $1.500000000e+00, v57  }
0x14a: {  	v23 =	vmul.f32 v23, v15;
	v21 =	vmul.f32 v24, v21;
	v59 =	vsub.f32 $1.500000000e+00, v27  }
0x14b: {  	v13 =	vmul.f32 v16, v13;
	v19 =	vmul.f32 v25, v19  }
0x14c: {  	v14 =	vmul.f32 v21, v14;
	v20 =	vmul.f32 v59, v20  }
0x14d: {  	v13 =	vmul.f32 v13, v16;
	v17 =	vmul.f32 v19, v17  }
0x14e: {  	v60 =	vsub.f32 $1.500000000e+00, v23;
	v14 =	vmul.f32 v14, v21;
	v61 =	vmul.f32 v20, v26  }
0x14f: {  	v13 =	vsub.f32 $1.500000000e+00, v13;
	v17 =	vmul.f32 v17, v19  }
0x150: {  	v15 =	vmul.f32 v60, v15;
	v14 =	vsub.f32 $1.500000000e+00, v14;
	v62 =	vmul.f32 v61, v20  }
0x151: {  	v7 =	vmul.f32 v18, v7;
	v13 =	vmul.f32 v13, v16;
	v16 =	vsub.f32 $1.500000000e+00, v17  }
0x152: {  	v8 =	vmul.f32 v15, v8;
	v14 =	vmul.f32 v14, v21;
	v15 =	vsub.f32 $1.500000000e+00, v62  }
0x153: {  	[tilespmem:s29+$0x4080] =	vst v7;
	v7 =	vmul.f32 v13, v9;
	v9 =	vmul.f32 v16, v19  }
0x154: {  	[tilespmem:s5+$0x4080] =	vst v8;
	v8 =	vmul.f32 v14, v10;
	v10 =	vmul.f32 v15, v20  }
0x155: {  	[tilespmem:s4+$0x4080] =	vst v7;
	v7 =	vmul.f32 v9, v12  }
0x156: {  	[tilespmem:s6+$0x4080] =	vst v8;
	v8 =	vmul.f32 v10, v11  }
0x157: {  	[tilespmem:s7+$0x4080] =	vst v7  }
0x158: {  	s2 =	sadd.s32 s28, s9;
	[tilespmem:s24+$0x4080] =	vst v8  }
0x159: {  	[hbm4b:s2+s30] =	stream.strided.scatter [tilespmem:s0], [sflag:$0x1], $0x1000, s31, s30, $0x38;
	[tilespmem:$0x5080] =	vst v63  }
0x15a: {  	_ =	swait.ge [sflag:s25], $0x1000  }
0x15b: {  	[sflag:s25] =	ssyncset.done $0x0  }
0x15c: {  	s4 =	simm.s32 $0x0;
	[sflag:s25] =	ssyncadd.s32 $0xFFFFF000  }
0x15d: {  	v7 =	vld [tilespmem:s4+$0x0]  }
0x15e: {  	v11 =	vld [tilespmem:s4+$0x1000];
	_ =	sdelay $0x1  }
0x15f: {  	v12 =	vld [tilespmem:s4+$0x2000]  }
0x160: {  	s5 =	simm.s32 $0x10;
	v9 =	vbroadcast v5, $0x2;
	v10 =	vbroadcast v6, $0x2  }
0x161: {  	v13 =	vld [tilespmem:s5+$0x0]  }
0x162: {  	v8 =	vbroadcast v4, $0x2;
	v7 =	vsub.f32 v9, v7;
	v11 =	vsub.f32 v10, v11  }
0x163: {  	v17 =	vld [tilespmem:s5+$0x1000]  }
0x164: {  	v15 =	vld [tilespmem:s5+$0x2000];
	v12 =	vsub.f32 v8, v12;
	v7 =	vand.u32 $0x7FFFFFFF, v7;
	v11 =	vand.u32 $0x7FFFFFFF, v11  }
0x165: {  	v14 =	vsub.f32 v1, v7;
	v16 =	vsub.f32 v2, v11  }
0x166: {  	v13 =	vsub.f32 v9, v13;
	v12 =	vand.u32 $0x7FFFFFFF, v12  }
0x167: {  	s6 =	simm.s32 $0x20;
	v18 =	vsub.f32 v3, v12;
	v14 =	vmin.f32 v7, v14;
	v11 =	vmin.f32 v11, v16  }
0x168: {  	v17 =	vsub.f32 v10, v17;
	v19 =	vmul.f32 v14, v14;
	v63 =	vmul.f32 v11, v11;
	v14 =	vld [tilespmem:s6+$0x0]  }
0x169: {  	v16 =	vsub.f32 v8, v15;
	v15 =	vand.u32 $0x7FFFFFFF, v13;
	v13 =	vmin.f32 v12, v18  }
0x16a: {  	s2 =	simm.s32 $0xC0;
	v7 =	vimm.s32 $0x0;
	v11 =	vld [tilespmem:s6+$0x2000];
	v13 =	vmul.f32 v13, v13;
	v12 =	vadd.f32 v63, v19  }
.LBB2_13:
0x16b: {  	p0 =	sne.s32 s2, $0x3FC0;
	v18 =	vld [tilespmem:s6+$0x1000];
	v19 =	vsub.f32 v1, v15;
	v17 =	vand.u32 $0x7FFFFFFF, v17  }
0x16c: {  	v21 =	vand.u32 $0x7FFFFFFF, v16;
	v20 =	vsub.f32 v2, v17;
	v12 =	vadd.f32 v13, v12  }
.Ltmp12:
0x16d: {  	v13 =	vsub.f32 v9, v14;
	v14 =	vmin.f32 v15, v19;
	v19 =	vsub.f32 v3, v21;
	(pc) =	sbr.rel @p0 .LBB2_13-.Ltmp12, $4  }
0x16e: {  	v22 =	vmul.f32 v14, v14;
	v15 =	vmin.f32 v17, v20;
	[tilespmem:s4+$0x3080] =	vst v12;
	vm0 =	vle.f32 v12, $2.500000000e+01;
	s4 =	smov.u32 s5;
	s5 =	smov.u32 s6;
	s6 =	sshra.s32 s2, $0x2  }
0x16f: {  	v14 =	vld [tilespmem:s6+$0x0];
	v16 =	vsub.f32 v8, v11;
	v12 =	vmul.f32 v15, v15;
	v20 =	vmpcnt.ones.xlane vm0  }
0x170: {  	v15 =	vand.u32 $0x7FFFFFFF, v13;
	v13 =	vmin.f32 v21, v19;
	v17 =	vsub.f32 v10, v18  }
0x171: {  	s2 =	sadd.s32 $0x40, s2;
	v13 =	vmul.f32 v13, v13;
	v11 =	vld [tilespmem:s6+$0x2000];
	v12 =	vadd.f32 v12, v22;
	v7 =	vadd.s32 v7, v20  }
0x172: {  	v18 =	vld [tilespmem:s6+$0x1000];
	_ =	sdelay $0x3  }
0x173: {  	v19 =	vsub.f32 v1, v15;
	v17 =	vand.u32 $0x7FFFFFFF, v17  }
0x174: {  	v16 =	vand.u32 $0x7FFFFFFF, v16;
	v9 =	vsub.f32 v9, v14;
	v10 =	vsub.f32 v10, v18  }
0x175: {  	v53 =	vsub.f32 v2, v17;
	v54 =	vsub.f32 v3, v16;
	v15 =	vmin.f32 v15, v19  }
0x176: {  	v8 =	vsub.f32 v8, v11;
	v9 =	vand.u32 $0x7FFFFFFF, v9;
	v10 =	vand.u32 $0x7FFFFFFF, v10  }
0x177: {  	v55 =	vmin.f32 v17, v53;
	v56 =	vsub.f32 v1, v9;
	v57 =	vsub.f32 v2, v10  }
0x178: {  	v15 =	vmul.f32 v15, v15;
	v11 =	vmul.f32 v55, v55;
	v8 =	vand.u32 $0x7FFFFFFF, v8  }
0x179: {  	v9 =	vmin.f32 v9, v56;
	v58 =	vsub.f32 v3, v8;
	v10 =	vmin.f32 v10, v57  }
0x17a: {  	v16 =	vmin.f32 v16, v54;
	v9 =	vmul.f32 v9, v9;
	v10 =	vmul.f32 v10, v10  }
0x17b: {  	v59 =	vmul.f32 v16, v16;
	v11 =	vadd.f32 v11, v15;
	v8 =	vmin.f32 v8, v58  }
0x17c: {  	v12 =	vadd.f32 v13, v12;
	v8 =	vmul.f32 v8, v8;
	v9 =	vadd.f32 v10, v9  }
0x17d: {  	v60 =	vadd.f32 v59, v11  }
0x17e: {  	vm0 =	vle.f32 v12, $2.500000000e+01;
	v8 =	vadd.f32 v8, v9  }
0x17f: {  	v61 =	vmpcnt.ones.xlane vm0;
	vm14 =	vle.f32 v60, $2.500000000e+01  }
0x180: {  	v62 =	vmpcnt.ones.xlane vm14;
	vm15 =	vle.f32 v8, $2.500000000e+01  }
0x181: {  	v7 =	vadd.s32 v7, v61;
	v63 =	vmpcnt.ones.xlane vm15  }
0x182: {  	v7 =	vadd.s32 v7, v62  }
0x183: {  	v7 =	vadd.s32 v7, v63  }
0x184: {  	(v2sf) =	vpush v7, $0x0;
	_ =	sdelay $0xe  }
0x185: {  	s2 =	spop (v2sf)  }
0x186: {  	[tilespmem:s4+$0x3080] =	vst v12;
	s4 =	sadd.s32 $0xFFFFFFFF, s2  }
0x187: {  	p0 =	slt.s32 s4, $0x10  }
.Ltmp13:
0x188: {  	_ = 	snop;
	(pc) =	sbr.rel @!p0 .LBB2_15-.Ltmp13, $3  }
0x189: {  	_ =	sdelay $0x1  }
0x18a: {  	[tilespmem:s5+$0x3080] =	vst v60  }
0x18b: {  	[tilespmem:s6+$0x3080] =	vst v8;
	s2 =	simm.f32 $2.500000000e+01  }
.LBB2_95:
0x18c: {  	s3 =	simm.s32 $0x0  }
0x18d: {  	v9 =	vld [tilespmem:s3+$0x3080]  }
0x18e: {  	v8 =	vmov s2;
	v7 =	vimm.f32 $1.000000000e+09;
	s2 =	simm.s32 $0x40  }
.LBB2_96:
0x18f: {  	p0 =	sne.s32 s2, $0x3FC0  }
.Ltmp14:
0x190: {  	_ = 	snop;
	(pc) =	sbr.rel @p0 .LBB2_96-.Ltmp14, $4  }
0x191: {  	_ = 	snop  }
0x192: {  	s3 =	sshra.s32 s2, $0x2;
	s2 =	sadd.s32 $0x40, s2;
	vm0 =	vgt.f32 v9, v8  }
0x193: {  	v10 =	vnsel vm0, $0x4E6E6B28, v9;
	v9 =	vld [tilespmem:s3+$0x3080]  }
0x194: {  	v7 =	vmin.f32 v7, v10  }
0x195: {  	_ =	sdelay $0x2  }
0x196: {  	vm0 =	vgt.f32 v9, v8  }
0x197: {  	v8 =	vnsel vm0, $0x4E6E6B28, v9  }
0x198: {  	v7 =	vmin.f32 v7, v8  }
0x199: {  	(xrf1) =	vsort.ascd.msk.f32 $0xffff, v7, v7;
	_ =	sdelay $0xd  }
0x19a: {  	s3 =	simm.s32 $0x0;
	v7, _, _ =	vpop (xrf1)  }
0x19b: {  	s2 =	simm.s32 $0x40;
	v10 =	vld [tilespmem:s3+$0x3080];
	v8 =	vimm.s32 $0x0;
	v9 =	vbroadcast v7, $0x0  }
.LBB2_98:
0x19c: {  	_ =	sdelay $0x1  }
0x19d: {  	p0 =	sne.s32 s2, $0x3FC0  }
.Ltmp15:
0x19e: {  	_ = 	snop;
	(pc) =	sbr.rel @p0 .LBB2_98-.Ltmp15, $4  }
0x19f: {  	vm0 =	veq.f32 v10, v9  }
0x1a0: {  	v11 =	vmpcnt.ones.xlane vm0  }
0x1a1: {  	s3 =	sshra.s32 s2, $0x2  }
0x1a2: {  	s2 =	sadd.s32 $0x40, s2;
	v10 =	vld [tilespmem:s3+$0x3080];
	v8 =	vadd.s32 v8, v11  }
0x1a3: {  	_ =	sdelay $0x3  }
0x1a4: {  	vm0 =	veq.f32 v10, v9  }
0x1a5: {  	v9 =	vmpcnt.ones.xlane vm0;
	_ =	sdelay $0x1  }
0x1a6: {  	(v2sf) =	vpush v7, $0x0;
	v8 =	vadd.s32 v8, v9  }
0x1a7: {  	(v2sf) =	vpush v8, $0x0;
	_ =	sdelay $0xd  }
0x1a8: {  	s2 =	spop (v2sf)  }
0x1a9: {  	s3 =	spop (v2sf)  }
0x1aa: {  	s4 =	sadd.s32 s4, s3  }
0x1ab: {  	p0 =	slt.s32 s4, $0x10  }
.Ltmp16:
0x1ac: {  	_ = 	snop;
	(pc) =	sbr.rel @p0 .LBB2_95-.Ltmp16, $1  }
0x1ad: {  	_ =	sdelay $0x3  }
.LBB2_15:
0x1ae: {  	s29 =	simm.s32 $0x0  }
0x1af: {  	v7 =	vld [tilespmem:s29+$0x3080];
	_ =	sdelay $0x3  }
0x1b0: {  	v11 =	vmov s2;
	s5 =	simm.s32 $0x10  }
0x1b1: {  	v8 =	vld [tilespmem:s5+$0x3080];
	vm0 =	vle.f32 v7, v11  }
0x1b2: {  	v7 =	vnsel vm0, $0x0, v7  }
0x1b3: {  	v9 =	vshrl.u32 v7, $0x1;
	v12 =	vmul.f32 $5.000000000e-01, v7  }
0x1b4: {  	v9 =	vsub.s32 $0x5F3759DF, v9  }
0x1b5: {  	v10 =	vmul.f32 v9, v12  }
0x1b6: {  	vm12 =	vle.f32 v8, v11  }
0x1b7: {  	s4 =	simm.s32 $0x20;
	v8 =	vnsel vm12, $0x0, v8;
	v10 =	vmul.f32 v9, v10  }
0x1b8: {  	v13 =	vld [tilespmem:s4+$0x3080];
	v14 =	vshrl.u32 v8, $0x1;
	v18 =	vmul.f32 $5.000000000e-01, v8  }
0x1b9: {  	v14 =	vsub.s32 $0x5F3759DF, v14;
	v10 =	vsub.f32 $1.500000000e+00, v10  }
0x1ba: {  	v15 =	vmul.f32 v14, v18  }
0x1bb: {  	v16 =	vmul.f32 v9, v10  }
0x1bc: {  	v15 =	vmul.f32 v14, v15  }
0x1bd: {  	vm13 =	vle.f32 v13, v11;
	v17 =	vmul.f32 v16, v12  }
0x1be: {  	s6 =	simm.s32 $0x30;
	v15 =	vsub.f32 $1.500000000e+00, v15;
	v9 =	vnsel vm13, $0x0, v13  }
0x1bf: {  	v10 =	vld [tilespmem:s6+$0x3080];
	v19 =	vshrl.u32 v9, $0x1;
	v13 =	vmul.f32 $5.000000000e-01, v9;
	v17 =	vmul.f32 v17, v16  }
0x1c0: {  	v19 =	vsub.s32 $0x5F3759DF, v19  }
0x1c1: {  	v15 =	vmul.f32 v14, v15;
	v20 =	vmul.f32 v19, v13;
	v14 =	vsub.f32 $1.500000000e+00, v17;
	_ =	sdelay $0x1  }
0x1c2: {  	s7 =	simm.s32 $0x40;
	v20 =	vmul.f32 v19, v20;
	v25 =	vmul.f32 v14, v16  }
0x1c3: {  	v21 =	vmul.f32 v15, v18;
	vm14 =	vle.f32 v10, v11;
	v17 =	vld [tilespmem:s7+$0x3080]  }
0x1c4: {  	v10 =	vnsel vm14, $0x0, v10;
	v20 =	vsub.f32 $1.500000000e+00, v20;
	v12 =	vmul.f32 v25, v12  }
0x1c5: {  	v22 =	vmul.f32 v21, v15;
	v16 =	vshrl.u32 v10, $0x1;
	v14 =	vmul.f32 $5.000000000e-01, v10  }
0x1c6: {  	v21 =	vsub.s32 $0x5F3759DF, v16;
	v16 =	vmul.f32 v19, v20;
	v20 =	vmul.f32 v12, v25  }
0x1c7: {  	s24 =	simm.s32 $0x50;
	v23 =	vmul.f32 v21, v14  }
0x1c8: {  	v19 =	vsub.f32 $1.500000000e+00, v22;
	vm15 =	vle.f32 v17, v11;
	v27 =	vsub.f32 $1.500000000e+00, v20;
	v20 =	vld [tilespmem:s24+$0x3080]  }
0x1c9: {  	v12 =	vnsel vm15, $0x0, v17;
	v22 =	vmul.f32 v21, v23;
	v23 =	vmul.f32 v16, v13  }
0x1ca: {  	v15 =	vmul.f32 v19, v15;
	v26 =	vshrl.u32 v12, $0x1  }
0x1cb: {  	v17 =	vmul.f32 $5.000000000e-01, v12;
	v24 =	vsub.f32 $1.500000000e+00, v22;
	v22 =	vmul.f32 v23, v16  }
0x1cc: {  	s2 =	simm.s32 $0x180;
	v19 =	vsub.s32 $0x5F3759DF, v26;
	v23 =	vmul.f32 v15, v18;
	v18 =	vmul.f32 v27, v25  }
.LBB2_16:
0x1cd: {  	s3 =	sshra.s32 s2, $0x2;
	vm0 =	vle.f32 v20, v11;
	v25 =	vmul.f32 v19, v17;
	v21 =	vmul.f32 v21, v24;
	v24 =	vmovc v20;
	p0 =	sne.s32 s2, $0x3FC0  }
.Ltmp17:
0x1ce: {  	v22 =	vsub.f32 $1.500000000e+00, v22;
	v20 =	vld [tilespmem:s3+$0x3080];
	v23 =	vmul.f32 v23, v15;
	v18 =	vmul.f32 v18, v7;
	v7 =	vmovc v8;
	v8 =	vmovc v9;
	(pc) =	sbr.rel @p0 .LBB2_16-.Ltmp17, $4  }
0x1cf: {  	v9 =	vmovc v10;
	v10 =	vmovc v12;
	v12 =	vnsel vm0, $0x0, v24;
	v25 =	vmul.f32 v19, v25;
	v26 =	vmul.f32 v21, v14  }
0x1d0: {  	s2 =	sadd.s32 $0x40, s2;
	v30 =	vmovc v14;
	v27 =	vshrl.u32 v12, $0x1;
	v28 =	vmul.f32 v22, v16;
	v16 =	vmovc v21;
	v29 =	vsub.f32 $1.500000000e+00, v23;
	[tilespmem:s29+$0x4080] =	vst v18;
	s29 =	smov.u32 s5  }
0x1d1: {  	v14 =	vmovc v17;
	v17 =	vmul.f32 $5.000000000e-01, v12;
	s5 =	smov.u32 s4;
	s4 =	smov.u32 s6;
	s6 =	smov.u32 s7;
	v24 =	vsub.f32 $1.500000000e+00, v25;
	v22 =	vmul.f32 v26, v16;
	v21 =	vmovc v19  }
0x1d2: {  	s7 =	smov.u32 s24;
	s24 =	smov.u32 s3;
	v19 =	vsub.s32 $0x5F3759DF, v27;
	v23 =	vmul.f32 v28, v13;
	v13 =	vmovc v30;
	v18 =	vmul.f32 v29, v15;
	v15 =	vmovc v28  }
0x1d3: {  	vm0 =	vle.f32 v20, v11  }
0x1d4: {  	v11 =	vnsel vm0, $0x0, v20  }
0x1d5: {  	v25 =	vshrl.u32 v11, $0x1;
	v26 =	vmul.f32 $5.000000000e-01, v11  }
0x1d6: {  	v54 =	vmul.f32 v19, v17;
	v25 =	vsub.s32 $0x5F3759DF, v25  }
0x1d7: {  	v27 =	vmul.f32 v25, v26  }
0x1d8: {  	v20 =	vmul.f32 v19, v54  }
0x1d9: {  	v27 =	vmul.f32 v25, v27  }
0x1da: {  	v20 =	vsub.f32 $1.500000000e+00, v20  }
0x1db: {  	v21 =	vmul.f32 v21, v24;
	v55 =	vsub.f32 $1.500000000e+00, v27  }
0x1dc: {  	v19 =	vmul.f32 v19, v20  }
0x1dd: {  	v24 =	vmul.f32 v21, v14;
	v20 =	vmul.f32 v25, v55  }
0x1de: {  	v56 =	vmul.f32 v19, v17  }
0x1df: {  	v24 =	vmul.f32 v24, v21;
	v58 =	vmul.f32 v20, v26  }
0x1e0: {  	v22 =	vsub.f32 $1.500000000e+00, v22;
	v57 =	vmul.f32 v56, v19  }
0x1e1: {  	v24 =	vsub.f32 $1.500000000e+00, v24;
	v27 =	vmul.f32 v58, v20  }
0x1e2: {  	v16 =	vmul.f32 v22, v16;
	v25 =	vsub.f32 $1.500000000e+00, v57  }
0x1e3: {  	v23 =	vmul.f32 v23, v15;
	v21 =	vmul.f32 v24, v21;
	v59 =	vsub.f32 $1.500000000e+00, v27  }
0x1e4: {  	v13 =	vmul.f32 v16, v13;
	v19 =	vmul.f32 v25, v19  }
0x1e5: {  	v14 =	vmul.f32 v21, v14;
	v20 =	vmul.f32 v59, v20  }
0x1e6: {  	v13 =	vmul.f32 v13, v16;
	v17 =	vmul.f32 v19, v17  }
0x1e7: {  	v60 =	vsub.f32 $1.500000000e+00, v23;
	v14 =	vmul.f32 v14, v21;
	v61 =	vmul.f32 v20, v26  }
0x1e8: {  	v13 =	vsub.f32 $1.500000000e+00, v13;
	v17 =	vmul.f32 v17, v19  }
0x1e9: {  	v15 =	vmul.f32 v60, v15;
	v14 =	vsub.f32 $1.500000000e+00, v14;
	v62 =	vmul.f32 v61, v20  }
0x1ea: {  	v7 =	vmul.f32 v18, v7;
	v13 =	vmul.f32 v13, v16;
	v16 =	vsub.f32 $1.500000000e+00, v17  }
0x1eb: {  	v8 =	vmul.f32 v15, v8;
	v14 =	vmul.f32 v14, v21;
	v15 =	vsub.f32 $1.500000000e+00, v62  }
0x1ec: {  	[tilespmem:s29+$0x4080] =	vst v7;
	v7 =	vmul.f32 v13, v9;
	v9 =	vmul.f32 v16, v19  }
0x1ed: {  	[tilespmem:s5+$0x4080] =	vst v8;
	v8 =	vmul.f32 v14, v10;
	v10 =	vmul.f32 v15, v20  }
0x1ee: {  	[tilespmem:s4+$0x4080] =	vst v7;
	v7 =	vmul.f32 v9, v12  }
0x1ef: {  	[tilespmem:s6+$0x4080] =	vst v8;
	v8 =	vmul.f32 v10, v11  }
0x1f0: {  	[tilespmem:s7+$0x4080] =	vst v7  }
0x1f1: {  	s2 =	sadd.s32 s28, s10;
	[tilespmem:s24+$0x4080] =	vst v8  }
0x1f2: {  	[hbm4b:s2+s30] =	stream.strided.scatter [tilespmem:s0], [sflag:$0x1], $0x1000, s31, s30, $0x38;
	[tilespmem:$0x5080] =	vst v63  }
0x1f3: {  	_ =	swait.ge [sflag:s25], $0x1000  }
0x1f4: {  	[sflag:s25] =	ssyncset.done $0x0  }
0x1f5: {  	s4 =	simm.s32 $0x0;
	[sflag:s25] =	ssyncadd.s32 $0xFFFFF000  }
0x1f6: {  	v7 =	vld [tilespmem:s4+$0x0]  }
0x1f7: {  	v11 =	vld [tilespmem:s4+$0x1000];
	_ =	sdelay $0x1  }
0x1f8: {  	v12 =	vld [tilespmem:s4+$0x2000]  }
0x1f9: {  	s5 =	simm.s32 $0x10;
	v9 =	vbroadcast v5, $0x3;
	v10 =	vbroadcast v6, $0x3  }
0x1fa: {  	v13 =	vld [tilespmem:s5+$0x0]  }
0x1fb: {  	v8 =	vbroadcast v4, $0x3;
	v7 =	vsub.f32 v9, v7;
	v11 =	vsub.f32 v10, v11  }
0x1fc: {  	v17 =	vld [tilespmem:s5+$0x1000]  }
0x1fd: {  	v15 =	vld [tilespmem:s5+$0x2000];
	v12 =	vsub.f32 v8, v12;
	v7 =	vand.u32 $0x7FFFFFFF, v7;
	v11 =	vand.u32 $0x7FFFFFFF, v11  }
0x1fe: {  	v14 =	vsub.f32 v1, v7;
	v16 =	vsub.f32 v2, v11  }
0x1ff: {  	v13 =	vsub.f32 v9, v13;
	v12 =	vand.u32 $0x7FFFFFFF, v12  }
0x200: {  	s6 =	simm.s32 $0x20;
	v18 =	vsub.f32 v3, v12;
	v14 =	vmin.f32 v7, v14;
	v11 =	vmin.f32 v11, v16  }
0x201: {  	v17 =	vsub.f32 v10, v17;
	v19 =	vmul.f32 v14, v14;
	v63 =	vmul.f32 v11, v11;
	v14 =	vld [tilespmem:s6+$0x0]  }
0x202: {  	v16 =	vsub.f32 v8, v15;
	v15 =	vand.u32 $0x7FFFFFFF, v13;
	v13 =	vmin.f32 v12, v18  }
0x203: {  	s2 =	simm.s32 $0xC0;
	v7 =	vimm.s32 $0x0;
	v11 =	vld [tilespmem:s6+$0x2000];
	v13 =	vmul.f32 v13, v13;
	v12 =	vadd.f32 v63, v19  }
.LBB2_18:
0x204: {  	p0 =	sne.s32 s2, $0x3FC0;
	v18 =	vld [tilespmem:s6+$0x1000];
	v19 =	vsub.f32 v1, v15;
	v17 =	vand.u32 $0x7FFFFFFF, v17  }
0x205: {  	v21 =	vand.u32 $0x7FFFFFFF, v16;
	v20 =	vsub.f32 v2, v17;
	v12 =	vadd.f32 v13, v12  }
.Ltmp18:
0x206: {  	v13 =	vsub.f32 v9, v14;
	v14 =	vmin.f32 v15, v19;
	v19 =	vsub.f32 v3, v21;
	(pc) =	sbr.rel @p0 .LBB2_18-.Ltmp18, $4  }
0x207: {  	v22 =	vmul.f32 v14, v14;
	v15 =	vmin.f32 v17, v20;
	[tilespmem:s4+$0x3080] =	vst v12;
	vm0 =	vle.f32 v12, $2.500000000e+01;
	s4 =	smov.u32 s5;
	s5 =	smov.u32 s6;
	s6 =	sshra.s32 s2, $0x2  }
0x208: {  	v14 =	vld [tilespmem:s6+$0x0];
	v16 =	vsub.f32 v8, v11;
	v12 =	vmul.f32 v15, v15;
	v20 =	vmpcnt.ones.xlane vm0  }
0x209: {  	v15 =	vand.u32 $0x7FFFFFFF, v13;
	v13 =	vmin.f32 v21, v19;
	v17 =	vsub.f32 v10, v18  }
0x20a: {  	s2 =	sadd.s32 $0x40, s2;
	v13 =	vmul.f32 v13, v13;
	v11 =	vld [tilespmem:s6+$0x2000];
	v12 =	vadd.f32 v12, v22;
	v7 =	vadd.s32 v7, v20  }
0x20b: {  	v18 =	vld [tilespmem:s6+$0x1000];
	_ =	sdelay $0x3  }
0x20c: {  	v19 =	vsub.f32 v1, v15;
	v17 =	vand.u32 $0x7FFFFFFF, v17  }
0x20d: {  	v16 =	vand.u32 $0x7FFFFFFF, v16;
	v9 =	vsub.f32 v9, v14;
	v10 =	vsub.f32 v10, v18  }
0x20e: {  	v53 =	vsub.f32 v2, v17;
	v54 =	vsub.f32 v3, v16;
	v15 =	vmin.f32 v15, v19  }
0x20f: {  	v8 =	vsub.f32 v8, v11;
	v9 =	vand.u32 $0x7FFFFFFF, v9;
	v10 =	vand.u32 $0x7FFFFFFF, v10  }
0x210: {  	v55 =	vmin.f32 v17, v53;
	v56 =	vsub.f32 v1, v9;
	v57 =	vsub.f32 v2, v10  }
0x211: {  	v15 =	vmul.f32 v15, v15;
	v11 =	vmul.f32 v55, v55;
	v8 =	vand.u32 $0x7FFFFFFF, v8  }
0x212: {  	v9 =	vmin.f32 v9, v56;
	v58 =	vsub.f32 v3, v8;
	v10 =	vmin.f32 v10, v57  }
0x213: {  	v16 =	vmin.f32 v16, v54;
	v9 =	vmul.f32 v9, v9;
	v10 =	vmul.f32 v10, v10  }
0x214: {  	v59 =	vmul.f32 v16, v16;
	v11 =	vadd.f32 v11, v15;
	v8 =	vmin.f32 v8, v58  }
0x215: {  	v12 =	vadd.f32 v13, v12;
	v8 =	vmul.f32 v8, v8;
	v9 =	vadd.f32 v10, v9  }
0x216: {  	v60 =	vadd.f32 v59, v11  }
0x217: {  	vm0 =	vle.f32 v12, $2.500000000e+01;
	v8 =	vadd.f32 v8, v9  }
0x218: {  	v61 =	vmpcnt.ones.xlane vm0;
	vm14 =	vle.f32 v60, $2.500000000e+01  }
0x219: {  	v62 =	vmpcnt.ones.xlane vm14;
	vm15 =	vle.f32 v8, $2.500000000e+01  }
0x21a: {  	v7 =	vadd.s32 v7, v61;
	v63 =	vmpcnt.ones.xlane vm15  }
0x21b: {  	v7 =	vadd.s32 v7, v62  }
0x21c: {  	v7 =	vadd.s32 v7, v63  }
0x21d: {  	(v2sf) =	vpush v7, $0x0;
	_ =	sdelay $0xe  }
0x21e: {  	s2 =	spop (v2sf)  }
0x21f: {  	[tilespmem:s4+$0x3080] =	vst v12;
	s4 =	sadd.s32 $0xFFFFFFFF, s2  }
0x220: {  	p0 =	slt.s32 s4, $0x10  }
.Ltmp19:
0x221: {  	_ = 	snop;
	(pc) =	sbr.rel @!p0 .LBB2_20-.Ltmp19, $3  }
0x222: {  	_ =	sdelay $0x1  }
0x223: {  	[tilespmem:s5+$0x3080] =	vst v60  }
0x224: {  	[tilespmem:s6+$0x3080] =	vst v8;
	s2 =	simm.f32 $2.500000000e+01  }
.LBB2_100:
0x225: {  	s3 =	simm.s32 $0x0  }
0x226: {  	v9 =	vld [tilespmem:s3+$0x3080]  }
0x227: {  	v8 =	vmov s2;
	v7 =	vimm.f32 $1.000000000e+09;
	s2 =	simm.s32 $0x40  }
.LBB2_101:
0x228: {  	p0 =	sne.s32 s2, $0x3FC0  }
.Ltmp20:
0x229: {  	_ = 	snop;
	(pc) =	sbr.rel @p0 .LBB2_101-.Ltmp20, $4  }
0x22a: {  	_ = 	snop  }
0x22b: {  	s3 =	sshra.s32 s2, $0x2;
	s2 =	sadd.s32 $0x40, s2;
	vm0 =	vgt.f32 v9, v8  }
0x22c: {  	v10 =	vnsel vm0, $0x4E6E6B28, v9;
	v9 =	vld [tilespmem:s3+$0x3080]  }
0x22d: {  	v7 =	vmin.f32 v7, v10  }
0x22e: {  	_ =	sdelay $0x2  }
0x22f: {  	vm0 =	vgt.f32 v9, v8  }
0x230: {  	v8 =	vnsel vm0, $0x4E6E6B28, v9  }
0x231: {  	v7 =	vmin.f32 v7, v8  }
0x232: {  	(xrf1) =	vsort.ascd.msk.f32 $0xffff, v7, v7;
	_ =	sdelay $0xd  }
0x233: {  	s3 =	simm.s32 $0x0;
	v7, _, _ =	vpop (xrf1)  }
0x234: {  	s2 =	simm.s32 $0x40;
	v10 =	vld [tilespmem:s3+$0x3080];
	v8 =	vimm.s32 $0x0;
	v9 =	vbroadcast v7, $0x0  }
.LBB2_103:
0x235: {  	_ =	sdelay $0x1  }
0x236: {  	p0 =	sne.s32 s2, $0x3FC0  }
.Ltmp21:
0x237: {  	_ = 	snop;
	(pc) =	sbr.rel @p0 .LBB2_103-.Ltmp21, $4  }
0x238: {  	vm0 =	veq.f32 v10, v9  }
0x239: {  	v11 =	vmpcnt.ones.xlane vm0  }
0x23a: {  	s3 =	sshra.s32 s2, $0x2  }
0x23b: {  	s2 =	sadd.s32 $0x40, s2;
	v10 =	vld [tilespmem:s3+$0x3080];
	v8 =	vadd.s32 v8, v11  }
0x23c: {  	_ =	sdelay $0x3  }
0x23d: {  	vm0 =	veq.f32 v10, v9  }
0x23e: {  	v9 =	vmpcnt.ones.xlane vm0;
	_ =	sdelay $0x1  }
0x23f: {  	(v2sf) =	vpush v7, $0x0;
	v8 =	vadd.s32 v8, v9  }
0x240: {  	(v2sf) =	vpush v8, $0x0;
	_ =	sdelay $0xd  }
0x241: {  	s2 =	spop (v2sf)  }
0x242: {  	s3 =	spop (v2sf)  }
0x243: {  	s4 =	sadd.s32 s4, s3  }
0x244: {  	p0 =	slt.s32 s4, $0x10  }
.Ltmp22:
0x245: {  	_ = 	snop;
	(pc) =	sbr.rel @p0 .LBB2_100-.Ltmp22, $1  }
0x246: {  	_ =	sdelay $0x3  }
.LBB2_20:
0x247: {  	s29 =	simm.s32 $0x0  }
0x248: {  	v7 =	vld [tilespmem:s29+$0x3080];
	_ =	sdelay $0x3  }
0x249: {  	v11 =	vmov s2;
	s5 =	simm.s32 $0x10  }
0x24a: {  	v8 =	vld [tilespmem:s5+$0x3080];
	vm0 =	vle.f32 v7, v11  }
0x24b: {  	v7 =	vnsel vm0, $0x0, v7  }
0x24c: {  	v9 =	vshrl.u32 v7, $0x1;
	v12 =	vmul.f32 $5.000000000e-01, v7  }
0x24d: {  	v9 =	vsub.s32 $0x5F3759DF, v9  }
0x24e: {  	v10 =	vmul.f32 v9, v12  }
0x24f: {  	vm12 =	vle.f32 v8, v11  }
0x250: {  	s4 =	simm.s32 $0x20;
	v8 =	vnsel vm12, $0x0, v8;
	v10 =	vmul.f32 v9, v10  }
0x251: {  	v13 =	vld [tilespmem:s4+$0x3080];
	v14 =	vshrl.u32 v8, $0x1;
	v18 =	vmul.f32 $5.000000000e-01, v8  }
0x252: {  	v14 =	vsub.s32 $0x5F3759DF, v14;
	v10 =	vsub.f32 $1.500000000e+00, v10  }
0x253: {  	v15 =	vmul.f32 v14, v18  }
0x254: {  	v16 =	vmul.f32 v9, v10  }
0x255: {  	v15 =	vmul.f32 v14, v15  }
0x256: {  	vm13 =	vle.f32 v13, v11;
	v17 =	vmul.f32 v16, v12  }
0x257: {  	s6 =	simm.s32 $0x30;
	v15 =	vsub.f32 $1.500000000e+00, v15;
	v9 =	vnsel vm13, $0x0, v13  }
0x258: {  	v10 =	vld [tilespmem:s6+$0x3080];
	v19 =	vshrl.u32 v9, $0x1;
	v13 =	vmul.f32 $5.000000000e-01, v9;
	v17 =	vmul.f32 v17, v16  }
0x259: {  	v19 =	vsub.s32 $0x5F3759DF, v19  }
0x25a: {  	v15 =	vmul.f32 v14, v15;
	v20 =	vmul.f32 v19, v13;
	v14 =	vsub.f32 $1.500000000e+00, v17;
	_ =	sdelay $0x1  }
0x25b: {  	s7 =	simm.s32 $0x40;
	v20 =	vmul.f32 v19, v20;
	v25 =	vmul.f32 v14, v16  }
0x25c: {  	v21 =	vmul.f32 v15, v18;
	vm14 =	vle.f32 v10, v11;
	v17 =	vld [tilespmem:s7+$0x3080]  }
0x25d: {  	v10 =	vnsel vm14, $0x0, v10;
	v20 =	vsub.f32 $1.500000000e+00, v20;
	v12 =	vmul.f32 v25, v12  }
0x25e: {  	v22 =	vmul.f32 v21, v15;
	v16 =	vshrl.u32 v10, $0x1;
	v14 =	vmul.f32 $5.000000000e-01, v10  }
0x25f: {  	v21 =	vsub.s32 $0x5F3759DF, v16;
	v16 =	vmul.f32 v19, v20;
	v20 =	vmul.f32 v12, v25  }
0x260: {  	s24 =	simm.s32 $0x50;
	v23 =	vmul.f32 v21, v14  }
0x261: {  	v19 =	vsub.f32 $1.500000000e+00, v22;
	vm15 =	vle.f32 v17, v11;
	v27 =	vsub.f32 $1.500000000e+00, v20;
	v20 =	vld [tilespmem:s24+$0x3080]  }
0x262: {  	v12 =	vnsel vm15, $0x0, v17;
	v22 =	vmul.f32 v21, v23;
	v23 =	vmul.f32 v16, v13  }
0x263: {  	v15 =	vmul.f32 v19, v15;
	v26 =	vshrl.u32 v12, $0x1  }
0x264: {  	v17 =	vmul.f32 $5.000000000e-01, v12;
	v24 =	vsub.f32 $1.500000000e+00, v22;
	v22 =	vmul.f32 v23, v16  }
0x265: {  	s2 =	simm.s32 $0x180;
	v19 =	vsub.s32 $0x5F3759DF, v26;
	v23 =	vmul.f32 v15, v18;
	v18 =	vmul.f32 v27, v25  }
.LBB2_21:
0x266: {  	s3 =	sshra.s32 s2, $0x2;
	vm0 =	vle.f32 v20, v11;
	v25 =	vmul.f32 v19, v17;
	v21 =	vmul.f32 v21, v24;
	v24 =	vmovc v20;
	p0 =	sne.s32 s2, $0x3FC0  }
.Ltmp23:
0x267: {  	v22 =	vsub.f32 $1.500000000e+00, v22;
	v20 =	vld [tilespmem:s3+$0x3080];
	v23 =	vmul.f32 v23, v15;
	v18 =	vmul.f32 v18, v7;
	v7 =	vmovc v8;
	v8 =	vmovc v9;
	(pc) =	sbr.rel @p0 .LBB2_21-.Ltmp23, $4  }
0x268: {  	v9 =	vmovc v10;
	v10 =	vmovc v12;
	v12 =	vnsel vm0, $0x0, v24;
	v25 =	vmul.f32 v19, v25;
	v26 =	vmul.f32 v21, v14  }
0x269: {  	s2 =	sadd.s32 $0x40, s2;
	v30 =	vmovc v14;
	v27 =	vshrl.u32 v12, $0x1;
	v28 =	vmul.f32 v22, v16;
	v16 =	vmovc v21;
	v29 =	vsub.f32 $1.500000000e+00, v23;
	[tilespmem:s29+$0x4080] =	vst v18;
	s29 =	smov.u32 s5  }
0x26a: {  	v14 =	vmovc v17;
	v17 =	vmul.f32 $5.000000000e-01, v12;
	s5 =	smov.u32 s4;
	s4 =	smov.u32 s6;
	s6 =	smov.u32 s7;
	v24 =	vsub.f32 $1.500000000e+00, v25;
	v22 =	vmul.f32 v26, v16;
	v21 =	vmovc v19  }
0x26b: {  	s7 =	smov.u32 s24;
	s24 =	smov.u32 s3;
	v19 =	vsub.s32 $0x5F3759DF, v27;
	v23 =	vmul.f32 v28, v13;
	v13 =	vmovc v30;
	v18 =	vmul.f32 v29, v15;
	v15 =	vmovc v28  }
0x26c: {  	vm0 =	vle.f32 v20, v11  }
0x26d: {  	v11 =	vnsel vm0, $0x0, v20  }
0x26e: {  	v25 =	vshrl.u32 v11, $0x1;
	v26 =	vmul.f32 $5.000000000e-01, v11  }
0x26f: {  	v54 =	vmul.f32 v19, v17;
	v25 =	vsub.s32 $0x5F3759DF, v25  }
0x270: {  	v27 =	vmul.f32 v25, v26  }
0x271: {  	v20 =	vmul.f32 v19, v54  }
0x272: {  	v27 =	vmul.f32 v25, v27  }
0x273: {  	v20 =	vsub.f32 $1.500000000e+00, v20  }
0x274: {  	v21 =	vmul.f32 v21, v24;
	v55 =	vsub.f32 $1.500000000e+00, v27  }
0x275: {  	v19 =	vmul.f32 v19, v20  }
0x276: {  	v24 =	vmul.f32 v21, v14;
	v20 =	vmul.f32 v25, v55  }
0x277: {  	v56 =	vmul.f32 v19, v17  }
0x278: {  	v24 =	vmul.f32 v24, v21;
	v58 =	vmul.f32 v20, v26  }
0x279: {  	v22 =	vsub.f32 $1.500000000e+00, v22;
	v57 =	vmul.f32 v56, v19  }
0x27a: {  	v24 =	vsub.f32 $1.500000000e+00, v24;
	v27 =	vmul.f32 v58, v20  }
0x27b: {  	v16 =	vmul.f32 v22, v16;
	v25 =	vsub.f32 $1.500000000e+00, v57  }
0x27c: {  	v23 =	vmul.f32 v23, v15;
	v21 =	vmul.f32 v24, v21;
	v59 =	vsub.f32 $1.500000000e+00, v27  }
0x27d: {  	v13 =	vmul.f32 v16, v13;
	v19 =	vmul.f32 v25, v19  }
0x27e: {  	v14 =	vmul.f32 v21, v14;
	v20 =	vmul.f32 v59, v20  }
0x27f: {  	v13 =	vmul.f32 v13, v16;
	v17 =	vmul.f32 v19, v17  }
0x280: {  	v60 =	vsub.f32 $1.500000000e+00, v23;
	v14 =	vmul.f32 v14, v21;
	v61 =	vmul.f32 v20, v26  }
0x281: {  	v13 =	vsub.f32 $1.500000000e+00, v13;
	v17 =	vmul.f32 v17, v19  }
0x282: {  	v15 =	vmul.f32 v60, v15;
	v14 =	vsub.f32 $1.500000000e+00, v14;
	v62 =	vmul.f32 v61, v20  }
0x283: {  	v7 =	vmul.f32 v18, v7;
	v13 =	vmul.f32 v13, v16;
	v16 =	vsub.f32 $1.500000000e+00, v17  }
0x284: {  	v8 =	vmul.f32 v15, v8;
	v14 =	vmul.f32 v14, v21;
	v15 =	vsub.f32 $1.500000000e+00, v62  }
0x285: {  	[tilespmem:s29+$0x4080] =	vst v7;
	v7 =	vmul.f32 v13, v9;
	v9 =	vmul.f32 v16, v19  }
0x286: {  	[tilespmem:s5+$0x4080] =	vst v8;
	v8 =	vmul.f32 v14, v10;
	v10 =	vmul.f32 v15, v20  }
0x287: {  	[tilespmem:s4+$0x4080] =	vst v7;
	v7 =	vmul.f32 v9, v12  }
0x288: {  	[tilespmem:s6+$0x4080] =	vst v8;
	v8 =	vmul.f32 v10, v11  }
0x289: {  	[tilespmem:s7+$0x4080] =	vst v7  }
0x28a: {  	s2 =	sadd.s32 s28, s11;
	[tilespmem:s24+$0x4080] =	vst v8  }
0x28b: {  	[hbm4b:s2+s30] =	stream.strided.scatter [tilespmem:s0], [sflag:$0x1], $0x1000, s31, s30, $0x38;
	[tilespmem:$0x5080] =	vst v63  }
0x28c: {  	_ =	swait.ge [sflag:s25], $0x1000  }
0x28d: {  	[sflag:s25] =	ssyncset.done $0x0  }
0x28e: {  	s4 =	simm.s32 $0x0;
	[sflag:s25] =	ssyncadd.s32 $0xFFFFF000  }
0x28f: {  	v7 =	vld [tilespmem:s4+$0x0]  }
0x290: {  	v11 =	vld [tilespmem:s4+$0x1000];
	_ =	sdelay $0x1  }
0x291: {  	v12 =	vld [tilespmem:s4+$0x2000]  }
0x292: {  	s5 =	simm.s32 $0x10;
	v9 =	vbroadcast v5, $0x4;
	v10 =	vbroadcast v6, $0x4  }
0x293: {  	v13 =	vld [tilespmem:s5+$0x0]  }
0x294: {  	v8 =	vbroadcast v4, $0x4;
	v7 =	vsub.f32 v9, v7;
	v11 =	vsub.f32 v10, v11  }
0x295: {  	v17 =	vld [tilespmem:s5+$0x1000]  }
0x296: {  	v15 =	vld [tilespmem:s5+$0x2000];
	v12 =	vsub.f32 v8, v12;
	v7 =	vand.u32 $0x7FFFFFFF, v7;
	v11 =	vand.u32 $0x7FFFFFFF, v11  }
0x297: {  	v14 =	vsub.f32 v1, v7;
	v16 =	vsub.f32 v2, v11  }
0x298: {  	v13 =	vsub.f32 v9, v13;
	v12 =	vand.u32 $0x7FFFFFFF, v12  }
0x299: {  	s6 =	simm.s32 $0x20;
	v18 =	vsub.f32 v3, v12;
	v14 =	vmin.f32 v7, v14;
	v11 =	vmin.f32 v11, v16  }
0x29a: {  	v17 =	vsub.f32 v10, v17;
	v19 =	vmul.f32 v14, v14;
	v63 =	vmul.f32 v11, v11;
	v14 =	vld [tilespmem:s6+$0x0]  }
0x29b: {  	v16 =	vsub.f32 v8, v15;
	v15 =	vand.u32 $0x7FFFFFFF, v13;
	v13 =	vmin.f32 v12, v18  }
0x29c: {  	s2 =	simm.s32 $0xC0;
	v7 =	vimm.s32 $0x0;
	v11 =	vld [tilespmem:s6+$0x2000];
	v13 =	vmul.f32 v13, v13;
	v12 =	vadd.f32 v63, v19  }
.LBB2_23:
0x29d: {  	p0 =	sne.s32 s2, $0x3FC0;
	v18 =	vld [tilespmem:s6+$0x1000];
	v19 =	vsub.f32 v1, v15;
	v17 =	vand.u32 $0x7FFFFFFF, v17  }
0x29e: {  	v21 =	vand.u32 $0x7FFFFFFF, v16;
	v20 =	vsub.f32 v2, v17;
	v12 =	vadd.f32 v13, v12  }
.Ltmp24:
0x29f: {  	v13 =	vsub.f32 v9, v14;
	v14 =	vmin.f32 v15, v19;
	v19 =	vsub.f32 v3, v21;
	(pc) =	sbr.rel @p0 .LBB2_23-.Ltmp24, $4  }
0x2a0: {  	v22 =	vmul.f32 v14, v14;
	v15 =	vmin.f32 v17, v20;
	[tilespmem:s4+$0x3080] =	vst v12;
	vm0 =	vle.f32 v12, $2.500000000e+01;
	s4 =	smov.u32 s5;
	s5 =	smov.u32 s6;
	s6 =	sshra.s32 s2, $0x2  }
0x2a1: {  	v14 =	vld [tilespmem:s6+$0x0];
	v16 =	vsub.f32 v8, v11;
	v12 =	vmul.f32 v15, v15;
	v20 =	vmpcnt.ones.xlane vm0  }
0x2a2: {  	v15 =	vand.u32 $0x7FFFFFFF, v13;
	v13 =	vmin.f32 v21, v19;
	v17 =	vsub.f32 v10, v18  }
0x2a3: {  	s2 =	sadd.s32 $0x40, s2;
	v13 =	vmul.f32 v13, v13;
	v11 =	vld [tilespmem:s6+$0x2000];
	v12 =	vadd.f32 v12, v22;
	v7 =	vadd.s32 v7, v20  }
0x2a4: {  	v18 =	vld [tilespmem:s6+$0x1000];
	_ =	sdelay $0x3  }
0x2a5: {  	v19 =	vsub.f32 v1, v15;
	v17 =	vand.u32 $0x7FFFFFFF, v17  }
0x2a6: {  	v16 =	vand.u32 $0x7FFFFFFF, v16;
	v9 =	vsub.f32 v9, v14;
	v10 =	vsub.f32 v10, v18  }
0x2a7: {  	v53 =	vsub.f32 v2, v17;
	v54 =	vsub.f32 v3, v16;
	v15 =	vmin.f32 v15, v19  }
0x2a8: {  	v8 =	vsub.f32 v8, v11;
	v9 =	vand.u32 $0x7FFFFFFF, v9;
	v10 =	vand.u32 $0x7FFFFFFF, v10  }
0x2a9: {  	v55 =	vmin.f32 v17, v53;
	v56 =	vsub.f32 v1, v9;
	v57 =	vsub.f32 v2, v10  }
0x2aa: {  	v15 =	vmul.f32 v15, v15;
	v11 =	vmul.f32 v55, v55;
	v8 =	vand.u32 $0x7FFFFFFF, v8  }
0x2ab: {  	v9 =	vmin.f32 v9, v56;
	v58 =	vsub.f32 v3, v8;
	v10 =	vmin.f32 v10, v57  }
0x2ac: {  	v16 =	vmin.f32 v16, v54;
	v9 =	vmul.f32 v9, v9;
	v10 =	vmul.f32 v10, v10  }
0x2ad: {  	v59 =	vmul.f32 v16, v16;
	v11 =	vadd.f32 v11, v15;
	v8 =	vmin.f32 v8, v58  }
0x2ae: {  	v12 =	vadd.f32 v13, v12;
	v8 =	vmul.f32 v8, v8;
	v9 =	vadd.f32 v10, v9  }
0x2af: {  	v60 =	vadd.f32 v59, v11  }
0x2b0: {  	vm0 =	vle.f32 v12, $2.500000000e+01;
	v8 =	vadd.f32 v8, v9  }
0x2b1: {  	v61 =	vmpcnt.ones.xlane vm0;
	vm14 =	vle.f32 v60, $2.500000000e+01  }
0x2b2: {  	v62 =	vmpcnt.ones.xlane vm14;
	vm15 =	vle.f32 v8, $2.500000000e+01  }
0x2b3: {  	v7 =	vadd.s32 v7, v61;
	v63 =	vmpcnt.ones.xlane vm15  }
0x2b4: {  	v7 =	vadd.s32 v7, v62  }
0x2b5: {  	v7 =	vadd.s32 v7, v63  }
0x2b6: {  	(v2sf) =	vpush v7, $0x0;
	_ =	sdelay $0xe  }
0x2b7: {  	s2 =	spop (v2sf)  }
0x2b8: {  	[tilespmem:s4+$0x3080] =	vst v12;
	s4 =	sadd.s32 $0xFFFFFFFF, s2  }
0x2b9: {  	p0 =	slt.s32 s4, $0x10  }
.Ltmp25:
0x2ba: {  	_ = 	snop;
	(pc) =	sbr.rel @!p0 .LBB2_25-.Ltmp25, $3  }
0x2bb: {  	_ =	sdelay $0x1  }
0x2bc: {  	[tilespmem:s5+$0x3080] =	vst v60  }
0x2bd: {  	[tilespmem:s6+$0x3080] =	vst v8;
	s2 =	simm.f32 $2.500000000e+01  }
.LBB2_105:
0x2be: {  	s3 =	simm.s32 $0x0  }
0x2bf: {  	v9 =	vld [tilespmem:s3+$0x3080]  }
0x2c0: {  	v8 =	vmov s2;
	v7 =	vimm.f32 $1.000000000e+09;
	s2 =	simm.s32 $0x40  }
.LBB2_106:
0x2c1: {  	p0 =	sne.s32 s2, $0x3FC0  }
.Ltmp26:
0x2c2: {  	_ = 	snop;
	(pc) =	sbr.rel @p0 .LBB2_106-.Ltmp26, $4  }
0x2c3: {  	_ = 	snop  }
0x2c4: {  	s3 =	sshra.s32 s2, $0x2;
	s2 =	sadd.s32 $0x40, s2;
	vm0 =	vgt.f32 v9, v8  }
0x2c5: {  	v10 =	vnsel vm0, $0x4E6E6B28, v9;
	v9 =	vld [tilespmem:s3+$0x3080]  }
0x2c6: {  	v7 =	vmin.f32 v7, v10  }
0x2c7: {  	_ =	sdelay $0x2  }
0x2c8: {  	vm0 =	vgt.f32 v9, v8  }
0x2c9: {  	v8 =	vnsel vm0, $0x4E6E6B28, v9  }
0x2ca: {  	v7 =	vmin.f32 v7, v8  }
0x2cb: {  	(xrf1) =	vsort.ascd.msk.f32 $0xffff, v7, v7;
	_ =	sdelay $0xd  }
0x2cc: {  	s3 =	simm.s32 $0x0;
	v7, _, _ =	vpop (xrf1)  }
0x2cd: {  	s2 =	simm.s32 $0x40;
	v10 =	vld [tilespmem:s3+$0x3080];
	v8 =	vimm.s32 $0x0;
	v9 =	vbroadcast v7, $0x0  }
.LBB2_108:
0x2ce: {  	_ =	sdelay $0x1  }
0x2cf: {  	p0 =	sne.s32 s2, $0x3FC0  }
.Ltmp27:
0x2d0: {  	_ = 	snop;
	(pc) =	sbr.rel @p0 .LBB2_108-.Ltmp27, $4  }
0x2d1: {  	vm0 =	veq.f32 v10, v9  }
0x2d2: {  	v11 =	vmpcnt.ones.xlane vm0  }
0x2d3: {  	s3 =	sshra.s32 s2, $0x2  }
0x2d4: {  	s2 =	sadd.s32 $0x40, s2;
	v10 =	vld [tilespmem:s3+$0x3080];
	v8 =	vadd.s32 v8, v11  }
0x2d5: {  	_ =	sdelay $0x3  }
0x2d6: {  	vm0 =	veq.f32 v10, v9  }
0x2d7: {  	v9 =	vmpcnt.ones.xlane vm0;
	_ =	sdelay $0x1  }
0x2d8: {  	(v2sf) =	vpush v7, $0x0;
	v8 =	vadd.s32 v8, v9  }
0x2d9: {  	(v2sf) =	vpush v8, $0x0;
	_ =	sdelay $0xd  }
0x2da: {  	s2 =	spop (v2sf)  }
0x2db: {  	s3 =	spop (v2sf)  }
0x2dc: {  	s4 =	sadd.s32 s4, s3  }
0x2dd: {  	p0 =	slt.s32 s4, $0x10  }
.Ltmp28:
0x2de: {  	_ = 	snop;
	(pc) =	sbr.rel @p0 .LBB2_105-.Ltmp28, $1  }
0x2df: {  	_ =	sdelay $0x3  }
.LBB2_25:
0x2e0: {  	s29 =	simm.s32 $0x0  }
0x2e1: {  	v7 =	vld [tilespmem:s29+$0x3080];
	_ =	sdelay $0x3  }
0x2e2: {  	v11 =	vmov s2;
	s5 =	simm.s32 $0x10  }
0x2e3: {  	v8 =	vld [tilespmem:s5+$0x3080];
	vm0 =	vle.f32 v7, v11  }
0x2e4: {  	v7 =	vnsel vm0, $0x0, v7  }
0x2e5: {  	v9 =	vshrl.u32 v7, $0x1;
	v12 =	vmul.f32 $5.000000000e-01, v7  }
0x2e6: {  	v9 =	vsub.s32 $0x5F3759DF, v9  }
0x2e7: {  	v10 =	vmul.f32 v9, v12  }
0x2e8: {  	vm12 =	vle.f32 v8, v11  }
0x2e9: {  	s4 =	simm.s32 $0x20;
	v8 =	vnsel vm12, $0x0, v8;
	v10 =	vmul.f32 v9, v10  }
0x2ea: {  	v13 =	vld [tilespmem:s4+$0x3080];
	v14 =	vshrl.u32 v8, $0x1;
	v18 =	vmul.f32 $5.000000000e-01, v8  }
0x2eb: {  	v14 =	vsub.s32 $0x5F3759DF, v14;
	v10 =	vsub.f32 $1.500000000e+00, v10  }
0x2ec: {  	v15 =	vmul.f32 v14, v18  }
0x2ed: {  	v16 =	vmul.f32 v9, v10  }
0x2ee: {  	v15 =	vmul.f32 v14, v15  }
0x2ef: {  	vm13 =	vle.f32 v13, v11;
	v17 =	vmul.f32 v16, v12  }
0x2f0: {  	s6 =	simm.s32 $0x30;
	v15 =	vsub.f32 $1.500000000e+00, v15;
	v9 =	vnsel vm13, $0x0, v13  }
0x2f1: {  	v10 =	vld [tilespmem:s6+$0x3080];
	v19 =	vshrl.u32 v9, $0x1;
	v13 =	vmul.f32 $5.000000000e-01, v9;
	v17 =	vmul.f32 v17, v16  }
0x2f2: {  	v19 =	vsub.s32 $0x5F3759DF, v19  }
0x2f3: {  	v15 =	vmul.f32 v14, v15;
	v20 =	vmul.f32 v19, v13;
	v14 =	vsub.f32 $1.500000000e+00, v17;
	_ =	sdelay $0x1  }
0x2f4: {  	s7 =	simm.s32 $0x40;
	v20 =	vmul.f32 v19, v20;
	v25 =	vmul.f32 v14, v16  }
0x2f5: {  	v21 =	vmul.f32 v15, v18;
	vm14 =	vle.f32 v10, v11;
	v17 =	vld [tilespmem:s7+$0x3080]  }
0x2f6: {  	v10 =	vnsel vm14, $0x0, v10;
	v20 =	vsub.f32 $1.500000000e+00, v20;
	v12 =	vmul.f32 v25, v12  }
0x2f7: {  	v22 =	vmul.f32 v21, v15;
	v16 =	vshrl.u32 v10, $0x1;
	v14 =	vmul.f32 $5.000000000e-01, v10  }
0x2f8: {  	v21 =	vsub.s32 $0x5F3759DF, v16;
	v16 =	vmul.f32 v19, v20;
	v20 =	vmul.f32 v12, v25  }
0x2f9: {  	s24 =	simm.s32 $0x50;
	v23 =	vmul.f32 v21, v14  }
0x2fa: {  	v19 =	vsub.f32 $1.500000000e+00, v22;
	vm15 =	vle.f32 v17, v11;
	v27 =	vsub.f32 $1.500000000e+00, v20;
	v20 =	vld [tilespmem:s24+$0x3080]  }
0x2fb: {  	v12 =	vnsel vm15, $0x0, v17;
	v22 =	vmul.f32 v21, v23;
	v23 =	vmul.f32 v16, v13  }
0x2fc: {  	v15 =	vmul.f32 v19, v15;
	v26 =	vshrl.u32 v12, $0x1  }
0x2fd: {  	v17 =	vmul.f32 $5.000000000e-01, v12;
	v24 =	vsub.f32 $1.500000000e+00, v22;
	v22 =	vmul.f32 v23, v16  }
0x2fe: {  	s2 =	simm.s32 $0x180;
	v19 =	vsub.s32 $0x5F3759DF, v26;
	v23 =	vmul.f32 v15, v18;
	v18 =	vmul.f32 v27, v25  }
.LBB2_26:
0x2ff: {  	s3 =	sshra.s32 s2, $0x2;
	vm0 =	vle.f32 v20, v11;
	v25 =	vmul.f32 v19, v17;
	v21 =	vmul.f32 v21, v24;
	v24 =	vmovc v20;
	p0 =	sne.s32 s2, $0x3FC0  }
.Ltmp29:
0x300: {  	v22 =	vsub.f32 $1.500000000e+00, v22;
	v20 =	vld [tilespmem:s3+$0x3080];
	v23 =	vmul.f32 v23, v15;
	v18 =	vmul.f32 v18, v7;
	v7 =	vmovc v8;
	v8 =	vmovc v9;
	(pc) =	sbr.rel @p0 .LBB2_26-.Ltmp29, $4  }
0x301: {  	v9 =	vmovc v10;
	v10 =	vmovc v12;
	v12 =	vnsel vm0, $0x0, v24;
	v25 =	vmul.f32 v19, v25;
	v26 =	vmul.f32 v21, v14  }
0x302: {  	s2 =	sadd.s32 $0x40, s2;
	v30 =	vmovc v14;
	v27 =	vshrl.u32 v12, $0x1;
	v28 =	vmul.f32 v22, v16;
	v16 =	vmovc v21;
	v29 =	vsub.f32 $1.500000000e+00, v23;
	[tilespmem:s29+$0x4080] =	vst v18;
	s29 =	smov.u32 s5  }
0x303: {  	v14 =	vmovc v17;
	v17 =	vmul.f32 $5.000000000e-01, v12;
	s5 =	smov.u32 s4;
	s4 =	smov.u32 s6;
	s6 =	smov.u32 s7;
	v24 =	vsub.f32 $1.500000000e+00, v25;
	v22 =	vmul.f32 v26, v16;
	v21 =	vmovc v19  }
0x304: {  	s7 =	smov.u32 s24;
	s24 =	smov.u32 s3;
	v19 =	vsub.s32 $0x5F3759DF, v27;
	v23 =	vmul.f32 v28, v13;
	v13 =	vmovc v30;
	v18 =	vmul.f32 v29, v15;
	v15 =	vmovc v28  }
0x305: {  	vm0 =	vle.f32 v20, v11  }
0x306: {  	v11 =	vnsel vm0, $0x0, v20  }
0x307: {  	v25 =	vshrl.u32 v11, $0x1;
	v26 =	vmul.f32 $5.000000000e-01, v11  }
0x308: {  	v54 =	vmul.f32 v19, v17;
	v25 =	vsub.s32 $0x5F3759DF, v25  }
0x309: {  	v27 =	vmul.f32 v25, v26  }
0x30a: {  	v20 =	vmul.f32 v19, v54  }
0x30b: {  	v27 =	vmul.f32 v25, v27  }
0x30c: {  	v20 =	vsub.f32 $1.500000000e+00, v20  }
0x30d: {  	v21 =	vmul.f32 v21, v24;
	v55 =	vsub.f32 $1.500000000e+00, v27  }
0x30e: {  	v19 =	vmul.f32 v19, v20  }
0x30f: {  	v24 =	vmul.f32 v21, v14;
	v20 =	vmul.f32 v25, v55  }
0x310: {  	v56 =	vmul.f32 v19, v17  }
0x311: {  	v24 =	vmul.f32 v24, v21;
	v58 =	vmul.f32 v20, v26  }
0x312: {  	v22 =	vsub.f32 $1.500000000e+00, v22;
	v57 =	vmul.f32 v56, v19  }
0x313: {  	v24 =	vsub.f32 $1.500000000e+00, v24;
	v27 =	vmul.f32 v58, v20  }
0x314: {  	v16 =	vmul.f32 v22, v16;
	v25 =	vsub.f32 $1.500000000e+00, v57  }
0x315: {  	v23 =	vmul.f32 v23, v15;
	v21 =	vmul.f32 v24, v21;
	v59 =	vsub.f32 $1.500000000e+00, v27  }
0x316: {  	v13 =	vmul.f32 v16, v13;
	v19 =	vmul.f32 v25, v19  }
0x317: {  	v14 =	vmul.f32 v21, v14;
	v20 =	vmul.f32 v59, v20  }
0x318: {  	v13 =	vmul.f32 v13, v16;
	v17 =	vmul.f32 v19, v17  }
0x319: {  	v60 =	vsub.f32 $1.500000000e+00, v23;
	v14 =	vmul.f32 v14, v21;
	v61 =	vmul.f32 v20, v26  }
0x31a: {  	v13 =	vsub.f32 $1.500000000e+00, v13;
	v17 =	vmul.f32 v17, v19  }
0x31b: {  	v15 =	vmul.f32 v60, v15;
	v14 =	vsub.f32 $1.500000000e+00, v14;
	v62 =	vmul.f32 v61, v20  }
0x31c: {  	v7 =	vmul.f32 v18, v7;
	v13 =	vmul.f32 v13, v16;
	v16 =	vsub.f32 $1.500000000e+00, v17  }
0x31d: {  	v8 =	vmul.f32 v15, v8;
	v14 =	vmul.f32 v14, v21;
	v15 =	vsub.f32 $1.500000000e+00, v62  }
0x31e: {  	[tilespmem:s29+$0x4080] =	vst v7;
	v7 =	vmul.f32 v13, v9;
	v9 =	vmul.f32 v16, v19  }
0x31f: {  	[tilespmem:s5+$0x4080] =	vst v8;
	v8 =	vmul.f32 v14, v10;
	v10 =	vmul.f32 v15, v20  }
0x320: {  	[tilespmem:s4+$0x4080] =	vst v7;
	v7 =	vmul.f32 v9, v12  }
0x321: {  	[tilespmem:s6+$0x4080] =	vst v8;
	v8 =	vmul.f32 v10, v11  }
0x322: {  	[tilespmem:s7+$0x4080] =	vst v7  }
0x323: {  	s2 =	sadd.s32 s28, s12;
	[tilespmem:s24+$0x4080] =	vst v8  }
0x324: {  	[hbm4b:s2+s30] =	stream.strided.scatter [tilespmem:s0], [sflag:$0x1], $0x1000, s31, s30, $0x38;
	[tilespmem:$0x5080] =	vst v63  }
0x325: {  	_ =	swait.ge [sflag:s25], $0x1000  }
0x326: {  	[sflag:s25] =	ssyncset.done $0x0  }
0x327: {  	s4 =	simm.s32 $0x0;
	[sflag:s25] =	ssyncadd.s32 $0xFFFFF000  }
0x328: {  	v7 =	vld [tilespmem:s4+$0x0]  }
0x329: {  	v11 =	vld [tilespmem:s4+$0x1000];
	_ =	sdelay $0x1  }
0x32a: {  	v12 =	vld [tilespmem:s4+$0x2000]  }
0x32b: {  	s5 =	simm.s32 $0x10;
	v9 =	vbroadcast v5, $0x5;
	v10 =	vbroadcast v6, $0x5  }
0x32c: {  	v13 =	vld [tilespmem:s5+$0x0]  }
0x32d: {  	v8 =	vbroadcast v4, $0x5;
	v7 =	vsub.f32 v9, v7;
	v11 =	vsub.f32 v10, v11  }
0x32e: {  	v17 =	vld [tilespmem:s5+$0x1000]  }
0x32f: {  	v15 =	vld [tilespmem:s5+$0x2000];
	v12 =	vsub.f32 v8, v12;
	v7 =	vand.u32 $0x7FFFFFFF, v7;
	v11 =	vand.u32 $0x7FFFFFFF, v11  }
0x330: {  	v14 =	vsub.f32 v1, v7;
	v16 =	vsub.f32 v2, v11  }
0x331: {  	v13 =	vsub.f32 v9, v13;
	v12 =	vand.u32 $0x7FFFFFFF, v12  }
0x332: {  	s6 =	simm.s32 $0x20;
	v18 =	vsub.f32 v3, v12;
	v14 =	vmin.f32 v7, v14;
	v11 =	vmin.f32 v11, v16  }
0x333: {  	v17 =	vsub.f32 v10, v17;
	v19 =	vmul.f32 v14, v14;
	v63 =	vmul.f32 v11, v11;
	v14 =	vld [tilespmem:s6+$0x0]  }
0x334: {  	v16 =	vsub.f32 v8, v15;
	v15 =	vand.u32 $0x7FFFFFFF, v13;
	v13 =	vmin.f32 v12, v18  }
0x335: {  	s2 =	simm.s32 $0xC0;
	v7 =	vimm.s32 $0x0;
	v11 =	vld [tilespmem:s6+$0x2000];
	v13 =	vmul.f32 v13, v13;
	v12 =	vadd.f32 v63, v19  }
.LBB2_28:
0x336: {  	p0 =	sne.s32 s2, $0x3FC0;
	v18 =	vld [tilespmem:s6+$0x1000];
	v19 =	vsub.f32 v1, v15;
	v17 =	vand.u32 $0x7FFFFFFF, v17  }
0x337: {  	v21 =	vand.u32 $0x7FFFFFFF, v16;
	v20 =	vsub.f32 v2, v17;
	v12 =	vadd.f32 v13, v12  }
.Ltmp30:
0x338: {  	v13 =	vsub.f32 v9, v14;
	v14 =	vmin.f32 v15, v19;
	v19 =	vsub.f32 v3, v21;
	(pc) =	sbr.rel @p0 .LBB2_28-.Ltmp30, $4  }
0x339: {  	v22 =	vmul.f32 v14, v14;
	v15 =	vmin.f32 v17, v20;
	[tilespmem:s4+$0x3080] =	vst v12;
	vm0 =	vle.f32 v12, $2.500000000e+01;
	s4 =	smov.u32 s5;
	s5 =	smov.u32 s6;
	s6 =	sshra.s32 s2, $0x2  }
0x33a: {  	v14 =	vld [tilespmem:s6+$0x0];
	v16 =	vsub.f32 v8, v11;
	v12 =	vmul.f32 v15, v15;
	v20 =	vmpcnt.ones.xlane vm0  }
0x33b: {  	v15 =	vand.u32 $0x7FFFFFFF, v13;
	v13 =	vmin.f32 v21, v19;
	v17 =	vsub.f32 v10, v18  }
0x33c: {  	s2 =	sadd.s32 $0x40, s2;
	v13 =	vmul.f32 v13, v13;
	v11 =	vld [tilespmem:s6+$0x2000];
	v12 =	vadd.f32 v12, v22;
	v7 =	vadd.s32 v7, v20  }
0x33d: {  	v18 =	vld [tilespmem:s6+$0x1000];
	_ =	sdelay $0x3  }
0x33e: {  	v19 =	vsub.f32 v1, v15;
	v17 =	vand.u32 $0x7FFFFFFF, v17  }
0x33f: {  	v16 =	vand.u32 $0x7FFFFFFF, v16;
	v9 =	vsub.f32 v9, v14;
	v10 =	vsub.f32 v10, v18  }
0x340: {  	v53 =	vsub.f32 v2, v17;
	v54 =	vsub.f32 v3, v16;
	v15 =	vmin.f32 v15, v19  }
0x341: {  	v8 =	vsub.f32 v8, v11;
	v9 =	vand.u32 $0x7FFFFFFF, v9;
	v10 =	vand.u32 $0x7FFFFFFF, v10  }
0x342: {  	v55 =	vmin.f32 v17, v53;
	v56 =	vsub.f32 v1, v9;
	v57 =	vsub.f32 v2, v10  }
0x343: {  	v15 =	vmul.f32 v15, v15;
	v11 =	vmul.f32 v55, v55;
	v8 =	vand.u32 $0x7FFFFFFF, v8  }
0x344: {  	v9 =	vmin.f32 v9, v56;
	v58 =	vsub.f32 v3, v8;
	v10 =	vmin.f32 v10, v57  }
0x345: {  	v16 =	vmin.f32 v16, v54;
	v9 =	vmul.f32 v9, v9;
	v10 =	vmul.f32 v10, v10  }
0x346: {  	v59 =	vmul.f32 v16, v16;
	v11 =	vadd.f32 v11, v15;
	v8 =	vmin.f32 v8, v58  }
0x347: {  	v12 =	vadd.f32 v13, v12;
	v8 =	vmul.f32 v8, v8;
	v9 =	vadd.f32 v10, v9  }
0x348: {  	v60 =	vadd.f32 v59, v11  }
0x349: {  	vm0 =	vle.f32 v12, $2.500000000e+01;
	v8 =	vadd.f32 v8, v9  }
0x34a: {  	v61 =	vmpcnt.ones.xlane vm0;
	vm14 =	vle.f32 v60, $2.500000000e+01  }
0x34b: {  	v62 =	vmpcnt.ones.xlane vm14;
	vm15 =	vle.f32 v8, $2.500000000e+01  }
0x34c: {  	v7 =	vadd.s32 v7, v61;
	v63 =	vmpcnt.ones.xlane vm15  }
0x34d: {  	v7 =	vadd.s32 v7, v62  }
0x34e: {  	v7 =	vadd.s32 v7, v63  }
0x34f: {  	(v2sf) =	vpush v7, $0x0;
	_ =	sdelay $0xe  }
0x350: {  	s2 =	spop (v2sf)  }
0x351: {  	[tilespmem:s4+$0x3080] =	vst v12;
	s4 =	sadd.s32 $0xFFFFFFFF, s2  }
0x352: {  	p0 =	slt.s32 s4, $0x10  }
.Ltmp31:
0x353: {  	_ = 	snop;
	(pc) =	sbr.rel @!p0 .LBB2_30-.Ltmp31, $3  }
0x354: {  	_ =	sdelay $0x1  }
0x355: {  	[tilespmem:s5+$0x3080] =	vst v60  }
0x356: {  	[tilespmem:s6+$0x3080] =	vst v8;
	s2 =	simm.f32 $2.500000000e+01  }
.LBB2_110:
0x357: {  	s3 =	simm.s32 $0x0  }
0x358: {  	v9 =	vld [tilespmem:s3+$0x3080]  }
0x359: {  	v8 =	vmov s2;
	v7 =	vimm.f32 $1.000000000e+09;
	s2 =	simm.s32 $0x40  }
.LBB2_111:
0x35a: {  	p0 =	sne.s32 s2, $0x3FC0  }
.Ltmp32:
0x35b: {  	_ = 	snop;
	(pc) =	sbr.rel @p0 .LBB2_111-.Ltmp32, $4  }
0x35c: {  	_ = 	snop  }
0x35d: {  	s3 =	sshra.s32 s2, $0x2;
	s2 =	sadd.s32 $0x40, s2;
	vm0 =	vgt.f32 v9, v8  }
0x35e: {  	v10 =	vnsel vm0, $0x4E6E6B28, v9;
	v9 =	vld [tilespmem:s3+$0x3080]  }
0x35f: {  	v7 =	vmin.f32 v7, v10  }
0x360: {  	_ =	sdelay $0x2  }
0x361: {  	vm0 =	vgt.f32 v9, v8  }
0x362: {  	v8 =	vnsel vm0, $0x4E6E6B28, v9  }
0x363: {  	v7 =	vmin.f32 v7, v8  }
0x364: {  	(xrf1) =	vsort.ascd.msk.f32 $0xffff, v7, v7;
	_ =	sdelay $0xd  }
0x365: {  	s3 =	simm.s32 $0x0;
	v7, _, _ =	vpop (xrf1)  }
0x366: {  	s2 =	simm.s32 $0x40;
	v10 =	vld [tilespmem:s3+$0x3080];
	v8 =	vimm.s32 $0x0;
	v9 =	vbroadcast v7, $0x0  }
.LBB2_113:
0x367: {  	_ =	sdelay $0x1  }
0x368: {  	p0 =	sne.s32 s2, $0x3FC0  }
.Ltmp33:
0x369: {  	_ = 	snop;
	(pc) =	sbr.rel @p0 .LBB2_113-.Ltmp33, $4  }
0x36a: {  	vm0 =	veq.f32 v10, v9  }
0x36b: {  	v11 =	vmpcnt.ones.xlane vm0  }
0x36c: {  	s3 =	sshra.s32 s2, $0x2  }
0x36d: {  	s2 =	sadd.s32 $0x40, s2;
	v10 =	vld [tilespmem:s3+$0x3080];
	v8 =	vadd.s32 v8, v11  }
0x36e: {  	_ =	sdelay $0x3  }
0x36f: {  	vm0 =	veq.f32 v10, v9  }
0x370: {  	v9 =	vmpcnt.ones.xlane vm0;
	_ =	sdelay $0x1  }
0x371: {  	(v2sf) =	vpush v7, $0x0;
	v8 =	vadd.s32 v8, v9  }
0x372: {  	(v2sf) =	vpush v8, $0x0;
	_ =	sdelay $0xd  }
0x373: {  	s2 =	spop (v2sf)  }
0x374: {  	s3 =	spop (v2sf)  }
0x375: {  	s4 =	sadd.s32 s4, s3  }
0x376: {  	p0 =	slt.s32 s4, $0x10  }
.Ltmp34:
0x377: {  	_ = 	snop;
	(pc) =	sbr.rel @p0 .LBB2_110-.Ltmp34, $1  }
0x378: {  	_ =	sdelay $0x3  }
.LBB2_30:
0x379: {  	s29 =	simm.s32 $0x0  }
0x37a: {  	v7 =	vld [tilespmem:s29+$0x3080];
	_ =	sdelay $0x3  }
0x37b: {  	v11 =	vmov s2;
	s5 =	simm.s32 $0x10  }
0x37c: {  	v8 =	vld [tilespmem:s5+$0x3080];
	vm0 =	vle.f32 v7, v11  }
0x37d: {  	v7 =	vnsel vm0, $0x0, v7  }
0x37e: {  	v9 =	vshrl.u32 v7, $0x1;
	v12 =	vmul.f32 $5.000000000e-01, v7  }
0x37f: {  	v9 =	vsub.s32 $0x5F3759DF, v9  }
0x380: {  	v10 =	vmul.f32 v9, v12  }
0x381: {  	vm12 =	vle.f32 v8, v11  }
0x382: {  	s4 =	simm.s32 $0x20;
	v8 =	vnsel vm12, $0x0, v8;
	v10 =	vmul.f32 v9, v10  }
0x383: {  	v13 =	vld [tilespmem:s4+$0x3080];
	v14 =	vshrl.u32 v8, $0x1;
	v18 =	vmul.f32 $5.000000000e-01, v8  }
0x384: {  	v14 =	vsub.s32 $0x5F3759DF, v14;
	v10 =	vsub.f32 $1.500000000e+00, v10  }
0x385: {  	v15 =	vmul.f32 v14, v18  }
0x386: {  	v16 =	vmul.f32 v9, v10  }
0x387: {  	v15 =	vmul.f32 v14, v15  }
0x388: {  	vm13 =	vle.f32 v13, v11;
	v17 =	vmul.f32 v16, v12  }
0x389: {  	s6 =	simm.s32 $0x30;
	v15 =	vsub.f32 $1.500000000e+00, v15;
	v9 =	vnsel vm13, $0x0, v13  }
0x38a: {  	v10 =	vld [tilespmem:s6+$0x3080];
	v19 =	vshrl.u32 v9, $0x1;
	v13 =	vmul.f32 $5.000000000e-01, v9;
	v17 =	vmul.f32 v17, v16  }
0x38b: {  	v19 =	vsub.s32 $0x5F3759DF, v19  }
0x38c: {  	v15 =	vmul.f32 v14, v15;
	v20 =	vmul.f32 v19, v13;
	v14 =	vsub.f32 $1.500000000e+00, v17;
	_ =	sdelay $0x1  }
0x38d: {  	s7 =	simm.s32 $0x40;
	v20 =	vmul.f32 v19, v20;
	v25 =	vmul.f32 v14, v16  }
0x38e: {  	v21 =	vmul.f32 v15, v18;
	vm14 =	vle.f32 v10, v11;
	v17 =	vld [tilespmem:s7+$0x3080]  }
0x38f: {  	v10 =	vnsel vm14, $0x0, v10;
	v20 =	vsub.f32 $1.500000000e+00, v20;
	v12 =	vmul.f32 v25, v12  }
0x390: {  	v22 =	vmul.f32 v21, v15;
	v16 =	vshrl.u32 v10, $0x1;
	v14 =	vmul.f32 $5.000000000e-01, v10  }
0x391: {  	v21 =	vsub.s32 $0x5F3759DF, v16;
	v16 =	vmul.f32 v19, v20;
	v20 =	vmul.f32 v12, v25  }
0x392: {  	s24 =	simm.s32 $0x50;
	v23 =	vmul.f32 v21, v14  }
0x393: {  	v19 =	vsub.f32 $1.500000000e+00, v22;
	vm15 =	vle.f32 v17, v11;
	v27 =	vsub.f32 $1.500000000e+00, v20;
	v20 =	vld [tilespmem:s24+$0x3080]  }
0x394: {  	v12 =	vnsel vm15, $0x0, v17;
	v22 =	vmul.f32 v21, v23;
	v23 =	vmul.f32 v16, v13  }
0x395: {  	v15 =	vmul.f32 v19, v15;
	v26 =	vshrl.u32 v12, $0x1  }
0x396: {  	v17 =	vmul.f32 $5.000000000e-01, v12;
	v24 =	vsub.f32 $1.500000000e+00, v22;
	v22 =	vmul.f32 v23, v16  }
0x397: {  	s2 =	simm.s32 $0x180;
	v19 =	vsub.s32 $0x5F3759DF, v26;
	v23 =	vmul.f32 v15, v18;
	v18 =	vmul.f32 v27, v25  }
.LBB2_31:
0x398: {  	s3 =	sshra.s32 s2, $0x2;
	vm0 =	vle.f32 v20, v11;
	v25 =	vmul.f32 v19, v17;
	v21 =	vmul.f32 v21, v24;
	v24 =	vmovc v20;
	p0 =	sne.s32 s2, $0x3FC0  }
.Ltmp35:
0x399: {  	v22 =	vsub.f32 $1.500000000e+00, v22;
	v20 =	vld [tilespmem:s3+$0x3080];
	v23 =	vmul.f32 v23, v15;
	v18 =	vmul.f32 v18, v7;
	v7 =	vmovc v8;
	v8 =	vmovc v9;
	(pc) =	sbr.rel @p0 .LBB2_31-.Ltmp35, $4  }
0x39a: {  	v9 =	vmovc v10;
	v10 =	vmovc v12;
	v12 =	vnsel vm0, $0x0, v24;
	v25 =	vmul.f32 v19, v25;
	v26 =	vmul.f32 v21, v14  }
0x39b: {  	s2 =	sadd.s32 $0x40, s2;
	v30 =	vmovc v14;
	v27 =	vshrl.u32 v12, $0x1;
	v28 =	vmul.f32 v22, v16;
	v16 =	vmovc v21;
	v29 =	vsub.f32 $1.500000000e+00, v23;
	[tilespmem:s29+$0x4080] =	vst v18;
	s29 =	smov.u32 s5  }
0x39c: {  	v14 =	vmovc v17;
	v17 =	vmul.f32 $5.000000000e-01, v12;
	s5 =	smov.u32 s4;
	s4 =	smov.u32 s6;
	s6 =	smov.u32 s7;
	v24 =	vsub.f32 $1.500000000e+00, v25;
	v22 =	vmul.f32 v26, v16;
	v21 =	vmovc v19  }
0x39d: {  	s7 =	smov.u32 s24;
	s24 =	smov.u32 s3;
	v19 =	vsub.s32 $0x5F3759DF, v27;
	v23 =	vmul.f32 v28, v13;
	v13 =	vmovc v30;
	v18 =	vmul.f32 v29, v15;
	v15 =	vmovc v28  }
0x39e: {  	vm0 =	vle.f32 v20, v11  }
0x39f: {  	v11 =	vnsel vm0, $0x0, v20  }
0x3a0: {  	v25 =	vshrl.u32 v11, $0x1;
	v26 =	vmul.f32 $5.000000000e-01, v11  }
0x3a1: {  	v54 =	vmul.f32 v19, v17;
	v25 =	vsub.s32 $0x5F3759DF, v25  }
0x3a2: {  	v27 =	vmul.f32 v25, v26  }
0x3a3: {  	v20 =	vmul.f32 v19, v54  }
0x3a4: {  	v27 =	vmul.f32 v25, v27  }
0x3a5: {  	v20 =	vsub.f32 $1.500000000e+00, v20  }
0x3a6: {  	v21 =	vmul.f32 v21, v24;
	v55 =	vsub.f32 $1.500000000e+00, v27  }
0x3a7: {  	v19 =	vmul.f32 v19, v20  }
0x3a8: {  	v24 =	vmul.f32 v21, v14;
	v20 =	vmul.f32 v25, v55  }
0x3a9: {  	v56 =	vmul.f32 v19, v17  }
0x3aa: {  	v24 =	vmul.f32 v24, v21;
	v58 =	vmul.f32 v20, v26  }
0x3ab: {  	v22 =	vsub.f32 $1.500000000e+00, v22;
	v57 =	vmul.f32 v56, v19  }
0x3ac: {  	v24 =	vsub.f32 $1.500000000e+00, v24;
	v27 =	vmul.f32 v58, v20  }
0x3ad: {  	v16 =	vmul.f32 v22, v16;
	v25 =	vsub.f32 $1.500000000e+00, v57  }
0x3ae: {  	v23 =	vmul.f32 v23, v15;
	v21 =	vmul.f32 v24, v21;
	v59 =	vsub.f32 $1.500000000e+00, v27  }
0x3af: {  	v13 =	vmul.f32 v16, v13;
	v19 =	vmul.f32 v25, v19  }
0x3b0: {  	v14 =	vmul.f32 v21, v14;
	v20 =	vmul.f32 v59, v20  }
0x3b1: {  	v13 =	vmul.f32 v13, v16;
	v17 =	vmul.f32 v19, v17  }
0x3b2: {  	v60 =	vsub.f32 $1.500000000e+00, v23;
	v14 =	vmul.f32 v14, v21;
	v61 =	vmul.f32 v20, v26  }
0x3b3: {  	v13 =	vsub.f32 $1.500000000e+00, v13;
	v17 =	vmul.f32 v17, v19  }
0x3b4: {  	v15 =	vmul.f32 v60, v15;
	v14 =	vsub.f32 $1.500000000e+00, v14;
	v62 =	vmul.f32 v61, v20  }
0x3b5: {  	v7 =	vmul.f32 v18, v7;
	v13 =	vmul.f32 v13, v16;
	v16 =	vsub.f32 $1.500000000e+00, v17  }
0x3b6: {  	v8 =	vmul.f32 v15, v8;
	v14 =	vmul.f32 v14, v21;
	v15 =	vsub.f32 $1.500000000e+00, v62  }
0x3b7: {  	[tilespmem:s29+$0x4080] =	vst v7;
	v7 =	vmul.f32 v13, v9;
	v9 =	vmul.f32 v16, v19  }
0x3b8: {  	[tilespmem:s5+$0x4080] =	vst v8;
	v8 =	vmul.f32 v14, v10;
	v10 =	vmul.f32 v15, v20  }
0x3b9: {  	[tilespmem:s4+$0x4080] =	vst v7;
	v7 =	vmul.f32 v9, v12  }
0x3ba: {  	[tilespmem:s6+$0x4080] =	vst v8;
	v8 =	vmul.f32 v10, v11  }
0x3bb: {  	[tilespmem:s7+$0x4080] =	vst v7  }
0x3bc: {  	s2 =	sadd.s32 s28, s13;
	[tilespmem:s24+$0x4080] =	vst v8  }
0x3bd: {  	[hbm4b:s2+s30] =	stream.strided.scatter [tilespmem:s0], [sflag:$0x1], $0x1000, s31, s30, $0x38;
	[tilespmem:$0x5080] =	vst v63  }
0x3be: {  	_ =	swait.ge [sflag:s25], $0x1000  }
0x3bf: {  	[sflag:s25] =	ssyncset.done $0x0  }
0x3c0: {  	s4 =	simm.s32 $0x0;
	[sflag:s25] =	ssyncadd.s32 $0xFFFFF000  }
0x3c1: {  	v7 =	vld [tilespmem:s4+$0x0]  }
0x3c2: {  	v11 =	vld [tilespmem:s4+$0x1000];
	_ =	sdelay $0x1  }
0x3c3: {  	v12 =	vld [tilespmem:s4+$0x2000]  }
0x3c4: {  	s5 =	simm.s32 $0x10;
	v9 =	vbroadcast v5, $0x6;
	v10 =	vbroadcast v6, $0x6  }
0x3c5: {  	v13 =	vld [tilespmem:s5+$0x0]  }
0x3c6: {  	v8 =	vbroadcast v4, $0x6;
	v7 =	vsub.f32 v9, v7;
	v11 =	vsub.f32 v10, v11  }
0x3c7: {  	v17 =	vld [tilespmem:s5+$0x1000]  }
0x3c8: {  	v15 =	vld [tilespmem:s5+$0x2000];
	v12 =	vsub.f32 v8, v12;
	v7 =	vand.u32 $0x7FFFFFFF, v7;
	v11 =	vand.u32 $0x7FFFFFFF, v11  }
0x3c9: {  	v14 =	vsub.f32 v1, v7;
	v16 =	vsub.f32 v2, v11  }
0x3ca: {  	v13 =	vsub.f32 v9, v13;
	v12 =	vand.u32 $0x7FFFFFFF, v12  }
0x3cb: {  	s6 =	simm.s32 $0x20;
	v18 =	vsub.f32 v3, v12;
	v14 =	vmin.f32 v7, v14;
	v11 =	vmin.f32 v11, v16  }
0x3cc: {  	v17 =	vsub.f32 v10, v17;
	v19 =	vmul.f32 v14, v14;
	v63 =	vmul.f32 v11, v11;
	v14 =	vld [tilespmem:s6+$0x0]  }
0x3cd: {  	v16 =	vsub.f32 v8, v15;
	v15 =	vand.u32 $0x7FFFFFFF, v13;
	v13 =	vmin.f32 v12, v18  }
0x3ce: {  	s2 =	simm.s32 $0xC0;
	v7 =	vimm.s32 $0x0;
	v11 =	vld [tilespmem:s6+$0x2000];
	v13 =	vmul.f32 v13, v13;
	v12 =	vadd.f32 v63, v19  }
.LBB2_33:
0x3cf: {  	p0 =	sne.s32 s2, $0x3FC0;
	v18 =	vld [tilespmem:s6+$0x1000];
	v19 =	vsub.f32 v1, v15;
	v17 =	vand.u32 $0x7FFFFFFF, v17  }
0x3d0: {  	v21 =	vand.u32 $0x7FFFFFFF, v16;
	v20 =	vsub.f32 v2, v17;
	v12 =	vadd.f32 v13, v12  }
.Ltmp36:
0x3d1: {  	v13 =	vsub.f32 v9, v14;
	v14 =	vmin.f32 v15, v19;
	v19 =	vsub.f32 v3, v21;
	(pc) =	sbr.rel @p0 .LBB2_33-.Ltmp36, $4  }
0x3d2: {  	v22 =	vmul.f32 v14, v14;
	v15 =	vmin.f32 v17, v20;
	[tilespmem:s4+$0x3080] =	vst v12;
	vm0 =	vle.f32 v12, $2.500000000e+01;
	s4 =	smov.u32 s5;
	s5 =	smov.u32 s6;
	s6 =	sshra.s32 s2, $0x2  }
0x3d3: {  	v14 =	vld [tilespmem:s6+$0x0];
	v16 =	vsub.f32 v8, v11;
	v12 =	vmul.f32 v15, v15;
	v20 =	vmpcnt.ones.xlane vm0  }
0x3d4: {  	v15 =	vand.u32 $0x7FFFFFFF, v13;
	v13 =	vmin.f32 v21, v19;
	v17 =	vsub.f32 v10, v18  }
0x3d5: {  	s2 =	sadd.s32 $0x40, s2;
	v13 =	vmul.f32 v13, v13;
	v11 =	vld [tilespmem:s6+$0x2000];
	v12 =	vadd.f32 v12, v22;
	v7 =	vadd.s32 v7, v20  }
0x3d6: {  	v18 =	vld [tilespmem:s6+$0x1000];
	_ =	sdelay $0x3  }
0x3d7: {  	v19 =	vsub.f32 v1, v15;
	v17 =	vand.u32 $0x7FFFFFFF, v17  }
0x3d8: {  	v16 =	vand.u32 $0x7FFFFFFF, v16;
	v9 =	vsub.f32 v9, v14;
	v10 =	vsub.f32 v10, v18  }
0x3d9: {  	v53 =	vsub.f32 v2, v17;
	v54 =	vsub.f32 v3, v16;
	v15 =	vmin.f32 v15, v19  }
0x3da: {  	v8 =	vsub.f32 v8, v11;
	v9 =	vand.u32 $0x7FFFFFFF, v9;
	v10 =	vand.u32 $0x7FFFFFFF, v10  }
0x3db: {  	v55 =	vmin.f32 v17, v53;
	v56 =	vsub.f32 v1, v9;
	v57 =	vsub.f32 v2, v10  }
0x3dc: {  	v15 =	vmul.f32 v15, v15;
	v11 =	vmul.f32 v55, v55;
	v8 =	vand.u32 $0x7FFFFFFF, v8  }
0x3dd: {  	v9 =	vmin.f32 v9, v56;
	v58 =	vsub.f32 v3, v8;
	v10 =	vmin.f32 v10, v57  }
0x3de: {  	v16 =	vmin.f32 v16, v54;
	v9 =	vmul.f32 v9, v9;
	v10 =	vmul.f32 v10, v10  }
0x3df: {  	v59 =	vmul.f32 v16, v16;
	v11 =	vadd.f32 v11, v15;
	v8 =	vmin.f32 v8, v58  }
0x3e0: {  	v12 =	vadd.f32 v13, v12;
	v8 =	vmul.f32 v8, v8;
	v9 =	vadd.f32 v10, v9  }
0x3e1: {  	v60 =	vadd.f32 v59, v11  }
0x3e2: {  	vm0 =	vle.f32 v12, $2.500000000e+01;
	v8 =	vadd.f32 v8, v9  }
0x3e3: {  	v61 =	vmpcnt.ones.xlane vm0;
	vm14 =	vle.f32 v60, $2.500000000e+01  }
0x3e4: {  	v62 =	vmpcnt.ones.xlane vm14;
	vm15 =	vle.f32 v8, $2.500000000e+01  }
0x3e5: {  	v7 =	vadd.s32 v7, v61;
	v63 =	vmpcnt.ones.xlane vm15  }
0x3e6: {  	v7 =	vadd.s32 v7, v62  }
0x3e7: {  	v7 =	vadd.s32 v7, v63  }
0x3e8: {  	(v2sf) =	vpush v7, $0x0;
	_ =	sdelay $0xe  }
0x3e9: {  	s2 =	spop (v2sf)  }
0x3ea: {  	[tilespmem:s4+$0x3080] =	vst v12;
	s4 =	sadd.s32 $0xFFFFFFFF, s2  }
0x3eb: {  	p0 =	slt.s32 s4, $0x10  }
.Ltmp37:
0x3ec: {  	_ = 	snop;
	(pc) =	sbr.rel @!p0 .LBB2_35-.Ltmp37, $3  }
0x3ed: {  	_ =	sdelay $0x1  }
0x3ee: {  	[tilespmem:s5+$0x3080] =	vst v60  }
0x3ef: {  	[tilespmem:s6+$0x3080] =	vst v8;
	s2 =	simm.f32 $2.500000000e+01  }
.LBB2_115:
0x3f0: {  	s3 =	simm.s32 $0x0  }
0x3f1: {  	v9 =	vld [tilespmem:s3+$0x3080]  }
0x3f2: {  	v8 =	vmov s2;
	v7 =	vimm.f32 $1.000000000e+09;
	s2 =	simm.s32 $0x40  }
.LBB2_116:
0x3f3: {  	p0 =	sne.s32 s2, $0x3FC0  }
.Ltmp38:
0x3f4: {  	_ = 	snop;
	(pc) =	sbr.rel @p0 .LBB2_116-.Ltmp38, $4  }
0x3f5: {  	_ = 	snop  }
0x3f6: {  	s3 =	sshra.s32 s2, $0x2;
	s2 =	sadd.s32 $0x40, s2;
	vm0 =	vgt.f32 v9, v8  }
0x3f7: {  	v10 =	vnsel vm0, $0x4E6E6B28, v9;
	v9 =	vld [tilespmem:s3+$0x3080]  }
0x3f8: {  	v7 =	vmin.f32 v7, v10  }
0x3f9: {  	_ =	sdelay $0x2  }
0x3fa: {  	vm0 =	vgt.f32 v9, v8  }
0x3fb: {  	v8 =	vnsel vm0, $0x4E6E6B28, v9  }
0x3fc: {  	v7 =	vmin.f32 v7, v8  }
0x3fd: {  	(xrf1) =	vsort.ascd.msk.f32 $0xffff, v7, v7;
	_ =	sdelay $0xd  }
0x3fe: {  	s3 =	simm.s32 $0x0;
	v7, _, _ =	vpop (xrf1)  }
0x3ff: {  	s2 =	simm.s32 $0x40;
	v10 =	vld [tilespmem:s3+$0x3080];
	v8 =	vimm.s32 $0x0;
	v9 =	vbroadcast v7, $0x0  }
.LBB2_118:
0x400: {  	_ =	sdelay $0x1  }
0x401: {  	p0 =	sne.s32 s2, $0x3FC0  }
.Ltmp39:
0x402: {  	_ = 	snop;
	(pc) =	sbr.rel @p0 .LBB2_118-.Ltmp39, $4  }
0x403: {  	vm0 =	veq.f32 v10, v9  }
0x404: {  	v11 =	vmpcnt.ones.xlane vm0  }
0x405: {  	s3 =	sshra.s32 s2, $0x2  }
0x406: {  	s2 =	sadd.s32 $0x40, s2;
	v10 =	vld [tilespmem:s3+$0x3080];
	v8 =	vadd.s32 v8, v11  }
0x407: {  	_ =	sdelay $0x3  }
0x408: {  	vm0 =	veq.f32 v10, v9  }
0x409: {  	v9 =	vmpcnt.ones.xlane vm0;
	_ =	sdelay $0x1  }
0x40a: {  	(v2sf) =	vpush v7, $0x0;
	v8 =	vadd.s32 v8, v9  }
0x40b: {  	(v2sf) =	vpush v8, $0x0;
	_ =	sdelay $0xd  }
0x40c: {  	s2 =	spop (v2sf)  }
0x40d: {  	s3 =	spop (v2sf)  }
0x40e: {  	s4 =	sadd.s32 s4, s3  }
0x40f: {  	p0 =	slt.s32 s4, $0x10  }
.Ltmp40:
0x410: {  	_ = 	snop;
	(pc) =	sbr.rel @p0 .LBB2_115-.Ltmp40, $1  }
0x411: {  	_ =	sdelay $0x3  }
.LBB2_35:
0x412: {  	s29 =	simm.s32 $0x0  }
0x413: {  	v7 =	vld [tilespmem:s29+$0x3080];
	_ =	sdelay $0x3  }
0x414: {  	v11 =	vmov s2;
	s5 =	simm.s32 $0x10  }
0x415: {  	v8 =	vld [tilespmem:s5+$0x3080];
	vm0 =	vle.f32 v7, v11  }
0x416: {  	v7 =	vnsel vm0, $0x0, v7  }
0x417: {  	v9 =	vshrl.u32 v7, $0x1;
	v12 =	vmul.f32 $5.000000000e-01, v7  }
0x418: {  	v9 =	vsub.s32 $0x5F3759DF, v9  }
0x419: {  	v10 =	vmul.f32 v9, v12  }
0x41a: {  	vm12 =	vle.f32 v8, v11  }
0x41b: {  	s4 =	simm.s32 $0x20;
	v8 =	vnsel vm12, $0x0, v8;
	v10 =	vmul.f32 v9, v10  }
0x41c: {  	v13 =	vld [tilespmem:s4+$0x3080];
	v14 =	vshrl.u32 v8, $0x1;
	v18 =	vmul.f32 $5.000000000e-01, v8  }
0x41d: {  	v14 =	vsub.s32 $0x5F3759DF, v14;
	v10 =	vsub.f32 $1.500000000e+00, v10  }
0x41e: {  	v15 =	vmul.f32 v14, v18  }
0x41f: {  	v16 =	vmul.f32 v9, v10  }
0x420: {  	v15 =	vmul.f32 v14, v15  }
0x421: {  	vm13 =	vle.f32 v13, v11;
	v17 =	vmul.f32 v16, v12  }
0x422: {  	s6 =	simm.s32 $0x30;
	v15 =	vsub.f32 $1.500000000e+00, v15;
	v9 =	vnsel vm13, $0x0, v13  }
0x423: {  	v10 =	vld [tilespmem:s6+$0x3080];
	v19 =	vshrl.u32 v9, $0x1;
	v13 =	vmul.f32 $5.000000000e-01, v9;
	v17 =	vmul.f32 v17, v16  }
0x424: {  	v19 =	vsub.s32 $0x5F3759DF, v19  }
0x425: {  	v15 =	vmul.f32 v14, v15;
	v20 =	vmul.f32 v19, v13;
	v14 =	vsub.f32 $1.500000000e+00, v17;
	_ =	sdelay $0x1  }
0x426: {  	s7 =	simm.s32 $0x40;
	v20 =	vmul.f32 v19, v20;
	v25 =	vmul.f32 v14, v16  }
0x427: {  	v21 =	vmul.f32 v15, v18;
	vm14 =	vle.f32 v10, v11;
	v17 =	vld [tilespmem:s7+$0x3080]  }
0x428: {  	v10 =	vnsel vm14, $0x0, v10;
	v20 =	vsub.f32 $1.500000000e+00, v20;
	v12 =	vmul.f32 v25, v12  }
0x429: {  	v22 =	vmul.f32 v21, v15;
	v16 =	vshrl.u32 v10, $0x1;
	v14 =	vmul.f32 $5.000000000e-01, v10  }
0x42a: {  	v21 =	vsub.s32 $0x5F3759DF, v16;
	v16 =	vmul.f32 v19, v20;
	v20 =	vmul.f32 v12, v25  }
0x42b: {  	s24 =	simm.s32 $0x50;
	v23 =	vmul.f32 v21, v14  }
0x42c: {  	v19 =	vsub.f32 $1.500000000e+00, v22;
	vm15 =	vle.f32 v17, v11;
	v27 =	vsub.f32 $1.500000000e+00, v20;
	v20 =	vld [tilespmem:s24+$0x3080]  }
0x42d: {  	v12 =	vnsel vm15, $0x0, v17;
	v22 =	vmul.f32 v21, v23;
	v23 =	vmul.f32 v16, v13  }
0x42e: {  	v15 =	vmul.f32 v19, v15;
	v26 =	vshrl.u32 v12, $0x1  }
0x42f: {  	v17 =	vmul.f32 $5.000000000e-01, v12;
	v24 =	vsub.f32 $1.500000000e+00, v22;
	v22 =	vmul.f32 v23, v16  }
0x430: {  	s2 =	simm.s32 $0x180;
	v19 =	vsub.s32 $0x5F3759DF, v26;
	v23 =	vmul.f32 v15, v18;
	v18 =	vmul.f32 v27, v25  }
.LBB2_36:
0x431: {  	s3 =	sshra.s32 s2, $0x2;
	vm0 =	vle.f32 v20, v11;
	v25 =	vmul.f32 v19, v17;
	v21 =	vmul.f32 v21, v24;
	v24 =	vmovc v20;
	p0 =	sne.s32 s2, $0x3FC0  }
.Ltmp41:
0x432: {  	v22 =	vsub.f32 $1.500000000e+00, v22;
	v20 =	vld [tilespmem:s3+$0x3080];
	v23 =	vmul.f32 v23, v15;
	v18 =	vmul.f32 v18, v7;
	v7 =	vmovc v8;
	v8 =	vmovc v9;
	(pc) =	sbr.rel @p0 .LBB2_36-.Ltmp41, $4  }
0x433: {  	v9 =	vmovc v10;
	v10 =	vmovc v12;
	v12 =	vnsel vm0, $0x0, v24;
	v25 =	vmul.f32 v19, v25;
	v26 =	vmul.f32 v21, v14  }
0x434: {  	s2 =	sadd.s32 $0x40, s2;
	v30 =	vmovc v14;
	v27 =	vshrl.u32 v12, $0x1;
	v28 =	vmul.f32 v22, v16;
	v16 =	vmovc v21;
	v29 =	vsub.f32 $1.500000000e+00, v23;
	[tilespmem:s29+$0x4080] =	vst v18;
	s29 =	smov.u32 s5  }
0x435: {  	v14 =	vmovc v17;
	v17 =	vmul.f32 $5.000000000e-01, v12;
	s5 =	smov.u32 s4;
	s4 =	smov.u32 s6;
	s6 =	smov.u32 s7;
	v24 =	vsub.f32 $1.500000000e+00, v25;
	v22 =	vmul.f32 v26, v16;
	v21 =	vmovc v19  }
0x436: {  	s7 =	smov.u32 s24;
	s24 =	smov.u32 s3;
	v19 =	vsub.s32 $0x5F3759DF, v27;
	v23 =	vmul.f32 v28, v13;
	v13 =	vmovc v30;
	v18 =	vmul.f32 v29, v15;
	v15 =	vmovc v28  }
0x437: {  	vm0 =	vle.f32 v20, v11  }
0x438: {  	v11 =	vnsel vm0, $0x0, v20  }
0x439: {  	v25 =	vshrl.u32 v11, $0x1;
	v26 =	vmul.f32 $5.000000000e-01, v11  }
0x43a: {  	v54 =	vmul.f32 v19, v17;
	v25 =	vsub.s32 $0x5F3759DF, v25  }
0x43b: {  	v27 =	vmul.f32 v25, v26  }
0x43c: {  	v20 =	vmul.f32 v19, v54  }
0x43d: {  	v27 =	vmul.f32 v25, v27  }
0x43e: {  	v20 =	vsub.f32 $1.500000000e+00, v20  }
0x43f: {  	v21 =	vmul.f32 v21, v24;
	v55 =	vsub.f32 $1.500000000e+00, v27  }
0x440: {  	v19 =	vmul.f32 v19, v20  }
0x441: {  	v24 =	vmul.f32 v21, v14;
	v20 =	vmul.f32 v25, v55  }
0x442: {  	v56 =	vmul.f32 v19, v17  }
0x443: {  	v24 =	vmul.f32 v24, v21;
	v58 =	vmul.f32 v20, v26  }
0x444: {  	v22 =	vsub.f32 $1.500000000e+00, v22;
	v57 =	vmul.f32 v56, v19  }
0x445: {  	v24 =	vsub.f32 $1.500000000e+00, v24;
	v27 =	vmul.f32 v58, v20  }
0x446: {  	v16 =	vmul.f32 v22, v16;
	v25 =	vsub.f32 $1.500000000e+00, v57  }
0x447: {  	v23 =	vmul.f32 v23, v15;
	v21 =	vmul.f32 v24, v21;
	v59 =	vsub.f32 $1.500000000e+00, v27  }
0x448: {  	v13 =	vmul.f32 v16, v13;
	v19 =	vmul.f32 v25, v19  }
0x449: {  	v14 =	vmul.f32 v21, v14;
	v20 =	vmul.f32 v59, v20  }
0x44a: {  	v13 =	vmul.f32 v13, v16;
	v17 =	vmul.f32 v19, v17  }
0x44b: {  	v60 =	vsub.f32 $1.500000000e+00, v23;
	v14 =	vmul.f32 v14, v21;
	v61 =	vmul.f32 v20, v26  }
0x44c: {  	v13 =	vsub.f32 $1.500000000e+00, v13;
	v17 =	vmul.f32 v17, v19  }
0x44d: {  	v15 =	vmul.f32 v60, v15;
	v14 =	vsub.f32 $1.500000000e+00, v14;
	v62 =	vmul.f32 v61, v20  }
0x44e: {  	v7 =	vmul.f32 v18, v7;
	v13 =	vmul.f32 v13, v16;
	v16 =	vsub.f32 $1.500000000e+00, v17  }
0x44f: {  	v8 =	vmul.f32 v15, v8;
	v14 =	vmul.f32 v14, v21;
	v15 =	vsub.f32 $1.500000000e+00, v62  }
0x450: {  	[tilespmem:s29+$0x4080] =	vst v7;
	v7 =	vmul.f32 v13, v9;
	v9 =	vmul.f32 v16, v19  }
0x451: {  	[tilespmem:s5+$0x4080] =	vst v8;
	v8 =	vmul.f32 v14, v10;
	v10 =	vmul.f32 v15, v20  }
0x452: {  	[tilespmem:s4+$0x4080] =	vst v7;
	v7 =	vmul.f32 v9, v12  }
0x453: {  	[tilespmem:s6+$0x4080] =	vst v8;
	v8 =	vmul.f32 v10, v11  }
0x454: {  	[tilespmem:s7+$0x4080] =	vst v7  }
0x455: {  	s2 =	sadd.s32 s28, s14;
	[tilespmem:s24+$0x4080] =	vst v8  }
0x456: {  	[hbm4b:s2+s30] =	stream.strided.scatter [tilespmem:s0], [sflag:$0x1], $0x1000, s31, s30, $0x38;
	[tilespmem:$0x5080] =	vst v63  }
0x457: {  	_ =	swait.ge [sflag:s25], $0x1000  }
0x458: {  	[sflag:s25] =	ssyncset.done $0x0  }
0x459: {  	s4 =	simm.s32 $0x0;
	[sflag:s25] =	ssyncadd.s32 $0xFFFFF000  }
0x45a: {  	v7 =	vld [tilespmem:s4+$0x0]  }
0x45b: {  	v11 =	vld [tilespmem:s4+$0x1000];
	_ =	sdelay $0x1  }
0x45c: {  	v12 =	vld [tilespmem:s4+$0x2000]  }
0x45d: {  	s5 =	simm.s32 $0x10;
	v9 =	vbroadcast v5, $0x7;
	v10 =	vbroadcast v6, $0x7  }
0x45e: {  	v13 =	vld [tilespmem:s5+$0x0]  }
0x45f: {  	v8 =	vbroadcast v4, $0x7;
	v7 =	vsub.f32 v9, v7;
	v11 =	vsub.f32 v10, v11  }
0x460: {  	v17 =	vld [tilespmem:s5+$0x1000]  }
0x461: {  	v15 =	vld [tilespmem:s5+$0x2000];
	v12 =	vsub.f32 v8, v12;
	v7 =	vand.u32 $0x7FFFFFFF, v7;
	v11 =	vand.u32 $0x7FFFFFFF, v11  }
0x462: {  	v14 =	vsub.f32 v1, v7;
	v16 =	vsub.f32 v2, v11  }
0x463: {  	v13 =	vsub.f32 v9, v13;
	v12 =	vand.u32 $0x7FFFFFFF, v12  }
0x464: {  	s6 =	simm.s32 $0x20;
	v18 =	vsub.f32 v3, v12;
	v14 =	vmin.f32 v7, v14;
	v11 =	vmin.f32 v11, v16  }
0x465: {  	v17 =	vsub.f32 v10, v17;
	v19 =	vmul.f32 v14, v14;
	v63 =	vmul.f32 v11, v11;
	v14 =	vld [tilespmem:s6+$0x0]  }
0x466: {  	v16 =	vsub.f32 v8, v15;
	v15 =	vand.u32 $0x7FFFFFFF, v13;
	v13 =	vmin.f32 v12, v18  }
0x467: {  	s2 =	simm.s32 $0xC0;
	v7 =	vimm.s32 $0x0;
	v11 =	vld [tilespmem:s6+$0x2000];
	v13 =	vmul.f32 v13, v13;
	v12 =	vadd.f32 v63, v19  }
.LBB2_38:
0x468: {  	p0 =	sne.s32 s2, $0x3FC0;
	v18 =	vld [tilespmem:s6+$0x1000];
	v19 =	vsub.f32 v1, v15;
	v17 =	vand.u32 $0x7FFFFFFF, v17  }
0x469: {  	v21 =	vand.u32 $0x7FFFFFFF, v16;
	v20 =	vsub.f32 v2, v17;
	v12 =	vadd.f32 v13, v12  }
.Ltmp42:
0x46a: {  	v13 =	vsub.f32 v9, v14;
	v14 =	vmin.f32 v15, v19;
	v19 =	vsub.f32 v3, v21;
	(pc) =	sbr.rel @p0 .LBB2_38-.Ltmp42, $4  }
0x46b: {  	v22 =	vmul.f32 v14, v14;
	v15 =	vmin.f32 v17, v20;
	[tilespmem:s4+$0x3080] =	vst v12;
	vm0 =	vle.f32 v12, $2.500000000e+01;
	s4 =	smov.u32 s5;
	s5 =	smov.u32 s6;
	s6 =	sshra.s32 s2, $0x2  }
0x46c: {  	v14 =	vld [tilespmem:s6+$0x0];
	v16 =	vsub.f32 v8, v11;
	v12 =	vmul.f32 v15, v15;
	v20 =	vmpcnt.ones.xlane vm0  }
0x46d: {  	v15 =	vand.u32 $0x7FFFFFFF, v13;
	v13 =	vmin.f32 v21, v19;
	v17 =	vsub.f32 v10, v18  }
0x46e: {  	s2 =	sadd.s32 $0x40, s2;
	v13 =	vmul.f32 v13, v13;
	v11 =	vld [tilespmem:s6+$0x2000];
	v12 =	vadd.f32 v12, v22;
	v7 =	vadd.s32 v7, v20  }
0x46f: {  	v18 =	vld [tilespmem:s6+$0x1000];
	_ =	sdelay $0x3  }
0x470: {  	v19 =	vsub.f32 v1, v15;
	v17 =	vand.u32 $0x7FFFFFFF, v17  }
0x471: {  	v16 =	vand.u32 $0x7FFFFFFF, v16;
	v9 =	vsub.f32 v9, v14;
	v10 =	vsub.f32 v10, v18  }
0x472: {  	v53 =	vsub.f32 v2, v17;
	v54 =	vsub.f32 v3, v16;
	v15 =	vmin.f32 v15, v19  }
0x473: {  	v8 =	vsub.f32 v8, v11;
	v9 =	vand.u32 $0x7FFFFFFF, v9;
	v10 =	vand.u32 $0x7FFFFFFF, v10  }
0x474: {  	v55 =	vmin.f32 v17, v53;
	v56 =	vsub.f32 v1, v9;
	v57 =	vsub.f32 v2, v10  }
0x475: {  	v15 =	vmul.f32 v15, v15;
	v11 =	vmul.f32 v55, v55;
	v8 =	vand.u32 $0x7FFFFFFF, v8  }
0x476: {  	v9 =	vmin.f32 v9, v56;
	v58 =	vsub.f32 v3, v8;
	v10 =	vmin.f32 v10, v57  }
0x477: {  	v16 =	vmin.f32 v16, v54;
	v9 =	vmul.f32 v9, v9;
	v10 =	vmul.f32 v10, v10  }
0x478: {  	v59 =	vmul.f32 v16, v16;
	v11 =	vadd.f32 v11, v15;
	v8 =	vmin.f32 v8, v58  }
0x479: {  	v12 =	vadd.f32 v13, v12;
	v8 =	vmul.f32 v8, v8;
	v9 =	vadd.f32 v10, v9  }
0x47a: {  	v60 =	vadd.f32 v59, v11  }
0x47b: {  	vm0 =	vle.f32 v12, $2.500000000e+01;
	v8 =	vadd.f32 v8, v9  }
0x47c: {  	v61 =	vmpcnt.ones.xlane vm0;
	vm14 =	vle.f32 v60, $2.500000000e+01  }
0x47d: {  	v62 =	vmpcnt.ones.xlane vm14;
	vm15 =	vle.f32 v8, $2.500000000e+01  }
0x47e: {  	v7 =	vadd.s32 v7, v61;
	v63 =	vmpcnt.ones.xlane vm15  }
0x47f: {  	v7 =	vadd.s32 v7, v62  }
0x480: {  	v7 =	vadd.s32 v7, v63  }
0x481: {  	(v2sf) =	vpush v7, $0x0;
	_ =	sdelay $0xe  }
0x482: {  	s2 =	spop (v2sf)  }
0x483: {  	[tilespmem:s4+$0x3080] =	vst v12;
	s4 =	sadd.s32 $0xFFFFFFFF, s2  }
0x484: {  	p0 =	slt.s32 s4, $0x10  }
.Ltmp43:
0x485: {  	_ = 	snop;
	(pc) =	sbr.rel @!p0 .LBB2_40-.Ltmp43, $3  }
0x486: {  	_ =	sdelay $0x1  }
0x487: {  	[tilespmem:s5+$0x3080] =	vst v60  }
0x488: {  	[tilespmem:s6+$0x3080] =	vst v8;
	s2 =	simm.f32 $2.500000000e+01  }
.LBB2_120:
0x489: {  	s3 =	simm.s32 $0x0  }
0x48a: {  	v9 =	vld [tilespmem:s3+$0x3080]  }
0x48b: {  	v8 =	vmov s2;
	v7 =	vimm.f32 $1.000000000e+09;
	s2 =	simm.s32 $0x40  }
.LBB2_121:
0x48c: {  	p0 =	sne.s32 s2, $0x3FC0  }
.Ltmp44:
0x48d: {  	_ = 	snop;
	(pc) =	sbr.rel @p0 .LBB2_121-.Ltmp44, $4  }
0x48e: {  	_ = 	snop  }
0x48f: {  	s3 =	sshra.s32 s2, $0x2;
	s2 =	sadd.s32 $0x40, s2;
	vm0 =	vgt.f32 v9, v8  }
0x490: {  	v10 =	vnsel vm0, $0x4E6E6B28, v9;
	v9 =	vld [tilespmem:s3+$0x3080]  }
0x491: {  	v7 =	vmin.f32 v7, v10  }
0x492: {  	_ =	sdelay $0x2  }
0x493: {  	vm0 =	vgt.f32 v9, v8  }
0x494: {  	v8 =	vnsel vm0, $0x4E6E6B28, v9  }
0x495: {  	v7 =	vmin.f32 v7, v8  }
0x496: {  	(xrf1) =	vsort.ascd.msk.f32 $0xffff, v7, v7;
	_ =	sdelay $0xd  }
0x497: {  	s3 =	simm.s32 $0x0;
	v7, _, _ =	vpop (xrf1)  }
0x498: {  	s2 =	simm.s32 $0x40;
	v10 =	vld [tilespmem:s3+$0x3080];
	v8 =	vimm.s32 $0x0;
	v9 =	vbroadcast v7, $0x0  }
.LBB2_123:
0x499: {  	_ =	sdelay $0x1  }
0x49a: {  	p0 =	sne.s32 s2, $0x3FC0  }
.Ltmp45:
0x49b: {  	_ = 	snop;
	(pc) =	sbr.rel @p0 .LBB2_123-.Ltmp45, $4  }
0x49c: {  	vm0 =	veq.f32 v10, v9  }
0x49d: {  	v11 =	vmpcnt.ones.xlane vm0  }
0x49e: {  	s3 =	sshra.s32 s2, $0x2  }
0x49f: {  	s2 =	sadd.s32 $0x40, s2;
	v10 =	vld [tilespmem:s3+$0x3080];
	v8 =	vadd.s32 v8, v11  }
0x4a0: {  	_ =	sdelay $0x3  }
0x4a1: {  	vm0 =	veq.f32 v10, v9  }
0x4a2: {  	v9 =	vmpcnt.ones.xlane vm0;
	_ =	sdelay $0x1  }
0x4a3: {  	(v2sf) =	vpush v7, $0x0;
	v8 =	vadd.s32 v8, v9  }
0x4a4: {  	(v2sf) =	vpush v8, $0x0;
	_ =	sdelay $0xd  }
0x4a5: {  	s2 =	spop (v2sf)  }
0x4a6: {  	s3 =	spop (v2sf)  }
0x4a7: {  	s4 =	sadd.s32 s4, s3  }
0x4a8: {  	p0 =	slt.s32 s4, $0x10  }
.Ltmp46:
0x4a9: {  	_ = 	snop;
	(pc) =	sbr.rel @p0 .LBB2_120-.Ltmp46, $1  }
0x4aa: {  	_ =	sdelay $0x3  }
.LBB2_40:
0x4ab: {  	s29 =	simm.s32 $0x0  }
0x4ac: {  	v7 =	vld [tilespmem:s29+$0x3080];
	_ =	sdelay $0x3  }
0x4ad: {  	v11 =	vmov s2;
	s5 =	simm.s32 $0x10  }
0x4ae: {  	v8 =	vld [tilespmem:s5+$0x3080];
	vm0 =	vle.f32 v7, v11  }
0x4af: {  	v7 =	vnsel vm0, $0x0, v7  }
0x4b0: {  	v9 =	vshrl.u32 v7, $0x1;
	v12 =	vmul.f32 $5.000000000e-01, v7  }
0x4b1: {  	v9 =	vsub.s32 $0x5F3759DF, v9  }
0x4b2: {  	v10 =	vmul.f32 v9, v12  }
0x4b3: {  	vm12 =	vle.f32 v8, v11  }
0x4b4: {  	s4 =	simm.s32 $0x20;
	v8 =	vnsel vm12, $0x0, v8;
	v10 =	vmul.f32 v9, v10  }
0x4b5: {  	v13 =	vld [tilespmem:s4+$0x3080];
	v14 =	vshrl.u32 v8, $0x1;
	v18 =	vmul.f32 $5.000000000e-01, v8  }
0x4b6: {  	v14 =	vsub.s32 $0x5F3759DF, v14;
	v10 =	vsub.f32 $1.500000000e+00, v10  }
0x4b7: {  	v15 =	vmul.f32 v14, v18  }
0x4b8: {  	v16 =	vmul.f32 v9, v10  }
0x4b9: {  	v15 =	vmul.f32 v14, v15  }
0x4ba: {  	vm13 =	vle.f32 v13, v11;
	v17 =	vmul.f32 v16, v12  }
0x4bb: {  	s6 =	simm.s32 $0x30;
	v15 =	vsub.f32 $1.500000000e+00, v15;
	v9 =	vnsel vm13, $0x0, v13  }
0x4bc: {  	v10 =	vld [tilespmem:s6+$0x3080];
	v19 =	vshrl.u32 v9, $0x1;
	v13 =	vmul.f32 $5.000000000e-01, v9;
	v17 =	vmul.f32 v17, v16  }
0x4bd: {  	v19 =	vsub.s32 $0x5F3759DF, v19  }
0x4be: {  	v15 =	vmul.f32 v14, v15;
	v20 =	vmul.f32 v19, v13;
	v14 =	vsub.f32 $1.500000000e+00, v17;
	_ =	sdelay $0x1  }
0x4bf: {  	s7 =	simm.s32 $0x40;
	v20 =	vmul.f32 v19, v20;
	v25 =	vmul.f32 v14, v16  }
0x4c0: {  	v21 =	vmul.f32 v15, v18;
	vm14 =	vle.f32 v10, v11;
	v17 =	vld [tilespmem:s7+$0x3080]  }
0x4c1: {  	v10 =	vnsel vm14, $0x0, v10;
	v20 =	vsub.f32 $1.500000000e+00, v20;
	v12 =	vmul.f32 v25, v12  }
0x4c2: {  	v22 =	vmul.f32 v21, v15;
	v16 =	vshrl.u32 v10, $0x1;
	v14 =	vmul.f32 $5.000000000e-01, v10  }
0x4c3: {  	v21 =	vsub.s32 $0x5F3759DF, v16;
	v16 =	vmul.f32 v19, v20;
	v20 =	vmul.f32 v12, v25  }
0x4c4: {  	s24 =	simm.s32 $0x50;
	v23 =	vmul.f32 v21, v14  }
0x4c5: {  	v19 =	vsub.f32 $1.500000000e+00, v22;
	vm15 =	vle.f32 v17, v11;
	v27 =	vsub.f32 $1.500000000e+00, v20;
	v20 =	vld [tilespmem:s24+$0x3080]  }
0x4c6: {  	v12 =	vnsel vm15, $0x0, v17;
	v22 =	vmul.f32 v21, v23;
	v23 =	vmul.f32 v16, v13  }
0x4c7: {  	v15 =	vmul.f32 v19, v15;
	v26 =	vshrl.u32 v12, $0x1  }
0x4c8: {  	v17 =	vmul.f32 $5.000000000e-01, v12;
	v24 =	vsub.f32 $1.500000000e+00, v22;
	v22 =	vmul.f32 v23, v16  }
0x4c9: {  	s2 =	simm.s32 $0x180;
	v19 =	vsub.s32 $0x5F3759DF, v26;
	v23 =	vmul.f32 v15, v18;
	v18 =	vmul.f32 v27, v25  }
.LBB2_41:
0x4ca: {  	s3 =	sshra.s32 s2, $0x2;
	vm0 =	vle.f32 v20, v11;
	v25 =	vmul.f32 v19, v17;
	v21 =	vmul.f32 v21, v24;
	v24 =	vmovc v20;
	p0 =	sne.s32 s2, $0x3FC0  }
.Ltmp47:
0x4cb: {  	v22 =	vsub.f32 $1.500000000e+00, v22;
	v20 =	vld [tilespmem:s3+$0x3080];
	v23 =	vmul.f32 v23, v15;
	v18 =	vmul.f32 v18, v7;
	v7 =	vmovc v8;
	v8 =	vmovc v9;
	(pc) =	sbr.rel @p0 .LBB2_41-.Ltmp47, $4  }
0x4cc: {  	v9 =	vmovc v10;
	v10 =	vmovc v12;
	v12 =	vnsel vm0, $0x0, v24;
	v25 =	vmul.f32 v19, v25;
	v26 =	vmul.f32 v21, v14  }
0x4cd: {  	s2 =	sadd.s32 $0x40, s2;
	v30 =	vmovc v14;
	v27 =	vshrl.u32 v12, $0x1;
	v28 =	vmul.f32 v22, v16;
	v16 =	vmovc v21;
	v29 =	vsub.f32 $1.500000000e+00, v23;
	[tilespmem:s29+$0x4080] =	vst v18;
	s29 =	smov.u32 s5  }
0x4ce: {  	v14 =	vmovc v17;
	v17 =	vmul.f32 $5.000000000e-01, v12;
	s5 =	smov.u32 s4;
	s4 =	smov.u32 s6;
	s6 =	smov.u32 s7;
	v24 =	vsub.f32 $1.500000000e+00, v25;
	v22 =	vmul.f32 v26, v16;
	v21 =	vmovc v19  }
0x4cf: {  	s7 =	smov.u32 s24;
	s24 =	smov.u32 s3;
	v19 =	vsub.s32 $0x5F3759DF, v27;
	v23 =	vmul.f32 v28, v13;
	v13 =	vmovc v30;
	v18 =	vmul.f32 v29, v15;
	v15 =	vmovc v28  }
0x4d0: {  	vm0 =	vle.f32 v20, v11  }
0x4d1: {  	v11 =	vnsel vm0, $0x0, v20  }
0x4d2: {  	v25 =	vshrl.u32 v11, $0x1;
	v26 =	vmul.f32 $5.000000000e-01, v11  }
0x4d3: {  	v54 =	vmul.f32 v19, v17;
	v25 =	vsub.s32 $0x5F3759DF, v25  }
0x4d4: {  	v27 =	vmul.f32 v25, v26  }
0x4d5: {  	v20 =	vmul.f32 v19, v54  }
0x4d6: {  	v27 =	vmul.f32 v25, v27  }
0x4d7: {  	v20 =	vsub.f32 $1.500000000e+00, v20  }
0x4d8: {  	v21 =	vmul.f32 v21, v24;
	v55 =	vsub.f32 $1.500000000e+00, v27  }
0x4d9: {  	v19 =	vmul.f32 v19, v20  }
0x4da: {  	v24 =	vmul.f32 v21, v14;
	v20 =	vmul.f32 v25, v55  }
0x4db: {  	v56 =	vmul.f32 v19, v17  }
0x4dc: {  	v24 =	vmul.f32 v24, v21;
	v58 =	vmul.f32 v20, v26  }
0x4dd: {  	v22 =	vsub.f32 $1.500000000e+00, v22;
	v57 =	vmul.f32 v56, v19  }
0x4de: {  	v24 =	vsub.f32 $1.500000000e+00, v24;
	v27 =	vmul.f32 v58, v20  }
0x4df: {  	v16 =	vmul.f32 v22, v16;
	v25 =	vsub.f32 $1.500000000e+00, v57  }
0x4e0: {  	v23 =	vmul.f32 v23, v15;
	v21 =	vmul.f32 v24, v21;
	v59 =	vsub.f32 $1.500000000e+00, v27  }
0x4e1: {  	v13 =	vmul.f32 v16, v13;
	v19 =	vmul.f32 v25, v19  }
0x4e2: {  	v14 =	vmul.f32 v21, v14;
	v20 =	vmul.f32 v59, v20  }
0x4e3: {  	v13 =	vmul.f32 v13, v16;
	v17 =	vmul.f32 v19, v17  }
0x4e4: {  	v60 =	vsub.f32 $1.500000000e+00, v23;
	v14 =	vmul.f32 v14, v21;
	v61 =	vmul.f32 v20, v26  }
0x4e5: {  	v13 =	vsub.f32 $1.500000000e+00, v13;
	v17 =	vmul.f32 v17, v19  }
0x4e6: {  	v15 =	vmul.f32 v60, v15;
	v14 =	vsub.f32 $1.500000000e+00, v14;
	v62 =	vmul.f32 v61, v20  }
0x4e7: {  	v7 =	vmul.f32 v18, v7;
	v13 =	vmul.f32 v13, v16;
	v16 =	vsub.f32 $1.500000000e+00, v17  }
0x4e8: {  	v8 =	vmul.f32 v15, v8;
	v14 =	vmul.f32 v14, v21;
	v15 =	vsub.f32 $1.500000000e+00, v62  }
0x4e9: {  	[tilespmem:s29+$0x4080] =	vst v7;
	v7 =	vmul.f32 v13, v9;
	v9 =	vmul.f32 v16, v19  }
0x4ea: {  	[tilespmem:s5+$0x4080] =	vst v8;
	v8 =	vmul.f32 v14, v10;
	v10 =	vmul.f32 v15, v20  }
0x4eb: {  	[tilespmem:s4+$0x4080] =	vst v7;
	v7 =	vmul.f32 v9, v12  }
0x4ec: {  	[tilespmem:s6+$0x4080] =	vst v8;
	v8 =	vmul.f32 v10, v11  }
0x4ed: {  	[tilespmem:s7+$0x4080] =	vst v7  }
0x4ee: {  	s2 =	sadd.s32 s28, s15;
	[tilespmem:s24+$0x4080] =	vst v8  }
0x4ef: {  	[hbm4b:s2+s30] =	stream.strided.scatter [tilespmem:s0], [sflag:$0x1], $0x1000, s31, s30, $0x38;
	[tilespmem:$0x5080] =	vst v63  }
0x4f0: {  	_ =	swait.ge [sflag:s25], $0x1000  }
0x4f1: {  	[sflag:s25] =	ssyncset.done $0x0  }
0x4f2: {  	s4 =	simm.s32 $0x0;
	[sflag:s25] =	ssyncadd.s32 $0xFFFFF000  }
0x4f3: {  	v7 =	vld [tilespmem:s4+$0x0]  }
0x4f4: {  	v11 =	vld [tilespmem:s4+$0x1000];
	_ =	sdelay $0x1  }
0x4f5: {  	v12 =	vld [tilespmem:s4+$0x2000]  }
0x4f6: {  	s5 =	simm.s32 $0x10;
	v9 =	vbroadcast v5, $0x8;
	v10 =	vbroadcast v6, $0x8  }
0x4f7: {  	v13 =	vld [tilespmem:s5+$0x0]  }
0x4f8: {  	v8 =	vbroadcast v4, $0x8;
	v7 =	vsub.f32 v9, v7;
	v11 =	vsub.f32 v10, v11  }
0x4f9: {  	v17 =	vld [tilespmem:s5+$0x1000]  }
0x4fa: {  	v15 =	vld [tilespmem:s5+$0x2000];
	v12 =	vsub.f32 v8, v12;
	v7 =	vand.u32 $0x7FFFFFFF, v7;
	v11 =	vand.u32 $0x7FFFFFFF, v11  }
0x4fb: {  	v14 =	vsub.f32 v1, v7;
	v16 =	vsub.f32 v2, v11  }
0x4fc: {  	v13 =	vsub.f32 v9, v13;
	v12 =	vand.u32 $0x7FFFFFFF, v12  }
0x4fd: {  	s6 =	simm.s32 $0x20;
	v18 =	vsub.f32 v3, v12;
	v14 =	vmin.f32 v7, v14;
	v11 =	vmin.f32 v11, v16  }
0x4fe: {  	v17 =	vsub.f32 v10, v17;
	v19 =	vmul.f32 v14, v14;
	v63 =	vmul.f32 v11, v11;
	v14 =	vld [tilespmem:s6+$0x0]  }
0x4ff: {  	v16 =	vsub.f32 v8, v15;
	v15 =	vand.u32 $0x7FFFFFFF, v13;
	v13 =	vmin.f32 v12, v18  }
0x500: {  	s2 =	simm.s32 $0xC0;
	v7 =	vimm.s32 $0x0;
	v11 =	vld [tilespmem:s6+$0x2000];
	v13 =	vmul.f32 v13, v13;
	v12 =	vadd.f32 v63, v19  }
.LBB2_43:
0x501: {  	p0 =	sne.s32 s2, $0x3FC0;
	v18 =	vld [tilespmem:s6+$0x1000];
	v19 =	vsub.f32 v1, v15;
	v17 =	vand.u32 $0x7FFFFFFF, v17  }
0x502: {  	v21 =	vand.u32 $0x7FFFFFFF, v16;
	v20 =	vsub.f32 v2, v17;
	v12 =	vadd.f32 v13, v12  }
.Ltmp48:
0x503: {  	v13 =	vsub.f32 v9, v14;
	v14 =	vmin.f32 v15, v19;
	v19 =	vsub.f32 v3, v21;
	(pc) =	sbr.rel @p0 .LBB2_43-.Ltmp48, $4  }
0x504: {  	v22 =	vmul.f32 v14, v14;
	v15 =	vmin.f32 v17, v20;
	[tilespmem:s4+$0x3080] =	vst v12;
	vm0 =	vle.f32 v12, $2.500000000e+01;
	s4 =	smov.u32 s5;
	s5 =	smov.u32 s6;
	s6 =	sshra.s32 s2, $0x2  }
0x505: {  	v14 =	vld [tilespmem:s6+$0x0];
	v16 =	vsub.f32 v8, v11;
	v12 =	vmul.f32 v15, v15;
	v20 =	vmpcnt.ones.xlane vm0  }
0x506: {  	v15 =	vand.u32 $0x7FFFFFFF, v13;
	v13 =	vmin.f32 v21, v19;
	v17 =	vsub.f32 v10, v18  }
0x507: {  	s2 =	sadd.s32 $0x40, s2;
	v13 =	vmul.f32 v13, v13;
	v11 =	vld [tilespmem:s6+$0x2000];
	v12 =	vadd.f32 v12, v22;
	v7 =	vadd.s32 v7, v20  }
0x508: {  	v18 =	vld [tilespmem:s6+$0x1000];
	_ =	sdelay $0x3  }
0x509: {  	v19 =	vsub.f32 v1, v15;
	v17 =	vand.u32 $0x7FFFFFFF, v17  }
0x50a: {  	v16 =	vand.u32 $0x7FFFFFFF, v16;
	v9 =	vsub.f32 v9, v14;
	v10 =	vsub.f32 v10, v18  }
0x50b: {  	v53 =	vsub.f32 v2, v17;
	v54 =	vsub.f32 v3, v16;
	v15 =	vmin.f32 v15, v19  }
0x50c: {  	v8 =	vsub.f32 v8, v11;
	v9 =	vand.u32 $0x7FFFFFFF, v9;
	v10 =	vand.u32 $0x7FFFFFFF, v10  }
0x50d: {  	v55 =	vmin.f32 v17, v53;
	v56 =	vsub.f32 v1, v9;
	v57 =	vsub.f32 v2, v10  }
0x50e: {  	v15 =	vmul.f32 v15, v15;
	v11 =	vmul.f32 v55, v55;
	v8 =	vand.u32 $0x7FFFFFFF, v8  }
0x50f: {  	v9 =	vmin.f32 v9, v56;
	v58 =	vsub.f32 v3, v8;
	v10 =	vmin.f32 v10, v57  }
0x510: {  	v16 =	vmin.f32 v16, v54;
	v9 =	vmul.f32 v9, v9;
	v10 =	vmul.f32 v10, v10  }
0x511: {  	v59 =	vmul.f32 v16, v16;
	v11 =	vadd.f32 v11, v15;
	v8 =	vmin.f32 v8, v58  }
0x512: {  	v12 =	vadd.f32 v13, v12;
	v8 =	vmul.f32 v8, v8;
	v9 =	vadd.f32 v10, v9  }
0x513: {  	v60 =	vadd.f32 v59, v11  }
0x514: {  	vm0 =	vle.f32 v12, $2.500000000e+01;
	v8 =	vadd.f32 v8, v9  }
0x515: {  	v61 =	vmpcnt.ones.xlane vm0;
	vm14 =	vle.f32 v60, $2.500000000e+01  }
0x516: {  	v62 =	vmpcnt.ones.xlane vm14;
	vm15 =	vle.f32 v8, $2.500000000e+01  }
0x517: {  	v7 =	vadd.s32 v7, v61;
	v63 =	vmpcnt.ones.xlane vm15  }
0x518: {  	v7 =	vadd.s32 v7, v62  }
0x519: {  	v7 =	vadd.s32 v7, v63  }
0x51a: {  	(v2sf) =	vpush v7, $0x0;
	_ =	sdelay $0xe  }
0x51b: {  	s2 =	spop (v2sf)  }
0x51c: {  	[tilespmem:s4+$0x3080] =	vst v12;
	s4 =	sadd.s32 $0xFFFFFFFF, s2  }
0x51d: {  	p0 =	slt.s32 s4, $0x10  }
.Ltmp49:
0x51e: {  	_ = 	snop;
	(pc) =	sbr.rel @!p0 .LBB2_45-.Ltmp49, $3  }
0x51f: {  	_ =	sdelay $0x1  }
0x520: {  	[tilespmem:s5+$0x3080] =	vst v60  }
0x521: {  	[tilespmem:s6+$0x3080] =	vst v8;
	s2 =	simm.f32 $2.500000000e+01  }
.LBB2_125:
0x522: {  	s3 =	simm.s32 $0x0  }
0x523: {  	v9 =	vld [tilespmem:s3+$0x3080]  }
0x524: {  	v8 =	vmov s2;
	v7 =	vimm.f32 $1.000000000e+09;
	s2 =	simm.s32 $0x40  }
.LBB2_126:
0x525: {  	p0 =	sne.s32 s2, $0x3FC0  }
.Ltmp50:
0x526: {  	_ = 	snop;
	(pc) =	sbr.rel @p0 .LBB2_126-.Ltmp50, $4  }
0x527: {  	_ = 	snop  }
0x528: {  	s3 =	sshra.s32 s2, $0x2;
	s2 =	sadd.s32 $0x40, s2;
	vm0 =	vgt.f32 v9, v8  }
0x529: {  	v10 =	vnsel vm0, $0x4E6E6B28, v9;
	v9 =	vld [tilespmem:s3+$0x3080]  }
0x52a: {  	v7 =	vmin.f32 v7, v10  }
0x52b: {  	_ =	sdelay $0x2  }
0x52c: {  	vm0 =	vgt.f32 v9, v8  }
0x52d: {  	v8 =	vnsel vm0, $0x4E6E6B28, v9  }
0x52e: {  	v7 =	vmin.f32 v7, v8  }
0x52f: {  	(xrf1) =	vsort.ascd.msk.f32 $0xffff, v7, v7;
	_ =	sdelay $0xd  }
0x530: {  	s3 =	simm.s32 $0x0;
	v7, _, _ =	vpop (xrf1)  }
0x531: {  	s2 =	simm.s32 $0x40;
	v10 =	vld [tilespmem:s3+$0x3080];
	v8 =	vimm.s32 $0x0;
	v9 =	vbroadcast v7, $0x0  }
.LBB2_128:
0x532: {  	_ =	sdelay $0x1  }
0x533: {  	p0 =	sne.s32 s2, $0x3FC0  }
.Ltmp51:
0x534: {  	_ = 	snop;
	(pc) =	sbr.rel @p0 .LBB2_128-.Ltmp51, $4  }
0x535: {  	vm0 =	veq.f32 v10, v9  }
0x536: {  	v11 =	vmpcnt.ones.xlane vm0  }
0x537: {  	s3 =	sshra.s32 s2, $0x2  }
0x538: {  	s2 =	sadd.s32 $0x40, s2;
	v10 =	vld [tilespmem:s3+$0x3080];
	v8 =	vadd.s32 v8, v11  }
0x539: {  	_ =	sdelay $0x3  }
0x53a: {  	vm0 =	veq.f32 v10, v9  }
0x53b: {  	v9 =	vmpcnt.ones.xlane vm0;
	_ =	sdelay $0x1  }
0x53c: {  	(v2sf) =	vpush v7, $0x0;
	v8 =	vadd.s32 v8, v9  }
0x53d: {  	(v2sf) =	vpush v8, $0x0;
	_ =	sdelay $0xd  }
0x53e: {  	s2 =	spop (v2sf)  }
0x53f: {  	s3 =	spop (v2sf)  }
0x540: {  	s4 =	sadd.s32 s4, s3  }
0x541: {  	p0 =	slt.s32 s4, $0x10  }
.Ltmp52:
0x542: {  	_ = 	snop;
	(pc) =	sbr.rel @p0 .LBB2_125-.Ltmp52, $1  }
0x543: {  	_ =	sdelay $0x3  }
.LBB2_45:
0x544: {  	s29 =	simm.s32 $0x0  }
0x545: {  	v7 =	vld [tilespmem:s29+$0x3080];
	_ =	sdelay $0x3  }
0x546: {  	v11 =	vmov s2;
	s5 =	simm.s32 $0x10  }
0x547: {  	v8 =	vld [tilespmem:s5+$0x3080];
	vm0 =	vle.f32 v7, v11  }
0x548: {  	v7 =	vnsel vm0, $0x0, v7  }
0x549: {  	v9 =	vshrl.u32 v7, $0x1;
	v12 =	vmul.f32 $5.000000000e-01, v7  }
0x54a: {  	v9 =	vsub.s32 $0x5F3759DF, v9  }
0x54b: {  	v10 =	vmul.f32 v9, v12  }
0x54c: {  	vm12 =	vle.f32 v8, v11  }
0x54d: {  	s4 =	simm.s32 $0x20;
	v8 =	vnsel vm12, $0x0, v8;
	v10 =	vmul.f32 v9, v10  }
0x54e: {  	v13 =	vld [tilespmem:s4+$0x3080];
	v14 =	vshrl.u32 v8, $0x1;
	v18 =	vmul.f32 $5.000000000e-01, v8  }
0x54f: {  	v14 =	vsub.s32 $0x5F3759DF, v14;
	v10 =	vsub.f32 $1.500000000e+00, v10  }
0x550: {  	v15 =	vmul.f32 v14, v18  }
0x551: {  	v16 =	vmul.f32 v9, v10  }
0x552: {  	v15 =	vmul.f32 v14, v15  }
0x553: {  	vm13 =	vle.f32 v13, v11;
	v17 =	vmul.f32 v16, v12  }
0x554: {  	s6 =	simm.s32 $0x30;
	v15 =	vsub.f32 $1.500000000e+00, v15;
	v9 =	vnsel vm13, $0x0, v13  }
0x555: {  	v10 =	vld [tilespmem:s6+$0x3080];
	v19 =	vshrl.u32 v9, $0x1;
	v13 =	vmul.f32 $5.000000000e-01, v9;
	v17 =	vmul.f32 v17, v16  }
0x556: {  	v19 =	vsub.s32 $0x5F3759DF, v19  }
0x557: {  	v15 =	vmul.f32 v14, v15;
	v20 =	vmul.f32 v19, v13;
	v14 =	vsub.f32 $1.500000000e+00, v17;
	_ =	sdelay $0x1  }
0x558: {  	s7 =	simm.s32 $0x40;
	v20 =	vmul.f32 v19, v20;
	v25 =	vmul.f32 v14, v16  }
0x559: {  	v21 =	vmul.f32 v15, v18;
	vm14 =	vle.f32 v10, v11;
	v17 =	vld [tilespmem:s7+$0x3080]  }
0x55a: {  	v10 =	vnsel vm14, $0x0, v10;
	v20 =	vsub.f32 $1.500000000e+00, v20;
	v12 =	vmul.f32 v25, v12  }
0x55b: {  	v22 =	vmul.f32 v21, v15;
	v16 =	vshrl.u32 v10, $0x1;
	v14 =	vmul.f32 $5.000000000e-01, v10  }
0x55c: {  	v21 =	vsub.s32 $0x5F3759DF, v16;
	v16 =	vmul.f32 v19, v20;
	v20 =	vmul.f32 v12, v25  }
0x55d: {  	s24 =	simm.s32 $0x50;
	v23 =	vmul.f32 v21, v14  }
0x55e: {  	v19 =	vsub.f32 $1.500000000e+00, v22;
	vm15 =	vle.f32 v17, v11;
	v27 =	vsub.f32 $1.500000000e+00, v20;
	v20 =	vld [tilespmem:s24+$0x3080]  }
0x55f: {  	v12 =	vnsel vm15, $0x0, v17;
	v22 =	vmul.f32 v21, v23;
	v23 =	vmul.f32 v16, v13  }
0x560: {  	v15 =	vmul.f32 v19, v15;
	v26 =	vshrl.u32 v12, $0x1  }
0x561: {  	v17 =	vmul.f32 $5.000000000e-01, v12;
	v24 =	vsub.f32 $1.500000000e+00, v22;
	v22 =	vmul.f32 v23, v16  }
0x562: {  	s2 =	simm.s32 $0x180;
	v19 =	vsub.s32 $0x5F3759DF, v26;
	v23 =	vmul.f32 v15, v18;
	v18 =	vmul.f32 v27, v25  }
.LBB2_46:
0x563: {  	s3 =	sshra.s32 s2, $0x2;
	vm0 =	vle.f32 v20, v11;
	v25 =	vmul.f32 v19, v17;
	v21 =	vmul.f32 v21, v24;
	v24 =	vmovc v20;
	p0 =	sne.s32 s2, $0x3FC0  }
.Ltmp53:
0x564: {  	v22 =	vsub.f32 $1.500000000e+00, v22;
	v20 =	vld [tilespmem:s3+$0x3080];
	v23 =	vmul.f32 v23, v15;
	v18 =	vmul.f32 v18, v7;
	v7 =	vmovc v8;
	v8 =	vmovc v9;
	(pc) =	sbr.rel @p0 .LBB2_46-.Ltmp53, $4  }
0x565: {  	v9 =	vmovc v10;
	v10 =	vmovc v12;
	v12 =	vnsel vm0, $0x0, v24;
	v25 =	vmul.f32 v19, v25;
	v26 =	vmul.f32 v21, v14  }
0x566: {  	s2 =	sadd.s32 $0x40, s2;
	v30 =	vmovc v14;
	v27 =	vshrl.u32 v12, $0x1;
	v28 =	vmul.f32 v22, v16;
	v16 =	vmovc v21;
	v29 =	vsub.f32 $1.500000000e+00, v23;
	[tilespmem:s29+$0x4080] =	vst v18;
	s29 =	smov.u32 s5  }
0x567: {  	v14 =	vmovc v17;
	v17 =	vmul.f32 $5.000000000e-01, v12;
	s5 =	smov.u32 s4;
	s4 =	smov.u32 s6;
	s6 =	smov.u32 s7;
	v24 =	vsub.f32 $1.500000000e+00, v25;
	v22 =	vmul.f32 v26, v16;
	v21 =	vmovc v19  }
0x568: {  	s7 =	smov.u32 s24;
	s24 =	smov.u32 s3;
	v19 =	vsub.s32 $0x5F3759DF, v27;
	v23 =	vmul.f32 v28, v13;
	v13 =	vmovc v30;
	v18 =	vmul.f32 v29, v15;
	v15 =	vmovc v28  }
0x569: {  	vm0 =	vle.f32 v20, v11  }
0x56a: {  	v11 =	vnsel vm0, $0x0, v20  }
0x56b: {  	v25 =	vshrl.u32 v11, $0x1;
	v26 =	vmul.f32 $5.000000000e-01, v11  }
0x56c: {  	v54 =	vmul.f32 v19, v17;
	v25 =	vsub.s32 $0x5F3759DF, v25  }
0x56d: {  	v27 =	vmul.f32 v25, v26  }
0x56e: {  	v20 =	vmul.f32 v19, v54  }
0x56f: {  	v27 =	vmul.f32 v25, v27  }
0x570: {  	v20 =	vsub.f32 $1.500000000e+00, v20  }
0x571: {  	v21 =	vmul.f32 v21, v24;
	v55 =	vsub.f32 $1.500000000e+00, v27  }
0x572: {  	v19 =	vmul.f32 v19, v20  }
0x573: {  	v24 =	vmul.f32 v21, v14;
	v20 =	vmul.f32 v25, v55  }
0x574: {  	v56 =	vmul.f32 v19, v17  }
0x575: {  	v24 =	vmul.f32 v24, v21;
	v58 =	vmul.f32 v20, v26  }
0x576: {  	v22 =	vsub.f32 $1.500000000e+00, v22;
	v57 =	vmul.f32 v56, v19  }
0x577: {  	v24 =	vsub.f32 $1.500000000e+00, v24;
	v27 =	vmul.f32 v58, v20  }
0x578: {  	v16 =	vmul.f32 v22, v16;
	v25 =	vsub.f32 $1.500000000e+00, v57  }
0x579: {  	v23 =	vmul.f32 v23, v15;
	v21 =	vmul.f32 v24, v21;
	v59 =	vsub.f32 $1.500000000e+00, v27  }
0x57a: {  	v13 =	vmul.f32 v16, v13;
	v19 =	vmul.f32 v25, v19  }
0x57b: {  	v14 =	vmul.f32 v21, v14;
	v20 =	vmul.f32 v59, v20  }
0x57c: {  	v13 =	vmul.f32 v13, v16;
	v17 =	vmul.f32 v19, v17  }
0x57d: {  	v60 =	vsub.f32 $1.500000000e+00, v23;
	v14 =	vmul.f32 v14, v21;
	v61 =	vmul.f32 v20, v26  }
0x57e: {  	v13 =	vsub.f32 $1.500000000e+00, v13;
	v17 =	vmul.f32 v17, v19  }
0x57f: {  	v15 =	vmul.f32 v60, v15;
	v14 =	vsub.f32 $1.500000000e+00, v14;
	v62 =	vmul.f32 v61, v20  }
0x580: {  	v7 =	vmul.f32 v18, v7;
	v13 =	vmul.f32 v13, v16;
	v16 =	vsub.f32 $1.500000000e+00, v17  }
0x581: {  	v8 =	vmul.f32 v15, v8;
	v14 =	vmul.f32 v14, v21;
	v15 =	vsub.f32 $1.500000000e+00, v62  }
0x582: {  	[tilespmem:s29+$0x4080] =	vst v7;
	v7 =	vmul.f32 v13, v9;
	v9 =	vmul.f32 v16, v19  }
0x583: {  	[tilespmem:s5+$0x4080] =	vst v8;
	v8 =	vmul.f32 v14, v10;
	v10 =	vmul.f32 v15, v20  }
0x584: {  	[tilespmem:s4+$0x4080] =	vst v7;
	v7 =	vmul.f32 v9, v12  }
0x585: {  	[tilespmem:s6+$0x4080] =	vst v8;
	v8 =	vmul.f32 v10, v11  }
0x586: {  	[tilespmem:s7+$0x4080] =	vst v7  }
0x587: {  	s2 =	sadd.s32 s28, s16;
	[tilespmem:s24+$0x4080] =	vst v8  }
0x588: {  	[hbm4b:s2+s30] =	stream.strided.scatter [tilespmem:s0], [sflag:$0x1], $0x1000, s31, s30, $0x38;
	[tilespmem:$0x5080] =	vst v63  }
0x589: {  	_ =	swait.ge [sflag:s25], $0x1000  }
0x58a: {  	[sflag:s25] =	ssyncset.done $0x0  }
0x58b: {  	s4 =	simm.s32 $0x0;
	[sflag:s25] =	ssyncadd.s32 $0xFFFFF000  }
0x58c: {  	v7 =	vld [tilespmem:s4+$0x0]  }
0x58d: {  	v11 =	vld [tilespmem:s4+$0x1000];
	_ =	sdelay $0x1  }
0x58e: {  	v12 =	vld [tilespmem:s4+$0x2000]  }
0x58f: {  	s5 =	simm.s32 $0x10;
	v9 =	vbroadcast v5, $0x9;
	v10 =	vbroadcast v6, $0x9  }
0x590: {  	v13 =	vld [tilespmem:s5+$0x0]  }
0x591: {  	v8 =	vbroadcast v4, $0x9;
	v7 =	vsub.f32 v9, v7;
	v11 =	vsub.f32 v10, v11  }
0x592: {  	v17 =	vld [tilespmem:s5+$0x1000]  }
0x593: {  	v15 =	vld [tilespmem:s5+$0x2000];
	v12 =	vsub.f32 v8, v12;
	v7 =	vand.u32 $0x7FFFFFFF, v7;
	v11 =	vand.u32 $0x7FFFFFFF, v11  }
0x594: {  	v14 =	vsub.f32 v1, v7;
	v16 =	vsub.f32 v2, v11  }
0x595: {  	v13 =	vsub.f32 v9, v13;
	v12 =	vand.u32 $0x7FFFFFFF, v12  }
0x596: {  	s6 =	simm.s32 $0x20;
	v18 =	vsub.f32 v3, v12;
	v14 =	vmin.f32 v7, v14;
	v11 =	vmin.f32 v11, v16  }
0x597: {  	v17 =	vsub.f32 v10, v17;
	v19 =	vmul.f32 v14, v14;
	v63 =	vmul.f32 v11, v11;
	v14 =	vld [tilespmem:s6+$0x0]  }
0x598: {  	v16 =	vsub.f32 v8, v15;
	v15 =	vand.u32 $0x7FFFFFFF, v13;
	v13 =	vmin.f32 v12, v18  }
0x599: {  	s2 =	simm.s32 $0xC0;
	v7 =	vimm.s32 $0x0;
	v11 =	vld [tilespmem:s6+$0x2000];
	v13 =	vmul.f32 v13, v13;
	v12 =	vadd.f32 v63, v19  }
.LBB2_48:
0x59a: {  	p0 =	sne.s32 s2, $0x3FC0;
	v18 =	vld [tilespmem:s6+$0x1000];
	v19 =	vsub.f32 v1, v15;
	v17 =	vand.u32 $0x7FFFFFFF, v17  }
0x59b: {  	v21 =	vand.u32 $0x7FFFFFFF, v16;
	v20 =	vsub.f32 v2, v17;
	v12 =	vadd.f32 v13, v12  }
.Ltmp54:
0x59c: {  	v13 =	vsub.f32 v9, v14;
	v14 =	vmin.f32 v15, v19;
	v19 =	vsub.f32 v3, v21;
	(pc) =	sbr.rel @p0 .LBB2_48-.Ltmp54, $4  }
0x59d: {  	v22 =	vmul.f32 v14, v14;
	v15 =	vmin.f32 v17, v20;
	[tilespmem:s4+$0x3080] =	vst v12;
	vm0 =	vle.f32 v12, $2.500000000e+01;
	s4 =	smov.u32 s5;
	s5 =	smov.u32 s6;
	s6 =	sshra.s32 s2, $0x2  }
0x59e: {  	v14 =	vld [tilespmem:s6+$0x0];
	v16 =	vsub.f32 v8, v11;
	v12 =	vmul.f32 v15, v15;
	v20 =	vmpcnt.ones.xlane vm0  }
0x59f: {  	v15 =	vand.u32 $0x7FFFFFFF, v13;
	v13 =	vmin.f32 v21, v19;
	v17 =	vsub.f32 v10, v18  }
0x5a0: {  	s2 =	sadd.s32 $0x40, s2;
	v13 =	vmul.f32 v13, v13;
	v11 =	vld [tilespmem:s6+$0x2000];
	v12 =	vadd.f32 v12, v22;
	v7 =	vadd.s32 v7, v20  }
0x5a1: {  	v18 =	vld [tilespmem:s6+$0x1000];
	_ =	sdelay $0x3  }
0x5a2: {  	v19 =	vsub.f32 v1, v15;
	v17 =	vand.u32 $0x7FFFFFFF, v17  }
0x5a3: {  	v16 =	vand.u32 $0x7FFFFFFF, v16;
	v9 =	vsub.f32 v9, v14;
	v10 =	vsub.f32 v10, v18  }
0x5a4: {  	v53 =	vsub.f32 v2, v17;
	v54 =	vsub.f32 v3, v16;
	v15 =	vmin.f32 v15, v19  }
0x5a5: {  	v8 =	vsub.f32 v8, v11;
	v9 =	vand.u32 $0x7FFFFFFF, v9;
	v10 =	vand.u32 $0x7FFFFFFF, v10  }
0x5a6: {  	v55 =	vmin.f32 v17, v53;
	v56 =	vsub.f32 v1, v9;
	v57 =	vsub.f32 v2, v10  }
0x5a7: {  	v15 =	vmul.f32 v15, v15;
	v11 =	vmul.f32 v55, v55;
	v8 =	vand.u32 $0x7FFFFFFF, v8  }
0x5a8: {  	v9 =	vmin.f32 v9, v56;
	v58 =	vsub.f32 v3, v8;
	v10 =	vmin.f32 v10, v57  }
0x5a9: {  	v16 =	vmin.f32 v16, v54;
	v9 =	vmul.f32 v9, v9;
	v10 =	vmul.f32 v10, v10  }
0x5aa: {  	v59 =	vmul.f32 v16, v16;
	v11 =	vadd.f32 v11, v15;
	v8 =	vmin.f32 v8, v58  }
0x5ab: {  	v12 =	vadd.f32 v13, v12;
	v8 =	vmul.f32 v8, v8;
	v9 =	vadd.f32 v10, v9  }
0x5ac: {  	v60 =	vadd.f32 v59, v11  }
0x5ad: {  	vm0 =	vle.f32 v12, $2.500000000e+01;
	v8 =	vadd.f32 v8, v9  }
0x5ae: {  	v61 =	vmpcnt.ones.xlane vm0;
	vm14 =	vle.f32 v60, $2.500000000e+01  }
0x5af: {  	v62 =	vmpcnt.ones.xlane vm14;
	vm15 =	vle.f32 v8, $2.500000000e+01  }
0x5b0: {  	v7 =	vadd.s32 v7, v61;
	v63 =	vmpcnt.ones.xlane vm15  }
0x5b1: {  	v7 =	vadd.s32 v7, v62  }
0x5b2: {  	v7 =	vadd.s32 v7, v63  }
0x5b3: {  	(v2sf) =	vpush v7, $0x0;
	_ =	sdelay $0xe  }
0x5b4: {  	s2 =	spop (v2sf)  }
0x5b5: {  	[tilespmem:s4+$0x3080] =	vst v12;
	s4 =	sadd.s32 $0xFFFFFFFF, s2  }
0x5b6: {  	p0 =	slt.s32 s4, $0x10  }
.Ltmp55:
0x5b7: {  	_ = 	snop;
	(pc) =	sbr.rel @!p0 .LBB2_50-.Ltmp55, $3  }
0x5b8: {  	_ =	sdelay $0x1  }
0x5b9: {  	[tilespmem:s5+$0x3080] =	vst v60  }
0x5ba: {  	[tilespmem:s6+$0x3080] =	vst v8;
	s2 =	simm.f32 $2.500000000e+01  }
.LBB2_130:
0x5bb: {  	s3 =	simm.s32 $0x0  }
0x5bc: {  	v9 =	vld [tilespmem:s3+$0x3080]  }
0x5bd: {  	v8 =	vmov s2;
	v7 =	vimm.f32 $1.000000000e+09;
	s2 =	simm.s32 $0x40  }
.LBB2_131:
0x5be: {  	p0 =	sne.s32 s2, $0x3FC0  }
.Ltmp56:
0x5bf: {  	_ = 	snop;
	(pc) =	sbr.rel @p0 .LBB2_131-.Ltmp56, $4  }
0x5c0: {  	_ = 	snop  }
0x5c1: {  	s3 =	sshra.s32 s2, $0x2;
	s2 =	sadd.s32 $0x40, s2;
	vm0 =	vgt.f32 v9, v8  }
0x5c2: {  	v10 =	vnsel vm0, $0x4E6E6B28, v9;
	v9 =	vld [tilespmem:s3+$0x3080]  }
0x5c3: {  	v7 =	vmin.f32 v7, v10  }
0x5c4: {  	_ =	sdelay $0x2  }
0x5c5: {  	vm0 =	vgt.f32 v9, v8  }
0x5c6: {  	v8 =	vnsel vm0, $0x4E6E6B28, v9  }
0x5c7: {  	v7 =	vmin.f32 v7, v8  }
0x5c8: {  	(xrf1) =	vsort.ascd.msk.f32 $0xffff, v7, v7;
	_ =	sdelay $0xd  }
0x5c9: {  	s3 =	simm.s32 $0x0;
	v7, _, _ =	vpop (xrf1)  }
0x5ca: {  	s2 =	simm.s32 $0x40;
	v10 =	vld [tilespmem:s3+$0x3080];
	v8 =	vimm.s32 $0x0;
	v9 =	vbroadcast v7, $0x0  }
.LBB2_133:
0x5cb: {  	_ =	sdelay $0x1  }
0x5cc: {  	p0 =	sne.s32 s2, $0x3FC0  }
.Ltmp57:
0x5cd: {  	_ = 	snop;
	(pc) =	sbr.rel @p0 .LBB2_133-.Ltmp57, $4  }
0x5ce: {  	vm0 =	veq.f32 v10, v9  }
0x5cf: {  	v11 =	vmpcnt.ones.xlane vm0  }
0x5d0: {  	s3 =	sshra.s32 s2, $0x2  }
0x5d1: {  	s2 =	sadd.s32 $0x40, s2;
	v10 =	vld [tilespmem:s3+$0x3080];
	v8 =	vadd.s32 v8, v11  }
0x5d2: {  	_ =	sdelay $0x3  }
0x5d3: {  	vm0 =	veq.f32 v10, v9  }
0x5d4: {  	v9 =	vmpcnt.ones.xlane vm0;
	_ =	sdelay $0x1  }
0x5d5: {  	(v2sf) =	vpush v7, $0x0;
	v8 =	vadd.s32 v8, v9  }
0x5d6: {  	(v2sf) =	vpush v8, $0x0;
	_ =	sdelay $0xd  }
0x5d7: {  	s2 =	spop (v2sf)  }
0x5d8: {  	s3 =	spop (v2sf)  }
0x5d9: {  	s4 =	sadd.s32 s4, s3  }
0x5da: {  	p0 =	slt.s32 s4, $0x10  }
.Ltmp58:
0x5db: {  	_ = 	snop;
	(pc) =	sbr.rel @p0 .LBB2_130-.Ltmp58, $1  }
0x5dc: {  	_ =	sdelay $0x3  }
.LBB2_50:
0x5dd: {  	s29 =	simm.s32 $0x0  }
0x5de: {  	v7 =	vld [tilespmem:s29+$0x3080];
	_ =	sdelay $0x3  }
0x5df: {  	v11 =	vmov s2;
	s5 =	simm.s32 $0x10  }
0x5e0: {  	v8 =	vld [tilespmem:s5+$0x3080];
	vm0 =	vle.f32 v7, v11  }
0x5e1: {  	v7 =	vnsel vm0, $0x0, v7  }
0x5e2: {  	v9 =	vshrl.u32 v7, $0x1;
	v12 =	vmul.f32 $5.000000000e-01, v7  }
0x5e3: {  	v9 =	vsub.s32 $0x5F3759DF, v9  }
0x5e4: {  	v10 =	vmul.f32 v9, v12  }
0x5e5: {  	vm12 =	vle.f32 v8, v11  }
0x5e6: {  	s4 =	simm.s32 $0x20;
	v8 =	vnsel vm12, $0x0, v8;
	v10 =	vmul.f32 v9, v10  }
0x5e7: {  	v13 =	vld [tilespmem:s4+$0x3080];
	v14 =	vshrl.u32 v8, $0x1;
	v18 =	vmul.f32 $5.000000000e-01, v8  }
0x5e8: {  	v14 =	vsub.s32 $0x5F3759DF, v14;
	v10 =	vsub.f32 $1.500000000e+00, v10  }
0x5e9: {  	v15 =	vmul.f32 v14, v18  }
0x5ea: {  	v16 =	vmul.f32 v9, v10  }
0x5eb: {  	v15 =	vmul.f32 v14, v15  }
0x5ec: {  	vm13 =	vle.f32 v13, v11;
	v17 =	vmul.f32 v16, v12  }
0x5ed: {  	s6 =	simm.s32 $0x30;
	v15 =	vsub.f32 $1.500000000e+00, v15;
	v9 =	vnsel vm13, $0x0, v13  }
0x5ee: {  	v10 =	vld [tilespmem:s6+$0x3080];
	v19 =	vshrl.u32 v9, $0x1;
	v13 =	vmul.f32 $5.000000000e-01, v9;
	v17 =	vmul.f32 v17, v16  }
0x5ef: {  	v19 =	vsub.s32 $0x5F3759DF, v19  }
0x5f0: {  	v15 =	vmul.f32 v14, v15;
	v20 =	vmul.f32 v19, v13;
	v14 =	vsub.f32 $1.500000000e+00, v17;
	_ =	sdelay $0x1  }
0x5f1: {  	s7 =	simm.s32 $0x40;
	v20 =	vmul.f32 v19, v20;
	v25 =	vmul.f32 v14, v16  }
0x5f2: {  	v21 =	vmul.f32 v15, v18;
	vm14 =	vle.f32 v10, v11;
	v17 =	vld [tilespmem:s7+$0x3080]  }
0x5f3: {  	v10 =	vnsel vm14, $0x0, v10;
	v20 =	vsub.f32 $1.500000000e+00, v20;
	v12 =	vmul.f32 v25, v12  }
0x5f4: {  	v22 =	vmul.f32 v21, v15;
	v16 =	vshrl.u32 v10, $0x1;
	v14 =	vmul.f32 $5.000000000e-01, v10  }
0x5f5: {  	v21 =	vsub.s32 $0x5F3759DF, v16;
	v16 =	vmul.f32 v19, v20;
	v20 =	vmul.f32 v12, v25  }
0x5f6: {  	s24 =	simm.s32 $0x50;
	v23 =	vmul.f32 v21, v14  }
0x5f7: {  	v19 =	vsub.f32 $1.500000000e+00, v22;
	vm15 =	vle.f32 v17, v11;
	v27 =	vsub.f32 $1.500000000e+00, v20;
	v20 =	vld [tilespmem:s24+$0x3080]  }
0x5f8: {  	v12 =	vnsel vm15, $0x0, v17;
	v22 =	vmul.f32 v21, v23;
	v23 =	vmul.f32 v16, v13  }
0x5f9: {  	v15 =	vmul.f32 v19, v15;
	v26 =	vshrl.u32 v12, $0x1  }
0x5fa: {  	v17 =	vmul.f32 $5.000000000e-01, v12;
	v24 =	vsub.f32 $1.500000000e+00, v22;
	v22 =	vmul.f32 v23, v16  }
0x5fb: {  	s2 =	simm.s32 $0x180;
	v19 =	vsub.s32 $0x5F3759DF, v26;
	v23 =	vmul.f32 v15, v18;
	v18 =	vmul.f32 v27, v25  }
.LBB2_51:
0x5fc: {  	s3 =	sshra.s32 s2, $0x2;
	vm0 =	vle.f32 v20, v11;
	v25 =	vmul.f32 v19, v17;
	v21 =	vmul.f32 v21, v24;
	v24 =	vmovc v20;
	p0 =	sne.s32 s2, $0x3FC0  }
.Ltmp59:
0x5fd: {  	v22 =	vsub.f32 $1.500000000e+00, v22;
	v20 =	vld [tilespmem:s3+$0x3080];
	v23 =	vmul.f32 v23, v15;
	v18 =	vmul.f32 v18, v7;
	v7 =	vmovc v8;
	v8 =	vmovc v9;
	(pc) =	sbr.rel @p0 .LBB2_51-.Ltmp59, $4  }
0x5fe: {  	v9 =	vmovc v10;
	v10 =	vmovc v12;
	v12 =	vnsel vm0, $0x0, v24;
	v25 =	vmul.f32 v19, v25;
	v26 =	vmul.f32 v21, v14  }
0x5ff: {  	s2 =	sadd.s32 $0x40, s2;
	v30 =	vmovc v14;
	v27 =	vshrl.u32 v12, $0x1;
	v28 =	vmul.f32 v22, v16;
	v16 =	vmovc v21;
	v29 =	vsub.f32 $1.500000000e+00, v23;
	[tilespmem:s29+$0x4080] =	vst v18;
	s29 =	smov.u32 s5  }
0x600: {  	v14 =	vmovc v17;
	v17 =	vmul.f32 $5.000000000e-01, v12;
	s5 =	smov.u32 s4;
	s4 =	smov.u32 s6;
	s6 =	smov.u32 s7;
	v24 =	vsub.f32 $1.500000000e+00, v25;
	v22 =	vmul.f32 v26, v16;
	v21 =	vmovc v19  }
0x601: {  	s7 =	smov.u32 s24;
	s24 =	smov.u32 s3;
	v19 =	vsub.s32 $0x5F3759DF, v27;
	v23 =	vmul.f32 v28, v13;
	v13 =	vmovc v30;
	v18 =	vmul.f32 v29, v15;
	v15 =	vmovc v28  }
0x602: {  	vm0 =	vle.f32 v20, v11  }
0x603: {  	v11 =	vnsel vm0, $0x0, v20  }
0x604: {  	v25 =	vshrl.u32 v11, $0x1;
	v26 =	vmul.f32 $5.000000000e-01, v11  }
0x605: {  	v54 =	vmul.f32 v19, v17;
	v25 =	vsub.s32 $0x5F3759DF, v25  }
0x606: {  	v27 =	vmul.f32 v25, v26  }
0x607: {  	v20 =	vmul.f32 v19, v54  }
0x608: {  	v27 =	vmul.f32 v25, v27  }
0x609: {  	v20 =	vsub.f32 $1.500000000e+00, v20  }
0x60a: {  	v21 =	vmul.f32 v21, v24;
	v55 =	vsub.f32 $1.500000000e+00, v27  }
0x60b: {  	v19 =	vmul.f32 v19, v20  }
0x60c: {  	v24 =	vmul.f32 v21, v14;
	v20 =	vmul.f32 v25, v55  }
0x60d: {  	v56 =	vmul.f32 v19, v17  }
0x60e: {  	v24 =	vmul.f32 v24, v21;
	v58 =	vmul.f32 v20, v26  }
0x60f: {  	v22 =	vsub.f32 $1.500000000e+00, v22;
	v57 =	vmul.f32 v56, v19  }
0x610: {  	v24 =	vsub.f32 $1.500000000e+00, v24;
	v27 =	vmul.f32 v58, v20  }
0x611: {  	v16 =	vmul.f32 v22, v16;
	v25 =	vsub.f32 $1.500000000e+00, v57  }
0x612: {  	v23 =	vmul.f32 v23, v15;
	v21 =	vmul.f32 v24, v21;
	v59 =	vsub.f32 $1.500000000e+00, v27  }
0x613: {  	v13 =	vmul.f32 v16, v13;
	v19 =	vmul.f32 v25, v19  }
0x614: {  	v14 =	vmul.f32 v21, v14;
	v20 =	vmul.f32 v59, v20  }
0x615: {  	v13 =	vmul.f32 v13, v16;
	v17 =	vmul.f32 v19, v17  }
0x616: {  	v60 =	vsub.f32 $1.500000000e+00, v23;
	v14 =	vmul.f32 v14, v21;
	v61 =	vmul.f32 v20, v26  }
0x617: {  	v13 =	vsub.f32 $1.500000000e+00, v13;
	v17 =	vmul.f32 v17, v19  }
0x618: {  	v15 =	vmul.f32 v60, v15;
	v14 =	vsub.f32 $1.500000000e+00, v14;
	v62 =	vmul.f32 v61, v20  }
0x619: {  	v7 =	vmul.f32 v18, v7;
	v13 =	vmul.f32 v13, v16;
	v16 =	vsub.f32 $1.500000000e+00, v17  }
0x61a: {  	v8 =	vmul.f32 v15, v8;
	v14 =	vmul.f32 v14, v21;
	v15 =	vsub.f32 $1.500000000e+00, v62  }
0x61b: {  	[tilespmem:s29+$0x4080] =	vst v7;
	v7 =	vmul.f32 v13, v9;
	v9 =	vmul.f32 v16, v19  }
0x61c: {  	[tilespmem:s5+$0x4080] =	vst v8;
	v8 =	vmul.f32 v14, v10;
	v10 =	vmul.f32 v15, v20  }
0x61d: {  	[tilespmem:s4+$0x4080] =	vst v7;
	v7 =	vmul.f32 v9, v12  }
0x61e: {  	[tilespmem:s6+$0x4080] =	vst v8;
	v8 =	vmul.f32 v10, v11  }
0x61f: {  	[tilespmem:s7+$0x4080] =	vst v7  }
0x620: {  	s2 =	sadd.s32 s28, s17;
	[tilespmem:s24+$0x4080] =	vst v8  }
0x621: {  	[hbm4b:s2+s30] =	stream.strided.scatter [tilespmem:s0], [sflag:$0x1], $0x1000, s31, s30, $0x38;
	[tilespmem:$0x5080] =	vst v63  }
0x622: {  	_ =	swait.ge [sflag:s25], $0x1000  }
0x623: {  	[sflag:s25] =	ssyncset.done $0x0  }
0x624: {  	s4 =	simm.s32 $0x0;
	[sflag:s25] =	ssyncadd.s32 $0xFFFFF000  }
0x625: {  	v7 =	vld [tilespmem:s4+$0x0]  }
0x626: {  	v11 =	vld [tilespmem:s4+$0x1000];
	_ =	sdelay $0x1  }
0x627: {  	v12 =	vld [tilespmem:s4+$0x2000]  }
0x628: {  	s5 =	simm.s32 $0x10;
	v9 =	vbroadcast v5, $0xA;
	v10 =	vbroadcast v6, $0xA  }
0x629: {  	v13 =	vld [tilespmem:s5+$0x0]  }
0x62a: {  	v8 =	vbroadcast v4, $0xA;
	v7 =	vsub.f32 v9, v7;
	v11 =	vsub.f32 v10, v11  }
0x62b: {  	v17 =	vld [tilespmem:s5+$0x1000]  }
0x62c: {  	v15 =	vld [tilespmem:s5+$0x2000];
	v12 =	vsub.f32 v8, v12;
	v7 =	vand.u32 $0x7FFFFFFF, v7;
	v11 =	vand.u32 $0x7FFFFFFF, v11  }
0x62d: {  	v14 =	vsub.f32 v1, v7;
	v16 =	vsub.f32 v2, v11  }
0x62e: {  	v13 =	vsub.f32 v9, v13;
	v12 =	vand.u32 $0x7FFFFFFF, v12  }
0x62f: {  	s6 =	simm.s32 $0x20;
	v18 =	vsub.f32 v3, v12;
	v14 =	vmin.f32 v7, v14;
	v11 =	vmin.f32 v11, v16  }
0x630: {  	v17 =	vsub.f32 v10, v17;
	v19 =	vmul.f32 v14, v14;
	v63 =	vmul.f32 v11, v11;
	v14 =	vld [tilespmem:s6+$0x0]  }
0x631: {  	v16 =	vsub.f32 v8, v15;
	v15 =	vand.u32 $0x7FFFFFFF, v13;
	v13 =	vmin.f32 v12, v18  }
0x632: {  	s2 =	simm.s32 $0xC0;
	v7 =	vimm.s32 $0x0;
	v11 =	vld [tilespmem:s6+$0x2000];
	v13 =	vmul.f32 v13, v13;
	v12 =	vadd.f32 v63, v19  }
.LBB2_53:
0x633: {  	p0 =	sne.s32 s2, $0x3FC0;
	v18 =	vld [tilespmem:s6+$0x1000];
	v19 =	vsub.f32 v1, v15;
	v17 =	vand.u32 $0x7FFFFFFF, v17  }
0x634: {  	v21 =	vand.u32 $0x7FFFFFFF, v16;
	v20 =	vsub.f32 v2, v17;
	v12 =	vadd.f32 v13, v12  }
.Ltmp60:
0x635: {  	v13 =	vsub.f32 v9, v14;
	v14 =	vmin.f32 v15, v19;
	v19 =	vsub.f32 v3, v21;
	(pc) =	sbr.rel @p0 .LBB2_53-.Ltmp60, $4  }
0x636: {  	v22 =	vmul.f32 v14, v14;
	v15 =	vmin.f32 v17, v20;
	[tilespmem:s4+$0x3080] =	vst v12;
	vm0 =	vle.f32 v12, $2.500000000e+01;
	s4 =	smov.u32 s5;
	s5 =	smov.u32 s6;
	s6 =	sshra.s32 s2, $0x2  }
0x637: {  	v14 =	vld [tilespmem:s6+$0x0];
	v16 =	vsub.f32 v8, v11;
	v12 =	vmul.f32 v15, v15;
	v20 =	vmpcnt.ones.xlane vm0  }
0x638: {  	v15 =	vand.u32 $0x7FFFFFFF, v13;
	v13 =	vmin.f32 v21, v19;
	v17 =	vsub.f32 v10, v18  }
0x639: {  	s2 =	sadd.s32 $0x40, s2;
	v13 =	vmul.f32 v13, v13;
	v11 =	vld [tilespmem:s6+$0x2000];
	v12 =	vadd.f32 v12, v22;
	v7 =	vadd.s32 v7, v20  }
0x63a: {  	v18 =	vld [tilespmem:s6+$0x1000];
	_ =	sdelay $0x3  }
0x63b: {  	v19 =	vsub.f32 v1, v15;
	v17 =	vand.u32 $0x7FFFFFFF, v17  }
0x63c: {  	v16 =	vand.u32 $0x7FFFFFFF, v16;
	v9 =	vsub.f32 v9, v14;
	v10 =	vsub.f32 v10, v18  }
0x63d: {  	v53 =	vsub.f32 v2, v17;
	v54 =	vsub.f32 v3, v16;
	v15 =	vmin.f32 v15, v19  }
0x63e: {  	v8 =	vsub.f32 v8, v11;
	v9 =	vand.u32 $0x7FFFFFFF, v9;
	v10 =	vand.u32 $0x7FFFFFFF, v10  }
0x63f: {  	v55 =	vmin.f32 v17, v53;
	v56 =	vsub.f32 v1, v9;
	v57 =	vsub.f32 v2, v10  }
0x640: {  	v15 =	vmul.f32 v15, v15;
	v11 =	vmul.f32 v55, v55;
	v8 =	vand.u32 $0x7FFFFFFF, v8  }
0x641: {  	v9 =	vmin.f32 v9, v56;
	v58 =	vsub.f32 v3, v8;
	v10 =	vmin.f32 v10, v57  }
0x642: {  	v16 =	vmin.f32 v16, v54;
	v9 =	vmul.f32 v9, v9;
	v10 =	vmul.f32 v10, v10  }
0x643: {  	v59 =	vmul.f32 v16, v16;
	v11 =	vadd.f32 v11, v15;
	v8 =	vmin.f32 v8, v58  }
0x644: {  	v12 =	vadd.f32 v13, v12;
	v8 =	vmul.f32 v8, v8;
	v9 =	vadd.f32 v10, v9  }
0x645: {  	v60 =	vadd.f32 v59, v11  }
0x646: {  	vm0 =	vle.f32 v12, $2.500000000e+01;
	v8 =	vadd.f32 v8, v9  }
0x647: {  	v61 =	vmpcnt.ones.xlane vm0;
	vm14 =	vle.f32 v60, $2.500000000e+01  }
0x648: {  	v62 =	vmpcnt.ones.xlane vm14;
	vm15 =	vle.f32 v8, $2.500000000e+01  }
0x649: {  	v7 =	vadd.s32 v7, v61;
	v63 =	vmpcnt.ones.xlane vm15  }
0x64a: {  	v7 =	vadd.s32 v7, v62  }
0x64b: {  	v7 =	vadd.s32 v7, v63  }
0x64c: {  	(v2sf) =	vpush v7, $0x0;
	_ =	sdelay $0xe  }
0x64d: {  	s2 =	spop (v2sf)  }
0x64e: {  	[tilespmem:s4+$0x3080] =	vst v12;
	s4 =	sadd.s32 $0xFFFFFFFF, s2  }
0x64f: {  	p0 =	slt.s32 s4, $0x10  }
.Ltmp61:
0x650: {  	_ = 	snop;
	(pc) =	sbr.rel @!p0 .LBB2_55-.Ltmp61, $3  }
0x651: {  	_ =	sdelay $0x1  }
0x652: {  	[tilespmem:s5+$0x3080] =	vst v60  }
0x653: {  	[tilespmem:s6+$0x3080] =	vst v8;
	s2 =	simm.f32 $2.500000000e+01  }
.LBB2_135:
0x654: {  	s3 =	simm.s32 $0x0  }
0x655: {  	v9 =	vld [tilespmem:s3+$0x3080]  }
0x656: {  	v8 =	vmov s2;
	v7 =	vimm.f32 $1.000000000e+09;
	s2 =	simm.s32 $0x40  }
.LBB2_136:
0x657: {  	p0 =	sne.s32 s2, $0x3FC0  }
.Ltmp62:
0x658: {  	_ = 	snop;
	(pc) =	sbr.rel @p0 .LBB2_136-.Ltmp62, $4  }
0x659: {  	_ = 	snop  }
0x65a: {  	s3 =	sshra.s32 s2, $0x2;
	s2 =	sadd.s32 $0x40, s2;
	vm0 =	vgt.f32 v9, v8  }
0x65b: {  	v10 =	vnsel vm0, $0x4E6E6B28, v9;
	v9 =	vld [tilespmem:s3+$0x3080]  }
0x65c: {  	v7 =	vmin.f32 v7, v10  }
0x65d: {  	_ =	sdelay $0x2  }
0x65e: {  	vm0 =	vgt.f32 v9, v8  }
0x65f: {  	v8 =	vnsel vm0, $0x4E6E6B28, v9  }
0x660: {  	v7 =	vmin.f32 v7, v8  }
0x661: {  	(xrf1) =	vsort.ascd.msk.f32 $0xffff, v7, v7;
	_ =	sdelay $0xd  }
0x662: {  	s3 =	simm.s32 $0x0;
	v7, _, _ =	vpop (xrf1)  }
0x663: {  	s2 =	simm.s32 $0x40;
	v10 =	vld [tilespmem:s3+$0x3080];
	v8 =	vimm.s32 $0x0;
	v9 =	vbroadcast v7, $0x0  }
.LBB2_138:
0x664: {  	_ =	sdelay $0x1  }
0x665: {  	p0 =	sne.s32 s2, $0x3FC0  }
.Ltmp63:
0x666: {  	_ = 	snop;
	(pc) =	sbr.rel @p0 .LBB2_138-.Ltmp63, $4  }
0x667: {  	vm0 =	veq.f32 v10, v9  }
0x668: {  	v11 =	vmpcnt.ones.xlane vm0  }
0x669: {  	s3 =	sshra.s32 s2, $0x2  }
0x66a: {  	s2 =	sadd.s32 $0x40, s2;
	v10 =	vld [tilespmem:s3+$0x3080];
	v8 =	vadd.s32 v8, v11  }
0x66b: {  	_ =	sdelay $0x3  }
0x66c: {  	vm0 =	veq.f32 v10, v9  }
0x66d: {  	v9 =	vmpcnt.ones.xlane vm0;
	_ =	sdelay $0x1  }
0x66e: {  	(v2sf) =	vpush v7, $0x0;
	v8 =	vadd.s32 v8, v9  }
0x66f: {  	(v2sf) =	vpush v8, $0x0;
	_ =	sdelay $0xd  }
0x670: {  	s2 =	spop (v2sf)  }
0x671: {  	s3 =	spop (v2sf)  }
0x672: {  	s4 =	sadd.s32 s4, s3  }
0x673: {  	p0 =	slt.s32 s4, $0x10  }
.Ltmp64:
0x674: {  	_ = 	snop;
	(pc) =	sbr.rel @p0 .LBB2_135-.Ltmp64, $1  }
0x675: {  	_ =	sdelay $0x3  }
.LBB2_55:
0x676: {  	s29 =	simm.s32 $0x0  }
0x677: {  	v7 =	vld [tilespmem:s29+$0x3080];
	_ =	sdelay $0x3  }
0x678: {  	v11 =	vmov s2;
	s5 =	simm.s32 $0x10  }
0x679: {  	v8 =	vld [tilespmem:s5+$0x3080];
	vm0 =	vle.f32 v7, v11  }
0x67a: {  	v7 =	vnsel vm0, $0x0, v7  }
0x67b: {  	v9 =	vshrl.u32 v7, $0x1;
	v12 =	vmul.f32 $5.000000000e-01, v7  }
0x67c: {  	v9 =	vsub.s32 $0x5F3759DF, v9  }
0x67d: {  	v10 =	vmul.f32 v9, v12  }
0x67e: {  	vm12 =	vle.f32 v8, v11  }
0x67f: {  	s4 =	simm.s32 $0x20;
	v8 =	vnsel vm12, $0x0, v8;
	v10 =	vmul.f32 v9, v10  }
0x680: {  	v13 =	vld [tilespmem:s4+$0x3080];
	v14 =	vshrl.u32 v8, $0x1;
	v18 =	vmul.f32 $5.000000000e-01, v8  }
0x681: {  	v14 =	vsub.s32 $0x5F3759DF, v14;
	v10 =	vsub.f32 $1.500000000e+00, v10  }
0x682: {  	v15 =	vmul.f32 v14, v18  }
0x683: {  	v16 =	vmul.f32 v9, v10  }
0x684: {  	v15 =	vmul.f32 v14, v15  }
0x685: {  	vm13 =	vle.f32 v13, v11;
	v17 =	vmul.f32 v16, v12  }
0x686: {  	s6 =	simm.s32 $0x30;
	v15 =	vsub.f32 $1.500000000e+00, v15;
	v9 =	vnsel vm13, $0x0, v13  }
0x687: {  	v10 =	vld [tilespmem:s6+$0x3080];
	v19 =	vshrl.u32 v9, $0x1;
	v13 =	vmul.f32 $5.000000000e-01, v9;
	v17 =	vmul.f32 v17, v16  }
0x688: {  	v19 =	vsub.s32 $0x5F3759DF, v19  }
0x689: {  	v15 =	vmul.f32 v14, v15;
	v20 =	vmul.f32 v19, v13;
	v14 =	vsub.f32 $1.500000000e+00, v17;
	_ =	sdelay $0x1  }
0x68a: {  	s7 =	simm.s32 $0x40;
	v20 =	vmul.f32 v19, v20;
	v25 =	vmul.f32 v14, v16  }
0x68b: {  	v21 =	vmul.f32 v15, v18;
	vm14 =	vle.f32 v10, v11;
	v17 =	vld [tilespmem:s7+$0x3080]  }
0x68c: {  	v10 =	vnsel vm14, $0x0, v10;
	v20 =	vsub.f32 $1.500000000e+00, v20;
	v12 =	vmul.f32 v25, v12  }
0x68d: {  	v22 =	vmul.f32 v21, v15;
	v16 =	vshrl.u32 v10, $0x1;
	v14 =	vmul.f32 $5.000000000e-01, v10  }
0x68e: {  	v21 =	vsub.s32 $0x5F3759DF, v16;
	v16 =	vmul.f32 v19, v20;
	v20 =	vmul.f32 v12, v25  }
0x68f: {  	s24 =	simm.s32 $0x50;
	v23 =	vmul.f32 v21, v14  }
0x690: {  	v19 =	vsub.f32 $1.500000000e+00, v22;
	vm15 =	vle.f32 v17, v11;
	v27 =	vsub.f32 $1.500000000e+00, v20;
	v20 =	vld [tilespmem:s24+$0x3080]  }
0x691: {  	v12 =	vnsel vm15, $0x0, v17;
	v22 =	vmul.f32 v21, v23;
	v23 =	vmul.f32 v16, v13  }
0x692: {  	v15 =	vmul.f32 v19, v15;
	v26 =	vshrl.u32 v12, $0x1  }
0x693: {  	v17 =	vmul.f32 $5.000000000e-01, v12;
	v24 =	vsub.f32 $1.500000000e+00, v22;
	v22 =	vmul.f32 v23, v16  }
0x694: {  	s2 =	simm.s32 $0x180;
	v19 =	vsub.s32 $0x5F3759DF, v26;
	v23 =	vmul.f32 v15, v18;
	v18 =	vmul.f32 v27, v25  }
.LBB2_56:
0x695: {  	s3 =	sshra.s32 s2, $0x2;
	vm0 =	vle.f32 v20, v11;
	v25 =	vmul.f32 v19, v17;
	v21 =	vmul.f32 v21, v24;
	v24 =	vmovc v20;
	p0 =	sne.s32 s2, $0x3FC0  }
.Ltmp65:
0x696: {  	v22 =	vsub.f32 $1.500000000e+00, v22;
	v20 =	vld [tilespmem:s3+$0x3080];
	v23 =	vmul.f32 v23, v15;
	v18 =	vmul.f32 v18, v7;
	v7 =	vmovc v8;
	v8 =	vmovc v9;
	(pc) =	sbr.rel @p0 .LBB2_56-.Ltmp65, $4  }
0x697: {  	v9 =	vmovc v10;
	v10 =	vmovc v12;
	v12 =	vnsel vm0, $0x0, v24;
	v25 =	vmul.f32 v19, v25;
	v26 =	vmul.f32 v21, v14  }
0x698: {  	s2 =	sadd.s32 $0x40, s2;
	v30 =	vmovc v14;
	v27 =	vshrl.u32 v12, $0x1;
	v28 =	vmul.f32 v22, v16;
	v16 =	vmovc v21;
	v29 =	vsub.f32 $1.500000000e+00, v23;
	[tilespmem:s29+$0x4080] =	vst v18;
	s29 =	smov.u32 s5  }
0x699: {  	v14 =	vmovc v17;
	v17 =	vmul.f32 $5.000000000e-01, v12;
	s5 =	smov.u32 s4;
	s4 =	smov.u32 s6;
	s6 =	smov.u32 s7;
	v24 =	vsub.f32 $1.500000000e+00, v25;
	v22 =	vmul.f32 v26, v16;
	v21 =	vmovc v19  }
0x69a: {  	s7 =	smov.u32 s24;
	s24 =	smov.u32 s3;
	v19 =	vsub.s32 $0x5F3759DF, v27;
	v23 =	vmul.f32 v28, v13;
	v13 =	vmovc v30;
	v18 =	vmul.f32 v29, v15;
	v15 =	vmovc v28  }
0x69b: {  	vm0 =	vle.f32 v20, v11  }
0x69c: {  	v11 =	vnsel vm0, $0x0, v20  }
0x69d: {  	v25 =	vshrl.u32 v11, $0x1;
	v26 =	vmul.f32 $5.000000000e-01, v11  }
0x69e: {  	v54 =	vmul.f32 v19, v17;
	v25 =	vsub.s32 $0x5F3759DF, v25  }
0x69f: {  	v27 =	vmul.f32 v25, v26  }
0x6a0: {  	v20 =	vmul.f32 v19, v54  }
0x6a1: {  	v27 =	vmul.f32 v25, v27  }
0x6a2: {  	v20 =	vsub.f32 $1.500000000e+00, v20  }
0x6a3: {  	v21 =	vmul.f32 v21, v24;
	v55 =	vsub.f32 $1.500000000e+00, v27  }
0x6a4: {  	v19 =	vmul.f32 v19, v20  }
0x6a5: {  	v24 =	vmul.f32 v21, v14;
	v20 =	vmul.f32 v25, v55  }
0x6a6: {  	v56 =	vmul.f32 v19, v17  }
0x6a7: {  	v24 =	vmul.f32 v24, v21;
	v58 =	vmul.f32 v20, v26  }
0x6a8: {  	v22 =	vsub.f32 $1.500000000e+00, v22;
	v57 =	vmul.f32 v56, v19  }
0x6a9: {  	v24 =	vsub.f32 $1.500000000e+00, v24;
	v27 =	vmul.f32 v58, v20  }
0x6aa: {  	v16 =	vmul.f32 v22, v16;
	v25 =	vsub.f32 $1.500000000e+00, v57  }
0x6ab: {  	v23 =	vmul.f32 v23, v15;
	v21 =	vmul.f32 v24, v21;
	v59 =	vsub.f32 $1.500000000e+00, v27  }
0x6ac: {  	v13 =	vmul.f32 v16, v13;
	v19 =	vmul.f32 v25, v19  }
0x6ad: {  	v14 =	vmul.f32 v21, v14;
	v20 =	vmul.f32 v59, v20  }
0x6ae: {  	v13 =	vmul.f32 v13, v16;
	v17 =	vmul.f32 v19, v17  }
0x6af: {  	v60 =	vsub.f32 $1.500000000e+00, v23;
	v14 =	vmul.f32 v14, v21;
	v61 =	vmul.f32 v20, v26  }
0x6b0: {  	v13 =	vsub.f32 $1.500000000e+00, v13;
	v17 =	vmul.f32 v17, v19  }
0x6b1: {  	v15 =	vmul.f32 v60, v15;
	v14 =	vsub.f32 $1.500000000e+00, v14;
	v62 =	vmul.f32 v61, v20  }
0x6b2: {  	v7 =	vmul.f32 v18, v7;
	v13 =	vmul.f32 v13, v16;
	v16 =	vsub.f32 $1.500000000e+00, v17  }
0x6b3: {  	v8 =	vmul.f32 v15, v8;
	v14 =	vmul.f32 v14, v21;
	v15 =	vsub.f32 $1.500000000e+00, v62  }
0x6b4: {  	[tilespmem:s29+$0x4080] =	vst v7;
	v7 =	vmul.f32 v13, v9;
	v9 =	vmul.f32 v16, v19  }
0x6b5: {  	[tilespmem:s5+$0x4080] =	vst v8;
	v8 =	vmul.f32 v14, v10;
	v10 =	vmul.f32 v15, v20  }
0x6b6: {  	[tilespmem:s4+$0x4080] =	vst v7;
	v7 =	vmul.f32 v9, v12  }
0x6b7: {  	[tilespmem:s6+$0x4080] =	vst v8;
	v8 =	vmul.f32 v10, v11  }
0x6b8: {  	[tilespmem:s7+$0x4080] =	vst v7  }
0x6b9: {  	s2 =	sadd.s32 s28, s18;
	[tilespmem:s24+$0x4080] =	vst v8  }
0x6ba: {  	[hbm4b:s2+s30] =	stream.strided.scatter [tilespmem:s0], [sflag:$0x1], $0x1000, s31, s30, $0x38;
	[tilespmem:$0x5080] =	vst v63  }
0x6bb: {  	_ =	swait.ge [sflag:s25], $0x1000  }
0x6bc: {  	[sflag:s25] =	ssyncset.done $0x0  }
0x6bd: {  	s4 =	simm.s32 $0x0;
	[sflag:s25] =	ssyncadd.s32 $0xFFFFF000  }
0x6be: {  	v7 =	vld [tilespmem:s4+$0x0]  }
0x6bf: {  	v11 =	vld [tilespmem:s4+$0x1000];
	_ =	sdelay $0x1  }
0x6c0: {  	v12 =	vld [tilespmem:s4+$0x2000]  }
0x6c1: {  	s5 =	simm.s32 $0x10;
	v9 =	vbroadcast v5, $0xB;
	v10 =	vbroadcast v6, $0xB  }
0x6c2: {  	v13 =	vld [tilespmem:s5+$0x0]  }
0x6c3: {  	v8 =	vbroadcast v4, $0xB;
	v7 =	vsub.f32 v9, v7;
	v11 =	vsub.f32 v10, v11  }
0x6c4: {  	v17 =	vld [tilespmem:s5+$0x1000]  }
0x6c5: {  	v15 =	vld [tilespmem:s5+$0x2000];
	v12 =	vsub.f32 v8, v12;
	v7 =	vand.u32 $0x7FFFFFFF, v7;
	v11 =	vand.u32 $0x7FFFFFFF, v11  }
0x6c6: {  	v14 =	vsub.f32 v1, v7;
	v16 =	vsub.f32 v2, v11  }
0x6c7: {  	v13 =	vsub.f32 v9, v13;
	v12 =	vand.u32 $0x7FFFFFFF, v12  }
0x6c8: {  	s6 =	simm.s32 $0x20;
	v18 =	vsub.f32 v3, v12;
	v14 =	vmin.f32 v7, v14;
	v11 =	vmin.f32 v11, v16  }
0x6c9: {  	v17 =	vsub.f32 v10, v17;
	v19 =	vmul.f32 v14, v14;
	v63 =	vmul.f32 v11, v11;
	v14 =	vld [tilespmem:s6+$0x0]  }
0x6ca: {  	v16 =	vsub.f32 v8, v15;
	v15 =	vand.u32 $0x7FFFFFFF, v13;
	v13 =	vmin.f32 v12, v18  }
0x6cb: {  	s2 =	simm.s32 $0xC0;
	v7 =	vimm.s32 $0x0;
	v11 =	vld [tilespmem:s6+$0x2000];
	v13 =	vmul.f32 v13, v13;
	v12 =	vadd.f32 v63, v19  }
.LBB2_58:
0x6cc: {  	p0 =	sne.s32 s2, $0x3FC0;
	v18 =	vld [tilespmem:s6+$0x1000];
	v19 =	vsub.f32 v1, v15;
	v17 =	vand.u32 $0x7FFFFFFF, v17  }
0x6cd: {  	v21 =	vand.u32 $0x7FFFFFFF, v16;
	v20 =	vsub.f32 v2, v17;
	v12 =	vadd.f32 v13, v12  }
.Ltmp66:
0x6ce: {  	v13 =	vsub.f32 v9, v14;
	v14 =	vmin.f32 v15, v19;
	v19 =	vsub.f32 v3, v21;
	(pc) =	sbr.rel @p0 .LBB2_58-.Ltmp66, $4  }
0x6cf: {  	v22 =	vmul.f32 v14, v14;
	v15 =	vmin.f32 v17, v20;
	[tilespmem:s4+$0x3080] =	vst v12;
	vm0 =	vle.f32 v12, $2.500000000e+01;
	s4 =	smov.u32 s5;
	s5 =	smov.u32 s6;
	s6 =	sshra.s32 s2, $0x2  }
0x6d0: {  	v14 =	vld [tilespmem:s6+$0x0];
	v16 =	vsub.f32 v8, v11;
	v12 =	vmul.f32 v15, v15;
	v20 =	vmpcnt.ones.xlane vm0  }
0x6d1: {  	v15 =	vand.u32 $0x7FFFFFFF, v13;
	v13 =	vmin.f32 v21, v19;
	v17 =	vsub.f32 v10, v18  }
0x6d2: {  	s2 =	sadd.s32 $0x40, s2;
	v13 =	vmul.f32 v13, v13;
	v11 =	vld [tilespmem:s6+$0x2000];
	v12 =	vadd.f32 v12, v22;
	v7 =	vadd.s32 v7, v20  }
0x6d3: {  	v18 =	vld [tilespmem:s6+$0x1000];
	_ =	sdelay $0x3  }
0x6d4: {  	v19 =	vsub.f32 v1, v15;
	v17 =	vand.u32 $0x7FFFFFFF, v17  }
0x6d5: {  	v16 =	vand.u32 $0x7FFFFFFF, v16;
	v9 =	vsub.f32 v9, v14;
	v10 =	vsub.f32 v10, v18  }
0x6d6: {  	v53 =	vsub.f32 v2, v17;
	v54 =	vsub.f32 v3, v16;
	v15 =	vmin.f32 v15, v19  }
0x6d7: {  	v8 =	vsub.f32 v8, v11;
	v9 =	vand.u32 $0x7FFFFFFF, v9;
	v10 =	vand.u32 $0x7FFFFFFF, v10  }
0x6d8: {  	v55 =	vmin.f32 v17, v53;
	v56 =	vsub.f32 v1, v9;
	v57 =	vsub.f32 v2, v10  }
0x6d9: {  	v15 =	vmul.f32 v15, v15;
	v11 =	vmul.f32 v55, v55;
	v8 =	vand.u32 $0x7FFFFFFF, v8  }
0x6da: {  	v9 =	vmin.f32 v9, v56;
	v58 =	vsub.f32 v3, v8;
	v10 =	vmin.f32 v10, v57  }
0x6db: {  	v16 =	vmin.f32 v16, v54;
	v9 =	vmul.f32 v9, v9;
	v10 =	vmul.f32 v10, v10  }
0x6dc: {  	v59 =	vmul.f32 v16, v16;
	v11 =	vadd.f32 v11, v15;
	v8 =	vmin.f32 v8, v58  }
0x6dd: {  	v12 =	vadd.f32 v13, v12;
	v8 =	vmul.f32 v8, v8;
	v9 =	vadd.f32 v10, v9  }
0x6de: {  	v60 =	vadd.f32 v59, v11  }
0x6df: {  	vm0 =	vle.f32 v12, $2.500000000e+01;
	v8 =	vadd.f32 v8, v9  }
0x6e0: {  	v61 =	vmpcnt.ones.xlane vm0;
	vm14 =	vle.f32 v60, $2.500000000e+01  }
0x6e1: {  	v62 =	vmpcnt.ones.xlane vm14;
	vm15 =	vle.f32 v8, $2.500000000e+01  }
0x6e2: {  	v7 =	vadd.s32 v7, v61;
	v63 =	vmpcnt.ones.xlane vm15  }
0x6e3: {  	v7 =	vadd.s32 v7, v62  }
0x6e4: {  	v7 =	vadd.s32 v7, v63  }
0x6e5: {  	(v2sf) =	vpush v7, $0x0;
	_ =	sdelay $0xe  }
0x6e6: {  	s2 =	spop (v2sf)  }
0x6e7: {  	[tilespmem:s4+$0x3080] =	vst v12;
	s4 =	sadd.s32 $0xFFFFFFFF, s2  }
0x6e8: {  	p0 =	slt.s32 s4, $0x10  }
.Ltmp67:
0x6e9: {  	_ = 	snop;
	(pc) =	sbr.rel @!p0 .LBB2_60-.Ltmp67, $3  }
0x6ea: {  	_ =	sdelay $0x1  }
0x6eb: {  	[tilespmem:s5+$0x3080] =	vst v60  }
0x6ec: {  	[tilespmem:s6+$0x3080] =	vst v8;
	s2 =	simm.f32 $2.500000000e+01  }
.LBB2_140:
0x6ed: {  	s3 =	simm.s32 $0x0  }
0x6ee: {  	v9 =	vld [tilespmem:s3+$0x3080]  }
0x6ef: {  	v8 =	vmov s2;
	v7 =	vimm.f32 $1.000000000e+09;
	s2 =	simm.s32 $0x40  }
.LBB2_141:
0x6f0: {  	p0 =	sne.s32 s2, $0x3FC0  }
.Ltmp68:
0x6f1: {  	_ = 	snop;
	(pc) =	sbr.rel @p0 .LBB2_141-.Ltmp68, $4  }
0x6f2: {  	_ = 	snop  }
0x6f3: {  	s3 =	sshra.s32 s2, $0x2;
	s2 =	sadd.s32 $0x40, s2;
	vm0 =	vgt.f32 v9, v8  }
0x6f4: {  	v10 =	vnsel vm0, $0x4E6E6B28, v9;
	v9 =	vld [tilespmem:s3+$0x3080]  }
0x6f5: {  	v7 =	vmin.f32 v7, v10  }
0x6f6: {  	_ =	sdelay $0x2  }
0x6f7: {  	vm0 =	vgt.f32 v9, v8  }
0x6f8: {  	v8 =	vnsel vm0, $0x4E6E6B28, v9  }
0x6f9: {  	v7 =	vmin.f32 v7, v8  }
0x6fa: {  	(xrf1) =	vsort.ascd.msk.f32 $0xffff, v7, v7;
	_ =	sdelay $0xd  }
0x6fb: {  	s3 =	simm.s32 $0x0;
	v7, _, _ =	vpop (xrf1)  }
0x6fc: {  	s2 =	simm.s32 $0x40;
	v10 =	vld [tilespmem:s3+$0x3080];
	v8 =	vimm.s32 $0x0;
	v9 =	vbroadcast v7, $0x0  }
.LBB2_143:
0x6fd: {  	_ =	sdelay $0x1  }
0x6fe: {  	p0 =	sne.s32 s2, $0x3FC0  }
.Ltmp69:
0x6ff: {  	_ = 	snop;
	(pc) =	sbr.rel @p0 .LBB2_143-.Ltmp69, $4  }
0x700: {  	vm0 =	veq.f32 v10, v9  }
0x701: {  	v11 =	vmpcnt.ones.xlane vm0  }
0x702: {  	s3 =	sshra.s32 s2, $0x2  }
0x703: {  	s2 =	sadd.s32 $0x40, s2;
	v10 =	vld [tilespmem:s3+$0x3080];
	v8 =	vadd.s32 v8, v11  }
0x704: {  	_ =	sdelay $0x3  }
0x705: {  	vm0 =	veq.f32 v10, v9  }
0x706: {  	v9 =	vmpcnt.ones.xlane vm0;
	_ =	sdelay $0x1  }
0x707: {  	(v2sf) =	vpush v7, $0x0;
	v8 =	vadd.s32 v8, v9  }
0x708: {  	(v2sf) =	vpush v8, $0x0;
	_ =	sdelay $0xd  }
0x709: {  	s2 =	spop (v2sf)  }
0x70a: {  	s3 =	spop (v2sf)  }
0x70b: {  	s4 =	sadd.s32 s4, s3  }
0x70c: {  	p0 =	slt.s32 s4, $0x10  }
.Ltmp70:
0x70d: {  	_ = 	snop;
	(pc) =	sbr.rel @p0 .LBB2_140-.Ltmp70, $1  }
0x70e: {  	_ =	sdelay $0x3  }
.LBB2_60:
0x70f: {  	s29 =	simm.s32 $0x0  }
0x710: {  	v7 =	vld [tilespmem:s29+$0x3080];
	_ =	sdelay $0x3  }
0x711: {  	v11 =	vmov s2;
	s5 =	simm.s32 $0x10  }
0x712: {  	v8 =	vld [tilespmem:s5+$0x3080];
	vm0 =	vle.f32 v7, v11  }
0x713: {  	v7 =	vnsel vm0, $0x0, v7  }
0x714: {  	v9 =	vshrl.u32 v7, $0x1;
	v12 =	vmul.f32 $5.000000000e-01, v7  }
0x715: {  	v9 =	vsub.s32 $0x5F3759DF, v9  }
0x716: {  	v10 =	vmul.f32 v9, v12  }
0x717: {  	vm12 =	vle.f32 v8, v11  }
0x718: {  	s4 =	simm.s32 $0x20;
	v8 =	vnsel vm12, $0x0, v8;
	v10 =	vmul.f32 v9, v10  }
0x719: {  	v13 =	vld [tilespmem:s4+$0x3080];
	v14 =	vshrl.u32 v8, $0x1;
	v18 =	vmul.f32 $5.000000000e-01, v8  }
0x71a: {  	v14 =	vsub.s32 $0x5F3759DF, v14;
	v10 =	vsub.f32 $1.500000000e+00, v10  }
0x71b: {  	v15 =	vmul.f32 v14, v18  }
0x71c: {  	v16 =	vmul.f32 v9, v10  }
0x71d: {  	v15 =	vmul.f32 v14, v15  }
0x71e: {  	vm13 =	vle.f32 v13, v11;
	v17 =	vmul.f32 v16, v12  }
0x71f: {  	s6 =	simm.s32 $0x30;
	v15 =	vsub.f32 $1.500000000e+00, v15;
	v9 =	vnsel vm13, $0x0, v13  }
0x720: {  	v10 =	vld [tilespmem:s6+$0x3080];
	v19 =	vshrl.u32 v9, $0x1;
	v13 =	vmul.f32 $5.000000000e-01, v9;
	v17 =	vmul.f32 v17, v16  }
0x721: {  	v19 =	vsub.s32 $0x5F3759DF, v19  }
0x722: {  	v15 =	vmul.f32 v14, v15;
	v20 =	vmul.f32 v19, v13;
	v14 =	vsub.f32 $1.500000000e+00, v17;
	_ =	sdelay $0x1  }
0x723: {  	s7 =	simm.s32 $0x40;
	v20 =	vmul.f32 v19, v20;
	v25 =	vmul.f32 v14, v16  }
0x724: {  	v21 =	vmul.f32 v15, v18;
	vm14 =	vle.f32 v10, v11;
	v17 =	vld [tilespmem:s7+$0x3080]  }
0x725: {  	v10 =	vnsel vm14, $0x0, v10;
	v20 =	vsub.f32 $1.500000000e+00, v20;
	v12 =	vmul.f32 v25, v12  }
0x726: {  	v22 =	vmul.f32 v21, v15;
	v16 =	vshrl.u32 v10, $0x1;
	v14 =	vmul.f32 $5.000000000e-01, v10  }
0x727: {  	v21 =	vsub.s32 $0x5F3759DF, v16;
	v16 =	vmul.f32 v19, v20;
	v20 =	vmul.f32 v12, v25  }
0x728: {  	s24 =	simm.s32 $0x50;
	v23 =	vmul.f32 v21, v14  }
0x729: {  	v19 =	vsub.f32 $1.500000000e+00, v22;
	vm15 =	vle.f32 v17, v11;
	v27 =	vsub.f32 $1.500000000e+00, v20;
	v20 =	vld [tilespmem:s24+$0x3080]  }
0x72a: {  	v12 =	vnsel vm15, $0x0, v17;
	v22 =	vmul.f32 v21, v23;
	v23 =	vmul.f32 v16, v13  }
0x72b: {  	v15 =	vmul.f32 v19, v15;
	v26 =	vshrl.u32 v12, $0x1  }
0x72c: {  	v17 =	vmul.f32 $5.000000000e-01, v12;
	v24 =	vsub.f32 $1.500000000e+00, v22;
	v22 =	vmul.f32 v23, v16  }
0x72d: {  	s2 =	simm.s32 $0x180;
	v19 =	vsub.s32 $0x5F3759DF, v26;
	v23 =	vmul.f32 v15, v18;
	v18 =	vmul.f32 v27, v25  }
.LBB2_61:
0x72e: {  	s3 =	sshra.s32 s2, $0x2;
	vm0 =	vle.f32 v20, v11;
	v25 =	vmul.f32 v19, v17;
	v21 =	vmul.f32 v21, v24;
	v24 =	vmovc v20;
	p0 =	sne.s32 s2, $0x3FC0  }
.Ltmp71:
0x72f: {  	v22 =	vsub.f32 $1.500000000e+00, v22;
	v20 =	vld [tilespmem:s3+$0x3080];
	v23 =	vmul.f32 v23, v15;
	v18 =	vmul.f32 v18, v7;
	v7 =	vmovc v8;
	v8 =	vmovc v9;
	(pc) =	sbr.rel @p0 .LBB2_61-.Ltmp71, $4  }
0x730: {  	v9 =	vmovc v10;
	v10 =	vmovc v12;
	v12 =	vnsel vm0, $0x0, v24;
	v25 =	vmul.f32 v19, v25;
	v26 =	vmul.f32 v21, v14  }
0x731: {  	s2 =	sadd.s32 $0x40, s2;
	v30 =	vmovc v14;
	v27 =	vshrl.u32 v12, $0x1;
	v28 =	vmul.f32 v22, v16;
	v16 =	vmovc v21;
	v29 =	vsub.f32 $1.500000000e+00, v23;
	[tilespmem:s29+$0x4080] =	vst v18;
	s29 =	smov.u32 s5  }
0x732: {  	v14 =	vmovc v17;
	v17 =	vmul.f32 $5.000000000e-01, v12;
	s5 =	smov.u32 s4;
	s4 =	smov.u32 s6;
	s6 =	smov.u32 s7;
	v24 =	vsub.f32 $1.500000000e+00, v25;
	v22 =	vmul.f32 v26, v16;
	v21 =	vmovc v19  }
0x733: {  	s7 =	smov.u32 s24;
	s24 =	smov.u32 s3;
	v19 =	vsub.s32 $0x5F3759DF, v27;
	v23 =	vmul.f32 v28, v13;
	v13 =	vmovc v30;
	v18 =	vmul.f32 v29, v15;
	v15 =	vmovc v28  }
0x734: {  	vm0 =	vle.f32 v20, v11  }
0x735: {  	v11 =	vnsel vm0, $0x0, v20  }
0x736: {  	v25 =	vshrl.u32 v11, $0x1;
	v26 =	vmul.f32 $5.000000000e-01, v11  }
0x737: {  	v54 =	vmul.f32 v19, v17;
	v25 =	vsub.s32 $0x5F3759DF, v25  }
0x738: {  	v27 =	vmul.f32 v25, v26  }
0x739: {  	v20 =	vmul.f32 v19, v54  }
0x73a: {  	v27 =	vmul.f32 v25, v27  }
0x73b: {  	v20 =	vsub.f32 $1.500000000e+00, v20  }
0x73c: {  	v21 =	vmul.f32 v21, v24;
	v55 =	vsub.f32 $1.500000000e+00, v27  }
0x73d: {  	v19 =	vmul.f32 v19, v20  }
0x73e: {  	v24 =	vmul.f32 v21, v14;
	v20 =	vmul.f32 v25, v55  }
0x73f: {  	v56 =	vmul.f32 v19, v17  }
0x740: {  	v24 =	vmul.f32 v24, v21;
	v58 =	vmul.f32 v20, v26  }
0x741: {  	v22 =	vsub.f32 $1.500000000e+00, v22;
	v57 =	vmul.f32 v56, v19  }
0x742: {  	v24 =	vsub.f32 $1.500000000e+00, v24;
	v27 =	vmul.f32 v58, v20  }
0x743: {  	v16 =	vmul.f32 v22, v16;
	v25 =	vsub.f32 $1.500000000e+00, v57  }
0x744: {  	v23 =	vmul.f32 v23, v15;
	v21 =	vmul.f32 v24, v21;
	v59 =	vsub.f32 $1.500000000e+00, v27  }
0x745: {  	v13 =	vmul.f32 v16, v13;
	v19 =	vmul.f32 v25, v19  }
0x746: {  	v14 =	vmul.f32 v21, v14;
	v20 =	vmul.f32 v59, v20  }
0x747: {  	v13 =	vmul.f32 v13, v16;
	v17 =	vmul.f32 v19, v17  }
0x748: {  	v60 =	vsub.f32 $1.500000000e+00, v23;
	v14 =	vmul.f32 v14, v21;
	v61 =	vmul.f32 v20, v26  }
0x749: {  	v13 =	vsub.f32 $1.500000000e+00, v13;
	v17 =	vmul.f32 v17, v19  }
0x74a: {  	v15 =	vmul.f32 v60, v15;
	v14 =	vsub.f32 $1.500000000e+00, v14;
	v62 =	vmul.f32 v61, v20  }
0x74b: {  	v7 =	vmul.f32 v18, v7;
	v13 =	vmul.f32 v13, v16;
	v16 =	vsub.f32 $1.500000000e+00, v17  }
0x74c: {  	v8 =	vmul.f32 v15, v8;
	v14 =	vmul.f32 v14, v21;
	v15 =	vsub.f32 $1.500000000e+00, v62  }
0x74d: {  	[tilespmem:s29+$0x4080] =	vst v7;
	v7 =	vmul.f32 v13, v9;
	v9 =	vmul.f32 v16, v19  }
0x74e: {  	[tilespmem:s5+$0x4080] =	vst v8;
	v8 =	vmul.f32 v14, v10;
	v10 =	vmul.f32 v15, v20  }
0x74f: {  	[tilespmem:s4+$0x4080] =	vst v7;
	v7 =	vmul.f32 v9, v12  }
0x750: {  	[tilespmem:s6+$0x4080] =	vst v8;
	v8 =	vmul.f32 v10, v11  }
0x751: {  	[tilespmem:s7+$0x4080] =	vst v7  }
0x752: {  	s2 =	sadd.s32 s28, s19;
	[tilespmem:s24+$0x4080] =	vst v8  }
0x753: {  	[hbm4b:s2+s30] =	stream.strided.scatter [tilespmem:s0], [sflag:$0x1], $0x1000, s31, s30, $0x38;
	[tilespmem:$0x5080] =	vst v63  }
0x754: {  	_ =	swait.ge [sflag:s25], $0x1000  }
0x755: {  	[sflag:s25] =	ssyncset.done $0x0  }
0x756: {  	s4 =	simm.s32 $0x0;
	[sflag:s25] =	ssyncadd.s32 $0xFFFFF000  }
0x757: {  	v7 =	vld [tilespmem:s4+$0x0]  }
0x758: {  	v11 =	vld [tilespmem:s4+$0x1000];
	_ =	sdelay $0x1  }
0x759: {  	v12 =	vld [tilespmem:s4+$0x2000]  }
0x75a: {  	s5 =	simm.s32 $0x10;
	v9 =	vbroadcast v5, $0xC;
	v10 =	vbroadcast v6, $0xC  }
0x75b: {  	v13 =	vld [tilespmem:s5+$0x0]  }
0x75c: {  	v8 =	vbroadcast v4, $0xC;
	v7 =	vsub.f32 v9, v7;
	v11 =	vsub.f32 v10, v11  }
0x75d: {  	v17 =	vld [tilespmem:s5+$0x1000]  }
0x75e: {  	v15 =	vld [tilespmem:s5+$0x2000];
	v12 =	vsub.f32 v8, v12;
	v7 =	vand.u32 $0x7FFFFFFF, v7;
	v11 =	vand.u32 $0x7FFFFFFF, v11  }
0x75f: {  	v14 =	vsub.f32 v1, v7;
	v16 =	vsub.f32 v2, v11  }
0x760: {  	v13 =	vsub.f32 v9, v13;
	v12 =	vand.u32 $0x7FFFFFFF, v12  }
0x761: {  	s6 =	simm.s32 $0x20;
	v18 =	vsub.f32 v3, v12;
	v14 =	vmin.f32 v7, v14;
	v11 =	vmin.f32 v11, v16  }
0x762: {  	v17 =	vsub.f32 v10, v17;
	v19 =	vmul.f32 v14, v14;
	v63 =	vmul.f32 v11, v11;
	v14 =	vld [tilespmem:s6+$0x0]  }
0x763: {  	v16 =	vsub.f32 v8, v15;
	v15 =	vand.u32 $0x7FFFFFFF, v13;
	v13 =	vmin.f32 v12, v18  }
0x764: {  	s2 =	simm.s32 $0xC0;
	v7 =	vimm.s32 $0x0;
	v11 =	vld [tilespmem:s6+$0x2000];
	v13 =	vmul.f32 v13, v13;
	v12 =	vadd.f32 v63, v19  }
.LBB2_63:
0x765: {  	p0 =	sne.s32 s2, $0x3FC0;
	v18 =	vld [tilespmem:s6+$0x1000];
	v19 =	vsub.f32 v1, v15;
	v17 =	vand.u32 $0x7FFFFFFF, v17  }
0x766: {  	v21 =	vand.u32 $0x7FFFFFFF, v16;
	v20 =	vsub.f32 v2, v17;
	v12 =	vadd.f32 v13, v12  }
.Ltmp72:
0x767: {  	v13 =	vsub.f32 v9, v14;
	v14 =	vmin.f32 v15, v19;
	v19 =	vsub.f32 v3, v21;
	(pc) =	sbr.rel @p0 .LBB2_63-.Ltmp72, $4  }
0x768: {  	v22 =	vmul.f32 v14, v14;
	v15 =	vmin.f32 v17, v20;
	[tilespmem:s4+$0x3080] =	vst v12;
	vm0 =	vle.f32 v12, $2.500000000e+01;
	s4 =	smov.u32 s5;
	s5 =	smov.u32 s6;
	s6 =	sshra.s32 s2, $0x2  }
0x769: {  	v14 =	vld [tilespmem:s6+$0x0];
	v16 =	vsub.f32 v8, v11;
	v12 =	vmul.f32 v15, v15;
	v20 =	vmpcnt.ones.xlane vm0  }
0x76a: {  	v15 =	vand.u32 $0x7FFFFFFF, v13;
	v13 =	vmin.f32 v21, v19;
	v17 =	vsub.f32 v10, v18  }
0x76b: {  	s2 =	sadd.s32 $0x40, s2;
	v13 =	vmul.f32 v13, v13;
	v11 =	vld [tilespmem:s6+$0x2000];
	v12 =	vadd.f32 v12, v22;
	v7 =	vadd.s32 v7, v20  }
0x76c: {  	v18 =	vld [tilespmem:s6+$0x1000];
	_ =	sdelay $0x3  }
0x76d: {  	v19 =	vsub.f32 v1, v15;
	v17 =	vand.u32 $0x7FFFFFFF, v17  }
0x76e: {  	v16 =	vand.u32 $0x7FFFFFFF, v16;
	v9 =	vsub.f32 v9, v14;
	v10 =	vsub.f32 v10, v18  }
0x76f: {  	v53 =	vsub.f32 v2, v17;
	v54 =	vsub.f32 v3, v16;
	v15 =	vmin.f32 v15, v19  }
0x770: {  	v8 =	vsub.f32 v8, v11;
	v9 =	vand.u32 $0x7FFFFFFF, v9;
	v10 =	vand.u32 $0x7FFFFFFF, v10  }
0x771: {  	v55 =	vmin.f32 v17, v53;
	v56 =	vsub.f32 v1, v9;
	v57 =	vsub.f32 v2, v10  }
0x772: {  	v15 =	vmul.f32 v15, v15;
	v11 =	vmul.f32 v55, v55;
	v8 =	vand.u32 $0x7FFFFFFF, v8  }
0x773: {  	v9 =	vmin.f32 v9, v56;
	v58 =	vsub.f32 v3, v8;
	v10 =	vmin.f32 v10, v57  }
0x774: {  	v16 =	vmin.f32 v16, v54;
	v9 =	vmul.f32 v9, v9;
	v10 =	vmul.f32 v10, v10  }
0x775: {  	v59 =	vmul.f32 v16, v16;
	v11 =	vadd.f32 v11, v15;
	v8 =	vmin.f32 v8, v58  }
0x776: {  	v12 =	vadd.f32 v13, v12;
	v8 =	vmul.f32 v8, v8;
	v9 =	vadd.f32 v10, v9  }
0x777: {  	v60 =	vadd.f32 v59, v11  }
0x778: {  	vm0 =	vle.f32 v12, $2.500000000e+01;
	v8 =	vadd.f32 v8, v9  }
0x779: {  	v61 =	vmpcnt.ones.xlane vm0;
	vm14 =	vle.f32 v60, $2.500000000e+01  }
0x77a: {  	v62 =	vmpcnt.ones.xlane vm14;
	vm15 =	vle.f32 v8, $2.500000000e+01  }
0x77b: {  	v7 =	vadd.s32 v7, v61;
	v63 =	vmpcnt.ones.xlane vm15  }
0x77c: {  	v7 =	vadd.s32 v7, v62  }
0x77d: {  	v7 =	vadd.s32 v7, v63  }
0x77e: {  	(v2sf) =	vpush v7, $0x0;
	_ =	sdelay $0xe  }
0x77f: {  	s2 =	spop (v2sf)  }
0x780: {  	[tilespmem:s4+$0x3080] =	vst v12;
	s4 =	sadd.s32 $0xFFFFFFFF, s2  }
0x781: {  	p0 =	slt.s32 s4, $0x10  }
.Ltmp73:
0x782: {  	_ = 	snop;
	(pc) =	sbr.rel @!p0 .LBB2_65-.Ltmp73, $3  }
0x783: {  	_ =	sdelay $0x1  }
0x784: {  	[tilespmem:s5+$0x3080] =	vst v60  }
0x785: {  	[tilespmem:s6+$0x3080] =	vst v8;
	s2 =	simm.f32 $2.500000000e+01  }
.LBB2_145:
0x786: {  	s3 =	simm.s32 $0x0  }
0x787: {  	v9 =	vld [tilespmem:s3+$0x3080]  }
0x788: {  	v8 =	vmov s2;
	v7 =	vimm.f32 $1.000000000e+09;
	s2 =	simm.s32 $0x40  }
.LBB2_146:
0x789: {  	p0 =	sne.s32 s2, $0x3FC0  }
.Ltmp74:
0x78a: {  	_ = 	snop;
	(pc) =	sbr.rel @p0 .LBB2_146-.Ltmp74, $4  }
0x78b: {  	_ = 	snop  }
0x78c: {  	s3 =	sshra.s32 s2, $0x2;
	s2 =	sadd.s32 $0x40, s2;
	vm0 =	vgt.f32 v9, v8  }
0x78d: {  	v10 =	vnsel vm0, $0x4E6E6B28, v9;
	v9 =	vld [tilespmem:s3+$0x3080]  }
0x78e: {  	v7 =	vmin.f32 v7, v10  }
0x78f: {  	_ =	sdelay $0x2  }
0x790: {  	vm0 =	vgt.f32 v9, v8  }
0x791: {  	v8 =	vnsel vm0, $0x4E6E6B28, v9  }
0x792: {  	v7 =	vmin.f32 v7, v8  }
0x793: {  	(xrf1) =	vsort.ascd.msk.f32 $0xffff, v7, v7;
	_ =	sdelay $0xd  }
0x794: {  	s3 =	simm.s32 $0x0;
	v7, _, _ =	vpop (xrf1)  }
0x795: {  	s2 =	simm.s32 $0x40;
	v10 =	vld [tilespmem:s3+$0x3080];
	v8 =	vimm.s32 $0x0;
	v9 =	vbroadcast v7, $0x0  }
.LBB2_148:
0x796: {  	_ =	sdelay $0x1  }
0x797: {  	p0 =	sne.s32 s2, $0x3FC0  }
.Ltmp75:
0x798: {  	_ = 	snop;
	(pc) =	sbr.rel @p0 .LBB2_148-.Ltmp75, $4  }
0x799: {  	vm0 =	veq.f32 v10, v9  }
0x79a: {  	v11 =	vmpcnt.ones.xlane vm0  }
0x79b: {  	s3 =	sshra.s32 s2, $0x2  }
0x79c: {  	s2 =	sadd.s32 $0x40, s2;
	v10 =	vld [tilespmem:s3+$0x3080];
	v8 =	vadd.s32 v8, v11  }
0x79d: {  	_ =	sdelay $0x3  }
0x79e: {  	vm0 =	veq.f32 v10, v9  }
0x79f: {  	v9 =	vmpcnt.ones.xlane vm0;
	_ =	sdelay $0x1  }
0x7a0: {  	(v2sf) =	vpush v7, $0x0;
	v8 =	vadd.s32 v8, v9  }
0x7a1: {  	(v2sf) =	vpush v8, $0x0;
	_ =	sdelay $0xd  }
0x7a2: {  	s2 =	spop (v2sf)  }
0x7a3: {  	s3 =	spop (v2sf)  }
0x7a4: {  	s4 =	sadd.s32 s4, s3  }
0x7a5: {  	p0 =	slt.s32 s4, $0x10  }
.Ltmp76:
0x7a6: {  	_ = 	snop;
	(pc) =	sbr.rel @p0 .LBB2_145-.Ltmp76, $1  }
0x7a7: {  	_ =	sdelay $0x3  }
.LBB2_65:
0x7a8: {  	s29 =	simm.s32 $0x0  }
0x7a9: {  	v7 =	vld [tilespmem:s29+$0x3080];
	_ =	sdelay $0x3  }
0x7aa: {  	v11 =	vmov s2;
	s5 =	simm.s32 $0x10  }
0x7ab: {  	v8 =	vld [tilespmem:s5+$0x3080];
	vm0 =	vle.f32 v7, v11  }
0x7ac: {  	v7 =	vnsel vm0, $0x0, v7  }
0x7ad: {  	v9 =	vshrl.u32 v7, $0x1;
	v12 =	vmul.f32 $5.000000000e-01, v7  }
0x7ae: {  	v9 =	vsub.s32 $0x5F3759DF, v9  }
0x7af: {  	v10 =	vmul.f32 v9, v12  }
0x7b0: {  	vm12 =	vle.f32 v8, v11  }
0x7b1: {  	s4 =	simm.s32 $0x20;
	v8 =	vnsel vm12, $0x0, v8;
	v10 =	vmul.f32 v9, v10  }
0x7b2: {  	v13 =	vld [tilespmem:s4+$0x3080];
	v14 =	vshrl.u32 v8, $0x1;
	v18 =	vmul.f32 $5.000000000e-01, v8  }
0x7b3: {  	v14 =	vsub.s32 $0x5F3759DF, v14;
	v10 =	vsub.f32 $1.500000000e+00, v10  }
0x7b4: {  	v15 =	vmul.f32 v14, v18  }
0x7b5: {  	v16 =	vmul.f32 v9, v10  }
0x7b6: {  	v15 =	vmul.f32 v14, v15  }
0x7b7: {  	vm13 =	vle.f32 v13, v11;
	v17 =	vmul.f32 v16, v12  }
0x7b8: {  	s6 =	simm.s32 $0x30;
	v15 =	vsub.f32 $1.500000000e+00, v15;
	v9 =	vnsel vm13, $0x0, v13  }
0x7b9: {  	v10 =	vld [tilespmem:s6+$0x3080];
	v19 =	vshrl.u32 v9, $0x1;
	v13 =	vmul.f32 $5.000000000e-01, v9;
	v17 =	vmul.f32 v17, v16  }
0x7ba: {  	v19 =	vsub.s32 $0x5F3759DF, v19  }
0x7bb: {  	v15 =	vmul.f32 v14, v15;
	v20 =	vmul.f32 v19, v13;
	v14 =	vsub.f32 $1.500000000e+00, v17;
	_ =	sdelay $0x1  }
0x7bc: {  	s7 =	simm.s32 $0x40;
	v20 =	vmul.f32 v19, v20;
	v25 =	vmul.f32 v14, v16  }
0x7bd: {  	v21 =	vmul.f32 v15, v18;
	vm14 =	vle.f32 v10, v11;
	v17 =	vld [tilespmem:s7+$0x3080]  }
0x7be: {  	v10 =	vnsel vm14, $0x0, v10;
	v20 =	vsub.f32 $1.500000000e+00, v20;
	v12 =	vmul.f32 v25, v12  }
0x7bf: {  	v22 =	vmul.f32 v21, v15;
	v16 =	vshrl.u32 v10, $0x1;
	v14 =	vmul.f32 $5.000000000e-01, v10  }
0x7c0: {  	v21 =	vsub.s32 $0x5F3759DF, v16;
	v16 =	vmul.f32 v19, v20;
	v20 =	vmul.f32 v12, v25  }
0x7c1: {  	s24 =	simm.s32 $0x50;
	v23 =	vmul.f32 v21, v14  }
0x7c2: {  	v19 =	vsub.f32 $1.500000000e+00, v22;
	vm15 =	vle.f32 v17, v11;
	v27 =	vsub.f32 $1.500000000e+00, v20;
	v20 =	vld [tilespmem:s24+$0x3080]  }
0x7c3: {  	v12 =	vnsel vm15, $0x0, v17;
	v22 =	vmul.f32 v21, v23;
	v23 =	vmul.f32 v16, v13  }
0x7c4: {  	v15 =	vmul.f32 v19, v15;
	v26 =	vshrl.u32 v12, $0x1  }
0x7c5: {  	v17 =	vmul.f32 $5.000000000e-01, v12;
	v24 =	vsub.f32 $1.500000000e+00, v22;
	v22 =	vmul.f32 v23, v16  }
0x7c6: {  	s2 =	simm.s32 $0x180;
	v19 =	vsub.s32 $0x5F3759DF, v26;
	v23 =	vmul.f32 v15, v18;
	v18 =	vmul.f32 v27, v25  }
.LBB2_66:
0x7c7: {  	s3 =	sshra.s32 s2, $0x2;
	vm0 =	vle.f32 v20, v11;
	v25 =	vmul.f32 v19, v17;
	v21 =	vmul.f32 v21, v24;
	v24 =	vmovc v20;
	p0 =	sne.s32 s2, $0x3FC0  }
.Ltmp77:
0x7c8: {  	v22 =	vsub.f32 $1.500000000e+00, v22;
	v20 =	vld [tilespmem:s3+$0x3080];
	v23 =	vmul.f32 v23, v15;
	v18 =	vmul.f32 v18, v7;
	v7 =	vmovc v8;
	v8 =	vmovc v9;
	(pc) =	sbr.rel @p0 .LBB2_66-.Ltmp77, $4  }
0x7c9: {  	v9 =	vmovc v10;
	v10 =	vmovc v12;
	v12 =	vnsel vm0, $0x0, v24;
	v25 =	vmul.f32 v19, v25;
	v26 =	vmul.f32 v21, v14  }
0x7ca: {  	s2 =	sadd.s32 $0x40, s2;
	v30 =	vmovc v14;
	v27 =	vshrl.u32 v12, $0x1;
	v28 =	vmul.f32 v22, v16;
	v16 =	vmovc v21;
	v29 =	vsub.f32 $1.500000000e+00, v23;
	[tilespmem:s29+$0x4080] =	vst v18;
	s29 =	smov.u32 s5  }
0x7cb: {  	v14 =	vmovc v17;
	v17 =	vmul.f32 $5.000000000e-01, v12;
	s5 =	smov.u32 s4;
	s4 =	smov.u32 s6;
	s6 =	smov.u32 s7;
	v24 =	vsub.f32 $1.500000000e+00, v25;
	v22 =	vmul.f32 v26, v16;
	v21 =	vmovc v19  }
0x7cc: {  	s7 =	smov.u32 s24;
	s24 =	smov.u32 s3;
	v19 =	vsub.s32 $0x5F3759DF, v27;
	v23 =	vmul.f32 v28, v13;
	v13 =	vmovc v30;
	v18 =	vmul.f32 v29, v15;
	v15 =	vmovc v28  }
0x7cd: {  	vm0 =	vle.f32 v20, v11  }
0x7ce: {  	v11 =	vnsel vm0, $0x0, v20  }
0x7cf: {  	v25 =	vshrl.u32 v11, $0x1;
	v26 =	vmul.f32 $5.000000000e-01, v11  }
0x7d0: {  	v54 =	vmul.f32 v19, v17;
	v25 =	vsub.s32 $0x5F3759DF, v25  }
0x7d1: {  	v27 =	vmul.f32 v25, v26  }
0x7d2: {  	v20 =	vmul.f32 v19, v54  }
0x7d3: {  	v27 =	vmul.f32 v25, v27  }
0x7d4: {  	v20 =	vsub.f32 $1.500000000e+00, v20  }
0x7d5: {  	v21 =	vmul.f32 v21, v24;
	v55 =	vsub.f32 $1.500000000e+00, v27  }
0x7d6: {  	v19 =	vmul.f32 v19, v20  }
0x7d7: {  	v24 =	vmul.f32 v21, v14;
	v20 =	vmul.f32 v25, v55  }
0x7d8: {  	v56 =	vmul.f32 v19, v17  }
0x7d9: {  	v24 =	vmul.f32 v24, v21;
	v58 =	vmul.f32 v20, v26  }
0x7da: {  	v22 =	vsub.f32 $1.500000000e+00, v22;
	v57 =	vmul.f32 v56, v19  }
0x7db: {  	v24 =	vsub.f32 $1.500000000e+00, v24;
	v27 =	vmul.f32 v58, v20  }
0x7dc: {  	v16 =	vmul.f32 v22, v16;
	v25 =	vsub.f32 $1.500000000e+00, v57  }
0x7dd: {  	v23 =	vmul.f32 v23, v15;
	v21 =	vmul.f32 v24, v21;
	v59 =	vsub.f32 $1.500000000e+00, v27  }
0x7de: {  	v13 =	vmul.f32 v16, v13;
	v19 =	vmul.f32 v25, v19  }
0x7df: {  	v14 =	vmul.f32 v21, v14;
	v20 =	vmul.f32 v59, v20  }
0x7e0: {  	v13 =	vmul.f32 v13, v16;
	v17 =	vmul.f32 v19, v17  }
0x7e1: {  	v60 =	vsub.f32 $1.500000000e+00, v23;
	v14 =	vmul.f32 v14, v21;
	v61 =	vmul.f32 v20, v26  }
0x7e2: {  	v13 =	vsub.f32 $1.500000000e+00, v13;
	v17 =	vmul.f32 v17, v19  }
0x7e3: {  	v15 =	vmul.f32 v60, v15;
	v14 =	vsub.f32 $1.500000000e+00, v14;
	v62 =	vmul.f32 v61, v20  }
0x7e4: {  	v7 =	vmul.f32 v18, v7;
	v13 =	vmul.f32 v13, v16;
	v16 =	vsub.f32 $1.500000000e+00, v17  }
0x7e5: {  	v8 =	vmul.f32 v15, v8;
	v14 =	vmul.f32 v14, v21;
	v15 =	vsub.f32 $1.500000000e+00, v62  }
0x7e6: {  	[tilespmem:s29+$0x4080] =	vst v7;
	v7 =	vmul.f32 v13, v9;
	v9 =	vmul.f32 v16, v19  }
0x7e7: {  	[tilespmem:s5+$0x4080] =	vst v8;
	v8 =	vmul.f32 v14, v10;
	v10 =	vmul.f32 v15, v20  }
0x7e8: {  	[tilespmem:s4+$0x4080] =	vst v7;
	v7 =	vmul.f32 v9, v12  }
0x7e9: {  	[tilespmem:s6+$0x4080] =	vst v8;
	v8 =	vmul.f32 v10, v11  }
0x7ea: {  	[tilespmem:s7+$0x4080] =	vst v7  }
0x7eb: {  	s2 =	sadd.s32 s28, s20;
	[tilespmem:s24+$0x4080] =	vst v8  }
0x7ec: {  	[hbm4b:s2+s30] =	stream.strided.scatter [tilespmem:s0], [sflag:$0x1], $0x1000, s31, s30, $0x38;
	[tilespmem:$0x5080] =	vst v63  }
0x7ed: {  	_ =	swait.ge [sflag:s25], $0x1000  }
0x7ee: {  	[sflag:s25] =	ssyncset.done $0x0  }
0x7ef: {  	s4 =	simm.s32 $0x0;
	[sflag:s25] =	ssyncadd.s32 $0xFFFFF000  }
0x7f0: {  	v7 =	vld [tilespmem:s4+$0x0]  }
0x7f1: {  	v11 =	vld [tilespmem:s4+$0x1000];
	_ =	sdelay $0x1  }
0x7f2: {  	v12 =	vld [tilespmem:s4+$0x2000]  }
0x7f3: {  	s5 =	simm.s32 $0x10;
	v9 =	vbroadcast v5, $0xD;
	v10 =	vbroadcast v6, $0xD  }
0x7f4: {  	v13 =	vld [tilespmem:s5+$0x0]  }
0x7f5: {  	v8 =	vbroadcast v4, $0xD;
	v7 =	vsub.f32 v9, v7;
	v11 =	vsub.f32 v10, v11  }
0x7f6: {  	v17 =	vld [tilespmem:s5+$0x1000]  }
0x7f7: {  	v15 =	vld [tilespmem:s5+$0x2000];
	v12 =	vsub.f32 v8, v12;
	v7 =	vand.u32 $0x7FFFFFFF, v7;
	v11 =	vand.u32 $0x7FFFFFFF, v11  }
0x7f8: {  	v14 =	vsub.f32 v1, v7;
	v16 =	vsub.f32 v2, v11  }
0x7f9: {  	v13 =	vsub.f32 v9, v13;
	v12 =	vand.u32 $0x7FFFFFFF, v12  }
0x7fa: {  	s6 =	simm.s32 $0x20;
	v18 =	vsub.f32 v3, v12;
	v14 =	vmin.f32 v7, v14;
	v11 =	vmin.f32 v11, v16  }
0x7fb: {  	v17 =	vsub.f32 v10, v17;
	v19 =	vmul.f32 v14, v14;
	v63 =	vmul.f32 v11, v11;
	v14 =	vld [tilespmem:s6+$0x0]  }
0x7fc: {  	v16 =	vsub.f32 v8, v15;
	v15 =	vand.u32 $0x7FFFFFFF, v13;
	v13 =	vmin.f32 v12, v18  }
0x7fd: {  	s2 =	simm.s32 $0xC0;
	v7 =	vimm.s32 $0x0;
	v11 =	vld [tilespmem:s6+$0x2000];
	v13 =	vmul.f32 v13, v13;
	v12 =	vadd.f32 v63, v19  }
.LBB2_68:
0x7fe: {  	p0 =	sne.s32 s2, $0x3FC0;
	v18 =	vld [tilespmem:s6+$0x1000];
	v19 =	vsub.f32 v1, v15;
	v17 =	vand.u32 $0x7FFFFFFF, v17  }
0x7ff: {  	v21 =	vand.u32 $0x7FFFFFFF, v16;
	v20 =	vsub.f32 v2, v17;
	v12 =	vadd.f32 v13, v12  }
.Ltmp78:
0x800: {  	v13 =	vsub.f32 v9, v14;
	v14 =	vmin.f32 v15, v19;
	v19 =	vsub.f32 v3, v21;
	(pc) =	sbr.rel @p0 .LBB2_68-.Ltmp78, $4  }
0x801: {  	v22 =	vmul.f32 v14, v14;
	v15 =	vmin.f32 v17, v20;
	[tilespmem:s4+$0x3080] =	vst v12;
	vm0 =	vle.f32 v12, $2.500000000e+01;
	s4 =	smov.u32 s5;
	s5 =	smov.u32 s6;
	s6 =	sshra.s32 s2, $0x2  }
0x802: {  	v14 =	vld [tilespmem:s6+$0x0];
	v16 =	vsub.f32 v8, v11;
	v12 =	vmul.f32 v15, v15;
	v20 =	vmpcnt.ones.xlane vm0  }
0x803: {  	v15 =	vand.u32 $0x7FFFFFFF, v13;
	v13 =	vmin.f32 v21, v19;
	v17 =	vsub.f32 v10, v18  }
0x804: {  	s2 =	sadd.s32 $0x40, s2;
	v13 =	vmul.f32 v13, v13;
	v11 =	vld [tilespmem:s6+$0x2000];
	v12 =	vadd.f32 v12, v22;
	v7 =	vadd.s32 v7, v20  }
0x805: {  	v18 =	vld [tilespmem:s6+$0x1000];
	_ =	sdelay $0x3  }
0x806: {  	v19 =	vsub.f32 v1, v15;
	v17 =	vand.u32 $0x7FFFFFFF, v17  }
0x807: {  	v16 =	vand.u32 $0x7FFFFFFF, v16;
	v9 =	vsub.f32 v9, v14;
	v10 =	vsub.f32 v10, v18  }
0x808: {  	v53 =	vsub.f32 v2, v17;
	v54 =	vsub.f32 v3, v16;
	v15 =	vmin.f32 v15, v19  }
0x809: {  	v8 =	vsub.f32 v8, v11;
	v9 =	vand.u32 $0x7FFFFFFF, v9;
	v10 =	vand.u32 $0x7FFFFFFF, v10  }
0x80a: {  	v55 =	vmin.f32 v17, v53;
	v56 =	vsub.f32 v1, v9;
	v57 =	vsub.f32 v2, v10  }
0x80b: {  	v15 =	vmul.f32 v15, v15;
	v11 =	vmul.f32 v55, v55;
	v8 =	vand.u32 $0x7FFFFFFF, v8  }
0x80c: {  	v9 =	vmin.f32 v9, v56;
	v58 =	vsub.f32 v3, v8;
	v10 =	vmin.f32 v10, v57  }
0x80d: {  	v16 =	vmin.f32 v16, v54;
	v9 =	vmul.f32 v9, v9;
	v10 =	vmul.f32 v10, v10  }
0x80e: {  	v59 =	vmul.f32 v16, v16;
	v11 =	vadd.f32 v11, v15;
	v8 =	vmin.f32 v8, v58  }
0x80f: {  	v12 =	vadd.f32 v13, v12;
	v8 =	vmul.f32 v8, v8;
	v9 =	vadd.f32 v10, v9  }
0x810: {  	v60 =	vadd.f32 v59, v11  }
0x811: {  	vm0 =	vle.f32 v12, $2.500000000e+01;
	v8 =	vadd.f32 v8, v9  }
0x812: {  	v61 =	vmpcnt.ones.xlane vm0;
	vm14 =	vle.f32 v60, $2.500000000e+01  }
0x813: {  	v62 =	vmpcnt.ones.xlane vm14;
	vm15 =	vle.f32 v8, $2.500000000e+01  }
0x814: {  	v7 =	vadd.s32 v7, v61;
	v63 =	vmpcnt.ones.xlane vm15  }
0x815: {  	v7 =	vadd.s32 v7, v62  }
0x816: {  	v7 =	vadd.s32 v7, v63  }
0x817: {  	(v2sf) =	vpush v7, $0x0;
	_ =	sdelay $0xe  }
0x818: {  	s2 =	spop (v2sf)  }
0x819: {  	[tilespmem:s4+$0x3080] =	vst v12;
	s4 =	sadd.s32 $0xFFFFFFFF, s2  }
0x81a: {  	p0 =	slt.s32 s4, $0x10  }
.Ltmp79:
0x81b: {  	_ = 	snop;
	(pc) =	sbr.rel @!p0 .LBB2_70-.Ltmp79, $3  }
0x81c: {  	_ =	sdelay $0x1  }
0x81d: {  	[tilespmem:s5+$0x3080] =	vst v60  }
0x81e: {  	[tilespmem:s6+$0x3080] =	vst v8;
	s2 =	simm.f32 $2.500000000e+01  }
.LBB2_150:
0x81f: {  	s3 =	simm.s32 $0x0  }
0x820: {  	v9 =	vld [tilespmem:s3+$0x3080]  }
0x821: {  	v8 =	vmov s2;
	v7 =	vimm.f32 $1.000000000e+09;
	s2 =	simm.s32 $0x40  }
.LBB2_151:
0x822: {  	p0 =	sne.s32 s2, $0x3FC0  }
.Ltmp80:
0x823: {  	_ = 	snop;
	(pc) =	sbr.rel @p0 .LBB2_151-.Ltmp80, $4  }
0x824: {  	_ = 	snop  }
0x825: {  	s3 =	sshra.s32 s2, $0x2;
	s2 =	sadd.s32 $0x40, s2;
	vm0 =	vgt.f32 v9, v8  }
0x826: {  	v10 =	vnsel vm0, $0x4E6E6B28, v9;
	v9 =	vld [tilespmem:s3+$0x3080]  }
0x827: {  	v7 =	vmin.f32 v7, v10  }
0x828: {  	_ =	sdelay $0x2  }
0x829: {  	vm0 =	vgt.f32 v9, v8  }
0x82a: {  	v8 =	vnsel vm0, $0x4E6E6B28, v9  }
0x82b: {  	v7 =	vmin.f32 v7, v8  }
0x82c: {  	(xrf1) =	vsort.ascd.msk.f32 $0xffff, v7, v7;
	_ =	sdelay $0xd  }
0x82d: {  	s3 =	simm.s32 $0x0;
	v7, _, _ =	vpop (xrf1)  }
0x82e: {  	s2 =	simm.s32 $0x40;
	v10 =	vld [tilespmem:s3+$0x3080];
	v8 =	vimm.s32 $0x0;
	v9 =	vbroadcast v7, $0x0  }
.LBB2_153:
0x82f: {  	_ =	sdelay $0x1  }
0x830: {  	p0 =	sne.s32 s2, $0x3FC0  }
.Ltmp81:
0x831: {  	_ = 	snop;
	(pc) =	sbr.rel @p0 .LBB2_153-.Ltmp81, $4  }
0x832: {  	vm0 =	veq.f32 v10, v9  }
0x833: {  	v11 =	vmpcnt.ones.xlane vm0  }
0x834: {  	s3 =	sshra.s32 s2, $0x2  }
0x835: {  	s2 =	sadd.s32 $0x40, s2;
	v10 =	vld [tilespmem:s3+$0x3080];
	v8 =	vadd.s32 v8, v11  }
0x836: {  	_ =	sdelay $0x3  }
0x837: {  	vm0 =	veq.f32 v10, v9  }
0x838: {  	v9 =	vmpcnt.ones.xlane vm0;
	_ =	sdelay $0x1  }
0x839: {  	(v2sf) =	vpush v7, $0x0;
	v8 =	vadd.s32 v8, v9  }
0x83a: {  	(v2sf) =	vpush v8, $0x0;
	_ =	sdelay $0xd  }
0x83b: {  	s2 =	spop (v2sf)  }
0x83c: {  	s3 =	spop (v2sf)  }
0x83d: {  	s4 =	sadd.s32 s4, s3  }
0x83e: {  	p0 =	slt.s32 s4, $0x10  }
.Ltmp82:
0x83f: {  	_ = 	snop;
	(pc) =	sbr.rel @p0 .LBB2_150-.Ltmp82, $1  }
0x840: {  	_ =	sdelay $0x3  }
.LBB2_70:
0x841: {  	s29 =	simm.s32 $0x0  }
0x842: {  	v7 =	vld [tilespmem:s29+$0x3080];
	_ =	sdelay $0x3  }
0x843: {  	v11 =	vmov s2;
	s5 =	simm.s32 $0x10  }
0x844: {  	v8 =	vld [tilespmem:s5+$0x3080];
	vm0 =	vle.f32 v7, v11  }
0x845: {  	v7 =	vnsel vm0, $0x0, v7  }
0x846: {  	v9 =	vshrl.u32 v7, $0x1;
	v12 =	vmul.f32 $5.000000000e-01, v7  }
0x847: {  	v9 =	vsub.s32 $0x5F3759DF, v9  }
0x848: {  	v10 =	vmul.f32 v9, v12  }
0x849: {  	vm12 =	vle.f32 v8, v11  }
0x84a: {  	s4 =	simm.s32 $0x20;
	v8 =	vnsel vm12, $0x0, v8;
	v10 =	vmul.f32 v9, v10  }
0x84b: {  	v13 =	vld [tilespmem:s4+$0x3080];
	v14 =	vshrl.u32 v8, $0x1;
	v18 =	vmul.f32 $5.000000000e-01, v8  }
0x84c: {  	v14 =	vsub.s32 $0x5F3759DF, v14;
	v10 =	vsub.f32 $1.500000000e+00, v10  }
0x84d: {  	v15 =	vmul.f32 v14, v18  }
0x84e: {  	v16 =	vmul.f32 v9, v10  }
0x84f: {  	v15 =	vmul.f32 v14, v15  }
0x850: {  	vm13 =	vle.f32 v13, v11;
	v17 =	vmul.f32 v16, v12  }
0x851: {  	s6 =	simm.s32 $0x30;
	v15 =	vsub.f32 $1.500000000e+00, v15;
	v9 =	vnsel vm13, $0x0, v13  }
0x852: {  	v10 =	vld [tilespmem:s6+$0x3080];
	v19 =	vshrl.u32 v9, $0x1;
	v13 =	vmul.f32 $5.000000000e-01, v9;
	v17 =	vmul.f32 v17, v16  }
0x853: {  	v19 =	vsub.s32 $0x5F3759DF, v19  }
0x854: {  	v15 =	vmul.f32 v14, v15;
	v20 =	vmul.f32 v19, v13;
	v14 =	vsub.f32 $1.500000000e+00, v17;
	_ =	sdelay $0x1  }
0x855: {  	s7 =	simm.s32 $0x40;
	v20 =	vmul.f32 v19, v20;
	v25 =	vmul.f32 v14, v16  }
0x856: {  	v21 =	vmul.f32 v15, v18;
	vm14 =	vle.f32 v10, v11;
	v17 =	vld [tilespmem:s7+$0x3080]  }
0x857: {  	v10 =	vnsel vm14, $0x0, v10;
	v20 =	vsub.f32 $1.500000000e+00, v20;
	v12 =	vmul.f32 v25, v12  }
0x858: {  	v22 =	vmul.f32 v21, v15;
	v16 =	vshrl.u32 v10, $0x1;
	v14 =	vmul.f32 $5.000000000e-01, v10  }
0x859: {  	v21 =	vsub.s32 $0x5F3759DF, v16;
	v16 =	vmul.f32 v19, v20;
	v20 =	vmul.f32 v12, v25  }
0x85a: {  	s24 =	simm.s32 $0x50;
	v23 =	vmul.f32 v21, v14  }
0x85b: {  	v19 =	vsub.f32 $1.500000000e+00, v22;
	vm15 =	vle.f32 v17, v11;
	v27 =	vsub.f32 $1.500000000e+00, v20;
	v20 =	vld [tilespmem:s24+$0x3080]  }
0x85c: {  	v12 =	vnsel vm15, $0x0, v17;
	v22 =	vmul.f32 v21, v23;
	v23 =	vmul.f32 v16, v13  }
0x85d: {  	v15 =	vmul.f32 v19, v15;
	v26 =	vshrl.u32 v12, $0x1  }
0x85e: {  	v17 =	vmul.f32 $5.000000000e-01, v12;
	v24 =	vsub.f32 $1.500000000e+00, v22;
	v22 =	vmul.f32 v23, v16  }
0x85f: {  	s2 =	simm.s32 $0x180;
	v19 =	vsub.s32 $0x5F3759DF, v26;
	v23 =	vmul.f32 v15, v18;
	v18 =	vmul.f32 v27, v25  }
.LBB2_71:
0x860: {  	s3 =	sshra.s32 s2, $0x2;
	vm0 =	vle.f32 v20, v11;
	v25 =	vmul.f32 v19, v17;
	v21 =	vmul.f32 v21, v24;
	v24 =	vmovc v20;
	p0 =	sne.s32 s2, $0x3FC0  }
.Ltmp83:
0x861: {  	v22 =	vsub.f32 $1.500000000e+00, v22;
	v20 =	vld [tilespmem:s3+$0x3080];
	v23 =	vmul.f32 v23, v15;
	v18 =	vmul.f32 v18, v7;
	v7 =	vmovc v8;
	v8 =	vmovc v9;
	(pc) =	sbr.rel @p0 .LBB2_71-.Ltmp83, $4  }
0x862: {  	v9 =	vmovc v10;
	v10 =	vmovc v12;
	v12 =	vnsel vm0, $0x0, v24;
	v25 =	vmul.f32 v19, v25;
	v26 =	vmul.f32 v21, v14  }
0x863: {  	s2 =	sadd.s32 $0x40, s2;
	v30 =	vmovc v14;
	v27 =	vshrl.u32 v12, $0x1;
	v28 =	vmul.f32 v22, v16;
	v16 =	vmovc v21;
	v29 =	vsub.f32 $1.500000000e+00, v23;
	[tilespmem:s29+$0x4080] =	vst v18;
	s29 =	smov.u32 s5  }
0x864: {  	v14 =	vmovc v17;
	v17 =	vmul.f32 $5.000000000e-01, v12;
	s5 =	smov.u32 s4;
	s4 =	smov.u32 s6;
	s6 =	smov.u32 s7;
	v24 =	vsub.f32 $1.500000000e+00, v25;
	v22 =	vmul.f32 v26, v16;
	v21 =	vmovc v19  }
0x865: {  	s7 =	smov.u32 s24;
	s24 =	smov.u32 s3;
	v19 =	vsub.s32 $0x5F3759DF, v27;
	v23 =	vmul.f32 v28, v13;
	v13 =	vmovc v30;
	v18 =	vmul.f32 v29, v15;
	v15 =	vmovc v28  }
0x866: {  	vm0 =	vle.f32 v20, v11  }
0x867: {  	v11 =	vnsel vm0, $0x0, v20  }
0x868: {  	v25 =	vshrl.u32 v11, $0x1;
	v26 =	vmul.f32 $5.000000000e-01, v11  }
0x869: {  	v54 =	vmul.f32 v19, v17;
	v25 =	vsub.s32 $0x5F3759DF, v25  }
0x86a: {  	v27 =	vmul.f32 v25, v26  }
0x86b: {  	v20 =	vmul.f32 v19, v54  }
0x86c: {  	v27 =	vmul.f32 v25, v27  }
0x86d: {  	v20 =	vsub.f32 $1.500000000e+00, v20  }
0x86e: {  	v21 =	vmul.f32 v21, v24;
	v55 =	vsub.f32 $1.500000000e+00, v27  }
0x86f: {  	v19 =	vmul.f32 v19, v20  }
0x870: {  	v24 =	vmul.f32 v21, v14;
	v20 =	vmul.f32 v25, v55  }
0x871: {  	v56 =	vmul.f32 v19, v17  }
0x872: {  	v24 =	vmul.f32 v24, v21;
	v58 =	vmul.f32 v20, v26  }
0x873: {  	v22 =	vsub.f32 $1.500000000e+00, v22;
	v57 =	vmul.f32 v56, v19  }
0x874: {  	v24 =	vsub.f32 $1.500000000e+00, v24;
	v27 =	vmul.f32 v58, v20  }
0x875: {  	v16 =	vmul.f32 v22, v16;
	v25 =	vsub.f32 $1.500000000e+00, v57  }
0x876: {  	v23 =	vmul.f32 v23, v15;
	v21 =	vmul.f32 v24, v21;
	v59 =	vsub.f32 $1.500000000e+00, v27  }
0x877: {  	v13 =	vmul.f32 v16, v13;
	v19 =	vmul.f32 v25, v19  }
0x878: {  	v14 =	vmul.f32 v21, v14;
	v20 =	vmul.f32 v59, v20  }
0x879: {  	v13 =	vmul.f32 v13, v16;
	v17 =	vmul.f32 v19, v17  }
0x87a: {  	v60 =	vsub.f32 $1.500000000e+00, v23;
	v14 =	vmul.f32 v14, v21;
	v61 =	vmul.f32 v20, v26  }
0x87b: {  	v13 =	vsub.f32 $1.500000000e+00, v13;
	v17 =	vmul.f32 v17, v19  }
0x87c: {  	v15 =	vmul.f32 v60, v15;
	v14 =	vsub.f32 $1.500000000e+00, v14;
	v62 =	vmul.f32 v61, v20  }
0x87d: {  	v7 =	vmul.f32 v18, v7;
	v13 =	vmul.f32 v13, v16;
	v16 =	vsub.f32 $1.500000000e+00, v17  }
0x87e: {  	v8 =	vmul.f32 v15, v8;
	v14 =	vmul.f32 v14, v21;
	v15 =	vsub.f32 $1.500000000e+00, v62  }
0x87f: {  	[tilespmem:s29+$0x4080] =	vst v7;
	v7 =	vmul.f32 v13, v9;
	v9 =	vmul.f32 v16, v19  }
0x880: {  	[tilespmem:s5+$0x4080] =	vst v8;
	v8 =	vmul.f32 v14, v10;
	v10 =	vmul.f32 v15, v20  }
0x881: {  	[tilespmem:s4+$0x4080] =	vst v7;
	v7 =	vmul.f32 v9, v12  }
0x882: {  	[tilespmem:s6+$0x4080] =	vst v8;
	v8 =	vmul.f32 v10, v11  }
0x883: {  	[tilespmem:s7+$0x4080] =	vst v7  }
0x884: {  	s2 =	sadd.s32 s28, s21;
	[tilespmem:s24+$0x4080] =	vst v8  }
0x885: {  	[hbm4b:s2+s30] =	stream.strided.scatter [tilespmem:s0], [sflag:$0x1], $0x1000, s31, s30, $0x38;
	[tilespmem:$0x5080] =	vst v63  }
0x886: {  	_ =	swait.ge [sflag:s25], $0x1000  }
0x887: {  	[sflag:s25] =	ssyncset.done $0x0  }
0x888: {  	s4 =	simm.s32 $0x0;
	[sflag:s25] =	ssyncadd.s32 $0xFFFFF000  }
0x889: {  	v7 =	vld [tilespmem:s4+$0x0]  }
0x88a: {  	v11 =	vld [tilespmem:s4+$0x1000];
	_ =	sdelay $0x1  }
0x88b: {  	v12 =	vld [tilespmem:s4+$0x2000]  }
0x88c: {  	s5 =	simm.s32 $0x10;
	v9 =	vbroadcast v5, $0xE;
	v10 =	vbroadcast v6, $0xE  }
0x88d: {  	v13 =	vld [tilespmem:s5+$0x0]  }
0x88e: {  	v8 =	vbroadcast v4, $0xE;
	v7 =	vsub.f32 v9, v7;
	v11 =	vsub.f32 v10, v11  }
0x88f: {  	v17 =	vld [tilespmem:s5+$0x1000]  }
0x890: {  	v15 =	vld [tilespmem:s5+$0x2000];
	v12 =	vsub.f32 v8, v12;
	v7 =	vand.u32 $0x7FFFFFFF, v7;
	v11 =	vand.u32 $0x7FFFFFFF, v11  }
0x891: {  	v14 =	vsub.f32 v1, v7;
	v16 =	vsub.f32 v2, v11  }
0x892: {  	v13 =	vsub.f32 v9, v13;
	v12 =	vand.u32 $0x7FFFFFFF, v12  }
0x893: {  	s6 =	simm.s32 $0x20;
	v18 =	vsub.f32 v3, v12;
	v14 =	vmin.f32 v7, v14;
	v11 =	vmin.f32 v11, v16  }
0x894: {  	v17 =	vsub.f32 v10, v17;
	v19 =	vmul.f32 v14, v14;
	v63 =	vmul.f32 v11, v11;
	v14 =	vld [tilespmem:s6+$0x0]  }
0x895: {  	v16 =	vsub.f32 v8, v15;
	v15 =	vand.u32 $0x7FFFFFFF, v13;
	v13 =	vmin.f32 v12, v18  }
0x896: {  	s2 =	simm.s32 $0xC0;
	v7 =	vimm.s32 $0x0;
	v11 =	vld [tilespmem:s6+$0x2000];
	v13 =	vmul.f32 v13, v13;
	v12 =	vadd.f32 v63, v19  }
.LBB2_73:
0x897: {  	p0 =	sne.s32 s2, $0x3FC0;
	v18 =	vld [tilespmem:s6+$0x1000];
	v19 =	vsub.f32 v1, v15;
	v17 =	vand.u32 $0x7FFFFFFF, v17  }
0x898: {  	v21 =	vand.u32 $0x7FFFFFFF, v16;
	v20 =	vsub.f32 v2, v17;
	v12 =	vadd.f32 v13, v12  }
.Ltmp84:
0x899: {  	v13 =	vsub.f32 v9, v14;
	v14 =	vmin.f32 v15, v19;
	v19 =	vsub.f32 v3, v21;
	(pc) =	sbr.rel @p0 .LBB2_73-.Ltmp84, $4  }
0x89a: {  	v22 =	vmul.f32 v14, v14;
	v15 =	vmin.f32 v17, v20;
	[tilespmem:s4+$0x3080] =	vst v12;
	vm0 =	vle.f32 v12, $2.500000000e+01;
	s4 =	smov.u32 s5;
	s5 =	smov.u32 s6;
	s6 =	sshra.s32 s2, $0x2  }
0x89b: {  	v14 =	vld [tilespmem:s6+$0x0];
	v16 =	vsub.f32 v8, v11;
	v12 =	vmul.f32 v15, v15;
	v20 =	vmpcnt.ones.xlane vm0  }
0x89c: {  	v15 =	vand.u32 $0x7FFFFFFF, v13;
	v13 =	vmin.f32 v21, v19;
	v17 =	vsub.f32 v10, v18  }
0x89d: {  	s2 =	sadd.s32 $0x40, s2;
	v13 =	vmul.f32 v13, v13;
	v11 =	vld [tilespmem:s6+$0x2000];
	v12 =	vadd.f32 v12, v22;
	v7 =	vadd.s32 v7, v20  }
0x89e: {  	v18 =	vld [tilespmem:s6+$0x1000];
	_ =	sdelay $0x3  }
0x89f: {  	v19 =	vsub.f32 v1, v15;
	v17 =	vand.u32 $0x7FFFFFFF, v17  }
0x8a0: {  	v16 =	vand.u32 $0x7FFFFFFF, v16;
	v9 =	vsub.f32 v9, v14;
	v10 =	vsub.f32 v10, v18  }
0x8a1: {  	v53 =	vsub.f32 v2, v17;
	v54 =	vsub.f32 v3, v16;
	v15 =	vmin.f32 v15, v19  }
0x8a2: {  	v8 =	vsub.f32 v8, v11;
	v9 =	vand.u32 $0x7FFFFFFF, v9;
	v10 =	vand.u32 $0x7FFFFFFF, v10  }
0x8a3: {  	v55 =	vmin.f32 v17, v53;
	v56 =	vsub.f32 v1, v9;
	v57 =	vsub.f32 v2, v10  }
0x8a4: {  	v15 =	vmul.f32 v15, v15;
	v11 =	vmul.f32 v55, v55;
	v8 =	vand.u32 $0x7FFFFFFF, v8  }
0x8a5: {  	v9 =	vmin.f32 v9, v56;
	v58 =	vsub.f32 v3, v8;
	v10 =	vmin.f32 v10, v57  }
0x8a6: {  	v16 =	vmin.f32 v16, v54;
	v9 =	vmul.f32 v9, v9;
	v10 =	vmul.f32 v10, v10  }
0x8a7: {  	v59 =	vmul.f32 v16, v16;
	v11 =	vadd.f32 v11, v15;
	v8 =	vmin.f32 v8, v58  }
0x8a8: {  	v12 =	vadd.f32 v13, v12;
	v8 =	vmul.f32 v8, v8;
	v9 =	vadd.f32 v10, v9  }
0x8a9: {  	v60 =	vadd.f32 v59, v11  }
0x8aa: {  	vm0 =	vle.f32 v12, $2.500000000e+01;
	v8 =	vadd.f32 v8, v9  }
0x8ab: {  	v61 =	vmpcnt.ones.xlane vm0;
	vm14 =	vle.f32 v60, $2.500000000e+01  }
0x8ac: {  	v62 =	vmpcnt.ones.xlane vm14;
	vm15 =	vle.f32 v8, $2.500000000e+01  }
0x8ad: {  	v7 =	vadd.s32 v7, v61;
	v63 =	vmpcnt.ones.xlane vm15  }
0x8ae: {  	v7 =	vadd.s32 v7, v62  }
0x8af: {  	v7 =	vadd.s32 v7, v63  }
0x8b0: {  	(v2sf) =	vpush v7, $0x0;
	_ =	sdelay $0xe  }
0x8b1: {  	s2 =	spop (v2sf)  }
0x8b2: {  	[tilespmem:s4+$0x3080] =	vst v12;
	s4 =	sadd.s32 $0xFFFFFFFF, s2  }
0x8b3: {  	p0 =	slt.s32 s4, $0x10  }
.Ltmp85:
0x8b4: {  	_ = 	snop;
	(pc) =	sbr.rel @!p0 .LBB2_75-.Ltmp85, $3  }
0x8b5: {  	_ =	sdelay $0x1  }
0x8b6: {  	[tilespmem:s5+$0x3080] =	vst v60  }
0x8b7: {  	[tilespmem:s6+$0x3080] =	vst v8;
	s2 =	simm.f32 $2.500000000e+01  }
.LBB2_155:
0x8b8: {  	s3 =	simm.s32 $0x0  }
0x8b9: {  	v9 =	vld [tilespmem:s3+$0x3080]  }
0x8ba: {  	v8 =	vmov s2;
	v7 =	vimm.f32 $1.000000000e+09;
	s2 =	simm.s32 $0x40  }
.LBB2_156:
0x8bb: {  	p0 =	sne.s32 s2, $0x3FC0  }
.Ltmp86:
0x8bc: {  	_ = 	snop;
	(pc) =	sbr.rel @p0 .LBB2_156-.Ltmp86, $4  }
0x8bd: {  	_ = 	snop  }
0x8be: {  	s3 =	sshra.s32 s2, $0x2;
	s2 =	sadd.s32 $0x40, s2;
	vm0 =	vgt.f32 v9, v8  }
0x8bf: {  	v10 =	vnsel vm0, $0x4E6E6B28, v9;
	v9 =	vld [tilespmem:s3+$0x3080]  }
0x8c0: {  	v7 =	vmin.f32 v7, v10  }
0x8c1: {  	_ =	sdelay $0x2  }
0x8c2: {  	vm0 =	vgt.f32 v9, v8  }
0x8c3: {  	v8 =	vnsel vm0, $0x4E6E6B28, v9  }
0x8c4: {  	v7 =	vmin.f32 v7, v8  }
0x8c5: {  	(xrf1) =	vsort.ascd.msk.f32 $0xffff, v7, v7;
	_ =	sdelay $0xd  }
0x8c6: {  	s3 =	simm.s32 $0x0;
	v7, _, _ =	vpop (xrf1)  }
0x8c7: {  	s2 =	simm.s32 $0x40;
	v10 =	vld [tilespmem:s3+$0x3080];
	v8 =	vimm.s32 $0x0;
	v9 =	vbroadcast v7, $0x0  }
.LBB2_158:
0x8c8: {  	_ =	sdelay $0x1  }
0x8c9: {  	p0 =	sne.s32 s2, $0x3FC0  }
.Ltmp87:
0x8ca: {  	_ = 	snop;
	(pc) =	sbr.rel @p0 .LBB2_158-.Ltmp87, $4  }
0x8cb: {  	vm0 =	veq.f32 v10, v9  }
0x8cc: {  	v11 =	vmpcnt.ones.xlane vm0  }
0x8cd: {  	s3 =	sshra.s32 s2, $0x2  }
0x8ce: {  	s2 =	sadd.s32 $0x40, s2;
	v10 =	vld [tilespmem:s3+$0x3080];
	v8 =	vadd.s32 v8, v11  }
0x8cf: {  	_ =	sdelay $0x3  }
0x8d0: {  	vm0 =	veq.f32 v10, v9  }
0x8d1: {  	v9 =	vmpcnt.ones.xlane vm0;
	_ =	sdelay $0x1  }
0x8d2: {  	(v2sf) =	vpush v7, $0x0;
	v8 =	vadd.s32 v8, v9  }
0x8d3: {  	(v2sf) =	vpush v8, $0x0;
	_ =	sdelay $0xd  }
0x8d4: {  	s2 =	spop (v2sf)  }
0x8d5: {  	s3 =	spop (v2sf)  }
0x8d6: {  	s4 =	sadd.s32 s4, s3  }
0x8d7: {  	p0 =	slt.s32 s4, $0x10  }
.Ltmp88:
0x8d8: {  	_ = 	snop;
	(pc) =	sbr.rel @p0 .LBB2_155-.Ltmp88, $1  }
0x8d9: {  	_ =	sdelay $0x3  }
.LBB2_75:
0x8da: {  	s29 =	simm.s32 $0x0  }
0x8db: {  	v7 =	vld [tilespmem:s29+$0x3080];
	_ =	sdelay $0x3  }
0x8dc: {  	v11 =	vmov s2;
	s5 =	simm.s32 $0x10  }
0x8dd: {  	v8 =	vld [tilespmem:s5+$0x3080];
	vm0 =	vle.f32 v7, v11  }
0x8de: {  	v7 =	vnsel vm0, $0x0, v7  }
0x8df: {  	v9 =	vshrl.u32 v7, $0x1;
	v12 =	vmul.f32 $5.000000000e-01, v7  }
0x8e0: {  	v9 =	vsub.s32 $0x5F3759DF, v9  }
0x8e1: {  	v10 =	vmul.f32 v9, v12  }
0x8e2: {  	vm12 =	vle.f32 v8, v11  }
0x8e3: {  	s4 =	simm.s32 $0x20;
	v8 =	vnsel vm12, $0x0, v8;
	v10 =	vmul.f32 v9, v10  }
0x8e4: {  	v13 =	vld [tilespmem:s4+$0x3080];
	v14 =	vshrl.u32 v8, $0x1;
	v18 =	vmul.f32 $5.000000000e-01, v8  }
0x8e5: {  	v14 =	vsub.s32 $0x5F3759DF, v14;
	v10 =	vsub.f32 $1.500000000e+00, v10  }
0x8e6: {  	v15 =	vmul.f32 v14, v18  }
0x8e7: {  	v16 =	vmul.f32 v9, v10  }
0x8e8: {  	v15 =	vmul.f32 v14, v15  }
0x8e9: {  	vm13 =	vle.f32 v13, v11;
	v17 =	vmul.f32 v16, v12  }
0x8ea: {  	s6 =	simm.s32 $0x30;
	v15 =	vsub.f32 $1.500000000e+00, v15;
	v9 =	vnsel vm13, $0x0, v13  }
0x8eb: {  	v10 =	vld [tilespmem:s6+$0x3080];
	v19 =	vshrl.u32 v9, $0x1;
	v13 =	vmul.f32 $5.000000000e-01, v9;
	v17 =	vmul.f32 v17, v16  }
0x8ec: {  	v19 =	vsub.s32 $0x5F3759DF, v19  }
0x8ed: {  	v15 =	vmul.f32 v14, v15;
	v20 =	vmul.f32 v19, v13;
	v14 =	vsub.f32 $1.500000000e+00, v17;
	_ =	sdelay $0x1  }
0x8ee: {  	s7 =	simm.s32 $0x40;
	v20 =	vmul.f32 v19, v20;
	v25 =	vmul.f32 v14, v16  }
0x8ef: {  	v21 =	vmul.f32 v15, v18;
	vm14 =	vle.f32 v10, v11;
	v17 =	vld [tilespmem:s7+$0x3080]  }
0x8f0: {  	v10 =	vnsel vm14, $0x0, v10;
	v20 =	vsub.f32 $1.500000000e+00, v20;
	v12 =	vmul.f32 v25, v12  }
0x8f1: {  	v22 =	vmul.f32 v21, v15;
	v16 =	vshrl.u32 v10, $0x1;
	v14 =	vmul.f32 $5.000000000e-01, v10  }
0x8f2: {  	v21 =	vsub.s32 $0x5F3759DF, v16;
	v16 =	vmul.f32 v19, v20;
	v20 =	vmul.f32 v12, v25  }
0x8f3: {  	s24 =	simm.s32 $0x50;
	v23 =	vmul.f32 v21, v14  }
0x8f4: {  	v19 =	vsub.f32 $1.500000000e+00, v22;
	vm15 =	vle.f32 v17, v11;
	v27 =	vsub.f32 $1.500000000e+00, v20;
	v20 =	vld [tilespmem:s24+$0x3080]  }
0x8f5: {  	v12 =	vnsel vm15, $0x0, v17;
	v22 =	vmul.f32 v21, v23;
	v23 =	vmul.f32 v16, v13  }
0x8f6: {  	v15 =	vmul.f32 v19, v15;
	v26 =	vshrl.u32 v12, $0x1  }
0x8f7: {  	v17 =	vmul.f32 $5.000000000e-01, v12;
	v24 =	vsub.f32 $1.500000000e+00, v22;
	v22 =	vmul.f32 v23, v16  }
0x8f8: {  	s2 =	simm.s32 $0x180;
	v19 =	vsub.s32 $0x5F3759DF, v26;
	v23 =	vmul.f32 v15, v18;
	v18 =	vmul.f32 v27, v25  }
.LBB2_76:
0x8f9: {  	s3 =	sshra.s32 s2, $0x2;
	vm0 =	vle.f32 v20, v11;
	v25 =	vmul.f32 v19, v17;
	v21 =	vmul.f32 v21, v24;
	v24 =	vmovc v20;
	p0 =	sne.s32 s2, $0x3FC0  }
.Ltmp89:
0x8fa: {  	v22 =	vsub.f32 $1.500000000e+00, v22;
	v20 =	vld [tilespmem:s3+$0x3080];
	v23 =	vmul.f32 v23, v15;
	v18 =	vmul.f32 v18, v7;
	v7 =	vmovc v8;
	v8 =	vmovc v9;
	(pc) =	sbr.rel @p0 .LBB2_76-.Ltmp89, $4  }
0x8fb: {  	v9 =	vmovc v10;
	v10 =	vmovc v12;
	v12 =	vnsel vm0, $0x0, v24;
	v25 =	vmul.f32 v19, v25;
	v26 =	vmul.f32 v21, v14  }
0x8fc: {  	s2 =	sadd.s32 $0x40, s2;
	v30 =	vmovc v14;
	v27 =	vshrl.u32 v12, $0x1;
	v28 =	vmul.f32 v22, v16;
	v16 =	vmovc v21;
	v29 =	vsub.f32 $1.500000000e+00, v23;
	[tilespmem:s29+$0x4080] =	vst v18;
	s29 =	smov.u32 s5  }
0x8fd: {  	v14 =	vmovc v17;
	v17 =	vmul.f32 $5.000000000e-01, v12;
	s5 =	smov.u32 s4;
	s4 =	smov.u32 s6;
	s6 =	smov.u32 s7;
	v24 =	vsub.f32 $1.500000000e+00, v25;
	v22 =	vmul.f32 v26, v16;
	v21 =	vmovc v19  }
0x8fe: {  	s7 =	smov.u32 s24;
	s24 =	smov.u32 s3;
	v19 =	vsub.s32 $0x5F3759DF, v27;
	v23 =	vmul.f32 v28, v13;
	v13 =	vmovc v30;
	v18 =	vmul.f32 v29, v15;
	v15 =	vmovc v28  }
0x8ff: {  	vm0 =	vle.f32 v20, v11  }
0x900: {  	v11 =	vnsel vm0, $0x0, v20  }
0x901: {  	v25 =	vshrl.u32 v11, $0x1;
	v26 =	vmul.f32 $5.000000000e-01, v11  }
0x902: {  	v49 =	vmul.f32 v19, v17;
	v25 =	vsub.s32 $0x5F3759DF, v25  }
0x903: {  	v27 =	vmul.f32 v25, v26  }
0x904: {  	v20 =	vmul.f32 v19, v49  }
0x905: {  	v27 =	vmul.f32 v25, v27  }
0x906: {  	v20 =	vsub.f32 $1.500000000e+00, v20  }
0x907: {  	v21 =	vmul.f32 v21, v24;
	v51 =	vsub.f32 $1.500000000e+00, v27  }
0x908: {  	v50 =	vmul.f32 v19, v20  }
0x909: {  	v24 =	vmul.f32 v21, v14;
	v20 =	vmul.f32 v25, v51  }
0x90a: {  	v52 =	vmul.f32 v50, v17  }
0x90b: {  	v24 =	vmul.f32 v24, v21;
	v54 =	vmul.f32 v20, v26  }
0x90c: {  	v22 =	vsub.f32 $1.500000000e+00, v22;
	v53 =	vmul.f32 v52, v50  }
0x90d: {  	v24 =	vsub.f32 $1.500000000e+00, v24;
	v27 =	vmul.f32 v54, v20  }
0x90e: {  	v16 =	vmul.f32 v22, v16;
	v25 =	vsub.f32 $1.500000000e+00, v53  }
0x90f: {  	v23 =	vmul.f32 v23, v15;
	v21 =	vmul.f32 v24, v21;
	v55 =	vsub.f32 $1.500000000e+00, v27  }
0x910: {  	v13 =	vmul.f32 v16, v13;
	v19 =	vmul.f32 v25, v50  }
0x911: {  	v14 =	vmul.f32 v21, v14;
	v20 =	vmul.f32 v55, v20  }
0x912: {  	v13 =	vmul.f32 v13, v16;
	v56 =	vmul.f32 v19, v17  }
0x913: {  	v57 =	vsub.f32 $1.500000000e+00, v23;
	v14 =	vmul.f32 v14, v21;
	v58 =	vmul.f32 v20, v26  }
0x914: {  	v13 =	vsub.f32 $1.500000000e+00, v13;
	v17 =	vmul.f32 v56, v19  }
0x915: {  	v15 =	vmul.f32 v57, v15;
	v14 =	vsub.f32 $1.500000000e+00, v14;
	v59 =	vmul.f32 v58, v20  }
0x916: {  	v7 =	vmul.f32 v18, v7;
	v13 =	vmul.f32 v13, v16;
	v60 =	vsub.f32 $1.500000000e+00, v17  }
0x917: {  	v8 =	vmul.f32 v15, v8;
	v14 =	vmul.f32 v14, v21;
	v15 =	vsub.f32 $1.500000000e+00, v59  }
0x918: {  	[tilespmem:s29+$0x4080] =	vst v7;
	v7 =	vmul.f32 v13, v9;
	v9 =	vmul.f32 v60, v19  }
0x919: {  	[tilespmem:s5+$0x4080] =	vst v8;
	v8 =	vmul.f32 v14, v10;
	v10 =	vmul.f32 v15, v20  }
0x91a: {  	[tilespmem:s4+$0x4080] =	vst v7;
	v7 =	vmul.f32 v9, v12  }
0x91b: {  	[tilespmem:s6+$0x4080] =	vst v8;
	v8 =	vmul.f32 v10, v11  }
0x91c: {  	[tilespmem:s7+$0x4080] =	vst v7  }
0x91d: {  	s2 =	sadd.s32 s28, s22;
	[tilespmem:s24+$0x4080] =	vst v8  }
0x91e: {  	[hbm4b:s2+s30] =	stream.strided.scatter [tilespmem:s0], [sflag:$0x1], $0x1000, s31, s30, $0x38;
	[tilespmem:$0x5080] =	vst v63  }
0x91f: {  	_ =	swait.ge [sflag:s25], $0x1000  }
0x920: {  	[sflag:s25] =	ssyncset.done $0x0  }
0x921: {  	s4 =	simm.s32 $0x0;
	[sflag:s25] =	ssyncadd.s32 $0xFFFFF000  }
0x922: {  	v8 =	vld [tilespmem:s4+$0x0]  }
0x923: {  	v9 =	vld [tilespmem:s4+$0x1000];
	_ =	sdelay $0x1  }
0x924: {  	v10 =	vld [tilespmem:s4+$0x2000]  }
0x925: {  	v6 =	vbroadcast v6, $0xF;
	s5 =	simm.s32 $0x10;
	v7 =	vbroadcast v5, $0xF  }
0x926: {  	v11 =	vld [tilespmem:s5+$0x0]  }
0x927: {  	v5 =	vbroadcast v4, $0xF;
	v4 =	vsub.f32 v7, v8;
	v8 =	vsub.f32 v6, v9  }
0x928: {  	v14 =	vld [tilespmem:s5+$0x1000]  }
0x929: {  	v9 =	vsub.f32 v5, v10;
	v10 =	vld [tilespmem:s5+$0x2000];
	v4 =	vand.u32 $0x7FFFFFFF, v4;
	v8 =	vand.u32 $0x7FFFFFFF, v8  }
0x92a: {  	v12 =	vsub.f32 v1, v4;
	v13 =	vsub.f32 v2, v8  }
0x92b: {  	v15 =	vsub.f32 v7, v11;
	v9 =	vand.u32 $0x7FFFFFFF, v9  }
0x92c: {  	s6 =	simm.s32 $0x20;
	v61 =	vsub.f32 v3, v9;
	v11 =	vmin.f32 v4, v12;
	v8 =	vmin.f32 v8, v13  }
0x92d: {  	v14 =	vsub.f32 v6, v14;
	v62 =	vmul.f32 v11, v11;
	v63 =	vmul.f32 v8, v8;
	v11 =	vld [tilespmem:s6+$0x0]  }
0x92e: {  	v4 =	vimm.s32 $0x0;
	v13 =	vsub.f32 v5, v10;
	v10 =	vmin.f32 v9, v61  }
0x92f: {  	s2 =	simm.s32 $0xC0;
	v12 =	vand.u32 $0x7FFFFFFF, v15;
	v8 =	vld [tilespmem:s6+$0x2000];
	v10 =	vmul.f32 v10, v10;
	v9 =	vadd.f32 v63, v62  }
.LBB2_78:
0x930: {  	p0 =	sne.s32 s2, $0x3FC0;
	v15 =	vld [tilespmem:s6+$0x1000];
	v16 =	vsub.f32 v1, v12;
	v14 =	vand.u32 $0x7FFFFFFF, v14  }
0x931: {  	v18 =	vand.u32 $0x7FFFFFFF, v13;
	v17 =	vsub.f32 v2, v14;
	v9 =	vadd.f32 v10, v9  }
.Ltmp90:
0x932: {  	v10 =	vsub.f32 v7, v11;
	v11 =	vmin.f32 v12, v16;
	v16 =	vsub.f32 v3, v18;
	(pc) =	sbr.rel @p0 .LBB2_78-.Ltmp90, $4  }
0x933: {  	v19 =	vmul.f32 v11, v11;
	v12 =	vmin.f32 v14, v17;
	[tilespmem:s4+$0x3080] =	vst v9;
	vm0 =	vle.f32 v9, $2.500000000e+01;
	s4 =	smov.u32 s5;
	s5 =	smov.u32 s6;
	s6 =	sshra.s32 s2, $0x2  }
0x934: {  	v11 =	vld [tilespmem:s6+$0x0];
	v13 =	vsub.f32 v5, v8;
	v9 =	vmul.f32 v12, v12;
	v17 =	vmpcnt.ones.xlane vm0  }
0x935: {  	v12 =	vand.u32 $0x7FFFFFFF, v10;
	v10 =	vmin.f32 v18, v16;
	v14 =	vsub.f32 v6, v15  }
0x936: {  	s2 =	sadd.s32 $0x40, s2;
	v10 =	vmul.f32 v10, v10;
	v8 =	vld [tilespmem:s6+$0x2000];
	v9 =	vadd.f32 v9, v19;
	v4 =	vadd.s32 v4, v17  }
0x937: {  	v15 =	vld [tilespmem:s6+$0x1000];
	_ =	sdelay $0x3  }
0x938: {  	v16 =	vsub.f32 v1, v12;
	v14 =	vand.u32 $0x7FFFFFFF, v14  }
0x939: {  	v13 =	vand.u32 $0x7FFFFFFF, v13;
	v7 =	vsub.f32 v7, v11;
	v6 =	vsub.f32 v6, v15  }
0x93a: {  	v53 =	vsub.f32 v2, v14;
	v54 =	vsub.f32 v3, v13;
	v12 =	vmin.f32 v12, v16  }
0x93b: {  	v5 =	vsub.f32 v5, v8;
	v7 =	vand.u32 $0x7FFFFFFF, v7;
	v6 =	vand.u32 $0x7FFFFFFF, v6  }
0x93c: {  	v55 =	vmin.f32 v14, v53;
	v56 =	vsub.f32 v1, v7;
	v57 =	vsub.f32 v2, v6  }
0x93d: {  	v12 =	vmul.f32 v12, v12;
	v8 =	vmul.f32 v55, v55;
	v5 =	vand.u32 $0x7FFFFFFF, v5  }
0x93e: {  	v7 =	vmin.f32 v7, v56;
	v58 =	vsub.f32 v3, v5;
	v6 =	vmin.f32 v6, v57  }
0x93f: {  	v13 =	vmin.f32 v13, v54;
	v7 =	vmul.f32 v7, v7;
	v6 =	vmul.f32 v6, v6  }
0x940: {  	v59 =	vmul.f32 v13, v13;
	v8 =	vadd.f32 v8, v12;
	v5 =	vmin.f32 v5, v58  }
0x941: {  	v9 =	vadd.f32 v10, v9;
	v5 =	vmul.f32 v5, v5;
	v6 =	vadd.f32 v6, v7  }
0x942: {  	v60 =	vadd.f32 v59, v8  }
0x943: {  	vm0 =	vle.f32 v9, $2.500000000e+01;
	v5 =	vadd.f32 v5, v6  }
0x944: {  	v61 =	vmpcnt.ones.xlane vm0;
	vm14 =	vle.f32 v60, $2.500000000e+01  }
0x945: {  	v62 =	vmpcnt.ones.xlane vm14;
	vm15 =	vle.f32 v5, $2.500000000e+01  }
0x946: {  	v4 =	vadd.s32 v4, v61;
	v63 =	vmpcnt.ones.xlane vm15  }
0x947: {  	v4 =	vadd.s32 v4, v62  }
0x948: {  	v4 =	vadd.s32 v4, v63  }
0x949: {  	(v2sf) =	vpush v4, $0x0;
	_ =	sdelay $0xe  }
0x94a: {  	s2 =	spop (v2sf)  }
0x94b: {  	[tilespmem:s4+$0x3080] =	vst v9;
	s4 =	sadd.s32 $0xFFFFFFFF, s2  }
0x94c: {  	p0 =	slt.s32 s4, $0x10  }
.Ltmp91:
0x94d: {  	_ = 	snop;
	(pc) =	sbr.rel @!p0 .LBB2_80-.Ltmp91, $3  }
0x94e: {  	_ =	sdelay $0x1  }
0x94f: {  	[tilespmem:s5+$0x3080] =	vst v60  }
0x950: {  	[tilespmem:s6+$0x3080] =	vst v5;
	s2 =	simm.f32 $2.500000000e+01  }
.LBB2_160:
0x951: {  	s3 =	simm.s32 $0x0  }
0x952: {  	v6 =	vld [tilespmem:s3+$0x3080]  }
0x953: {  	v5 =	vmov s2;
	v4 =	vimm.f32 $1.000000000e+09;
	s2 =	simm.s32 $0x40  }
.LBB2_161:
0x954: {  	p0 =	sne.s32 s2, $0x3FC0  }
.Ltmp92:
0x955: {  	_ = 	snop;
	(pc) =	sbr.rel @p0 .LBB2_161-.Ltmp92, $4  }
0x956: {  	_ = 	snop  }
0x957: {  	s3 =	sshra.s32 s2, $0x2;
	s2 =	sadd.s32 $0x40, s2;
	vm0 =	vgt.f32 v6, v5  }
0x958: {  	v7 =	vnsel vm0, $0x4E6E6B28, v6;
	v6 =	vld [tilespmem:s3+$0x3080]  }
0x959: {  	v4 =	vmin.f32 v4, v7  }
0x95a: {  	_ =	sdelay $0x2  }
0x95b: {  	vm0 =	vgt.f32 v6, v5  }
0x95c: {  	v5 =	vnsel vm0, $0x4E6E6B28, v6  }
0x95d: {  	v4 =	vmin.f32 v4, v5  }
0x95e: {  	(xrf1) =	vsort.ascd.msk.f32 $0xffff, v4, v4;
	_ =	sdelay $0xd  }
0x95f: {  	s3 =	simm.s32 $0x0;
	v4, _, _ =	vpop (xrf1)  }
0x960: {  	s2 =	simm.s32 $0x40;
	v7 =	vld [tilespmem:s3+$0x3080];
	v5 =	vimm.s32 $0x0;
	v6 =	vbroadcast v4, $0x0  }
.LBB2_163:
0x961: {  	_ =	sdelay $0x1  }
0x962: {  	p0 =	sne.s32 s2, $0x3FC0  }
.Ltmp93:
0x963: {  	_ = 	snop;
	(pc) =	sbr.rel @p0 .LBB2_163-.Ltmp93, $4  }
0x964: {  	vm0 =	veq.f32 v7, v6  }
0x965: {  	v8 =	vmpcnt.ones.xlane vm0  }
0x966: {  	s3 =	sshra.s32 s2, $0x2  }
0x967: {  	s2 =	sadd.s32 $0x40, s2;
	v7 =	vld [tilespmem:s3+$0x3080];
	v5 =	vadd.s32 v5, v8  }
0x968: {  	_ =	sdelay $0x3  }
0x969: {  	vm0 =	veq.f32 v7, v6  }
0x96a: {  	v6 =	vmpcnt.ones.xlane vm0;
	_ =	sdelay $0x1  }
0x96b: {  	(v2sf) =	vpush v4, $0x0;
	v5 =	vadd.s32 v5, v6  }
0x96c: {  	(v2sf) =	vpush v5, $0x0;
	_ =	sdelay $0xd  }
0x96d: {  	s2 =	spop (v2sf)  }
0x96e: {  	s3 =	spop (v2sf)  }
0x96f: {  	s4 =	sadd.s32 s4, s3  }
0x970: {  	p0 =	slt.s32 s4, $0x10  }
.Ltmp94:
0x971: {  	_ = 	snop;
	(pc) =	sbr.rel @p0 .LBB2_160-.Ltmp94, $1  }
0x972: {  	_ =	sdelay $0x3  }
.LBB2_80:
0x973: {  	s29 =	simm.s32 $0x0  }
0x974: {  	v4 =	vld [tilespmem:s29+$0x3080];
	_ =	sdelay $0x3  }
0x975: {  	v8 =	vmov s2;
	s5 =	simm.s32 $0x10  }
0x976: {  	v5 =	vld [tilespmem:s5+$0x3080];
	vm0 =	vle.f32 v4, v8  }
0x977: {  	v4 =	vnsel vm0, $0x0, v4  }
0x978: {  	v6 =	vshrl.u32 v4, $0x1;
	v9 =	vmul.f32 $5.000000000e-01, v4  }
0x979: {  	v6 =	vsub.s32 $0x5F3759DF, v6  }
0x97a: {  	v7 =	vmul.f32 v6, v9  }
0x97b: {  	vm12 =	vle.f32 v5, v8  }
0x97c: {  	s4 =	simm.s32 $0x20;
	v5 =	vnsel vm12, $0x0, v5;
	v7 =	vmul.f32 v6, v7  }
0x97d: {  	v10 =	vld [tilespmem:s4+$0x3080];
	v11 =	vshrl.u32 v5, $0x1;
	v15 =	vmul.f32 $5.000000000e-01, v5  }
0x97e: {  	v11 =	vsub.s32 $0x5F3759DF, v11;
	v7 =	vsub.f32 $1.500000000e+00, v7  }
0x97f: {  	v12 =	vmul.f32 v11, v15  }
0x980: {  	v13 =	vmul.f32 v6, v7  }
0x981: {  	v12 =	vmul.f32 v11, v12  }
0x982: {  	vm13 =	vle.f32 v10, v8;
	v14 =	vmul.f32 v13, v9  }
0x983: {  	s6 =	simm.s32 $0x30;
	v12 =	vsub.f32 $1.500000000e+00, v12;
	v6 =	vnsel vm13, $0x0, v10  }
0x984: {  	v7 =	vld [tilespmem:s6+$0x3080];
	v16 =	vshrl.u32 v6, $0x1;
	v10 =	vmul.f32 $5.000000000e-01, v6;
	v14 =	vmul.f32 v14, v13  }
0x985: {  	v16 =	vsub.s32 $0x5F3759DF, v16  }
0x986: {  	v12 =	vmul.f32 v11, v12;
	v17 =	vmul.f32 v16, v10;
	v11 =	vsub.f32 $1.500000000e+00, v14;
	_ =	sdelay $0x1  }
0x987: {  	s7 =	simm.s32 $0x40;
	v17 =	vmul.f32 v16, v17;
	v22 =	vmul.f32 v11, v13  }
0x988: {  	v18 =	vmul.f32 v12, v15;
	vm14 =	vle.f32 v7, v8;
	v14 =	vld [tilespmem:s7+$0x3080]  }
0x989: {  	v7 =	vnsel vm14, $0x0, v7;
	v17 =	vsub.f32 $1.500000000e+00, v17;
	v9 =	vmul.f32 v22, v9  }
0x98a: {  	v19 =	vmul.f32 v18, v12;
	v13 =	vshrl.u32 v7, $0x1;
	v11 =	vmul.f32 $5.000000000e-01, v7  }
0x98b: {  	v18 =	vsub.s32 $0x5F3759DF, v13;
	v13 =	vmul.f32 v16, v17;
	v17 =	vmul.f32 v9, v22  }
0x98c: {  	s24 =	simm.s32 $0x50;
	v20 =	vmul.f32 v18, v11  }
0x98d: {  	v16 =	vsub.f32 $1.500000000e+00, v19;
	vm15 =	vle.f32 v14, v8;
	v24 =	vsub.f32 $1.500000000e+00, v17;
	v17 =	vld [tilespmem:s24+$0x3080]  }
0x98e: {  	v9 =	vnsel vm15, $0x0, v14;
	v19 =	vmul.f32 v18, v20;
	v20 =	vmul.f32 v13, v10  }
0x98f: {  	v12 =	vmul.f32 v16, v12;
	v23 =	vshrl.u32 v9, $0x1  }
0x990: {  	v14 =	vmul.f32 $5.000000000e-01, v9;
	v21 =	vsub.f32 $1.500000000e+00, v19;
	v19 =	vmul.f32 v20, v13  }
0x991: {  	s2 =	simm.s32 $0x180;
	v16 =	vsub.s32 $0x5F3759DF, v23;
	v20 =	vmul.f32 v12, v15;
	v15 =	vmul.f32 v24, v22  }
.LBB2_81:
0x992: {  	s3 =	sshra.s32 s2, $0x2;
	vm0 =	vle.f32 v17, v8;
	v22 =	vmul.f32 v16, v14;
	v18 =	vmul.f32 v18, v21;
	v21 =	vmovc v17;
	p0 =	sne.s32 s2, $0x3FC0  }
.Ltmp95:
0x993: {  	v19 =	vsub.f32 $1.500000000e+00, v19;
	v17 =	vld [tilespmem:s3+$0x3080];
	v20 =	vmul.f32 v20, v12;
	v15 =	vmul.f32 v15, v4;
	v4 =	vmovc v5;
	v5 =	vmovc v6;
	(pc) =	sbr.rel @p0 .LBB2_81-.Ltmp95, $4  }
0x994: {  	v6 =	vmovc v7;
	v7 =	vmovc v9;
	v9 =	vnsel vm0, $0x0, v21;
	v22 =	vmul.f32 v16, v22;
	v23 =	vmul.f32 v18, v11  }
0x995: {  	s2 =	sadd.s32 $0x40, s2;
	v27 =	vmovc v11;
	v24 =	vshrl.u32 v9, $0x1;
	v25 =	vmul.f32 v19, v13;
	v13 =	vmovc v18;
	v26 =	vsub.f32 $1.500000000e+00, v20;
	[tilespmem:s29+$0x4080] =	vst v15;
	s29 =	smov.u32 s5  }
0x996: {  	v11 =	vmovc v14;
	v14 =	vmul.f32 $5.000000000e-01, v9;
	s5 =	smov.u32 s4;
	s4 =	smov.u32 s6;
	s6 =	smov.u32 s7;
	v21 =	vsub.f32 $1.500000000e+00, v22;
	v19 =	vmul.f32 v23, v13;
	v18 =	vmovc v16  }
0x997: {  	s7 =	smov.u32 s24;
	s24 =	smov.u32 s3;
	v16 =	vsub.s32 $0x5F3759DF, v24;
	v20 =	vmul.f32 v25, v10;
	v10 =	vmovc v27;
	v15 =	vmul.f32 v26, v12;
	v12 =	vmovc v25  }
0x998: {  	vm0 =	vle.f32 v17, v8  }
0x999: {  	v8 =	vnsel vm0, $0x0, v17  }
0x99a: {  	v22 =	vshrl.u32 v8, $0x1;
	v23 =	vmul.f32 $5.000000000e-01, v8  }
0x99b: {  	v47 =	vmul.f32 v16, v14;
	v22 =	vsub.s32 $0x5F3759DF, v22  }
0x99c: {  	v24 =	vmul.f32 v22, v23  }
0x99d: {  	v17 =	vmul.f32 v16, v47  }
0x99e: {  	v24 =	vmul.f32 v22, v24  }
0x99f: {  	v17 =	vsub.f32 $1.500000000e+00, v17  }
0x9a0: {  	v18 =	vmul.f32 v18, v21;
	v49 =	vsub.f32 $1.500000000e+00, v24  }
0x9a1: {  	v48 =	vmul.f32 v16, v17  }
0x9a2: {  	v21 =	vmul.f32 v18, v11;
	v17 =	vmul.f32 v22, v49  }
0x9a3: {  	v50 =	vmul.f32 v48, v14  }
0x9a4: {  	v21 =	vmul.f32 v21, v18;
	v52 =	vmul.f32 v17, v23  }
0x9a5: {  	v19 =	vsub.f32 $1.500000000e+00, v19;
	v51 =	vmul.f32 v50, v48  }
0x9a6: {  	v21 =	vsub.f32 $1.500000000e+00, v21;
	v24 =	vmul.f32 v52, v17  }
0x9a7: {  	v13 =	vmul.f32 v19, v13;
	v22 =	vsub.f32 $1.500000000e+00, v51  }
0x9a8: {  	v20 =	vmul.f32 v20, v12;
	v18 =	vmul.f32 v21, v18;
	v53 =	vsub.f32 $1.500000000e+00, v24  }
0x9a9: {  	v10 =	vmul.f32 v13, v10;
	v16 =	vmul.f32 v22, v48  }
0x9aa: {  	v54 =	vmul.f32 v18, v11;
	v17 =	vmul.f32 v53, v17  }
0x9ab: {  	v10 =	vmul.f32 v10, v13;
	v55 =	vmul.f32 v16, v14  }
0x9ac: {  	v56 =	vsub.f32 $1.500000000e+00, v20;
	v11 =	vmul.f32 v54, v18;
	v57 =	vmul.f32 v17, v23  }
0x9ad: {  	v10 =	vsub.f32 $1.500000000e+00, v10;
	v14 =	vmul.f32 v55, v16  }
0x9ae: {  	v58 =	vmul.f32 v56, v12;
	v11 =	vsub.f32 $1.500000000e+00, v11;
	v59 =	vmul.f32 v57, v17  }
0x9af: {  	v4 =	vmul.f32 v15, v4;
	v10 =	vmul.f32 v10, v13;
	v60 =	vsub.f32 $1.500000000e+00, v14  }
0x9b0: {  	v5 =	vmul.f32 v58, v5;
	v11 =	vmul.f32 v11, v18;
	v61 =	vsub.f32 $1.500000000e+00, v59  }
0x9b1: {  	[tilespmem:s29+$0x4080] =	vst v4;
	v4 =	vmul.f32 v10, v6;
	v62 =	vmul.f32 v60, v16  }
0x9b2: {  	[tilespmem:s5+$0x4080] =	vst v5;
	v5 =	vmul.f32 v11, v7;
	v63 =	vmul.f32 v61, v17  }
0x9b3: {  	[tilespmem:s4+$0x4080] =	vst v4;
	v4 =	vmul.f32 v62, v9  }
0x9b4: {  	s26 =	sadd.s32 $0x1, s26;
	[tilespmem:s6+$0x4080] =	vst v5;
	v5 =	vmul.f32 v63, v8  }
0x9b5: {  	p0 =	sne.s32 s26, $0x8;
	[tilespmem:s7+$0x4080] =	vst v4  }
.Ltmp96:
0x9b6: {  	s2 =	sadd.s32 s28, s23;
	[tilespmem:s24+$0x4080] =	vst v5;
	(pc) =	sbr.rel @p0 .LBB2_2-.Ltmp96, $4  }
0x9b7: {  	[hbm4b:s2+s30] =	stream.strided.scatter [tilespmem:s0], [sflag:$0x1], $0x1000, s31, s30, $0x38;
	[tilespmem:$0x5080] =	vst v63  }
0x9b8: {  	_ =	swait.ge [sflag:s25], $0x1000  }
0x9b9: {  	[sflag:s25] =	ssyncset.done $0x0  }
0x9ba: {  	[sflag:s25] =	ssyncadd.s32 $0xFFFFF000  }
0x9bb: {  	s3 =	rddreg [dreg:$0x8]  }
0x9bc: {  	s2 =	rddreg [dreg:$0x7];
	s3 =	sadd.s32 $0x1, s3  }
0x9bd: {  	p0 =	sne.s32 s3, s2  }
.Ltmp97:
0x9be: {  	_ = 	snop;
	(pc) =	sbr.rel @p0 .LBB2_1-.Ltmp97, $1  }
0x9bf: {  	_ =	sdelay $0x3  }
0x9c0: {  	_ =	sfence.sel $0x180000  }
0x9c1: {  	[bflag:$0x0] =	sbarrier.arrive $0xFFFF  }
0x9c2: {  	_ =	strace $0x90000047  }
0x9c3: {  	s0 =	stileid.u32;
	[bflag:$0x2] =	sbarrier.arrive $0xFFFF  }
0x9c4: {  	p0 =	sne.s32 s0, $0x0;
	s0 =	rddreg [dreg:$0x2]  }
0x9c5: {  	s0 =	sadd.s32 @!p0 $0x100000, s0  }
0x9c6: {  	[sflag:s0] =	ssyncadd.tile.s32 @!p0 $0x1;
	_ =	shalt  }
.Lfunc_end2:
_tile_overlayer_lowered:
.L_overlay_start_2:
0x9c7: {  	(tag) =	ssettag $0x2  }
0x9c8: {  	s0 =	rddreg [dreg:$0x0];
	s2 =	stileid.u32  }
0x9c9: {  	s1 =	rddreg [dreg:$0x1];
	p0 =	sne.s32 s2, $0x0  }
0x9ca: {  	s3 =	rddreg [dreg:$0x2];
	[bflag:$0x3] =	sbarrier.arrive $0xFFFF;
	s2 =	simm.s32 @!p0 $0x1C01  }
0x9cb: {  	[timem:s3], [sflag:s2] =	dma.local @!p0 [hbm:s0], s1  }
0x9cc: {  	s0 =	simm.s32 @!p0 $0x1  }
0x9cd: {  	_ =	swait.ge @!p0 [sflag:s0], s1  }
0x9ce: {  	s1 =	ssub.s32 @!p0 $0x0, s1;
	[sflag:s0] =	ssyncset.done @!p0 $0x0  }
0x9cf: {  	[sflag:s0] =	ssyncadd.s32 @!p0 s1  }
0x9d0: {  	[bflag:$0x3] =	sbarrier.arrive $0xFFFF  }
0x9d1: {  	_ =	shalt  }

</sc_bundles>
